<compile_context>
chip_gen: v7x
topology: tpu7x:2x2x1
jax: 0.10.2.dev20260603
libtpu: 0.0.44.dev20260713+nightly
codegen_flags: <defaults>
</compile_context>

<pallas_src>
import functools

import jax
import jax.numpy as jnp
import numpy as np
from jax import lax
from jax.experimental import pallas as pl
from jax.experimental.pallas import tpu as pltpu
from jax.experimental.pallas import tpu_sc as plsc

N = 10000
E = 320000
D = 128
H = 128
MID = 32
O = 64
B = 16

NC = 2
NS = 16
NW = NC * NS
EPT = E // NW
CH = 80
NCHUNK = EPT // CH
BC = 32
N_PAD = 10112
STRIPE = N_PAD // NS


def _sc_aggregate(h, idx3, zeros_hbm):
  mesh = plsc.VectorSubcoreMesh(core_axis_name="c", subcore_axis_name="s")

  @functools.partial(
      pl.kernel,
      out_type=jax.ShapeDtypeStruct((NC, N_PAD, D), jnp.float32),
      mesh=mesh,
      scratch_types=[
          pltpu.VMEM((BC, 2, CH), jnp.int32),
          pltpu.VMEM((CH, D), jnp.float32),
          pltpu.VMEM((CH, D), jnp.float32),
          pltpu.VMEM((CH, D), jnp.float32),
          pltpu.VMEM((CH, D), jnp.float32),
          pltpu.VMEM_SHARED((N_PAD, D), jnp.float32),
          pltpu.SemaphoreType.DMA,
          pltpu.SemaphoreType.DMA,
          pltpu.SemaphoreType.DMA,
          pltpu.SemaphoreType.DMA,
      ],
  )
  def agg_kernel(h_hbm, idx_hbm, z_hbm, out_hbm, idx_v,
                 rows_a, rows_b, rows_c, rows_e, acc_s,
                 sem_a, sem_b, sem_c, sem_e):
    c = lax.axis_index("c")
    s = lax.axis_index("s")
    w = c * NS + s


    def _wait(buf, sem):
      pltpu.make_async_copy(h_hbm.at[pl.ds(0, CH)], buf, sem).wait()

    def _gather(iv, j, buf, sem):
      pltpu.async_copy(h_hbm.at[iv.at[j, 1]], buf, sem)

    def _scat(iv, buf, j):
      pltpu.sync_copy(buf, acc_s.at[iv.at[j, 0]], add=True)

    bufs = ((rows_a, sem_a), (rows_b, sem_b), (rows_c, sem_c),
            (rows_e, sem_e))
    K = len(bufs)
    F = K - 1

    def _run_block(iv, cnt, prologue=True):
      if prologue:
        for t in range(F):
          _gather(iv, t, *bufs[t])
      groups, rem = divmod(cnt - F, K)

      def _group(k, carry):
        j = K * k
        for t in range(K):
          buf, sem = bufs[t]
          _wait(buf, sem)
          _gather(iv, j + t + F, *bufs[(t + F) % K])
          _scat(iv, buf, j + t)
        return carry

      lax.fori_loop(0, groups, _group, 0)
      base = K * groups
      for t in range(rem):
        buf, sem = bufs[t % K]
        _wait(buf, sem)
        _gather(iv, base + t + F, *bufs[(t + F) % K])
        _scat(iv, buf, base + t)
      for t in range(rem, rem + F):
        buf, sem = bufs[t % K]
        _wait(buf, sem)
        _scat(iv, buf, cnt - F + (t - rem))

    blocks = ((0, 31), (31, 31), (62, 31), (93, 32))
    pltpu.sync_copy(idx_hbm.at[w, pl.ds(0, BC)], idx_v)
    for t in range(F):
      _gather(idx_v, t, *bufs[t])
    pltpu.sync_copy(z_hbm, acc_s.at[pl.ds(s * STRIPE, STRIPE)])
    plsc.subcore_barrier()
    for b, (off, cnt) in enumerate(blocks):
      if b:
        pltpu.sync_copy(idx_hbm.at[w, pl.ds(off, BC)], idx_v)
      _run_block(idx_v, cnt, prologue=bool(b))
    plsc.subcore_barrier()

    pltpu.sync_copy(acc_s.at[pl.ds(s * STRIPE, STRIPE)],
                    out_hbm.at[c, pl.ds(s * STRIPE, STRIPE)])

  return agg_kernel(h, idx3, zeros_hbm)


def _mlp_bn(u, W1_ref, b1_ref, bng_ref, bnb_ref, W2_ref, b2_ref, obng_ref,
            obnb_ref):
  t = jnp.dot(u, W1_ref[...], preferred_element_type=jnp.float32,
              precision=lax.Precision.DEFAULT) + b1_ref[...]
  m = jnp.mean(t, axis=0, keepdims=True)
  v = jnp.mean(t * t, axis=0, keepdims=True) - m * m
  t = (t - m) * lax.rsqrt(v + 1e-5) * bng_ref[...] + bnb_ref[...]
  t = jnp.maximum(t, 0.0)
  t = jnp.dot(t, W2_ref[...], preferred_element_type=jnp.float32,
              precision=lax.Precision.DEFAULT) + b2_ref[...]
  m2 = jnp.mean(t, axis=0, keepdims=True)
  v2 = jnp.mean(t * t, axis=0, keepdims=True) - m2 * m2
  t = (t - m2) * lax.rsqrt(v2 + 1e-5) * obng_ref[...] + obnb_ref[...]
  return jnp.maximum(t, 0.0)


def _conv_tc(x, parts, W1, b1, bng, bnb, W2, b2, obng, obnb):

  def body(x_ref, parts_ref, W1_ref, b1_ref, bng_ref, bnb_ref, W2_ref, b2_ref,
           obng_ref, obnb_ref, out_ref):
    u = x_ref[...] + parts_ref[0, :N, :] + parts_ref[1, :N, :]
    out_ref[...] = _mlp_bn(u, W1_ref, b1_ref, bng_ref, bnb_ref, W2_ref,
                           b2_ref, obng_ref, obnb_ref)

  return pl.pallas_call(
      body,
      out_shape=jax.ShapeDtypeStruct((N, D), jnp.float32),
  )(x, parts, W1, b1, bng, bnb, W2, b2, obng, obnb)


def _head_tc(x, h1, parts, W1, b1, bng, bnb, W2, b2, obng, obnb, bidx,
             p0_W, p0_b, p2_W, p2_b, out_W, out_b):

  def body(x_ref, h1_ref, parts_ref, W1_ref, b1_ref, bng_ref, bnb_ref,
           W2_ref, b2_ref, obng_ref, obnb_ref, bidx_ref, p0W_ref, p0b_ref,
           p2W_ref, p2b_ref, outW_ref, outb_ref, out_ref):
    u = h1_ref[...] + parts_ref[0, :N, :] + parts_ref[1, :N, :]
    h2 = _mlp_bn(u, W1_ref, b1_ref, bng_ref, bnb_ref, W2_ref, b2_ref,
                 obng_ref, obnb_ref)
    seg = lax.broadcasted_iota(jnp.int32, (B, N), 0)
    onehot = (seg == bidx_ref[...]).astype(jnp.float32)
    pool0 = jnp.dot(onehot, x_ref[...], preferred_element_type=jnp.float32,
                    precision=lax.Precision.DEFAULT)
    pool2 = jnp.dot(onehot, h2, preferred_element_type=jnp.float32,
                    precision=lax.Precision.DEFAULT)
    oh = (jnp.dot(pool0, p0W_ref[...], preferred_element_type=jnp.float32,
                  precision=lax.Precision.DEFAULT) + p0b_ref[...]
          + jnp.dot(pool2, p2W_ref[...], preferred_element_type=jnp.float32,
                    precision=lax.Precision.DEFAULT) + p2b_ref[...])
    oh = jnp.maximum(oh, 0.0)
    out_ref[...] = jnp.dot(oh, outW_ref[...],
                           preferred_element_type=jnp.float32,
                           precision=lax.Precision.DEFAULT) + outb_ref[...]

  return pl.pallas_call(
      body,
      out_shape=jax.ShapeDtypeStruct((B, O), jnp.float32),
  )(x, h1, parts, W1, b1, bng, bnb, W2, b2, obng, obnb, bidx,
    p0_W, p0_b, p2_W, p2_b, out_W, out_b)


def kernel(x, A, batch_index,
           g0_W1, g0_b1, g0_bng, g0_bnb, g0_W2, g0_b2, g0_obng, g0_obnb,
           g1_W1, g1_b1, g1_bng, g1_bnb, g1_W2, g1_b2, g1_obng, g1_obnb,
           p0_W, p0_b, p2_W, p2_b, out_W, out_b):
  idx3 = A.reshape(2, NW, NCHUNK, CH).transpose(1, 2, 0, 3)
  bidx = batch_index.reshape(1, N)

  r2 = lambda a: a.reshape(1, -1)
  zeros_hbm = jnp.asarray(np.zeros((STRIPE, D), np.float32))

  parts0 = _sc_aggregate(x, idx3, zeros_hbm)
  h1 = _conv_tc(x, parts0, g0_W1, r2(g0_b1), r2(g0_bng), r2(g0_bnb),
                g0_W2, r2(g0_b2), r2(g0_obng), r2(g0_obnb))
  parts1 = _sc_aggregate(h1, idx3, zeros_hbm)
  return _head_tc(x, h1, parts1, g1_W1, r2(g1_b1), r2(g1_bng), r2(g1_bnb),
                  g1_W2, r2(g1_b2), r2(g1_obng), r2(g1_obnb), bidx,
                  p0_W, r2(p0_b), p2_W, r2(p2_b), out_W, r2(out_b))

# --- scband reference (transcript-rebuilt; emitter-appended) ---
"""Pipeline reference for scband-gpn-81080392614290 (READ-ONLY COPY).

The authoritative reference and input builder live on the scoring server;
editing this copy changes nothing except your own understanding.
"""

import jax, jax.numpy as jnp
import numpy as np

N = 10000
E = 320000
D = 128
H = 128
MID = 32
O = 64
B = 16


def _bn(x, g, b):
    m = jnp.mean(x, axis=0)
    v = jnp.var(x, axis=0)
    return (x - m) / jnp.sqrt(v + 1e-5) * g + b


def setup_inputs(seed: int = 0) -> dict:
    key = jax.random.key(seed)
    ks = jax.random.split(key, 16)
    def lin(k, i, o):
        return jax.random.normal(k, (i, o), jnp.float32) * (1.0 / np.sqrt(i))
    inp = {}
    inp['x'] = jax.random.normal(ks[0], (N, D), jnp.float32)
    inp['A'] = jax.random.randint(ks[1], (2, E), 0, N, jnp.int32)
    inp['batch_index'] = jnp.sort(jax.random.randint(ks[2], (N,), 0, B, jnp.int32))
    inp['g0_W1'] = lin(ks[3], D, H); inp['g0_b1'] = jnp.zeros((H,), jnp.float32)
    inp['g0_bng'] = jnp.ones((H,), jnp.float32); inp['g0_bnb'] = jnp.zeros((H,), jnp.float32)
    inp['g0_W2'] = lin(ks[4], H, H); inp['g0_b2'] = jnp.zeros((H,), jnp.float32)
    inp['g0_obng'] = jnp.ones((H,), jnp.float32); inp['g0_obnb'] = jnp.zeros((H,), jnp.float32)
    inp['g1_W1'] = lin(ks[5], H, H); inp['g1_b1'] = jnp.zeros((H,), jnp.float32)
    inp['g1_bng'] = jnp.ones((H,), jnp.float32); inp['g1_bnb'] = jnp.zeros((H,), jnp.float32)
    inp['g1_W2'] = lin(ks[6], H, H); inp['g1_b2'] = jnp.zeros((H,), jnp.float32)
    inp['g1_obng'] = jnp.ones((H,), jnp.float32); inp['g1_obnb'] = jnp.zeros((H,), jnp.float32)
    inp['p0_W'] = lin(ks[7], D, MID); inp['p0_b'] = jnp.zeros((MID,), jnp.float32)
    inp['p2_W'] = lin(ks[8], H, MID); inp['p2_b'] = jnp.zeros((MID,), jnp.float32)
    inp['out_W'] = lin(ks[9], MID, O); inp['out_b'] = jnp.zeros((O,), jnp.float32)
    return inp


def reference(x, A, batch_index,
              g0_W1, g0_b1, g0_bng, g0_bnb, g0_W2, g0_b2, g0_obng, g0_obnb,
              g1_W1, g1_b1, g1_bng, g1_bnb, g1_W2, g1_b2, g1_obng, g1_obnb,
              p0_W, p0_b, p2_W, p2_b, out_W, out_b):
    row = A[0]
    col = A[1]

    def conv(h, W1, b1, bng, bnb, W2, b2, obng, obnb):
        # GPNConv: scatter_add of neighbor features into destination nodes
        agg = jnp.zeros_like(h).at[row].add(h[col])
        t = h + agg
        # MLP (2 layers with batchnorm in training mode)
        t = t @ W1 + b1
        t = jax.nn.relu(_bn(t, bng, bnb))
        t = t @ W2 + b2
        # outer batchnorm + relu
        t = jax.nn.relu(_bn(t, obng, obnb))
        return t

    h1 = conv(x, g0_W1, g0_b1, g0_bng, g0_bnb, g0_W2, g0_b2, g0_obng, g0_obnb)
    h2 = conv(h1, g1_W1, g1_b1, g1_bng, g1_bnb, g1_W2, g1_b2, g1_obng, g1_obnb)
    # global_add_pool on hidden_rep layers 0 and last
    pool0 = jax.ops.segment_sum(x, batch_index, num_segments=B)
    pool2 = jax.ops.segment_sum(h2, batch_index, num_segments=B)
    output_h = (pool0 @ p0_W + p0_b) + (pool2 @ p2_W + p2_b)
    output_h = jax.nn.relu(output_h)
    return output_h @ out_W + out_b

if __name__ == "__main__":
    import jax
    _d = setup_inputs()
    print(jax.jit(kernel)(*tuple(_d.values())))

</pallas_src>

<mosaic_0001>
#map = affine_map<(d0, d1) -> (0, 0)>
#map1 = affine_map<(d0, d1) -> (0, 0, 0, 0)>
#map2 = affine_map<(d0, d1) -> (0, 0, 0)>
module attributes {stable_mosaic.version = 14 : i64} {
  func.func @agg_kernel(%arg0: i32, %arg1: i32, %arg2: memref<10000x128xf32, #tpu.memory_space<hbm>>, %arg3: memref<32x125x2x80xi32, #tpu.memory_space<hbm>>, %arg4: memref<632x128xf32, #tpu.memory_space<hbm>>, %arg5: memref<2x10112x128xf32, #tpu.memory_space<hbm>>, %arg6: memref<32x2x80xi32, #tpu.memory_space<vmem>>, %arg7: memref<80x128xf32, #tpu.memory_space<vmem>>, %arg8: memref<80x128xf32, #tpu.memory_space<vmem>>, %arg9: memref<80x128xf32, #tpu.memory_space<vmem>>, %arg10: memref<80x128xf32, #tpu.memory_space<vmem>>, %arg11: memref<10112x128xf32, #tpu.memory_space<vmem_shared>>, %arg12: memref<!tpu.dma_semaphore, #tpu.memory_space<semaphore_mem>>, %arg13: memref<!tpu.dma_semaphore, #tpu.memory_space<semaphore_mem>>, %arg14: memref<!tpu.dma_semaphore, #tpu.memory_space<semaphore_mem>>, %arg15: memref<!tpu.dma_semaphore, #tpu.memory_space<semaphore_mem>>) attributes {dimension_semantics = [#tpu.dimension_semantics<core_parallel>, #tpu.dimension_semantics<subcore_parallel>], iteration_bounds = array<i64: 2, 16>, scalar_prefetch = 0 : i64, scratch_operands = 10 : i64, tpu.core_type = #tpu.core_type<sc_vector_subcore>, window_params = [{transform_indices = #map}, {transform_indices = #map1}, {transform_indices = #map}, {transform_indices = #map2}]} {
    %mul3A = arith.constant 16 : i32
    %mul3A_0 = arith.muli %arg0, %mul3A : i32
    %add3A = arith.addi %mul3A_0, %arg1 : i32
    "tpu.region"() ({
      %run_scoped3A_236 = tpu.sem_alloc : memref<!tpu.dma_semaphore, #tpu.memory_space<semaphore_mem>>
      %dma_start3A_237 = arith.constant 0 : i32
      %dma_start3A_238 = arith.constant 0 : i32
      %dma_start3A_239 = arith.constant 0 : i32
      %dma_start3A_240 = tpu.memref_slice %arg3[%add3A, %dma_start3A_237, %dma_start3A_238, %dma_start3A_239] : memref<32x125x2x80xi32, #tpu.memory_space<hbm>> -> memref<1x32x2x80xi32, #tpu.memory_space<hbm>>
      %dma_start3A_241 = tpu.memref_squeeze %dma_start3A_240 : memref<1x32x2x80xi32, #tpu.memory_space<hbm>> -> memref<32x2x80xi32, #tpu.memory_space<hbm>>
      %dma_start3A_242 = arith.constant 0 : i32
      %dma_start3A_243 = arith.constant 0 : i32
      %dma_start3A_244 = arith.constant 0 : i32
      %dma_start3A_245 = tpu.memref_slice %arg3[%add3A, %dma_start3A_242, %dma_start3A_243, %dma_start3A_244] : memref<32x125x2x80xi32, #tpu.memory_space<hbm>> -> memref<1x32x2x80xi32, #tpu.memory_space<hbm>>
      %dma_start3A_246 = tpu.memref_squeeze %dma_start3A_245 : memref<1x32x2x80xi32, #tpu.memory_space<hbm>> -> memref<32x2x80xi32, #tpu.memory_space<hbm>>
      tpu.enqueue_dma source(%dma_start3A_246 : memref<32x2x80xi32, #tpu.memory_space<hbm>>) target(%arg6 : memref<32x2x80xi32, #tpu.memory_space<vmem>>) target_semaphore(%run_scoped3A_236 : memref<!tpu.dma_semaphore, #tpu.memory_space<semaphore_mem>>)
      %dma_wait3A_247 = arith.constant 0 : i32
      %dma_wait3A_248 = arith.constant 0 : i32
      %dma_wait3A_249 = arith.constant 0 : i32
      %dma_wait3A_250 = tpu.memref_slice %arg3[%add3A, %dma_wait3A_247, %dma_wait3A_248, %dma_wait3A_249] : memref<32x125x2x80xi32, #tpu.memory_space<hbm>> -> memref<1x32x2x80xi32, #tpu.memory_space<hbm>>
      %dma_wait3A_251 = tpu.memref_squeeze %dma_wait3A_250 : memref<1x32x2x80xi32, #tpu.memory_space<hbm>> -> memref<32x2x80xi32, #tpu.memory_space<hbm>>
      %dma_wait3A_252 = arith.constant 0 : i32
      %dma_wait3A_253 = arith.constant 0 : i32
      %dma_wait3A_254 = arith.constant 0 : i32
      %dma_wait3A_255 = tpu.memref_slice %arg3[%add3A, %dma_wait3A_252, %dma_wait3A_253, %dma_wait3A_254] : memref<32x125x2x80xi32, #tpu.memory_space<hbm>> -> memref<1x32x2x80xi32, #tpu.memory_space<hbm>>
      %dma_wait3A_256 = tpu.memref_squeeze %dma_wait3A_255 : memref<1x32x2x80xi32, #tpu.memory_space<hbm>> -> memref<32x2x80xi32, #tpu.memory_space<hbm>>
      tpu.wait_dma2 semaphore(%run_scoped3A_236 : memref<!tpu.dma_semaphore, #tpu.memory_space<semaphore_mem>>) src(%dma_wait3A_256 : memref<32x2x80xi32, #tpu.memory_space<hbm>>) dst(%arg6 : memref<32x2x80xi32, #tpu.memory_space<vmem>>)
      tpu.yield
    }) : () -> ()
    %dma_start3A = arith.constant 0 : i32
    %dma_start3A_1 = arith.constant 1 : i32
    %dma_start3A_2 = arith.constant 0 : i32
    %dma_start3A_3 = tpu.memref_slice %arg6[%dma_start3A, %dma_start3A_1, %dma_start3A_2] : memref<32x2x80xi32, #tpu.memory_space<vmem>> -> memref<1x1x80xi32, #tpu.memory_space<vmem>>
    %dma_start3A_4 = tpu.memref_squeeze %dma_start3A_3 : memref<1x1x80xi32, #tpu.memory_space<vmem>> -> memref<80xi32, #tpu.memory_space<vmem>>
    %dma_start3A_5 = arith.constant 0 : i32
    %dma_start3A_6 = arith.constant 0 : i32
    %dma_start3A_7 = tpu.memref_slice %arg2[%dma_start3A_5, %dma_start3A_6] : memref<10000x128xf32, #tpu.memory_space<hbm>> -> memref<10000x128xf32, #tpu.memory_space<hbm>>
    tpu.enqueue_indirect_dma source(%dma_start3A_7 : memref<10000x128xf32, #tpu.memory_space<hbm>>) target(%arg7 : memref<80x128xf32, #tpu.memory_space<vmem>>) offsets(%dma_start3A_4 : memref<80xi32, #tpu.memory_space<vmem>>) semaphore(%arg12 : memref<!tpu.dma_semaphore, #tpu.memory_space<semaphore_mem>>)
    %dma_start3A_8 = arith.constant 1 : i32
    %dma_start3A_9 = arith.constant 1 : i32
    %dma_start3A_10 = arith.constant 0 : i32
    %dma_start3A_11 = tpu.memref_slice %arg6[%dma_start3A_8, %dma_start3A_9, %dma_start3A_10] : memref<32x2x80xi32, #tpu.memory_space<vmem>> -> memref<1x1x80xi32, #tpu.memory_space<vmem>>
    %dma_start3A_12 = tpu.memref_squeeze %dma_start3A_11 : memref<1x1x80xi32, #tpu.memory_space<vmem>> -> memref<80xi32, #tpu.memory_space<vmem>>
    %dma_start3A_13 = arith.constant 0 : i32
    %dma_start3A_14 = arith.constant 0 : i32
    %dma_start3A_15 = tpu.memref_slice %arg2[%dma_start3A_13, %dma_start3A_14] : memref<10000x128xf32, #tpu.memory_space<hbm>> -> memref<10000x128xf32, #tpu.memory_space<hbm>>
    tpu.enqueue_indirect_dma source(%dma_start3A_15 : memref<10000x128xf32, #tpu.memory_space<hbm>>) target(%arg8 : memref<80x128xf32, #tpu.memory_space<vmem>>) offsets(%dma_start3A_12 : memref<80xi32, #tpu.memory_space<vmem>>) semaphore(%arg13 : memref<!tpu.dma_semaphore, #tpu.memory_space<semaphore_mem>>)
    %dma_start3A_16 = arith.constant 2 : i32
    %dma_start3A_17 = arith.constant 1 : i32
    %dma_start3A_18 = arith.constant 0 : i32
    %dma_start3A_19 = tpu.memref_slice %arg6[%dma_start3A_16, %dma_start3A_17, %dma_start3A_18] : memref<32x2x80xi32, #tpu.memory_space<vmem>> -> memref<1x1x80xi32, #tpu.memory_space<vmem>>
    %dma_start3A_20 = tpu.memref_squeeze %dma_start3A_19 : memref<1x1x80xi32, #tpu.memory_space<vmem>> -> memref<80xi32, #tpu.memory_space<vmem>>
    %dma_start3A_21 = arith.constant 0 : i32
    %dma_start3A_22 = arith.constant 0 : i32
    %dma_start3A_23 = tpu.memref_slice %arg2[%dma_start3A_21, %dma_start3A_22] : memref<10000x128xf32, #tpu.memory_space<hbm>> -> memref<10000x128xf32, #tpu.memory_space<hbm>>
    tpu.enqueue_indirect_dma source(%dma_start3A_23 : memref<10000x128xf32, #tpu.memory_space<hbm>>) target(%arg9 : memref<80x128xf32, #tpu.memory_space<vmem>>) offsets(%dma_start3A_20 : memref<80xi32, #tpu.memory_space<vmem>>) semaphore(%arg14 : memref<!tpu.dma_semaphore, #tpu.memory_space<semaphore_mem>>)
    %mul3A_24 = arith.constant 632 : i32
    %mul3A_25 = arith.muli %arg1, %mul3A_24 : i32
    "tpu.region"() ({
      %run_scoped3A_236 = tpu.sem_alloc : memref<!tpu.dma_semaphore, #tpu.memory_space<semaphore_mem>>
      %dma_start3A_237 = arith.constant 0 : i32
      %dma_start3A_238 = tpu.memref_slice %arg11[%mul3A_25, %dma_start3A_237] : memref<10112x128xf32, #tpu.memory_space<vmem_shared>> -> memref<632x128xf32, #tpu.memory_space<vmem_shared>>
      tpu.enqueue_dma source(%arg4 : memref<632x128xf32, #tpu.memory_space<hbm>>) target(%dma_start3A_238 : memref<632x128xf32, #tpu.memory_space<vmem_shared>>) target_semaphore(%run_scoped3A_236 : memref<!tpu.dma_semaphore, #tpu.memory_space<semaphore_mem>>)
      %dma_wait3A_239 = arith.constant 0 : i32
      %dma_wait3A_240 = tpu.memref_slice %arg11[%mul3A_25, %dma_wait3A_239] : memref<10112x128xf32, #tpu.memory_space<vmem_shared>> -> memref<632x128xf32, #tpu.memory_space<vmem_shared>>
      tpu.wait_dma2 semaphore(%run_scoped3A_236 : memref<!tpu.dma_semaphore, #tpu.memory_space<semaphore_mem>>) src(%arg4 : memref<632x128xf32, #tpu.memory_space<hbm>>) dst(%dma_wait3A_240 : memref<632x128xf32, #tpu.memory_space<vmem_shared>>)
      tpu.yield
    }) : () -> ()
    %barrier3A = arith.constant 0 : index
    tpu.barrier barrier_id(%barrier3A)
    %scan3A = arith.constant 0 : i32
    %scan3A_26 = arith.constant 0 : i32
    %scan3A_27 = arith.constant 7 : i32
    %scan3A_28 = arith.addi %scan3A_26, %scan3A_27 : i32
    %scan3A_29 = arith.constant 1 : i32
    scf.for %scan3A_236 = %scan3A_26 to %scan3A_28 step %scan3A_29  : i32 {
      %mul3A_237 = arith.constant 4 : i32
      %mul3A_238 = arith.muli %mul3A_237, %scan3A_236 : i32
      %dma_wait3A_239 = arith.constant 0 : i32
      %dma_wait3A_240 = arith.constant 0 : i32
      %dma_wait3A_241 = tpu.memref_slice %arg2[%dma_wait3A_239, %dma_wait3A_240] : memref<10000x128xf32, #tpu.memory_space<hbm>> -> memref<80x128xf32, #tpu.memory_space<hbm>>
      %dma_wait3A_242 = arith.constant 0 : i32
      %dma_wait3A_243 = arith.constant 0 : i32
      %dma_wait3A_244 = tpu.memref_slice %arg2[%dma_wait3A_242, %dma_wait3A_243] : memref<10000x128xf32, #tpu.memory_space<hbm>> -> memref<80x128xf32, #tpu.memory_space<hbm>>
      tpu.wait_dma2 semaphore(%arg12 : memref<!tpu.dma_semaphore, #tpu.memory_space<semaphore_mem>>) src(%dma_wait3A_244 : memref<80x128xf32, #tpu.memory_space<hbm>>) dst(%arg7 : memref<80x128xf32, #tpu.memory_space<vmem>>)
      %add3A_245 = arith.constant 0 : i32
      %add3A_246 = arith.addi %mul3A_238, %add3A_245 : i32
      %add3A_247 = arith.constant 3 : i32
      %add3A_248 = arith.addi %add3A_246, %add3A_247 : i32
      %dma_start3A_249 = arith.constant 1 : i32
      %dma_start3A_250 = arith.constant 0 : i32
      %dma_start3A_251 = tpu.memref_slice %arg6[%add3A_248, %dma_start3A_249, %dma_start3A_250] : memref<32x2x80xi32, #tpu.memory_space<vmem>> -> memref<1x1x80xi32, #tpu.memory_space<vmem>>
      %dma_start3A_252 = tpu.memref_squeeze %dma_start3A_251 : memref<1x1x80xi32, #tpu.memory_space<vmem>> -> memref<80xi32, #tpu.memory_space<vmem>>
      %dma_start3A_253 = arith.constant 0 : i32
      %dma_start3A_254 = arith.constant 0 : i32
      %dma_start3A_255 = tpu.memref_slice %arg2[%dma_start3A_253, %dma_start3A_254] : memref<10000x128xf32, #tpu.memory_space<hbm>> -> memref<10000x128xf32, #tpu.memory_space<hbm>>
      tpu.enqueue_indirect_dma source(%dma_start3A_255 : memref<10000x128xf32, #tpu.memory_space<hbm>>) target(%arg10 : memref<80x128xf32, #tpu.memory_space<vmem>>) offsets(%dma_start3A_252 : memref<80xi32, #tpu.memory_space<vmem>>) semaphore(%arg15 : memref<!tpu.dma_semaphore, #tpu.memory_space<semaphore_mem>>)
      %add3A_256 = arith.constant 0 : i32
      %add3A_257 = arith.addi %mul3A_238, %add3A_256 : i32
      %run_scoped3A_258 = arith.constant 0 : i32
      "tpu.region"() ({
        %run_scoped3A_319 = tpu.sem_alloc : memref<!tpu.dma_semaphore, #tpu.memory_space<semaphore_mem>>
        %dma_start3A_320 = arith.constant 0 : i32
        %dma_start3A_321 = tpu.memref_slice %arg6[%add3A_257, %run_scoped3A_258, %dma_start3A_320] : memref<32x2x80xi32, #tpu.memory_space<vmem>> -> memref<1x1x80xi32, #tpu.memory_space<vmem>>
        %dma_start3A_322 = tpu.memref_squeeze %dma_start3A_321 : memref<1x1x80xi32, #tpu.memory_space<vmem>> -> memref<80xi32, #tpu.memory_space<vmem>>
        %dma_start3A_323 = arith.constant 0 : i32
        %dma_start3A_324 = arith.constant 0 : i32
        %dma_start3A_325 = tpu.memref_slice %arg11[%dma_start3A_323, %dma_start3A_324] : memref<10112x128xf32, #tpu.memory_space<vmem_shared>> -> memref<10112x128xf32, #tpu.memory_space<vmem_shared>>
        tpu.enqueue_indirect_dma source(%arg7 : memref<80x128xf32, #tpu.memory_space<vmem>>) target(%dma_start3A_325 : memref<10112x128xf32, #tpu.memory_space<vmem_shared>>) offsets(%dma_start3A_322 : memref<80xi32, #tpu.memory_space<vmem>>) semaphore(%run_scoped3A_319 : memref<!tpu.dma_semaphore, #tpu.memory_space<semaphore_mem>>) {add = true}
        %dma_wait3A_326 = arith.constant 0 : i32
        %dma_wait3A_327 = tpu.memref_slice %arg6[%add3A_257, %run_scoped3A_258, %dma_wait3A_326] : memref<32x2x80xi32, #tpu.memory_space<vmem>> -> memref<1x1x80xi32, #tpu.memory_space<vmem>>
        %dma_wait3A_328 = tpu.memref_squeeze %dma_wait3A_327 : memref<1x1x80xi32, #tpu.memory_space<vmem>> -> memref<80xi32, #tpu.memory_space<vmem>>
        %dma_wait3A_329 = arith.constant 0 : i32
        %dma_wait3A_330 = arith.constant 0 : i32
        %dma_wait3A_331 = tpu.memref_slice %arg11[%dma_wait3A_329, %dma_wait3A_330] : memref<10112x128xf32, #tpu.memory_space<vmem_shared>> -> memref<10112x128xf32, #tpu.memory_space<vmem_shared>>
        tpu.wait_indirect_dma semaphore(%run_scoped3A_319 : memref<!tpu.dma_semaphore, #tpu.memory_space<semaphore_mem>>) src(%arg7 : memref<80x128xf32, #tpu.memory_space<vmem>>) dst(%dma_wait3A_331 : memref<10112x128xf32, #tpu.memory_space<vmem_shared>>)
        tpu.yield
      }) : () -> ()
      %dma_wait3A_259 = arith.constant 0 : i32
      %dma_wait3A_260 = arith.constant 0 : i32
      %dma_wait3A_261 = tpu.memref_slice %arg2[%dma_wait3A_259, %dma_wait3A_260] : memref<10000x128xf32, #tpu.memory_space<hbm>> -> memref<80x128xf32, #tpu.memory_space<hbm>>
      %dma_wait3A_262 = arith.constant 0 : i32
      %dma_wait3A_263 = arith.constant 0 : i32
      %dma_wait3A_264 = tpu.memref_slice %arg2[%dma_wait3A_262, %dma_wait3A_263] : memref<10000x128xf32, #tpu.memory_space<hbm>> -> memref<80x128xf32, #tpu.memory_space<hbm>>
      tpu.wait_dma2 semaphore(%arg13 : memref<!tpu.dma_semaphore, #tpu.memory_space<semaphore_mem>>) src(%dma_wait3A_264 : memref<80x128xf32, #tpu.memory_space<hbm>>) dst(%arg8 : memref<80x128xf32, #tpu.memory_space<vmem>>)
      %add3A_265 = arith.constant 1 : i32
      %add3A_266 = arith.addi %mul3A_238, %add3A_265 : i32
      %add3A_267 = arith.constant 3 : i32
      %add3A_268 = arith.addi %add3A_266, %add3A_267 : i32
      %dma_start3A_269 = arith.constant 1 : i32
      %dma_start3A_270 = arith.constant 0 : i32
      %dma_start3A_271 = tpu.memref_slice %arg6[%add3A_268, %dma_start3A_269, %dma_start3A_270] : memref<32x2x80xi32, #tpu.memory_space<vmem>> -> memref<1x1x80xi32, #tpu.memory_space<vmem>>
      %dma_start3A_272 = tpu.memref_squeeze %dma_start3A_271 : memref<1x1x80xi32, #tpu.memory_space<vmem>> -> memref<80xi32, #tpu.memory_space<vmem>>
      %dma_start3A_273 = arith.constant 0 : i32
      %dma_start3A_274 = arith.constant 0 : i32
      %dma_start3A_275 = tpu.memref_slice %arg2[%dma_start3A_273, %dma_start3A_274] : memref<10000x128xf32, #tpu.memory_space<hbm>> -> memref<10000x128xf32, #tpu.memory_space<hbm>>
      tpu.enqueue_indirect_dma source(%dma_start3A_275 : memref<10000x128xf32, #tpu.memory_space<hbm>>) target(%arg7 : memref<80x128xf32, #tpu.memory_space<vmem>>) offsets(%dma_start3A_272 : memref<80xi32, #tpu.memory_space<vmem>>) semaphore(%arg12 : memref<!tpu.dma_semaphore, #tpu.memory_space<semaphore_mem>>)
      %add3A_276 = arith.constant 1 : i32
      %add3A_277 = arith.addi %mul3A_238, %add3A_276 : i32
      %run_scoped3A_278 = arith.constant 0 : i32
      "tpu.region"() ({
        %run_scoped3A_319 = tpu.sem_alloc : memref<!tpu.dma_semaphore, #tpu.memory_space<semaphore_mem>>
        %dma_start3A_320 = arith.constant 0 : i32
        %dma_start3A_321 = tpu.memref_slice %arg6[%add3A_277, %run_scoped3A_278, %dma_start3A_320] : memref<32x2x80xi32, #tpu.memory_space<vmem>> -> memref<1x1x80xi32, #tpu.memory_space<vmem>>
        %dma_start3A_322 = tpu.memref_squeeze %dma_start3A_321 : memref<1x1x80xi32, #tpu.memory_space<vmem>> -> memref<80xi32, #tpu.memory_space<vmem>>
        %dma_start3A_323 = arith.constant 0 : i32
        %dma_start3A_324 = arith.constant 0 : i32
        %dma_start3A_325 = tpu.memref_slice %arg11[%dma_start3A_323, %dma_start3A_324] : memref<10112x128xf32, #tpu.memory_space<vmem_shared>> -> memref<10112x128xf32, #tpu.memory_space<vmem_shared>>
        tpu.enqueue_indirect_dma source(%arg8 : memref<80x128xf32, #tpu.memory_space<vmem>>) target(%dma_start3A_325 : memref<10112x128xf32, #tpu.memory_space<vmem_shared>>) offsets(%dma_start3A_322 : memref<80xi32, #tpu.memory_space<vmem>>) semaphore(%run_scoped3A_319 : memref<!tpu.dma_semaphore, #tpu.memory_space<semaphore_mem>>) {add = true}
        %dma_wait3A_326 = arith.constant 0 : i32
        %dma_wait3A_327 = tpu.memref_slice %arg6[%add3A_277, %run_scoped3A_278, %dma_wait3A_326] : memref<32x2x80xi32, #tpu.memory_space<vmem>> -> memref<1x1x80xi32, #tpu.memory_space<vmem>>
        %dma_wait3A_328 = tpu.memref_squeeze %dma_wait3A_327 : memref<1x1x80xi32, #tpu.memory_space<vmem>> -> memref<80xi32, #tpu.memory_space<vmem>>
        %dma_wait3A_329 = arith.constant 0 : i32
        %dma_wait3A_330 = arith.constant 0 : i32
        %dma_wait3A_331 = tpu.memref_slice %arg11[%dma_wait3A_329, %dma_wait3A_330] : memref<10112x128xf32, #tpu.memory_space<vmem_shared>> -> memref<10112x128xf32, #tpu.memory_space<vmem_shared>>
        tpu.wait_indirect_dma semaphore(%run_scoped3A_319 : memref<!tpu.dma_semaphore, #tpu.memory_space<semaphore_mem>>) src(%arg8 : memref<80x128xf32, #tpu.memory_space<vmem>>) dst(%dma_wait3A_331 : memref<10112x128xf32, #tpu.memory_space<vmem_shared>>)
        tpu.yield
      }) : () -> ()
      %dma_wait3A_279 = arith.constant 0 : i32
      %dma_wait3A_280 = arith.constant 0 : i32
      %dma_wait3A_281 = tpu.memref_slice %arg2[%dma_wait3A_279, %dma_wait3A_280] : memref<10000x128xf32, #tpu.memory_space<hbm>> -> memref<80x128xf32, #tpu.memory_space<hbm>>
      %dma_wait3A_282 = arith.constant 0 : i32
      %dma_wait3A_283 = arith.constant 0 : i32
      %dma_wait3A_284 = tpu.memref_slice %arg2[%dma_wait3A_282, %dma_wait3A_283] : memref<10000x128xf32, #tpu.memory_space<hbm>> -> memref<80x128xf32, #tpu.memory_space<hbm>>
      tpu.wait_dma2 semaphore(%arg14 : memref<!tpu.dma_semaphore, #tpu.memory_space<semaphore_mem>>) src(%dma_wait3A_284 : memref<80x128xf32, #tpu.memory_space<hbm>>) dst(%arg9 : memref<80x128xf32, #tpu.memory_space<vmem>>)
      %add3A_285 = arith.constant 2 : i32
      %add3A_286 = arith.addi %mul3A_238, %add3A_285 : i32
      %add3A_287 = arith.constant 3 : i32
      %add3A_288 = arith.addi %add3A_286, %add3A_287 : i32
      %dma_start3A_289 = arith.constant 1 : i32
      %dma_start3A_290 = arith.constant 0 : i32
      %dma_start3A_291 = tpu.memref_slice %arg6[%add3A_288, %dma_start3A_289, %dma_start3A_290] : memref<32x2x80xi32, #tpu.memory_space<vmem>> -> memref<1x1x80xi32, #tpu.memory_space<vmem>>
      %dma_start3A_292 = tpu.memref_squeeze %dma_start3A_291 : memref<1x1x80xi32, #tpu.memory_space<vmem>> -> memref<80xi32, #tpu.memory_space<vmem>>
      %dma_start3A_293 = arith.constant 0 : i32
      %dma_start3A_294 = arith.constant 0 : i32
      %dma_start3A_295 = tpu.memref_slice %arg2[%dma_start3A_293, %dma_start3A_294] : memref<10000x128xf32, #tpu.memory_space<hbm>> -> memref<10000x128xf32, #tpu.memory_space<hbm>>
      tpu.enqueue_indirect_dma source(%dma_start3A_295 : memref<10000x128xf32, #tpu.memory_space<hbm>>) target(%arg8 : memref<80x128xf32, #tpu.memory_space<vmem>>) offsets(%dma_start3A_292 : memref<80xi32, #tpu.memory_space<vmem>>) semaphore(%arg13 : memref<!tpu.dma_semaphore, #tpu.memory_space<semaphore_mem>>)
      %add3A_296 = arith.constant 2 : i32
      %add3A_297 = arith.addi %mul3A_238, %add3A_296 : i32
      %run_scoped3A_298 = arith.constant 0 : i32
      "tpu.region"() ({
        %run_scoped3A_319 = tpu.sem_alloc : memref<!tpu.dma_semaphore, #tpu.memory_space<semaphore_mem>>
        %dma_start3A_320 = arith.constant 0 : i32
        %dma_start3A_321 = tpu.memref_slice %arg6[%add3A_297, %run_scoped3A_298, %dma_start3A_320] : memref<32x2x80xi32, #tpu.memory_space<vmem>> -> memref<1x1x80xi32, #tpu.memory_space<vmem>>
        %dma_start3A_322 = tpu.memref_squeeze %dma_start3A_321 : memref<1x1x80xi32, #tpu.memory_space<vmem>> -> memref<80xi32, #tpu.memory_space<vmem>>
        %dma_start3A_323 = arith.constant 0 : i32
        %dma_start3A_324 = arith.constant 0 : i32
        %dma_start3A_325 = tpu.memref_slice %arg11[%dma_start3A_323, %dma_start3A_324] : memref<10112x128xf32, #tpu.memory_space<vmem_shared>> -> memref<10112x128xf32, #tpu.memory_space<vmem_shared>>
        tpu.enqueue_indirect_dma source(%arg9 : memref<80x128xf32, #tpu.memory_space<vmem>>) target(%dma_start3A_325 : memref<10112x128xf32, #tpu.memory_space<vmem_shared>>) offsets(%dma_start3A_322 : memref<80xi32, #tpu.memory_space<vmem>>) semaphore(%run_scoped3A_319 : memref<!tpu.dma_semaphore, #tpu.memory_space<semaphore_mem>>) {add = true}
        %dma_wait3A_326 = arith.constant 0 : i32
        %dma_wait3A_327 = tpu.memref_slice %arg6[%add3A_297, %run_scoped3A_298, %dma_wait3A_326] : memref<32x2x80xi32, #tpu.memory_space<vmem>> -> memref<1x1x80xi32, #tpu.memory_space<vmem>>
        %dma_wait3A_328 = tpu.memref_squeeze %dma_wait3A_327 : memref<1x1x80xi32, #tpu.memory_space<vmem>> -> memref<80xi32, #tpu.memory_space<vmem>>
        %dma_wait3A_329 = arith.constant 0 : i32
        %dma_wait3A_330 = arith.constant 0 : i32
        %dma_wait3A_331 = tpu.memref_slice %arg11[%dma_wait3A_329, %dma_wait3A_330] : memref<10112x128xf32, #tpu.memory_space<vmem_shared>> -> memref<10112x128xf32, #tpu.memory_space<vmem_shared>>
        tpu.wait_indirect_dma semaphore(%run_scoped3A_319 : memref<!tpu.dma_semaphore, #tpu.memory_space<semaphore_mem>>) src(%arg9 : memref<80x128xf32, #tpu.memory_space<vmem>>) dst(%dma_wait3A_331 : memref<10112x128xf32, #tpu.memory_space<vmem_shared>>)
        tpu.yield
      }) : () -> ()
      %dma_wait3A_299 = arith.constant 0 : i32
      %dma_wait3A_300 = arith.constant 0 : i32
      %dma_wait3A_301 = tpu.memref_slice %arg2[%dma_wait3A_299, %dma_wait3A_300] : memref<10000x128xf32, #tpu.memory_space<hbm>> -> memref<80x128xf32, #tpu.memory_space<hbm>>
      %dma_wait3A_302 = arith.constant 0 : i32
      %dma_wait3A_303 = arith.constant 0 : i32
      %dma_wait3A_304 = tpu.memref_slice %arg2[%dma_wait3A_302, %dma_wait3A_303] : memref<10000x128xf32, #tpu.memory_space<hbm>> -> memref<80x128xf32, #tpu.memory_space<hbm>>
      tpu.wait_dma2 semaphore(%arg15 : memref<!tpu.dma_semaphore, #tpu.memory_space<semaphore_mem>>) src(%dma_wait3A_304 : memref<80x128xf32, #tpu.memory_space<hbm>>) dst(%arg10 : memref<80x128xf32, #tpu.memory_space<vmem>>)
      %add3A_305 = arith.constant 3 : i32
      %add3A_306 = arith.addi %mul3A_238, %add3A_305 : i32
      %add3A_307 = arith.constant 3 : i32
      %add3A_308 = arith.addi %add3A_306, %add3A_307 : i32
      %dma_start3A_309 = arith.constant 1 : i32
      %dma_start3A_310 = arith.constant 0 : i32
      %dma_start3A_311 = tpu.memref_slice %arg6[%add3A_308, %dma_start3A_309, %dma_start3A_310] : memref<32x2x80xi32, #tpu.memory_space<vmem>> -> memref<1x1x80xi32, #tpu.memory_space<vmem>>
      %dma_start3A_312 = tpu.memref_squeeze %dma_start3A_311 : memref<1x1x80xi32, #tpu.memory_space<vmem>> -> memref<80xi32, #tpu.memory_space<vmem>>
      %dma_start3A_313 = arith.constant 0 : i32
      %dma_start3A_314 = arith.constant 0 : i32
      %dma_start3A_315 = tpu.memref_slice %arg2[%dma_start3A_313, %dma_start3A_314] : memref<10000x128xf32, #tpu.memory_space<hbm>> -> memref<10000x128xf32, #tpu.memory_space<hbm>>
      tpu.enqueue_indirect_dma source(%dma_start3A_315 : memref<10000x128xf32, #tpu.memory_space<hbm>>) target(%arg9 : memref<80x128xf32, #tpu.memory_space<vmem>>) offsets(%dma_start3A_312 : memref<80xi32, #tpu.memory_space<vmem>>) semaphore(%arg14 : memref<!tpu.dma_semaphore, #tpu.memory_space<semaphore_mem>>)
      %add3A_316 = arith.constant 3 : i32
      %add3A_317 = arith.addi %mul3A_238, %add3A_316 : i32
      %run_scoped3A_318 = arith.constant 0 : i32
      "tpu.region"() ({
        %run_scoped3A_319 = tpu.sem_alloc : memref<!tpu.dma_semaphore, #tpu.memory_space<semaphore_mem>>
        %dma_start3A_320 = arith.constant 0 : i32
        %dma_start3A_321 = tpu.memref_slice %arg6[%add3A_317, %run_scoped3A_318, %dma_start3A_320] : memref<32x2x80xi32, #tpu.memory_space<vmem>> -> memref<1x1x80xi32, #tpu.memory_space<vmem>>
        %dma_start3A_322 = tpu.memref_squeeze %dma_start3A_321 : memref<1x1x80xi32, #tpu.memory_space<vmem>> -> memref<80xi32, #tpu.memory_space<vmem>>
        %dma_start3A_323 = arith.constant 0 : i32
        %dma_start3A_324 = arith.constant 0 : i32
        %dma_start3A_325 = tpu.memref_slice %arg11[%dma_start3A_323, %dma_start3A_324] : memref<10112x128xf32, #tpu.memory_space<vmem_shared>> -> memref<10112x128xf32, #tpu.memory_space<vmem_shared>>
        tpu.enqueue_indirect_dma source(%arg10 : memref<80x128xf32, #tpu.memory_space<vmem>>) target(%dma_start3A_325 : memref<10112x128xf32, #tpu.memory_space<vmem_shared>>) offsets(%dma_start3A_322 : memref<80xi32, #tpu.memory_space<vmem>>) semaphore(%run_scoped3A_319 : memref<!tpu.dma_semaphore, #tpu.memory_space<semaphore_mem>>) {add = true}
        %dma_wait3A_326 = arith.constant 0 : i32
        %dma_wait3A_327 = tpu.memref_slice %arg6[%add3A_317, %run_scoped3A_318, %dma_wait3A_326] : memref<32x2x80xi32, #tpu.memory_space<vmem>> -> memref<1x1x80xi32, #tpu.memory_space<vmem>>
        %dma_wait3A_328 = tpu.memref_squeeze %dma_wait3A_327 : memref<1x1x80xi32, #tpu.memory_space<vmem>> -> memref<80xi32, #tpu.memory_space<vmem>>
        %dma_wait3A_329 = arith.constant 0 : i32
        %dma_wait3A_330 = arith.constant 0 : i32
        %dma_wait3A_331 = tpu.memref_slice %arg11[%dma_wait3A_329, %dma_wait3A_330] : memref<10112x128xf32, #tpu.memory_space<vmem_shared>> -> memref<10112x128xf32, #tpu.memory_space<vmem_shared>>
        tpu.wait_indirect_dma semaphore(%run_scoped3A_319 : memref<!tpu.dma_semaphore, #tpu.memory_space<semaphore_mem>>) src(%arg10 : memref<80x128xf32, #tpu.memory_space<vmem>>) dst(%dma_wait3A_331 : memref<10112x128xf32, #tpu.memory_space<vmem_shared>>)
        tpu.yield
      }) : () -> ()
    }
    %scan3A_30 = arith.constant 7 : i32
    %dma_wait3A = arith.constant 0 : i32
    %dma_wait3A_31 = arith.constant 0 : i32
    %dma_wait3A_32 = tpu.memref_slice %arg2[%dma_wait3A, %dma_wait3A_31] : memref<10000x128xf32, #tpu.memory_space<hbm>> -> memref<80x128xf32, #tpu.memory_space<hbm>>
    %dma_wait3A_33 = arith.constant 0 : i32
    %dma_wait3A_34 = arith.constant 0 : i32
    %dma_wait3A_35 = tpu.memref_slice %arg2[%dma_wait3A_33, %dma_wait3A_34] : memref<10000x128xf32, #tpu.memory_space<hbm>> -> memref<80x128xf32, #tpu.memory_space<hbm>>
    tpu.wait_dma2 semaphore(%arg12 : memref<!tpu.dma_semaphore, #tpu.memory_space<semaphore_mem>>) src(%dma_wait3A_35 : memref<80x128xf32, #tpu.memory_space<hbm>>) dst(%arg7 : memref<80x128xf32, #tpu.memory_space<vmem>>)
    %run_scoped3A = arith.constant 28 : i32
    %run_scoped3A_36 = arith.constant 0 : i32
    "tpu.region"() ({
      %run_scoped3A_236 = tpu.sem_alloc : memref<!tpu.dma_semaphore, #tpu.memory_space<semaphore_mem>>
      %dma_start3A_237 = arith.constant 0 : i32
      %dma_start3A_238 = tpu.memref_slice %arg6[%run_scoped3A, %run_scoped3A_36, %dma_start3A_237] : memref<32x2x80xi32, #tpu.memory_space<vmem>> -> memref<1x1x80xi32, #tpu.memory_space<vmem>>
      %dma_start3A_239 = tpu.memref_squeeze %dma_start3A_238 : memref<1x1x80xi32, #tpu.memory_space<vmem>> -> memref<80xi32, #tpu.memory_space<vmem>>
      %dma_start3A_240 = arith.constant 0 : i32
      %dma_start3A_241 = arith.constant 0 : i32
      %dma_start3A_242 = tpu.memref_slice %arg11[%dma_start3A_240, %dma_start3A_241] : memref<10112x128xf32, #tpu.memory_space<vmem_shared>> -> memref<10112x128xf32, #tpu.memory_space<vmem_shared>>
      tpu.enqueue_indirect_dma source(%arg7 : memref<80x128xf32, #tpu.memory_space<vmem>>) target(%dma_start3A_242 : memref<10112x128xf32, #tpu.memory_space<vmem_shared>>) offsets(%dma_start3A_239 : memref<80xi32, #tpu.memory_space<vmem>>) semaphore(%run_scoped3A_236 : memref<!tpu.dma_semaphore, #tpu.memory_space<semaphore_mem>>) {add = true}
      %dma_wait3A_243 = arith.constant 0 : i32
      %dma_wait3A_244 = tpu.memref_slice %arg6[%run_scoped3A, %run_scoped3A_36, %dma_wait3A_243] : memref<32x2x80xi32, #tpu.memory_space<vmem>> -> memref<1x1x80xi32, #tpu.memory_space<vmem>>
      %dma_wait3A_245 = tpu.memref_squeeze %dma_wait3A_244 : memref<1x1x80xi32, #tpu.memory_space<vmem>> -> memref<80xi32, #tpu.memory_space<vmem>>
      %dma_wait3A_246 = arith.constant 0 : i32
      %dma_wait3A_247 = arith.constant 0 : i32
      %dma_wait3A_248 = tpu.memref_slice %arg11[%dma_wait3A_246, %dma_wait3A_247] : memref<10112x128xf32, #tpu.memory_space<vmem_shared>> -> memref<10112x128xf32, #tpu.memory_space<vmem_shared>>
      tpu.wait_indirect_dma semaphore(%run_scoped3A_236 : memref<!tpu.dma_semaphore, #tpu.memory_space<semaphore_mem>>) src(%arg7 : memref<80x128xf32, #tpu.memory_space<vmem>>) dst(%dma_wait3A_248 : memref<10112x128xf32, #tpu.memory_space<vmem_shared>>)
      tpu.yield
    }) : () -> ()
    %dma_wait3A_37 = arith.constant 0 : i32
    %dma_wait3A_38 = arith.constant 0 : i32
    %dma_wait3A_39 = tpu.memref_slice %arg2[%dma_wait3A_37, %dma_wait3A_38] : memref<10000x128xf32, #tpu.memory_space<hbm>> -> memref<80x128xf32, #tpu.memory_space<hbm>>
    %dma_wait3A_40 = arith.constant 0 : i32
    %dma_wait3A_41 = arith.constant 0 : i32
    %dma_wait3A_42 = tpu.memref_slice %arg2[%dma_wait3A_40, %dma_wait3A_41] : memref<10000x128xf32, #tpu.memory_space<hbm>> -> memref<80x128xf32, #tpu.memory_space<hbm>>
    tpu.wait_dma2 semaphore(%arg13 : memref<!tpu.dma_semaphore, #tpu.memory_space<semaphore_mem>>) src(%dma_wait3A_42 : memref<80x128xf32, #tpu.memory_space<hbm>>) dst(%arg8 : memref<80x128xf32, #tpu.memory_space<vmem>>)
    %run_scoped3A_43 = arith.constant 29 : i32
    %run_scoped3A_44 = arith.constant 0 : i32
    "tpu.region"() ({
      %run_scoped3A_236 = tpu.sem_alloc : memref<!tpu.dma_semaphore, #tpu.memory_space<semaphore_mem>>
      %dma_start3A_237 = arith.constant 0 : i32
      %dma_start3A_238 = tpu.memref_slice %arg6[%run_scoped3A_43, %run_scoped3A_44, %dma_start3A_237] : memref<32x2x80xi32, #tpu.memory_space<vmem>> -> memref<1x1x80xi32, #tpu.memory_space<vmem>>
      %dma_start3A_239 = tpu.memref_squeeze %dma_start3A_238 : memref<1x1x80xi32, #tpu.memory_space<vmem>> -> memref<80xi32, #tpu.memory_space<vmem>>
      %dma_start3A_240 = arith.constant 0 : i32
      %dma_start3A_241 = arith.constant 0 : i32
      %dma_start3A_242 = tpu.memref_slice %arg11[%dma_start3A_240, %dma_start3A_241] : memref<10112x128xf32, #tpu.memory_space<vmem_shared>> -> memref<10112x128xf32, #tpu.memory_space<vmem_shared>>
      tpu.enqueue_indirect_dma source(%arg8 : memref<80x128xf32, #tpu.memory_space<vmem>>) target(%dma_start3A_242 : memref<10112x128xf32, #tpu.memory_space<vmem_shared>>) offsets(%dma_start3A_239 : memref<80xi32, #tpu.memory_space<vmem>>) semaphore(%run_scoped3A_236 : memref<!tpu.dma_semaphore, #tpu.memory_space<semaphore_mem>>) {add = true}
      %dma_wait3A_243 = arith.constant 0 : i32
      %dma_wait3A_244 = tpu.memref_slice %arg6[%run_scoped3A_43, %run_scoped3A_44, %dma_wait3A_243] : memref<32x2x80xi32, #tpu.memory_space<vmem>> -> memref<1x1x80xi32, #tpu.memory_space<vmem>>
      %dma_wait3A_245 = tpu.memref_squeeze %dma_wait3A_244 : memref<1x1x80xi32, #tpu.memory_space<vmem>> -> memref<80xi32, #tpu.memory_space<vmem>>
      %dma_wait3A_246 = arith.constant 0 : i32
      %dma_wait3A_247 = arith.constant 0 : i32
      %dma_wait3A_248 = tpu.memref_slice %arg11[%dma_wait3A_246, %dma_wait3A_247] : memref<10112x128xf32, #tpu.memory_space<vmem_shared>> -> memref<10112x128xf32, #tpu.memory_space<vmem_shared>>
      tpu.wait_indirect_dma semaphore(%run_scoped3A_236 : memref<!tpu.dma_semaphore, #tpu.memory_space<semaphore_mem>>) src(%arg8 : memref<80x128xf32, #tpu.memory_space<vmem>>) dst(%dma_wait3A_248 : memref<10112x128xf32, #tpu.memory_space<vmem_shared>>)
      tpu.yield
    }) : () -> ()
    %dma_wait3A_45 = arith.constant 0 : i32
    %dma_wait3A_46 = arith.constant 0 : i32
    %dma_wait3A_47 = tpu.memref_slice %arg2[%dma_wait3A_45, %dma_wait3A_46] : memref<10000x128xf32, #tpu.memory_space<hbm>> -> memref<80x128xf32, #tpu.memory_space<hbm>>
    %dma_wait3A_48 = arith.constant 0 : i32
    %dma_wait3A_49 = arith.constant 0 : i32
    %dma_wait3A_50 = tpu.memref_slice %arg2[%dma_wait3A_48, %dma_wait3A_49] : memref<10000x128xf32, #tpu.memory_space<hbm>> -> memref<80x128xf32, #tpu.memory_space<hbm>>
    tpu.wait_dma2 semaphore(%arg14 : memref<!tpu.dma_semaphore, #tpu.memory_space<semaphore_mem>>) src(%dma_wait3A_50 : memref<80x128xf32, #tpu.memory_space<hbm>>) dst(%arg9 : memref<80x128xf32, #tpu.memory_space<vmem>>)
    %run_scoped3A_51 = arith.constant 30 : i32
    %run_scoped3A_52 = arith.constant 0 : i32
    "tpu.region"() ({
      %run_scoped3A_236 = tpu.sem_alloc : memref<!tpu.dma_semaphore, #tpu.memory_space<semaphore_mem>>
      %dma_start3A_237 = arith.constant 0 : i32
      %dma_start3A_238 = tpu.memref_slice %arg6[%run_scoped3A_51, %run_scoped3A_52, %dma_start3A_237] : memref<32x2x80xi32, #tpu.memory_space<vmem>> -> memref<1x1x80xi32, #tpu.memory_space<vmem>>
      %dma_start3A_239 = tpu.memref_squeeze %dma_start3A_238 : memref<1x1x80xi32, #tpu.memory_space<vmem>> -> memref<80xi32, #tpu.memory_space<vmem>>
      %dma_start3A_240 = arith.constant 0 : i32
      %dma_start3A_241 = arith.constant 0 : i32
      %dma_start3A_242 = tpu.memref_slice %arg11[%dma_start3A_240, %dma_start3A_241] : memref<10112x128xf32, #tpu.memory_space<vmem_shared>> -> memref<10112x128xf32, #tpu.memory_space<vmem_shared>>
      tpu.enqueue_indirect_dma source(%arg9 : memref<80x128xf32, #tpu.memory_space<vmem>>) target(%dma_start3A_242 : memref<10112x128xf32, #tpu.memory_space<vmem_shared>>) offsets(%dma_start3A_239 : memref<80xi32, #tpu.memory_space<vmem>>) semaphore(%run_scoped3A_236 : memref<!tpu.dma_semaphore, #tpu.memory_space<semaphore_mem>>) {add = true}
      %dma_wait3A_243 = arith.constant 0 : i32
      %dma_wait3A_244 = tpu.memref_slice %arg6[%run_scoped3A_51, %run_scoped3A_52, %dma_wait3A_243] : memref<32x2x80xi32, #tpu.memory_space<vmem>> -> memref<1x1x80xi32, #tpu.memory_space<vmem>>
      %dma_wait3A_245 = tpu.memref_squeeze %dma_wait3A_244 : memref<1x1x80xi32, #tpu.memory_space<vmem>> -> memref<80xi32, #tpu.memory_space<vmem>>
      %dma_wait3A_246 = arith.constant 0 : i32
      %dma_wait3A_247 = arith.constant 0 : i32
      %dma_wait3A_248 = tpu.memref_slice %arg11[%dma_wait3A_246, %dma_wait3A_247] : memref<10112x128xf32, #tpu.memory_space<vmem_shared>> -> memref<10112x128xf32, #tpu.memory_space<vmem_shared>>
      tpu.wait_indirect_dma semaphore(%run_scoped3A_236 : memref<!tpu.dma_semaphore, #tpu.memory_space<semaphore_mem>>) src(%arg9 : memref<80x128xf32, #tpu.memory_space<vmem>>) dst(%dma_wait3A_248 : memref<10112x128xf32, #tpu.memory_space<vmem_shared>>)
      tpu.yield
    }) : () -> ()
    "tpu.region"() ({
      %run_scoped3A_236 = tpu.sem_alloc : memref<!tpu.dma_semaphore, #tpu.memory_space<semaphore_mem>>
      %dma_start3A_237 = arith.constant 31 : i32
      %dma_start3A_238 = arith.constant 0 : i32
      %dma_start3A_239 = arith.constant 0 : i32
      %dma_start3A_240 = tpu.memref_slice %arg3[%add3A, %dma_start3A_237, %dma_start3A_238, %dma_start3A_239] : memref<32x125x2x80xi32, #tpu.memory_space<hbm>> -> memref<1x32x2x80xi32, #tpu.memory_space<hbm>>
      %dma_start3A_241 = tpu.memref_squeeze %dma_start3A_240 : memref<1x32x2x80xi32, #tpu.memory_space<hbm>> -> memref<32x2x80xi32, #tpu.memory_space<hbm>>
      %dma_start3A_242 = arith.constant 31 : i32
      %dma_start3A_243 = arith.constant 0 : i32
      %dma_start3A_244 = arith.constant 0 : i32
      %dma_start3A_245 = tpu.memref_slice %arg3[%add3A, %dma_start3A_242, %dma_start3A_243, %dma_start3A_244] : memref<32x125x2x80xi32, #tpu.memory_space<hbm>> -> memref<1x32x2x80xi32, #tpu.memory_space<hbm>>
      %dma_start3A_246 = tpu.memref_squeeze %dma_start3A_245 : memref<1x32x2x80xi32, #tpu.memory_space<hbm>> -> memref<32x2x80xi32, #tpu.memory_space<hbm>>
      tpu.enqueue_dma source(%dma_start3A_246 : memref<32x2x80xi32, #tpu.memory_space<hbm>>) target(%arg6 : memref<32x2x80xi32, #tpu.memory_space<vmem>>) target_semaphore(%run_scoped3A_236 : memref<!tpu.dma_semaphore, #tpu.memory_space<semaphore_mem>>)
      %dma_wait3A_247 = arith.constant 31 : i32
      %dma_wait3A_248 = arith.constant 0 : i32
      %dma_wait3A_249 = arith.constant 0 : i32
      %dma_wait3A_250 = tpu.memref_slice %arg3[%add3A, %dma_wait3A_247, %dma_wait3A_248, %dma_wait3A_249] : memref<32x125x2x80xi32, #tpu.memory_space<hbm>> -> memref<1x32x2x80xi32, #tpu.memory_space<hbm>>
      %dma_wait3A_251 = tpu.memref_squeeze %dma_wait3A_250 : memref<1x32x2x80xi32, #tpu.memory_space<hbm>> -> memref<32x2x80xi32, #tpu.memory_space<hbm>>
      %dma_wait3A_252 = arith.constant 31 : i32
      %dma_wait3A_253 = arith.constant 0 : i32
      %dma_wait3A_254 = arith.constant 0 : i32
      %dma_wait3A_255 = tpu.memref_slice %arg3[%add3A, %dma_wait3A_252, %dma_wait3A_253, %dma_wait3A_254] : memref<32x125x2x80xi32, #tpu.memory_space<hbm>> -> memref<1x32x2x80xi32, #tpu.memory_space<hbm>>
      %dma_wait3A_256 = tpu.memref_squeeze %dma_wait3A_255 : memref<1x32x2x80xi32, #tpu.memory_space<hbm>> -> memref<32x2x80xi32, #tpu.memory_space<hbm>>
      tpu.wait_dma2 semaphore(%run_scoped3A_236 : memref<!tpu.dma_semaphore, #tpu.memory_space<semaphore_mem>>) src(%dma_wait3A_256 : memref<32x2x80xi32, #tpu.memory_space<hbm>>) dst(%arg6 : memref<32x2x80xi32, #tpu.memory_space<vmem>>)
      tpu.yield
    }) : () -> ()
    %dma_start3A_53 = arith.constant 0 : i32
    %dma_start3A_54 = arith.constant 1 : i32
    %dma_start3A_55 = arith.constant 0 : i32
    %dma_start3A_56 = tpu.memref_slice %arg6[%dma_start3A_53, %dma_start3A_54, %dma_start3A_55] : memref<32x2x80xi32, #tpu.memory_space<vmem>> -> memref<1x1x80xi32, #tpu.memory_space<vmem>>
    %dma_start3A_57 = tpu.memref_squeeze %dma_start3A_56 : memref<1x1x80xi32, #tpu.memory_space<vmem>> -> memref<80xi32, #tpu.memory_space<vmem>>
    %dma_start3A_58 = arith.constant 0 : i32
    %dma_start3A_59 = arith.constant 0 : i32
    %dma_start3A_60 = tpu.memref_slice %arg2[%dma_start3A_58, %dma_start3A_59] : memref<10000x128xf32, #tpu.memory_space<hbm>> -> memref<10000x128xf32, #tpu.memory_space<hbm>>
    tpu.enqueue_indirect_dma source(%dma_start3A_60 : memref<10000x128xf32, #tpu.memory_space<hbm>>) target(%arg7 : memref<80x128xf32, #tpu.memory_space<vmem>>) offsets(%dma_start3A_57 : memref<80xi32, #tpu.memory_space<vmem>>) semaphore(%arg12 : memref<!tpu.dma_semaphore, #tpu.memory_space<semaphore_mem>>)
    %dma_start3A_61 = arith.constant 1 : i32
    %dma_start3A_62 = arith.constant 1 : i32
    %dma_start3A_63 = arith.constant 0 : i32
    %dma_start3A_64 = tpu.memref_slice %arg6[%dma_start3A_61, %dma_start3A_62, %dma_start3A_63] : memref<32x2x80xi32, #tpu.memory_space<vmem>> -> memref<1x1x80xi32, #tpu.memory_space<vmem>>
    %dma_start3A_65 = tpu.memref_squeeze %dma_start3A_64 : memref<1x1x80xi32, #tpu.memory_space<vmem>> -> memref<80xi32, #tpu.memory_space<vmem>>
    %dma_start3A_66 = arith.constant 0 : i32
    %dma_start3A_67 = arith.constant 0 : i32
    %dma_start3A_68 = tpu.memref_slice %arg2[%dma_start3A_66, %dma_start3A_67] : memref<10000x128xf32, #tpu.memory_space<hbm>> -> memref<10000x128xf32, #tpu.memory_space<hbm>>
    tpu.enqueue_indirect_dma source(%dma_start3A_68 : memref<10000x128xf32, #tpu.memory_space<hbm>>) target(%arg8 : memref<80x128xf32, #tpu.memory_space<vmem>>) offsets(%dma_start3A_65 : memref<80xi32, #tpu.memory_space<vmem>>) semaphore(%arg13 : memref<!tpu.dma_semaphore, #tpu.memory_space<semaphore_mem>>)
    %dma_start3A_69 = arith.constant 2 : i32
    %dma_start3A_70 = arith.constant 1 : i32
    %dma_start3A_71 = arith.constant 0 : i32
    %dma_start3A_72 = tpu.memref_slice %arg6[%dma_start3A_69, %dma_start3A_70, %dma_start3A_71] : memref<32x2x80xi32, #tpu.memory_space<vmem>> -> memref<1x1x80xi32, #tpu.memory_space<vmem>>
    %dma_start3A_73 = tpu.memref_squeeze %dma_start3A_72 : memref<1x1x80xi32, #tpu.memory_space<vmem>> -> memref<80xi32, #tpu.memory_space<vmem>>
    %dma_start3A_74 = arith.constant 0 : i32
    %dma_start3A_75 = arith.constant 0 : i32
    %dma_start3A_76 = tpu.memref_slice %arg2[%dma_start3A_74, %dma_start3A_75] : memref<10000x128xf32, #tpu.memory_space<hbm>> -> memref<10000x128xf32, #tpu.memory_space<hbm>>
    tpu.enqueue_indirect_dma source(%dma_start3A_76 : memref<10000x128xf32, #tpu.memory_space<hbm>>) target(%arg9 : memref<80x128xf32, #tpu.memory_space<vmem>>) offsets(%dma_start3A_73 : memref<80xi32, #tpu.memory_space<vmem>>) semaphore(%arg14 : memref<!tpu.dma_semaphore, #tpu.memory_space<semaphore_mem>>)
    %scan3A_77 = arith.constant 0 : i32
    %scan3A_78 = arith.constant 0 : i32
    %scan3A_79 = arith.constant 7 : i32
    %scan3A_80 = arith.addi %scan3A_78, %scan3A_79 : i32
    %scan3A_81 = arith.constant 1 : i32
    scf.for %scan3A_236 = %scan3A_78 to %scan3A_80 step %scan3A_81  : i32 {
      %mul3A_237 = arith.constant 4 : i32
      %mul3A_238 = arith.muli %mul3A_237, %scan3A_236 : i32
      %dma_wait3A_239 = arith.constant 0 : i32
      %dma_wait3A_240 = arith.constant 0 : i32
      %dma_wait3A_241 = tpu.memref_slice %arg2[%dma_wait3A_239, %dma_wait3A_240] : memref<10000x128xf32, #tpu.memory_space<hbm>> -> memref<80x128xf32, #tpu.memory_space<hbm>>
      %dma_wait3A_242 = arith.constant 0 : i32
      %dma_wait3A_243 = arith.constant 0 : i32
      %dma_wait3A_244 = tpu.memref_slice %arg2[%dma_wait3A_242, %dma_wait3A_243] : memref<10000x128xf32, #tpu.memory_space<hbm>> -> memref<80x128xf32, #tpu.memory_space<hbm>>
      tpu.wait_dma2 semaphore(%arg12 : memref<!tpu.dma_semaphore, #tpu.memory_space<semaphore_mem>>) src(%dma_wait3A_244 : memref<80x128xf32, #tpu.memory_space<hbm>>) dst(%arg7 : memref<80x128xf32, #tpu.memory_space<vmem>>)
      %add3A_245 = arith.constant 0 : i32
      %add3A_246 = arith.addi %mul3A_238, %add3A_245 : i32
      %add3A_247 = arith.constant 3 : i32
      %add3A_248 = arith.addi %add3A_246, %add3A_247 : i32
      %dma_start3A_249 = arith.constant 1 : i32
      %dma_start3A_250 = arith.constant 0 : i32
      %dma_start3A_251 = tpu.memref_slice %arg6[%add3A_248, %dma_start3A_249, %dma_start3A_250] : memref<32x2x80xi32, #tpu.memory_space<vmem>> -> memref<1x1x80xi32, #tpu.memory_space<vmem>>
      %dma_start3A_252 = tpu.memref_squeeze %dma_start3A_251 : memref<1x1x80xi32, #tpu.memory_space<vmem>> -> memref<80xi32, #tpu.memory_space<vmem>>
      %dma_start3A_253 = arith.constant 0 : i32
      %dma_start3A_254 = arith.constant 0 : i32
      %dma_start3A_255 = tpu.memref_slice %arg2[%dma_start3A_253, %dma_start3A_254] : memref<10000x128xf32, #tpu.memory_space<hbm>> -> memref<10000x128xf32, #tpu.memory_space<hbm>>
      tpu.enqueue_indirect_dma source(%dma_start3A_255 : memref<10000x128xf32, #tpu.memory_space<hbm>>) target(%arg10 : memref<80x128xf32, #tpu.memory_space<vmem>>) offsets(%dma_start3A_252 : memref<80xi32, #tpu.memory_space<vmem>>) semaphore(%arg15 : memref<!tpu.dma_semaphore, #tpu.memory_space<semaphore_mem>>)
      %add3A_256 = arith.constant 0 : i32
      %add3A_257 = arith.addi %mul3A_238, %add3A_256 : i32
      %run_scoped3A_258 = arith.constant 0 : i32
      "tpu.region"() ({
        %run_scoped3A_319 = tpu.sem_alloc : memref<!tpu.dma_semaphore, #tpu.memory_space<semaphore_mem>>
        %dma_start3A_320 = arith.constant 0 : i32
        %dma_start3A_321 = tpu.memref_slice %arg6[%add3A_257, %run_scoped3A_258, %dma_start3A_320] : memref<32x2x80xi32, #tpu.memory_space<vmem>> -> memref<1x1x80xi32, #tpu.memory_space<vmem>>
        %dma_start3A_322 = tpu.memref_squeeze %dma_start3A_321 : memref<1x1x80xi32, #tpu.memory_space<vmem>> -> memref<80xi32, #tpu.memory_space<vmem>>
        %dma_start3A_323 = arith.constant 0 : i32
        %dma_start3A_324 = arith.constant 0 : i32
        %dma_start3A_325 = tpu.memref_slice %arg11[%dma_start3A_323, %dma_start3A_324] : memref<10112x128xf32, #tpu.memory_space<vmem_shared>> -> memref<10112x128xf32, #tpu.memory_space<vmem_shared>>
        tpu.enqueue_indirect_dma source(%arg7 : memref<80x128xf32, #tpu.memory_space<vmem>>) target(%dma_start3A_325 : memref<10112x128xf32, #tpu.memory_space<vmem_shared>>) offsets(%dma_start3A_322 : memref<80xi32, #tpu.memory_space<vmem>>) semaphore(%run_scoped3A_319 : memref<!tpu.dma_semaphore, #tpu.memory_space<semaphore_mem>>) {add = true}
        %dma_wait3A_326 = arith.constant 0 : i32
        %dma_wait3A_327 = tpu.memref_slice %arg6[%add3A_257, %run_scoped3A_258, %dma_wait3A_326] : memref<32x2x80xi32, #tpu.memory_space<vmem>> -> memref<1x1x80xi32, #tpu.memory_space<vmem>>
        %dma_wait3A_328 = tpu.memref_squeeze %dma_wait3A_327 : memref<1x1x80xi32, #tpu.memory_space<vmem>> -> memref<80xi32, #tpu.memory_space<vmem>>
        %dma_wait3A_329 = arith.constant 0 : i32
        %dma_wait3A_330 = arith.constant 0 : i32
        %dma_wait3A_331 = tpu.memref_slice %arg11[%dma_wait3A_329, %dma_wait3A_330] : memref<10112x128xf32, #tpu.memory_space<vmem_shared>> -> memref<10112x128xf32, #tpu.memory_space<vmem_shared>>
        tpu.wait_indirect_dma semaphore(%run_scoped3A_319 : memref<!tpu.dma_semaphore, #tpu.memory_space<semaphore_mem>>) src(%arg7 : memref<80x128xf32, #tpu.memory_space<vmem>>) dst(%dma_wait3A_331 : memref<10112x128xf32, #tpu.memory_space<vmem_shared>>)
        tpu.yield
      }) : () -> ()
      %dma_wait3A_259 = arith.constant 0 : i32
      %dma_wait3A_260 = arith.constant 0 : i32
      %dma_wait3A_261 = tpu.memref_slice %arg2[%dma_wait3A_259, %dma_wait3A_260] : memref<10000x128xf32, #tpu.memory_space<hbm>> -> memref<80x128xf32, #tpu.memory_space<hbm>>
      %dma_wait3A_262 = arith.constant 0 : i32
      %dma_wait3A_263 = arith.constant 0 : i32
      %dma_wait3A_264 = tpu.memref_slice %arg2[%dma_wait3A_262, %dma_wait3A_263] : memref<10000x128xf32, #tpu.memory_space<hbm>> -> memref<80x128xf32, #tpu.memory_space<hbm>>
      tpu.wait_dma2 semaphore(%arg13 : memref<!tpu.dma_semaphore, #tpu.memory_space<semaphore_mem>>) src(%dma_wait3A_264 : memref<80x128xf32, #tpu.memory_space<hbm>>) dst(%arg8 : memref<80x128xf32, #tpu.memory_space<vmem>>)
      %add3A_265 = arith.constant 1 : i32
      %add3A_266 = arith.addi %mul3A_238, %add3A_265 : i32
      %add3A_267 = arith.constant 3 : i32
      %add3A_268 = arith.addi %add3A_266, %add3A_267 : i32
      %dma_start3A_269 = arith.constant 1 : i32
      %dma_start3A_270 = arith.constant 0 : i32
      %dma_start3A_271 = tpu.memref_slice %arg6[%add3A_268, %dma_start3A_269, %dma_start3A_270] : memref<32x2x80xi32, #tpu.memory_space<vmem>> -> memref<1x1x80xi32, #tpu.memory_space<vmem>>
      %dma_start3A_272 = tpu.memref_squeeze %dma_start3A_271 : memref<1x1x80xi32, #tpu.memory_space<vmem>> -> memref<80xi32, #tpu.memory_space<vmem>>
      %dma_start3A_273 = arith.constant 0 : i32
      %dma_start3A_274 = arith.constant 0 : i32
      %dma_start3A_275 = tpu.memref_slice %arg2[%dma_start3A_273, %dma_start3A_274] : memref<10000x128xf32, #tpu.memory_space<hbm>> -> memref<10000x128xf32, #tpu.memory_space<hbm>>
      tpu.enqueue_indirect_dma source(%dma_start3A_275 : memref<10000x128xf32, #tpu.memory_space<hbm>>) target(%arg7 : memref<80x128xf32, #tpu.memory_space<vmem>>) offsets(%dma_start3A_272 : memref<80xi32, #tpu.memory_space<vmem>>) semaphore(%arg12 : memref<!tpu.dma_semaphore, #tpu.memory_space<semaphore_mem>>)
      %add3A_276 = arith.constant 1 : i32
      %add3A_277 = arith.addi %mul3A_238, %add3A_276 : i32
      %run_scoped3A_278 = arith.constant 0 : i32
      "tpu.region"() ({
        %run_scoped3A_319 = tpu.sem_alloc : memref<!tpu.dma_semaphore, #tpu.memory_space<semaphore_mem>>
        %dma_start3A_320 = arith.constant 0 : i32
        %dma_start3A_321 = tpu.memref_slice %arg6[%add3A_277, %run_scoped3A_278, %dma_start3A_320] : memref<32x2x80xi32, #tpu.memory_space<vmem>> -> memref<1x1x80xi32, #tpu.memory_space<vmem>>
        %dma_start3A_322 = tpu.memref_squeeze %dma_start3A_321 : memref<1x1x80xi32, #tpu.memory_space<vmem>> -> memref<80xi32, #tpu.memory_space<vmem>>
        %dma_start3A_323 = arith.constant 0 : i32
        %dma_start3A_324 = arith.constant 0 : i32
        %dma_start3A_325 = tpu.memref_slice %arg11[%dma_start3A_323, %dma_start3A_324] : memref<10112x128xf32, #tpu.memory_space<vmem_shared>> -> memref<10112x128xf32, #tpu.memory_space<vmem_shared>>
        tpu.enqueue_indirect_dma source(%arg8 : memref<80x128xf32, #tpu.memory_space<vmem>>) target(%dma_start3A_325 : memref<10112x128xf32, #tpu.memory_space<vmem_shared>>) offsets(%dma_start3A_322 : memref<80xi32, #tpu.memory_space<vmem>>) semaphore(%run_scoped3A_319 : memref<!tpu.dma_semaphore, #tpu.memory_space<semaphore_mem>>) {add = true}
        %dma_wait3A_326 = arith.constant 0 : i32
        %dma_wait3A_327 = tpu.memref_slice %arg6[%add3A_277, %run_scoped3A_278, %dma_wait3A_326] : memref<32x2x80xi32, #tpu.memory_space<vmem>> -> memref<1x1x80xi32, #tpu.memory_space<vmem>>
        %dma_wait3A_328 = tpu.memref_squeeze %dma_wait3A_327 : memref<1x1x80xi32, #tpu.memory_space<vmem>> -> memref<80xi32, #tpu.memory_space<vmem>>
        %dma_wait3A_329 = arith.constant 0 : i32
        %dma_wait3A_330 = arith.constant 0 : i32
        %dma_wait3A_331 = tpu.memref_slice %arg11[%dma_wait3A_329, %dma_wait3A_330] : memref<10112x128xf32, #tpu.memory_space<vmem_shared>> -> memref<10112x128xf32, #tpu.memory_space<vmem_shared>>
        tpu.wait_indirect_dma semaphore(%run_scoped3A_319 : memref<!tpu.dma_semaphore, #tpu.memory_space<semaphore_mem>>) src(%arg8 : memref<80x128xf32, #tpu.memory_space<vmem>>) dst(%dma_wait3A_331 : memref<10112x128xf32, #tpu.memory_space<vmem_shared>>)
        tpu.yield
      }) : () -> ()
      %dma_wait3A_279 = arith.constant 0 : i32
      %dma_wait3A_280 = arith.constant 0 : i32
      %dma_wait3A_281 = tpu.memref_slice %arg2[%dma_wait3A_279, %dma_wait3A_280] : memref<10000x128xf32, #tpu.memory_space<hbm>> -> memref<80x128xf32, #tpu.memory_space<hbm>>
      %dma_wait3A_282 = arith.constant 0 : i32
      %dma_wait3A_283 = arith.constant 0 : i32
      %dma_wait3A_284 = tpu.memref_slice %arg2[%dma_wait3A_282, %dma_wait3A_283] : memref<10000x128xf32, #tpu.memory_space<hbm>> -> memref<80x128xf32, #tpu.memory_space<hbm>>
      tpu.wait_dma2 semaphore(%arg14 : memref<!tpu.dma_semaphore, #tpu.memory_space<semaphore_mem>>) src(%dma_wait3A_284 : memref<80x128xf32, #tpu.memory_space<hbm>>) dst(%arg9 : memref<80x128xf32, #tpu.memory_space<vmem>>)
      %add3A_285 = arith.constant 2 : i32
      %add3A_286 = arith.addi %mul3A_238, %add3A_285 : i32
      %add3A_287 = arith.constant 3 : i32
      %add3A_288 = arith.addi %add3A_286, %add3A_287 : i32
      %dma_start3A_289 = arith.constant 1 : i32
      %dma_start3A_290 = arith.constant 0 : i32
      %dma_start3A_291 = tpu.memref_slice %arg6[%add3A_288, %dma_start3A_289, %dma_start3A_290] : memref<32x2x80xi32, #tpu.memory_space<vmem>> -> memref<1x1x80xi32, #tpu.memory_space<vmem>>
      %dma_start3A_292 = tpu.memref_squeeze %dma_start3A_291 : memref<1x1x80xi32, #tpu.memory_space<vmem>> -> memref<80xi32, #tpu.memory_space<vmem>>
      %dma_start3A_293 = arith.constant 0 : i32
      %dma_start3A_294 = arith.constant 0 : i32
      %dma_start3A_295 = tpu.memref_slice %arg2[%dma_start3A_293, %dma_start3A_294] : memref<10000x128xf32, #tpu.memory_space<hbm>> -> memref<10000x128xf32, #tpu.memory_space<hbm>>
      tpu.enqueue_indirect_dma source(%dma_start3A_295 : memref<10000x128xf32, #tpu.memory_space<hbm>>) target(%arg8 : memref<80x128xf32, #tpu.memory_space<vmem>>) offsets(%dma_start3A_292 : memref<80xi32, #tpu.memory_space<vmem>>) semaphore(%arg13 : memref<!tpu.dma_semaphore, #tpu.memory_space<semaphore_mem>>)
      %add3A_296 = arith.constant 2 : i32
      %add3A_297 = arith.addi %mul3A_238, %add3A_296 : i32
      %run_scoped3A_298 = arith.constant 0 : i32
      "tpu.region"() ({
        %run_scoped3A_319 = tpu.sem_alloc : memref<!tpu.dma_semaphore, #tpu.memory_space<semaphore_mem>>
        %dma_start3A_320 = arith.constant 0 : i32
        %dma_start3A_321 = tpu.memref_slice %arg6[%add3A_297, %run_scoped3A_298, %dma_start3A_320] : memref<32x2x80xi32, #tpu.memory_space<vmem>> -> memref<1x1x80xi32, #tpu.memory_space<vmem>>
        %dma_start3A_322 = tpu.memref_squeeze %dma_start3A_321 : memref<1x1x80xi32, #tpu.memory_space<vmem>> -> memref<80xi32, #tpu.memory_space<vmem>>
        %dma_start3A_323 = arith.constant 0 : i32
        %dma_start3A_324 = arith.constant 0 : i32
        %dma_start3A_325 = tpu.memref_slice %arg11[%dma_start3A_323, %dma_start3A_324] : memref<10112x128xf32, #tpu.memory_space<vmem_shared>> -> memref<10112x128xf32, #tpu.memory_space<vmem_shared>>
        tpu.enqueue_indirect_dma source(%arg9 : memref<80x128xf32, #tpu.memory_space<vmem>>) target(%dma_start3A_325 : memref<10112x128xf32, #tpu.memory_space<vmem_shared>>) offsets(%dma_start3A_322 : memref<80xi32, #tpu.memory_space<vmem>>) semaphore(%run_scoped3A_319 : memref<!tpu.dma_semaphore, #tpu.memory_space<semaphore_mem>>) {add = true}
        %dma_wait3A_326 = arith.constant 0 : i32
        %dma_wait3A_327 = tpu.memref_slice %arg6[%add3A_297, %run_scoped3A_298, %dma_wait3A_326] : memref<32x2x80xi32, #tpu.memory_space<vmem>> -> memref<1x1x80xi32, #tpu.memory_space<vmem>>
        %dma_wait3A_328 = tpu.memref_squeeze %dma_wait3A_327 : memref<1x1x80xi32, #tpu.memory_space<vmem>> -> memref<80xi32, #tpu.memory_space<vmem>>
        %dma_wait3A_329 = arith.constant 0 : i32
        %dma_wait3A_330 = arith.constant 0 : i32
        %dma_wait3A_331 = tpu.memref_slice %arg11[%dma_wait3A_329, %dma_wait3A_330] : memref<10112x128xf32, #tpu.memory_space<vmem_shared>> -> memref<10112x128xf32, #tpu.memory_space<vmem_shared>>
        tpu.wait_indirect_dma semaphore(%run_scoped3A_319 : memref<!tpu.dma_semaphore, #tpu.memory_space<semaphore_mem>>) src(%arg9 : memref<80x128xf32, #tpu.memory_space<vmem>>) dst(%dma_wait3A_331 : memref<10112x128xf32, #tpu.memory_space<vmem_shared>>)
        tpu.yield
      }) : () -> ()
      %dma_wait3A_299 = arith.constant 0 : i32
      %dma_wait3A_300 = arith.constant 0 : i32
      %dma_wait3A_301 = tpu.memref_slice %arg2[%dma_wait3A_299, %dma_wait3A_300] : memref<10000x128xf32, #tpu.memory_space<hbm>> -> memref<80x128xf32, #tpu.memory_space<hbm>>
      %dma_wait3A_302 = arith.constant 0 : i32
      %dma_wait3A_303 = arith.constant 0 : i32
      %dma_wait3A_304 = tpu.memref_slice %arg2[%dma_wait3A_302, %dma_wait3A_303] : memref<10000x128xf32, #tpu.memory_space<hbm>> -> memref<80x128xf32, #tpu.memory_space<hbm>>
      tpu.wait_dma2 semaphore(%arg15 : memref<!tpu.dma_semaphore, #tpu.memory_space<semaphore_mem>>) src(%dma_wait3A_304 : memref<80x128xf32, #tpu.memory_space<hbm>>) dst(%arg10 : memref<80x128xf32, #tpu.memory_space<vmem>>)
      %add3A_305 = arith.constant 3 : i32
      %add3A_306 = arith.addi %mul3A_238, %add3A_305 : i32
      %add3A_307 = arith.constant 3 : i32
      %add3A_308 = arith.addi %add3A_306, %add3A_307 : i32
      %dma_start3A_309 = arith.constant 1 : i32
      %dma_start3A_310 = arith.constant 0 : i32
      %dma_start3A_311 = tpu.memref_slice %arg6[%add3A_308, %dma_start3A_309, %dma_start3A_310] : memref<32x2x80xi32, #tpu.memory_space<vmem>> -> memref<1x1x80xi32, #tpu.memory_space<vmem>>
      %dma_start3A_312 = tpu.memref_squeeze %dma_start3A_311 : memref<1x1x80xi32, #tpu.memory_space<vmem>> -> memref<80xi32, #tpu.memory_space<vmem>>
      %dma_start3A_313 = arith.constant 0 : i32
      %dma_start3A_314 = arith.constant 0 : i32
      %dma_start3A_315 = tpu.memref_slice %arg2[%dma_start3A_313, %dma_start3A_314] : memref<10000x128xf32, #tpu.memory_space<hbm>> -> memref<10000x128xf32, #tpu.memory_space<hbm>>
      tpu.enqueue_indirect_dma source(%dma_start3A_315 : memref<10000x128xf32, #tpu.memory_space<hbm>>) target(%arg9 : memref<80x128xf32, #tpu.memory_space<vmem>>) offsets(%dma_start3A_312 : memref<80xi32, #tpu.memory_space<vmem>>) semaphore(%arg14 : memref<!tpu.dma_semaphore, #tpu.memory_space<semaphore_mem>>)
      %add3A_316 = arith.constant 3 : i32
      %add3A_317 = arith.addi %mul3A_238, %add3A_316 : i32
      %run_scoped3A_318 = arith.constant 0 : i32
      "tpu.region"() ({
        %run_scoped3A_319 = tpu.sem_alloc : memref<!tpu.dma_semaphore, #tpu.memory_space<semaphore_mem>>
        %dma_start3A_320 = arith.constant 0 : i32
        %dma_start3A_321 = tpu.memref_slice %arg6[%add3A_317, %run_scoped3A_318, %dma_start3A_320] : memref<32x2x80xi32, #tpu.memory_space<vmem>> -> memref<1x1x80xi32, #tpu.memory_space<vmem>>
        %dma_start3A_322 = tpu.memref_squeeze %dma_start3A_321 : memref<1x1x80xi32, #tpu.memory_space<vmem>> -> memref<80xi32, #tpu.memory_space<vmem>>
        %dma_start3A_323 = arith.constant 0 : i32
        %dma_start3A_324 = arith.constant 0 : i32
        %dma_start3A_325 = tpu.memref_slice %arg11[%dma_start3A_323, %dma_start3A_324] : memref<10112x128xf32, #tpu.memory_space<vmem_shared>> -> memref<10112x128xf32, #tpu.memory_space<vmem_shared>>
        tpu.enqueue_indirect_dma source(%arg10 : memref<80x128xf32, #tpu.memory_space<vmem>>) target(%dma_start3A_325 : memref<10112x128xf32, #tpu.memory_space<vmem_shared>>) offsets(%dma_start3A_322 : memref<80xi32, #tpu.memory_space<vmem>>) semaphore(%run_scoped3A_319 : memref<!tpu.dma_semaphore, #tpu.memory_space<semaphore_mem>>) {add = true}
        %dma_wait3A_326 = arith.constant 0 : i32
        %dma_wait3A_327 = tpu.memref_slice %arg6[%add3A_317, %run_scoped3A_318, %dma_wait3A_326] : memref<32x2x80xi32, #tpu.memory_space<vmem>> -> memref<1x1x80xi32, #tpu.memory_space<vmem>>
        %dma_wait3A_328 = tpu.memref_squeeze %dma_wait3A_327 : memref<1x1x80xi32, #tpu.memory_space<vmem>> -> memref<80xi32, #tpu.memory_space<vmem>>
        %dma_wait3A_329 = arith.constant 0 : i32
        %dma_wait3A_330 = arith.constant 0 : i32
        %dma_wait3A_331 = tpu.memref_slice %arg11[%dma_wait3A_329, %dma_wait3A_330] : memref<10112x128xf32, #tpu.memory_space<vmem_shared>> -> memref<10112x128xf32, #tpu.memory_space<vmem_shared>>
        tpu.wait_indirect_dma semaphore(%run_scoped3A_319 : memref<!tpu.dma_semaphore, #tpu.memory_space<semaphore_mem>>) src(%arg10 : memref<80x128xf32, #tpu.memory_space<vmem>>) dst(%dma_wait3A_331 : memref<10112x128xf32, #tpu.memory_space<vmem_shared>>)
        tpu.yield
      }) : () -> ()
    }
    %scan3A_82 = arith.constant 7 : i32
    %dma_wait3A_83 = arith.constant 0 : i32
    %dma_wait3A_84 = arith.constant 0 : i32
    %dma_wait3A_85 = tpu.memref_slice %arg2[%dma_wait3A_83, %dma_wait3A_84] : memref<10000x128xf32, #tpu.memory_space<hbm>> -> memref<80x128xf32, #tpu.memory_space<hbm>>
    %dma_wait3A_86 = arith.constant 0 : i32
    %dma_wait3A_87 = arith.constant 0 : i32
    %dma_wait3A_88 = tpu.memref_slice %arg2[%dma_wait3A_86, %dma_wait3A_87] : memref<10000x128xf32, #tpu.memory_space<hbm>> -> memref<80x128xf32, #tpu.memory_space<hbm>>
    tpu.wait_dma2 semaphore(%arg12 : memref<!tpu.dma_semaphore, #tpu.memory_space<semaphore_mem>>) src(%dma_wait3A_88 : memref<80x128xf32, #tpu.memory_space<hbm>>) dst(%arg7 : memref<80x128xf32, #tpu.memory_space<vmem>>)
    %run_scoped3A_89 = arith.constant 28 : i32
    %run_scoped3A_90 = arith.constant 0 : i32
    "tpu.region"() ({
      %run_scoped3A_236 = tpu.sem_alloc : memref<!tpu.dma_semaphore, #tpu.memory_space<semaphore_mem>>
      %dma_start3A_237 = arith.constant 0 : i32
      %dma_start3A_238 = tpu.memref_slice %arg6[%run_scoped3A_89, %run_scoped3A_90, %dma_start3A_237] : memref<32x2x80xi32, #tpu.memory_space<vmem>> -> memref<1x1x80xi32, #tpu.memory_space<vmem>>
      %dma_start3A_239 = tpu.memref_squeeze %dma_start3A_238 : memref<1x1x80xi32, #tpu.memory_space<vmem>> -> memref<80xi32, #tpu.memory_space<vmem>>
      %dma_start3A_240 = arith.constant 0 : i32
      %dma_start3A_241 = arith.constant 0 : i32
      %dma_start3A_242 = tpu.memref_slice %arg11[%dma_start3A_240, %dma_start3A_241] : memref<10112x128xf32, #tpu.memory_space<vmem_shared>> -> memref<10112x128xf32, #tpu.memory_space<vmem_shared>>
      tpu.enqueue_indirect_dma source(%arg7 : memref<80x128xf32, #tpu.memory_space<vmem>>) target(%dma_start3A_242 : memref<10112x128xf32, #tpu.memory_space<vmem_shared>>) offsets(%dma_start3A_239 : memref<80xi32, #tpu.memory_space<vmem>>) semaphore(%run_scoped3A_236 : memref<!tpu.dma_semaphore, #tpu.memory_space<semaphore_mem>>) {add = true}
      %dma_wait3A_243 = arith.constant 0 : i32
      %dma_wait3A_244 = tpu.memref_slice %arg6[%run_scoped3A_89, %run_scoped3A_90, %dma_wait3A_243] : memref<32x2x80xi32, #tpu.memory_space<vmem>> -> memref<1x1x80xi32, #tpu.memory_space<vmem>>
      %dma_wait3A_245 = tpu.memref_squeeze %dma_wait3A_244 : memref<1x1x80xi32, #tpu.memory_space<vmem>> -> memref<80xi32, #tpu.memory_space<vmem>>
      %dma_wait3A_246 = arith.constant 0 : i32
      %dma_wait3A_247 = arith.constant 0 : i32
      %dma_wait3A_248 = tpu.memref_slice %arg11[%dma_wait3A_246, %dma_wait3A_247] : memref<10112x128xf32, #tpu.memory_space<vmem_shared>> -> memref<10112x128xf32, #tpu.memory_space<vmem_shared>>
      tpu.wait_indirect_dma semaphore(%run_scoped3A_236 : memref<!tpu.dma_semaphore, #tpu.memory_space<semaphore_mem>>) src(%arg7 : memref<80x128xf32, #tpu.memory_space<vmem>>) dst(%dma_wait3A_248 : memref<10112x128xf32, #tpu.memory_space<vmem_shared>>)
      tpu.yield
    }) : () -> ()
    %dma_wait3A_91 = arith.constant 0 : i32
    %dma_wait3A_92 = arith.constant 0 : i32
    %dma_wait3A_93 = tpu.memref_slice %arg2[%dma_wait3A_91, %dma_wait3A_92] : memref<10000x128xf32, #tpu.memory_space<hbm>> -> memref<80x128xf32, #tpu.memory_space<hbm>>
    %dma_wait3A_94 = arith.constant 0 : i32
    %dma_wait3A_95 = arith.constant 0 : i32
    %dma_wait3A_96 = tpu.memref_slice %arg2[%dma_wait3A_94, %dma_wait3A_95] : memref<10000x128xf32, #tpu.memory_space<hbm>> -> memref<80x128xf32, #tpu.memory_space<hbm>>
    tpu.wait_dma2 semaphore(%arg13 : memref<!tpu.dma_semaphore, #tpu.memory_space<semaphore_mem>>) src(%dma_wait3A_96 : memref<80x128xf32, #tpu.memory_space<hbm>>) dst(%arg8 : memref<80x128xf32, #tpu.memory_space<vmem>>)
    %run_scoped3A_97 = arith.constant 29 : i32
    %run_scoped3A_98 = arith.constant 0 : i32
    "tpu.region"() ({
      %run_scoped3A_236 = tpu.sem_alloc : memref<!tpu.dma_semaphore, #tpu.memory_space<semaphore_mem>>
      %dma_start3A_237 = arith.constant 0 : i32
      %dma_start3A_238 = tpu.memref_slice %arg6[%run_scoped3A_97, %run_scoped3A_98, %dma_start3A_237] : memref<32x2x80xi32, #tpu.memory_space<vmem>> -> memref<1x1x80xi32, #tpu.memory_space<vmem>>
      %dma_start3A_239 = tpu.memref_squeeze %dma_start3A_238 : memref<1x1x80xi32, #tpu.memory_space<vmem>> -> memref<80xi32, #tpu.memory_space<vmem>>
      %dma_start3A_240 = arith.constant 0 : i32
      %dma_start3A_241 = arith.constant 0 : i32
      %dma_start3A_242 = tpu.memref_slice %arg11[%dma_start3A_240, %dma_start3A_241] : memref<10112x128xf32, #tpu.memory_space<vmem_shared>> -> memref<10112x128xf32, #tpu.memory_space<vmem_shared>>
      tpu.enqueue_indirect_dma source(%arg8 : memref<80x128xf32, #tpu.memory_space<vmem>>) target(%dma_start3A_242 : memref<10112x128xf32, #tpu.memory_space<vmem_shared>>) offsets(%dma_start3A_239 : memref<80xi32, #tpu.memory_space<vmem>>) semaphore(%run_scoped3A_236 : memref<!tpu.dma_semaphore, #tpu.memory_space<semaphore_mem>>) {add = true}
      %dma_wait3A_243 = arith.constant 0 : i32
      %dma_wait3A_244 = tpu.memref_slice %arg6[%run_scoped3A_97, %run_scoped3A_98, %dma_wait3A_243] : memref<32x2x80xi32, #tpu.memory_space<vmem>> -> memref<1x1x80xi32, #tpu.memory_space<vmem>>
      %dma_wait3A_245 = tpu.memref_squeeze %dma_wait3A_244 : memref<1x1x80xi32, #tpu.memory_space<vmem>> -> memref<80xi32, #tpu.memory_space<vmem>>
      %dma_wait3A_246 = arith.constant 0 : i32
      %dma_wait3A_247 = arith.constant 0 : i32
      %dma_wait3A_248 = tpu.memref_slice %arg11[%dma_wait3A_246, %dma_wait3A_247] : memref<10112x128xf32, #tpu.memory_space<vmem_shared>> -> memref<10112x128xf32, #tpu.memory_space<vmem_shared>>
      tpu.wait_indirect_dma semaphore(%run_scoped3A_236 : memref<!tpu.dma_semaphore, #tpu.memory_space<semaphore_mem>>) src(%arg8 : memref<80x128xf32, #tpu.memory_space<vmem>>) dst(%dma_wait3A_248 : memref<10112x128xf32, #tpu.memory_space<vmem_shared>>)
      tpu.yield
    }) : () -> ()
    %dma_wait3A_99 = arith.constant 0 : i32
    %dma_wait3A_100 = arith.constant 0 : i32
    %dma_wait3A_101 = tpu.memref_slice %arg2[%dma_wait3A_99, %dma_wait3A_100] : memref<10000x128xf32, #tpu.memory_space<hbm>> -> memref<80x128xf32, #tpu.memory_space<hbm>>
    %dma_wait3A_102 = arith.constant 0 : i32
    %dma_wait3A_103 = arith.constant 0 : i32
    %dma_wait3A_104 = tpu.memref_slice %arg2[%dma_wait3A_102, %dma_wait3A_103] : memref<10000x128xf32, #tpu.memory_space<hbm>> -> memref<80x128xf32, #tpu.memory_space<hbm>>
    tpu.wait_dma2 semaphore(%arg14 : memref<!tpu.dma_semaphore, #tpu.memory_space<semaphore_mem>>) src(%dma_wait3A_104 : memref<80x128xf32, #tpu.memory_space<hbm>>) dst(%arg9 : memref<80x128xf32, #tpu.memory_space<vmem>>)
    %run_scoped3A_105 = arith.constant 30 : i32
    %run_scoped3A_106 = arith.constant 0 : i32
    "tpu.region"() ({
      %run_scoped3A_236 = tpu.sem_alloc : memref<!tpu.dma_semaphore, #tpu.memory_space<semaphore_mem>>
      %dma_start3A_237 = arith.constant 0 : i32
      %dma_start3A_238 = tpu.memref_slice %arg6[%run_scoped3A_105, %run_scoped3A_106, %dma_start3A_237] : memref<32x2x80xi32, #tpu.memory_space<vmem>> -> memref<1x1x80xi32, #tpu.memory_space<vmem>>
      %dma_start3A_239 = tpu.memref_squeeze %dma_start3A_238 : memref<1x1x80xi32, #tpu.memory_space<vmem>> -> memref<80xi32, #tpu.memory_space<vmem>>
      %dma_start3A_240 = arith.constant 0 : i32
      %dma_start3A_241 = arith.constant 0 : i32
      %dma_start3A_242 = tpu.memref_slice %arg11[%dma_start3A_240, %dma_start3A_241] : memref<10112x128xf32, #tpu.memory_space<vmem_shared>> -> memref<10112x128xf32, #tpu.memory_space<vmem_shared>>
      tpu.enqueue_indirect_dma source(%arg9 : memref<80x128xf32, #tpu.memory_space<vmem>>) target(%dma_start3A_242 : memref<10112x128xf32, #tpu.memory_space<vmem_shared>>) offsets(%dma_start3A_239 : memref<80xi32, #tpu.memory_space<vmem>>) semaphore(%run_scoped3A_236 : memref<!tpu.dma_semaphore, #tpu.memory_space<semaphore_mem>>) {add = true}
      %dma_wait3A_243 = arith.constant 0 : i32
      %dma_wait3A_244 = tpu.memref_slice %arg6[%run_scoped3A_105, %run_scoped3A_106, %dma_wait3A_243] : memref<32x2x80xi32, #tpu.memory_space<vmem>> -> memref<1x1x80xi32, #tpu.memory_space<vmem>>
      %dma_wait3A_245 = tpu.memref_squeeze %dma_wait3A_244 : memref<1x1x80xi32, #tpu.memory_space<vmem>> -> memref<80xi32, #tpu.memory_space<vmem>>
      %dma_wait3A_246 = arith.constant 0 : i32
      %dma_wait3A_247 = arith.constant 0 : i32
      %dma_wait3A_248 = tpu.memref_slice %arg11[%dma_wait3A_246, %dma_wait3A_247] : memref<10112x128xf32, #tpu.memory_space<vmem_shared>> -> memref<10112x128xf32, #tpu.memory_space<vmem_shared>>
      tpu.wait_indirect_dma semaphore(%run_scoped3A_236 : memref<!tpu.dma_semaphore, #tpu.memory_space<semaphore_mem>>) src(%arg9 : memref<80x128xf32, #tpu.memory_space<vmem>>) dst(%dma_wait3A_248 : memref<10112x128xf32, #tpu.memory_space<vmem_shared>>)
      tpu.yield
    }) : () -> ()
    "tpu.region"() ({
      %run_scoped3A_236 = tpu.sem_alloc : memref<!tpu.dma_semaphore, #tpu.memory_space<semaphore_mem>>
      %dma_start3A_237 = arith.constant 62 : i32
      %dma_start3A_238 = arith.constant 0 : i32
      %dma_start3A_239 = arith.constant 0 : i32
      %dma_start3A_240 = tpu.memref_slice %arg3[%add3A, %dma_start3A_237, %dma_start3A_238, %dma_start3A_239] : memref<32x125x2x80xi32, #tpu.memory_space<hbm>> -> memref<1x32x2x80xi32, #tpu.memory_space<hbm>>
      %dma_start3A_241 = tpu.memref_squeeze %dma_start3A_240 : memref<1x32x2x80xi32, #tpu.memory_space<hbm>> -> memref<32x2x80xi32, #tpu.memory_space<hbm>>
      %dma_start3A_242 = arith.constant 62 : i32
      %dma_start3A_243 = arith.constant 0 : i32
      %dma_start3A_244 = arith.constant 0 : i32
      %dma_start3A_245 = tpu.memref_slice %arg3[%add3A, %dma_start3A_242, %dma_start3A_243, %dma_start3A_244] : memref<32x125x2x80xi32, #tpu.memory_space<hbm>> -> memref<1x32x2x80xi32, #tpu.memory_space<hbm>>
      %dma_start3A_246 = tpu.memref_squeeze %dma_start3A_245 : memref<1x32x2x80xi32, #tpu.memory_space<hbm>> -> memref<32x2x80xi32, #tpu.memory_space<hbm>>
      tpu.enqueue_dma source(%dma_start3A_246 : memref<32x2x80xi32, #tpu.memory_space<hbm>>) target(%arg6 : memref<32x2x80xi32, #tpu.memory_space<vmem>>) target_semaphore(%run_scoped3A_236 : memref<!tpu.dma_semaphore, #tpu.memory_space<semaphore_mem>>)
      %dma_wait3A_247 = arith.constant 62 : i32
      %dma_wait3A_248 = arith.constant 0 : i32
      %dma_wait3A_249 = arith.constant 0 : i32
      %dma_wait3A_250 = tpu.memref_slice %arg3[%add3A, %dma_wait3A_247, %dma_wait3A_248, %dma_wait3A_249] : memref<32x125x2x80xi32, #tpu.memory_space<hbm>> -> memref<1x32x2x80xi32, #tpu.memory_space<hbm>>
      %dma_wait3A_251 = tpu.memref_squeeze %dma_wait3A_250 : memref<1x32x2x80xi32, #tpu.memory_space<hbm>> -> memref<32x2x80xi32, #tpu.memory_space<hbm>>
      %dma_wait3A_252 = arith.constant 62 : i32
      %dma_wait3A_253 = arith.constant 0 : i32
      %dma_wait3A_254 = arith.constant 0 : i32
      %dma_wait3A_255 = tpu.memref_slice %arg3[%add3A, %dma_wait3A_252, %dma_wait3A_253, %dma_wait3A_254] : memref<32x125x2x80xi32, #tpu.memory_space<hbm>> -> memref<1x32x2x80xi32, #tpu.memory_space<hbm>>
      %dma_wait3A_256 = tpu.memref_squeeze %dma_wait3A_255 : memref<1x32x2x80xi32, #tpu.memory_space<hbm>> -> memref<32x2x80xi32, #tpu.memory_space<hbm>>
      tpu.wait_dma2 semaphore(%run_scoped3A_236 : memref<!tpu.dma_semaphore, #tpu.memory_space<semaphore_mem>>) src(%dma_wait3A_256 : memref<32x2x80xi32, #tpu.memory_space<hbm>>) dst(%arg6 : memref<32x2x80xi32, #tpu.memory_space<vmem>>)
      tpu.yield
    }) : () -> ()
    %dma_start3A_107 = arith.constant 0 : i32
    %dma_start3A_108 = arith.constant 1 : i32
    %dma_start3A_109 = arith.constant 0 : i32
    %dma_start3A_110 = tpu.memref_slice %arg6[%dma_start3A_107, %dma_start3A_108, %dma_start3A_109] : memref<32x2x80xi32, #tpu.memory_space<vmem>> -> memref<1x1x80xi32, #tpu.memory_space<vmem>>
    %dma_start3A_111 = tpu.memref_squeeze %dma_start3A_110 : memref<1x1x80xi32, #tpu.memory_space<vmem>> -> memref<80xi32, #tpu.memory_space<vmem>>
    %dma_start3A_112 = arith.constant 0 : i32
    %dma_start3A_113 = arith.constant 0 : i32
    %dma_start3A_114 = tpu.memref_slice %arg2[%dma_start3A_112, %dma_start3A_113] : memref<10000x128xf32, #tpu.memory_space<hbm>> -> memref<10000x128xf32, #tpu.memory_space<hbm>>
    tpu.enqueue_indirect_dma source(%dma_start3A_114 : memref<10000x128xf32, #tpu.memory_space<hbm>>) target(%arg7 : memref<80x128xf32, #tpu.memory_space<vmem>>) offsets(%dma_start3A_111 : memref<80xi32, #tpu.memory_space<vmem>>) semaphore(%arg12 : memref<!tpu.dma_semaphore, #tpu.memory_space<semaphore_mem>>)
    %dma_start3A_115 = arith.constant 1 : i32
    %dma_start3A_116 = arith.constant 1 : i32
    %dma_start3A_117 = arith.constant 0 : i32
    %dma_start3A_118 = tpu.memref_slice %arg6[%dma_start3A_115, %dma_start3A_116, %dma_start3A_117] : memref<32x2x80xi32, #tpu.memory_space<vmem>> -> memref<1x1x80xi32, #tpu.memory_space<vmem>>
    %dma_start3A_119 = tpu.memref_squeeze %dma_start3A_118 : memref<1x1x80xi32, #tpu.memory_space<vmem>> -> memref<80xi32, #tpu.memory_space<vmem>>
    %dma_start3A_120 = arith.constant 0 : i32
    %dma_start3A_121 = arith.constant 0 : i32
    %dma_start3A_122 = tpu.memref_slice %arg2[%dma_start3A_120, %dma_start3A_121] : memref<10000x128xf32, #tpu.memory_space<hbm>> -> memref<10000x128xf32, #tpu.memory_space<hbm>>
    tpu.enqueue_indirect_dma source(%dma_start3A_122 : memref<10000x128xf32, #tpu.memory_space<hbm>>) target(%arg8 : memref<80x128xf32, #tpu.memory_space<vmem>>) offsets(%dma_start3A_119 : memref<80xi32, #tpu.memory_space<vmem>>) semaphore(%arg13 : memref<!tpu.dma_semaphore, #tpu.memory_space<semaphore_mem>>)
    %dma_start3A_123 = arith.constant 2 : i32
    %dma_start3A_124 = arith.constant 1 : i32
    %dma_start3A_125 = arith.constant 0 : i32
    %dma_start3A_126 = tpu.memref_slice %arg6[%dma_start3A_123, %dma_start3A_124, %dma_start3A_125] : memref<32x2x80xi32, #tpu.memory_space<vmem>> -> memref<1x1x80xi32, #tpu.memory_space<vmem>>
    %dma_start3A_127 = tpu.memref_squeeze %dma_start3A_126 : memref<1x1x80xi32, #tpu.memory_space<vmem>> -> memref<80xi32, #tpu.memory_space<vmem>>
    %dma_start3A_128 = arith.constant 0 : i32
    %dma_start3A_129 = arith.constant 0 : i32
    %dma_start3A_130 = tpu.memref_slice %arg2[%dma_start3A_128, %dma_start3A_129] : memref<10000x128xf32, #tpu.memory_space<hbm>> -> memref<10000x128xf32, #tpu.memory_space<hbm>>
    tpu.enqueue_indirect_dma source(%dma_start3A_130 : memref<10000x128xf32, #tpu.memory_space<hbm>>) target(%arg9 : memref<80x128xf32, #tpu.memory_space<vmem>>) offsets(%dma_start3A_127 : memref<80xi32, #tpu.memory_space<vmem>>) semaphore(%arg14 : memref<!tpu.dma_semaphore, #tpu.memory_space<semaphore_mem>>)
    %scan3A_131 = arith.constant 0 : i32
    %scan3A_132 = arith.constant 0 : i32
    %scan3A_133 = arith.constant 7 : i32
    %scan3A_134 = arith.addi %scan3A_132, %scan3A_133 : i32
    %scan3A_135 = arith.constant 1 : i32
    scf.for %scan3A_236 = %scan3A_132 to %scan3A_134 step %scan3A_135  : i32 {
      %mul3A_237 = arith.constant 4 : i32
      %mul3A_238 = arith.muli %mul3A_237, %scan3A_236 : i32
      %dma_wait3A_239 = arith.constant 0 : i32
      %dma_wait3A_240 = arith.constant 0 : i32
      %dma_wait3A_241 = tpu.memref_slice %arg2[%dma_wait3A_239, %dma_wait3A_240] : memref<10000x128xf32, #tpu.memory_space<hbm>> -> memref<80x128xf32, #tpu.memory_space<hbm>>
      %dma_wait3A_242 = arith.constant 0 : i32
      %dma_wait3A_243 = arith.constant 0 : i32
      %dma_wait3A_244 = tpu.memref_slice %arg2[%dma_wait3A_242, %dma_wait3A_243] : memref<10000x128xf32, #tpu.memory_space<hbm>> -> memref<80x128xf32, #tpu.memory_space<hbm>>
      tpu.wait_dma2 semaphore(%arg12 : memref<!tpu.dma_semaphore, #tpu.memory_space<semaphore_mem>>) src(%dma_wait3A_244 : memref<80x128xf32, #tpu.memory_space<hbm>>) dst(%arg7 : memref<80x128xf32, #tpu.memory_space<vmem>>)
      %add3A_245 = arith.constant 0 : i32
      %add3A_246 = arith.addi %mul3A_238, %add3A_245 : i32
      %add3A_247 = arith.constant 3 : i32
      %add3A_248 = arith.addi %add3A_246, %add3A_247 : i32
      %dma_start3A_249 = arith.constant 1 : i32
      %dma_start3A_250 = arith.constant 0 : i32
      %dma_start3A_251 = tpu.memref_slice %arg6[%add3A_248, %dma_start3A_249, %dma_start3A_250] : memref<32x2x80xi32, #tpu.memory_space<vmem>> -> memref<1x1x80xi32, #tpu.memory_space<vmem>>
      %dma_start3A_252 = tpu.memref_squeeze %dma_start3A_251 : memref<1x1x80xi32, #tpu.memory_space<vmem>> -> memref<80xi32, #tpu.memory_space<vmem>>
      %dma_start3A_253 = arith.constant 0 : i32
      %dma_start3A_254 = arith.constant 0 : i32
      %dma_start3A_255 = tpu.memref_slice %arg2[%dma_start3A_253, %dma_start3A_254] : memref<10000x128xf32, #tpu.memory_space<hbm>> -> memref<10000x128xf32, #tpu.memory_space<hbm>>
      tpu.enqueue_indirect_dma source(%dma_start3A_255 : memref<10000x128xf32, #tpu.memory_space<hbm>>) target(%arg10 : memref<80x128xf32, #tpu.memory_space<vmem>>) offsets(%dma_start3A_252 : memref<80xi32, #tpu.memory_space<vmem>>) semaphore(%arg15 : memref<!tpu.dma_semaphore, #tpu.memory_space<semaphore_mem>>)
      %add3A_256 = arith.constant 0 : i32
      %add3A_257 = arith.addi %mul3A_238, %add3A_256 : i32
      %run_scoped3A_258 = arith.constant 0 : i32
      "tpu.region"() ({
        %run_scoped3A_319 = tpu.sem_alloc : memref<!tpu.dma_semaphore, #tpu.memory_space<semaphore_mem>>
        %dma_start3A_320 = arith.constant 0 : i32
        %dma_start3A_321 = tpu.memref_slice %arg6[%add3A_257, %run_scoped3A_258, %dma_start3A_320] : memref<32x2x80xi32, #tpu.memory_space<vmem>> -> memref<1x1x80xi32, #tpu.memory_space<vmem>>
        %dma_start3A_322 = tpu.memref_squeeze %dma_start3A_321 : memref<1x1x80xi32, #tpu.memory_space<vmem>> -> memref<80xi32, #tpu.memory_space<vmem>>
        %dma_start3A_323 = arith.constant 0 : i32
        %dma_start3A_324 = arith.constant 0 : i32
        %dma_start3A_325 = tpu.memref_slice %arg11[%dma_start3A_323, %dma_start3A_324] : memref<10112x128xf32, #tpu.memory_space<vmem_shared>> -> memref<10112x128xf32, #tpu.memory_space<vmem_shared>>
        tpu.enqueue_indirect_dma source(%arg7 : memref<80x128xf32, #tpu.memory_space<vmem>>) target(%dma_start3A_325 : memref<10112x128xf32, #tpu.memory_space<vmem_shared>>) offsets(%dma_start3A_322 : memref<80xi32, #tpu.memory_space<vmem>>) semaphore(%run_scoped3A_319 : memref<!tpu.dma_semaphore, #tpu.memory_space<semaphore_mem>>) {add = true}
        %dma_wait3A_326 = arith.constant 0 : i32
        %dma_wait3A_327 = tpu.memref_slice %arg6[%add3A_257, %run_scoped3A_258, %dma_wait3A_326] : memref<32x2x80xi32, #tpu.memory_space<vmem>> -> memref<1x1x80xi32, #tpu.memory_space<vmem>>
        %dma_wait3A_328 = tpu.memref_squeeze %dma_wait3A_327 : memref<1x1x80xi32, #tpu.memory_space<vmem>> -> memref<80xi32, #tpu.memory_space<vmem>>
        %dma_wait3A_329 = arith.constant 0 : i32
        %dma_wait3A_330 = arith.constant 0 : i32
        %dma_wait3A_331 = tpu.memref_slice %arg11[%dma_wait3A_329, %dma_wait3A_330] : memref<10112x128xf32, #tpu.memory_space<vmem_shared>> -> memref<10112x128xf32, #tpu.memory_space<vmem_shared>>
        tpu.wait_indirect_dma semaphore(%run_scoped3A_319 : memref<!tpu.dma_semaphore, #tpu.memory_space<semaphore_mem>>) src(%arg7 : memref<80x128xf32, #tpu.memory_space<vmem>>) dst(%dma_wait3A_331 : memref<10112x128xf32, #tpu.memory_space<vmem_shared>>)
        tpu.yield
      }) : () -> ()
      %dma_wait3A_259 = arith.constant 0 : i32
      %dma_wait3A_260 = arith.constant 0 : i32
      %dma_wait3A_261 = tpu.memref_slice %arg2[%dma_wait3A_259, %dma_wait3A_260] : memref<10000x128xf32, #tpu.memory_space<hbm>> -> memref<80x128xf32, #tpu.memory_space<hbm>>
      %dma_wait3A_262 = arith.constant 0 : i32
      %dma_wait3A_263 = arith.constant 0 : i32
      %dma_wait3A_264 = tpu.memref_slice %arg2[%dma_wait3A_262, %dma_wait3A_263] : memref<10000x128xf32, #tpu.memory_space<hbm>> -> memref<80x128xf32, #tpu.memory_space<hbm>>
      tpu.wait_dma2 semaphore(%arg13 : memref<!tpu.dma_semaphore, #tpu.memory_space<semaphore_mem>>) src(%dma_wait3A_264 : memref<80x128xf32, #tpu.memory_space<hbm>>) dst(%arg8 : memref<80x128xf32, #tpu.memory_space<vmem>>)
      %add3A_265 = arith.constant 1 : i32
      %add3A_266 = arith.addi %mul3A_238, %add3A_265 : i32
      %add3A_267 = arith.constant 3 : i32
      %add3A_268 = arith.addi %add3A_266, %add3A_267 : i32
      %dma_start3A_269 = arith.constant 1 : i32
      %dma_start3A_270 = arith.constant 0 : i32
      %dma_start3A_271 = tpu.memref_slice %arg6[%add3A_268, %dma_start3A_269, %dma_start3A_270] : memref<32x2x80xi32, #tpu.memory_space<vmem>> -> memref<1x1x80xi32, #tpu.memory_space<vmem>>
      %dma_start3A_272 = tpu.memref_squeeze %dma_start3A_271 : memref<1x1x80xi32, #tpu.memory_space<vmem>> -> memref<80xi32, #tpu.memory_space<vmem>>
      %dma_start3A_273 = arith.constant 0 : i32
      %dma_start3A_274 = arith.constant 0 : i32
      %dma_start3A_275 = tpu.memref_slice %arg2[%dma_start3A_273, %dma_start3A_274] : memref<10000x128xf32, #tpu.memory_space<hbm>> -> memref<10000x128xf32, #tpu.memory_space<hbm>>
      tpu.enqueue_indirect_dma source(%dma_start3A_275 : memref<10000x128xf32, #tpu.memory_space<hbm>>) target(%arg7 : memref<80x128xf32, #tpu.memory_space<vmem>>) offsets(%dma_start3A_272 : memref<80xi32, #tpu.memory_space<vmem>>) semaphore(%arg12 : memref<!tpu.dma_semaphore, #tpu.memory_space<semaphore_mem>>)
      %add3A_276 = arith.constant 1 : i32
      %add3A_277 = arith.addi %mul3A_238, %add3A_276 : i32
      %run_scoped3A_278 = arith.constant 0 : i32
      "tpu.region"() ({
        %run_scoped3A_319 = tpu.sem_alloc : memref<!tpu.dma_semaphore, #tpu.memory_space<semaphore_mem>>
        %dma_start3A_320 = arith.constant 0 : i32
        %dma_start3A_321 = tpu.memref_slice %arg6[%add3A_277, %run_scoped3A_278, %dma_start3A_320] : memref<32x2x80xi32, #tpu.memory_space<vmem>> -> memref<1x1x80xi32, #tpu.memory_space<vmem>>
        %dma_start3A_322 = tpu.memref_squeeze %dma_start3A_321 : memref<1x1x80xi32, #tpu.memory_space<vmem>> -> memref<80xi32, #tpu.memory_space<vmem>>
        %dma_start3A_323 = arith.constant 0 : i32
        %dma_start3A_324 = arith.constant 0 : i32
        %dma_start3A_325 = tpu.memref_slice %arg11[%dma_start3A_323, %dma_start3A_324] : memref<10112x128xf32, #tpu.memory_space<vmem_shared>> -> memref<10112x128xf32, #tpu.memory_space<vmem_shared>>
        tpu.enqueue_indirect_dma source(%arg8 : memref<80x128xf32, #tpu.memory_space<vmem>>) target(%dma_start3A_325 : memref<10112x128xf32, #tpu.memory_space<vmem_shared>>) offsets(%dma_start3A_322 : memref<80xi32, #tpu.memory_space<vmem>>) semaphore(%run_scoped3A_319 : memref<!tpu.dma_semaphore, #tpu.memory_space<semaphore_mem>>) {add = true}
        %dma_wait3A_326 = arith.constant 0 : i32
        %dma_wait3A_327 = tpu.memref_slice %arg6[%add3A_277, %run_scoped3A_278, %dma_wait3A_326] : memref<32x2x80xi32, #tpu.memory_space<vmem>> -> memref<1x1x80xi32, #tpu.memory_space<vmem>>
        %dma_wait3A_328 = tpu.memref_squeeze %dma_wait3A_327 : memref<1x1x80xi32, #tpu.memory_space<vmem>> -> memref<80xi32, #tpu.memory_space<vmem>>
        %dma_wait3A_329 = arith.constant 0 : i32
        %dma_wait3A_330 = arith.constant 0 : i32
        %dma_wait3A_331 = tpu.memref_slice %arg11[%dma_wait3A_329, %dma_wait3A_330] : memref<10112x128xf32, #tpu.memory_space<vmem_shared>> -> memref<10112x128xf32, #tpu.memory_space<vmem_shared>>
        tpu.wait_indirect_dma semaphore(%run_scoped3A_319 : memref<!tpu.dma_semaphore, #tpu.memory_space<semaphore_mem>>) src(%arg8 : memref<80x128xf32, #tpu.memory_space<vmem>>) dst(%dma_wait3A_331 : memref<10112x128xf32, #tpu.memory_space<vmem_shared>>)
        tpu.yield
      }) : () -> ()
      %dma_wait3A_279 = arith.constant 0 : i32
      %dma_wait3A_280 = arith.constant 0 : i32
      %dma_wait3A_281 = tpu.memref_slice %arg2[%dma_wait3A_279, %dma_wait3A_280] : memref<10000x128xf32, #tpu.memory_space<hbm>> -> memref<80x128xf32, #tpu.memory_space<hbm>>
      %dma_wait3A_282 = arith.constant 0 : i32
      %dma_wait3A_283 = arith.constant 0 : i32
      %dma_wait3A_284 = tpu.memref_slice %arg2[%dma_wait3A_282, %dma_wait3A_283] : memref<10000x128xf32, #tpu.memory_space<hbm>> -> memref<80x128xf32, #tpu.memory_space<hbm>>
      tpu.wait_dma2 semaphore(%arg14 : memref<!tpu.dma_semaphore, #tpu.memory_space<semaphore_mem>>) src(%dma_wait3A_284 : memref<80x128xf32, #tpu.memory_space<hbm>>) dst(%arg9 : memref<80x128xf32, #tpu.memory_space<vmem>>)
      %add3A_285 = arith.constant 2 : i32
      %add3A_286 = arith.addi %mul3A_238, %add3A_285 : i32
      %add3A_287 = arith.constant 3 : i32
      %add3A_288 = arith.addi %add3A_286, %add3A_287 : i32
      %dma_start3A_289 = arith.constant 1 : i32
      %dma_start3A_290 = arith.constant 0 : i32
      %dma_start3A_291 = tpu.memref_slice %arg6[%add3A_288, %dma_start3A_289, %dma_start3A_290] : memref<32x2x80xi32, #tpu.memory_space<vmem>> -> memref<1x1x80xi32, #tpu.memory_space<vmem>>
      %dma_start3A_292 = tpu.memref_squeeze %dma_start3A_291 : memref<1x1x80xi32, #tpu.memory_space<vmem>> -> memref<80xi32, #tpu.memory_space<vmem>>
      %dma_start3A_293 = arith.constant 0 : i32
      %dma_start3A_294 = arith.constant 0 : i32
      %dma_start3A_295 = tpu.memref_slice %arg2[%dma_start3A_293, %dma_start3A_294] : memref<10000x128xf32, #tpu.memory_space<hbm>> -> memref<10000x128xf32, #tpu.memory_space<hbm>>
      tpu.enqueue_indirect_dma source(%dma_start3A_295 : memref<10000x128xf32, #tpu.memory_space<hbm>>) target(%arg8 : memref<80x128xf32, #tpu.memory_space<vmem>>) offsets(%dma_start3A_292 : memref<80xi32, #tpu.memory_space<vmem>>) semaphore(%arg13 : memref<!tpu.dma_semaphore, #tpu.memory_space<semaphore_mem>>)
      %add3A_296 = arith.constant 2 : i32
      %add3A_297 = arith.addi %mul3A_238, %add3A_296 : i32
      %run_scoped3A_298 = arith.constant 0 : i32
      "tpu.region"() ({
        %run_scoped3A_319 = tpu.sem_alloc : memref<!tpu.dma_semaphore, #tpu.memory_space<semaphore_mem>>
        %dma_start3A_320 = arith.constant 0 : i32
        %dma_start3A_321 = tpu.memref_slice %arg6[%add3A_297, %run_scoped3A_298, %dma_start3A_320] : memref<32x2x80xi32, #tpu.memory_space<vmem>> -> memref<1x1x80xi32, #tpu.memory_space<vmem>>
        %dma_start3A_322 = tpu.memref_squeeze %dma_start3A_321 : memref<1x1x80xi32, #tpu.memory_space<vmem>> -> memref<80xi32, #tpu.memory_space<vmem>>
        %dma_start3A_323 = arith.constant 0 : i32
        %dma_start3A_324 = arith.constant 0 : i32
        %dma_start3A_325 = tpu.memref_slice %arg11[%dma_start3A_323, %dma_start3A_324] : memref<10112x128xf32, #tpu.memory_space<vmem_shared>> -> memref<10112x128xf32, #tpu.memory_space<vmem_shared>>
        tpu.enqueue_indirect_dma source(%arg9 : memref<80x128xf32, #tpu.memory_space<vmem>>) target(%dma_start3A_325 : memref<10112x128xf32, #tpu.memory_space<vmem_shared>>) offsets(%dma_start3A_322 : memref<80xi32, #tpu.memory_space<vmem>>) semaphore(%run_scoped3A_319 : memref<!tpu.dma_semaphore, #tpu.memory_space<semaphore_mem>>) {add = true}
        %dma_wait3A_326 = arith.constant 0 : i32
        %dma_wait3A_327 = tpu.memref_slice %arg6[%add3A_297, %run_scoped3A_298, %dma_wait3A_326] : memref<32x2x80xi32, #tpu.memory_space<vmem>> -> memref<1x1x80xi32, #tpu.memory_space<vmem>>
        %dma_wait3A_328 = tpu.memref_squeeze %dma_wait3A_327 : memref<1x1x80xi32, #tpu.memory_space<vmem>> -> memref<80xi32, #tpu.memory_space<vmem>>
        %dma_wait3A_329 = arith.constant 0 : i32
        %dma_wait3A_330 = arith.constant 0 : i32
        %dma_wait3A_331 = tpu.memref_slice %arg11[%dma_wait3A_329, %dma_wait3A_330] : memref<10112x128xf32, #tpu.memory_space<vmem_shared>> -> memref<10112x128xf32, #tpu.memory_space<vmem_shared>>
        tpu.wait_indirect_dma semaphore(%run_scoped3A_319 : memref<!tpu.dma_semaphore, #tpu.memory_space<semaphore_mem>>) src(%arg9 : memref<80x128xf32, #tpu.memory_space<vmem>>) dst(%dma_wait3A_331 : memref<10112x128xf32, #tpu.memory_space<vmem_shared>>)
        tpu.yield
      }) : () -> ()
      %dma_wait3A_299 = arith.constant 0 : i32
      %dma_wait3A_300 = arith.constant 0 : i32
      %dma_wait3A_301 = tpu.memref_slice %arg2[%dma_wait3A_299, %dma_wait3A_300] : memref<10000x128xf32, #tpu.memory_space<hbm>> -> memref<80x128xf32, #tpu.memory_space<hbm>>
      %dma_wait3A_302 = arith.constant 0 : i32
      %dma_wait3A_303 = arith.constant 0 : i32
      %dma_wait3A_304 = tpu.memref_slice %arg2[%dma_wait3A_302, %dma_wait3A_303] : memref<10000x128xf32, #tpu.memory_space<hbm>> -> memref<80x128xf32, #tpu.memory_space<hbm>>
      tpu.wait_dma2 semaphore(%arg15 : memref<!tpu.dma_semaphore, #tpu.memory_space<semaphore_mem>>) src(%dma_wait3A_304 : memref<80x128xf32, #tpu.memory_space<hbm>>) dst(%arg10 : memref<80x128xf32, #tpu.memory_space<vmem>>)
      %add3A_305 = arith.constant 3 : i32
      %add3A_306 = arith.addi %mul3A_238, %add3A_305 : i32
      %add3A_307 = arith.constant 3 : i32
      %add3A_308 = arith.addi %add3A_306, %add3A_307 : i32
      %dma_start3A_309 = arith.constant 1 : i32
      %dma_start3A_310 = arith.constant 0 : i32
      %dma_start3A_311 = tpu.memref_slice %arg6[%add3A_308, %dma_start3A_309, %dma_start3A_310] : memref<32x2x80xi32, #tpu.memory_space<vmem>> -> memref<1x1x80xi32, #tpu.memory_space<vmem>>
      %dma_start3A_312 = tpu.memref_squeeze %dma_start3A_311 : memref<1x1x80xi32, #tpu.memory_space<vmem>> -> memref<80xi32, #tpu.memory_space<vmem>>
      %dma_start3A_313 = arith.constant 0 : i32
      %dma_start3A_314 = arith.constant 0 : i32
      %dma_start3A_315 = tpu.memref_slice %arg2[%dma_start3A_313, %dma_start3A_314] : memref<10000x128xf32, #tpu.memory_space<hbm>> -> memref<10000x128xf32, #tpu.memory_space<hbm>>
      tpu.enqueue_indirect_dma source(%dma_start3A_315 : memref<10000x128xf32, #tpu.memory_space<hbm>>) target(%arg9 : memref<80x128xf32, #tpu.memory_space<vmem>>) offsets(%dma_start3A_312 : memref<80xi32, #tpu.memory_space<vmem>>) semaphore(%arg14 : memref<!tpu.dma_semaphore, #tpu.memory_space<semaphore_mem>>)
      %add3A_316 = arith.constant 3 : i32
      %add3A_317 = arith.addi %mul3A_238, %add3A_316 : i32
      %run_scoped3A_318 = arith.constant 0 : i32
      "tpu.region"() ({
        %run_scoped3A_319 = tpu.sem_alloc : memref<!tpu.dma_semaphore, #tpu.memory_space<semaphore_mem>>
        %dma_start3A_320 = arith.constant 0 : i32
        %dma_start3A_321 = tpu.memref_slice %arg6[%add3A_317, %run_scoped3A_318, %dma_start3A_320] : memref<32x2x80xi32, #tpu.memory_space<vmem>> -> memref<1x1x80xi32, #tpu.memory_space<vmem>>
        %dma_start3A_322 = tpu.memref_squeeze %dma_start3A_321 : memref<1x1x80xi32, #tpu.memory_space<vmem>> -> memref<80xi32, #tpu.memory_space<vmem>>
        %dma_start3A_323 = arith.constant 0 : i32
        %dma_start3A_324 = arith.constant 0 : i32
        %dma_start3A_325 = tpu.memref_slice %arg11[%dma_start3A_323, %dma_start3A_324] : memref<10112x128xf32, #tpu.memory_space<vmem_shared>> -> memref<10112x128xf32, #tpu.memory_space<vmem_shared>>
        tpu.enqueue_indirect_dma source(%arg10 : memref<80x128xf32, #tpu.memory_space<vmem>>) target(%dma_start3A_325 : memref<10112x128xf32, #tpu.memory_space<vmem_shared>>) offsets(%dma_start3A_322 : memref<80xi32, #tpu.memory_space<vmem>>) semaphore(%run_scoped3A_319 : memref<!tpu.dma_semaphore, #tpu.memory_space<semaphore_mem>>) {add = true}
        %dma_wait3A_326 = arith.constant 0 : i32
        %dma_wait3A_327 = tpu.memref_slice %arg6[%add3A_317, %run_scoped3A_318, %dma_wait3A_326] : memref<32x2x80xi32, #tpu.memory_space<vmem>> -> memref<1x1x80xi32, #tpu.memory_space<vmem>>
        %dma_wait3A_328 = tpu.memref_squeeze %dma_wait3A_327 : memref<1x1x80xi32, #tpu.memory_space<vmem>> -> memref<80xi32, #tpu.memory_space<vmem>>
        %dma_wait3A_329 = arith.constant 0 : i32
        %dma_wait3A_330 = arith.constant 0 : i32
        %dma_wait3A_331 = tpu.memref_slice %arg11[%dma_wait3A_329, %dma_wait3A_330] : memref<10112x128xf32, #tpu.memory_space<vmem_shared>> -> memref<10112x128xf32, #tpu.memory_space<vmem_shared>>
        tpu.wait_indirect_dma semaphore(%run_scoped3A_319 : memref<!tpu.dma_semaphore, #tpu.memory_space<semaphore_mem>>) src(%arg10 : memref<80x128xf32, #tpu.memory_space<vmem>>) dst(%dma_wait3A_331 : memref<10112x128xf32, #tpu.memory_space<vmem_shared>>)
        tpu.yield
      }) : () -> ()
    }
    %scan3A_136 = arith.constant 7 : i32
    %dma_wait3A_137 = arith.constant 0 : i32
    %dma_wait3A_138 = arith.constant 0 : i32
    %dma_wait3A_139 = tpu.memref_slice %arg2[%dma_wait3A_137, %dma_wait3A_138] : memref<10000x128xf32, #tpu.memory_space<hbm>> -> memref<80x128xf32, #tpu.memory_space<hbm>>
    %dma_wait3A_140 = arith.constant 0 : i32
    %dma_wait3A_141 = arith.constant 0 : i32
    %dma_wait3A_142 = tpu.memref_slice %arg2[%dma_wait3A_140, %dma_wait3A_141] : memref<10000x128xf32, #tpu.memory_space<hbm>> -> memref<80x128xf32, #tpu.memory_space<hbm>>
    tpu.wait_dma2 semaphore(%arg12 : memref<!tpu.dma_semaphore, #tpu.memory_space<semaphore_mem>>) src(%dma_wait3A_142 : memref<80x128xf32, #tpu.memory_space<hbm>>) dst(%arg7 : memref<80x128xf32, #tpu.memory_space<vmem>>)
    %run_scoped3A_143 = arith.constant 28 : i32
    %run_scoped3A_144 = arith.constant 0 : i32
    "tpu.region"() ({
      %run_scoped3A_236 = tpu.sem_alloc : memref<!tpu.dma_semaphore, #tpu.memory_space<semaphore_mem>>
      %dma_start3A_237 = arith.constant 0 : i32
      %dma_start3A_238 = tpu.memref_slice %arg6[%run_scoped3A_143, %run_scoped3A_144, %dma_start3A_237] : memref<32x2x80xi32, #tpu.memory_space<vmem>> -> memref<1x1x80xi32, #tpu.memory_space<vmem>>
      %dma_start3A_239 = tpu.memref_squeeze %dma_start3A_238 : memref<1x1x80xi32, #tpu.memory_space<vmem>> -> memref<80xi32, #tpu.memory_space<vmem>>
      %dma_start3A_240 = arith.constant 0 : i32
      %dma_start3A_241 = arith.constant 0 : i32
      %dma_start3A_242 = tpu.memref_slice %arg11[%dma_start3A_240, %dma_start3A_241] : memref<10112x128xf32, #tpu.memory_space<vmem_shared>> -> memref<10112x128xf32, #tpu.memory_space<vmem_shared>>
      tpu.enqueue_indirect_dma source(%arg7 : memref<80x128xf32, #tpu.memory_space<vmem>>) target(%dma_start3A_242 : memref<10112x128xf32, #tpu.memory_space<vmem_shared>>) offsets(%dma_start3A_239 : memref<80xi32, #tpu.memory_space<vmem>>) semaphore(%run_scoped3A_236 : memref<!tpu.dma_semaphore, #tpu.memory_space<semaphore_mem>>) {add = true}
      %dma_wait3A_243 = arith.constant 0 : i32
      %dma_wait3A_244 = tpu.memref_slice %arg6[%run_scoped3A_143, %run_scoped3A_144, %dma_wait3A_243] : memref<32x2x80xi32, #tpu.memory_space<vmem>> -> memref<1x1x80xi32, #tpu.memory_space<vmem>>
      %dma_wait3A_245 = tpu.memref_squeeze %dma_wait3A_244 : memref<1x1x80xi32, #tpu.memory_space<vmem>> -> memref<80xi32, #tpu.memory_space<vmem>>
      %dma_wait3A_246 = arith.constant 0 : i32
      %dma_wait3A_247 = arith.constant 0 : i32
      %dma_wait3A_248 = tpu.memref_slice %arg11[%dma_wait3A_246, %dma_wait3A_247] : memref<10112x128xf32, #tpu.memory_space<vmem_shared>> -> memref<10112x128xf32, #tpu.memory_space<vmem_shared>>
      tpu.wait_indirect_dma semaphore(%run_scoped3A_236 : memref<!tpu.dma_semaphore, #tpu.memory_space<semaphore_mem>>) src(%arg7 : memref<80x128xf32, #tpu.memory_space<vmem>>) dst(%dma_wait3A_248 : memref<10112x128xf32, #tpu.memory_space<vmem_shared>>)
      tpu.yield
    }) : () -> ()
    %dma_wait3A_145 = arith.constant 0 : i32
    %dma_wait3A_146 = arith.constant 0 : i32
    %dma_wait3A_147 = tpu.memref_slice %arg2[%dma_wait3A_145, %dma_wait3A_146] : memref<10000x128xf32, #tpu.memory_space<hbm>> -> memref<80x128xf32, #tpu.memory_space<hbm>>
    %dma_wait3A_148 = arith.constant 0 : i32
    %dma_wait3A_149 = arith.constant 0 : i32
    %dma_wait3A_150 = tpu.memref_slice %arg2[%dma_wait3A_148, %dma_wait3A_149] : memref<10000x128xf32, #tpu.memory_space<hbm>> -> memref<80x128xf32, #tpu.memory_space<hbm>>
    tpu.wait_dma2 semaphore(%arg13 : memref<!tpu.dma_semaphore, #tpu.memory_space<semaphore_mem>>) src(%dma_wait3A_150 : memref<80x128xf32, #tpu.memory_space<hbm>>) dst(%arg8 : memref<80x128xf32, #tpu.memory_space<vmem>>)
    %run_scoped3A_151 = arith.constant 29 : i32
    %run_scoped3A_152 = arith.constant 0 : i32
    "tpu.region"() ({
      %run_scoped3A_236 = tpu.sem_alloc : memref<!tpu.dma_semaphore, #tpu.memory_space<semaphore_mem>>
      %dma_start3A_237 = arith.constant 0 : i32
      %dma_start3A_238 = tpu.memref_slice %arg6[%run_scoped3A_151, %run_scoped3A_152, %dma_start3A_237] : memref<32x2x80xi32, #tpu.memory_space<vmem>> -> memref<1x1x80xi32, #tpu.memory_space<vmem>>
      %dma_start3A_239 = tpu.memref_squeeze %dma_start3A_238 : memref<1x1x80xi32, #tpu.memory_space<vmem>> -> memref<80xi32, #tpu.memory_space<vmem>>
      %dma_start3A_240 = arith.constant 0 : i32
      %dma_start3A_241 = arith.constant 0 : i32
      %dma_start3A_242 = tpu.memref_slice %arg11[%dma_start3A_240, %dma_start3A_241] : memref<10112x128xf32, #tpu.memory_space<vmem_shared>> -> memref<10112x128xf32, #tpu.memory_space<vmem_shared>>
      tpu.enqueue_indirect_dma source(%arg8 : memref<80x128xf32, #tpu.memory_space<vmem>>) target(%dma_start3A_242 : memref<10112x128xf32, #tpu.memory_space<vmem_shared>>) offsets(%dma_start3A_239 : memref<80xi32, #tpu.memory_space<vmem>>) semaphore(%run_scoped3A_236 : memref<!tpu.dma_semaphore, #tpu.memory_space<semaphore_mem>>) {add = true}
      %dma_wait3A_243 = arith.constant 0 : i32
      %dma_wait3A_244 = tpu.memref_slice %arg6[%run_scoped3A_151, %run_scoped3A_152, %dma_wait3A_243] : memref<32x2x80xi32, #tpu.memory_space<vmem>> -> memref<1x1x80xi32, #tpu.memory_space<vmem>>
      %dma_wait3A_245 = tpu.memref_squeeze %dma_wait3A_244 : memref<1x1x80xi32, #tpu.memory_space<vmem>> -> memref<80xi32, #tpu.memory_space<vmem>>
      %dma_wait3A_246 = arith.constant 0 : i32
      %dma_wait3A_247 = arith.constant 0 : i32
      %dma_wait3A_248 = tpu.memref_slice %arg11[%dma_wait3A_246, %dma_wait3A_247] : memref<10112x128xf32, #tpu.memory_space<vmem_shared>> -> memref<10112x128xf32, #tpu.memory_space<vmem_shared>>
      tpu.wait_indirect_dma semaphore(%run_scoped3A_236 : memref<!tpu.dma_semaphore, #tpu.memory_space<semaphore_mem>>) src(%arg8 : memref<80x128xf32, #tpu.memory_space<vmem>>) dst(%dma_wait3A_248 : memref<10112x128xf32, #tpu.memory_space<vmem_shared>>)
      tpu.yield
    }) : () -> ()
    %dma_wait3A_153 = arith.constant 0 : i32
    %dma_wait3A_154 = arith.constant 0 : i32
    %dma_wait3A_155 = tpu.memref_slice %arg2[%dma_wait3A_153, %dma_wait3A_154] : memref<10000x128xf32, #tpu.memory_space<hbm>> -> memref<80x128xf32, #tpu.memory_space<hbm>>
    %dma_wait3A_156 = arith.constant 0 : i32
    %dma_wait3A_157 = arith.constant 0 : i32
    %dma_wait3A_158 = tpu.memref_slice %arg2[%dma_wait3A_156, %dma_wait3A_157] : memref<10000x128xf32, #tpu.memory_space<hbm>> -> memref<80x128xf32, #tpu.memory_space<hbm>>
    tpu.wait_dma2 semaphore(%arg14 : memref<!tpu.dma_semaphore, #tpu.memory_space<semaphore_mem>>) src(%dma_wait3A_158 : memref<80x128xf32, #tpu.memory_space<hbm>>) dst(%arg9 : memref<80x128xf32, #tpu.memory_space<vmem>>)
    %run_scoped3A_159 = arith.constant 30 : i32
    %run_scoped3A_160 = arith.constant 0 : i32
    "tpu.region"() ({
      %run_scoped3A_236 = tpu.sem_alloc : memref<!tpu.dma_semaphore, #tpu.memory_space<semaphore_mem>>
      %dma_start3A_237 = arith.constant 0 : i32
      %dma_start3A_238 = tpu.memref_slice %arg6[%run_scoped3A_159, %run_scoped3A_160, %dma_start3A_237] : memref<32x2x80xi32, #tpu.memory_space<vmem>> -> memref<1x1x80xi32, #tpu.memory_space<vmem>>
      %dma_start3A_239 = tpu.memref_squeeze %dma_start3A_238 : memref<1x1x80xi32, #tpu.memory_space<vmem>> -> memref<80xi32, #tpu.memory_space<vmem>>
      %dma_start3A_240 = arith.constant 0 : i32
      %dma_start3A_241 = arith.constant 0 : i32
      %dma_start3A_242 = tpu.memref_slice %arg11[%dma_start3A_240, %dma_start3A_241] : memref<10112x128xf32, #tpu.memory_space<vmem_shared>> -> memref<10112x128xf32, #tpu.memory_space<vmem_shared>>
      tpu.enqueue_indirect_dma source(%arg9 : memref<80x128xf32, #tpu.memory_space<vmem>>) target(%dma_start3A_242 : memref<10112x128xf32, #tpu.memory_space<vmem_shared>>) offsets(%dma_start3A_239 : memref<80xi32, #tpu.memory_space<vmem>>) semaphore(%run_scoped3A_236 : memref<!tpu.dma_semaphore, #tpu.memory_space<semaphore_mem>>) {add = true}
      %dma_wait3A_243 = arith.constant 0 : i32
      %dma_wait3A_244 = tpu.memref_slice %arg6[%run_scoped3A_159, %run_scoped3A_160, %dma_wait3A_243] : memref<32x2x80xi32, #tpu.memory_space<vmem>> -> memref<1x1x80xi32, #tpu.memory_space<vmem>>
      %dma_wait3A_245 = tpu.memref_squeeze %dma_wait3A_244 : memref<1x1x80xi32, #tpu.memory_space<vmem>> -> memref<80xi32, #tpu.memory_space<vmem>>
      %dma_wait3A_246 = arith.constant 0 : i32
      %dma_wait3A_247 = arith.constant 0 : i32
      %dma_wait3A_248 = tpu.memref_slice %arg11[%dma_wait3A_246, %dma_wait3A_247] : memref<10112x128xf32, #tpu.memory_space<vmem_shared>> -> memref<10112x128xf32, #tpu.memory_space<vmem_shared>>
      tpu.wait_indirect_dma semaphore(%run_scoped3A_236 : memref<!tpu.dma_semaphore, #tpu.memory_space<semaphore_mem>>) src(%arg9 : memref<80x128xf32, #tpu.memory_space<vmem>>) dst(%dma_wait3A_248 : memref<10112x128xf32, #tpu.memory_space<vmem_shared>>)
      tpu.yield
    }) : () -> ()
    "tpu.region"() ({
      %run_scoped3A_236 = tpu.sem_alloc : memref<!tpu.dma_semaphore, #tpu.memory_space<semaphore_mem>>
      %dma_start3A_237 = arith.constant 93 : i32
      %dma_start3A_238 = arith.constant 0 : i32
      %dma_start3A_239 = arith.constant 0 : i32
      %dma_start3A_240 = tpu.memref_slice %arg3[%add3A, %dma_start3A_237, %dma_start3A_238, %dma_start3A_239] : memref<32x125x2x80xi32, #tpu.memory_space<hbm>> -> memref<1x32x2x80xi32, #tpu.memory_space<hbm>>
      %dma_start3A_241 = tpu.memref_squeeze %dma_start3A_240 : memref<1x32x2x80xi32, #tpu.memory_space<hbm>> -> memref<32x2x80xi32, #tpu.memory_space<hbm>>
      %dma_start3A_242 = arith.constant 93 : i32
      %dma_start3A_243 = arith.constant 0 : i32
      %dma_start3A_244 = arith.constant 0 : i32
      %dma_start3A_245 = tpu.memref_slice %arg3[%add3A, %dma_start3A_242, %dma_start3A_243, %dma_start3A_244] : memref<32x125x2x80xi32, #tpu.memory_space<hbm>> -> memref<1x32x2x80xi32, #tpu.memory_space<hbm>>
      %dma_start3A_246 = tpu.memref_squeeze %dma_start3A_245 : memref<1x32x2x80xi32, #tpu.memory_space<hbm>> -> memref<32x2x80xi32, #tpu.memory_space<hbm>>
      tpu.enqueue_dma source(%dma_start3A_246 : memref<32x2x80xi32, #tpu.memory_space<hbm>>) target(%arg6 : memref<32x2x80xi32, #tpu.memory_space<vmem>>) target_semaphore(%run_scoped3A_236 : memref<!tpu.dma_semaphore, #tpu.memory_space<semaphore_mem>>)
      %dma_wait3A_247 = arith.constant 93 : i32
      %dma_wait3A_248 = arith.constant 0 : i32
      %dma_wait3A_249 = arith.constant 0 : i32
      %dma_wait3A_250 = tpu.memref_slice %arg3[%add3A, %dma_wait3A_247, %dma_wait3A_248, %dma_wait3A_249] : memref<32x125x2x80xi32, #tpu.memory_space<hbm>> -> memref<1x32x2x80xi32, #tpu.memory_space<hbm>>
      %dma_wait3A_251 = tpu.memref_squeeze %dma_wait3A_250 : memref<1x32x2x80xi32, #tpu.memory_space<hbm>> -> memref<32x2x80xi32, #tpu.memory_space<hbm>>
      %dma_wait3A_252 = arith.constant 93 : i32
      %dma_wait3A_253 = arith.constant 0 : i32
      %dma_wait3A_254 = arith.constant 0 : i32
      %dma_wait3A_255 = tpu.memref_slice %arg3[%add3A, %dma_wait3A_252, %dma_wait3A_253, %dma_wait3A_254] : memref<32x125x2x80xi32, #tpu.memory_space<hbm>> -> memref<1x32x2x80xi32, #tpu.memory_space<hbm>>
      %dma_wait3A_256 = tpu.memref_squeeze %dma_wait3A_255 : memref<1x32x2x80xi32, #tpu.memory_space<hbm>> -> memref<32x2x80xi32, #tpu.memory_space<hbm>>
      tpu.wait_dma2 semaphore(%run_scoped3A_236 : memref<!tpu.dma_semaphore, #tpu.memory_space<semaphore_mem>>) src(%dma_wait3A_256 : memref<32x2x80xi32, #tpu.memory_space<hbm>>) dst(%arg6 : memref<32x2x80xi32, #tpu.memory_space<vmem>>)
      tpu.yield
    }) : () -> ()
    %dma_start3A_161 = arith.constant 0 : i32
    %dma_start3A_162 = arith.constant 1 : i32
    %dma_start3A_163 = arith.constant 0 : i32
    %dma_start3A_164 = tpu.memref_slice %arg6[%dma_start3A_161, %dma_start3A_162, %dma_start3A_163] : memref<32x2x80xi32, #tpu.memory_space<vmem>> -> memref<1x1x80xi32, #tpu.memory_space<vmem>>
    %dma_start3A_165 = tpu.memref_squeeze %dma_start3A_164 : memref<1x1x80xi32, #tpu.memory_space<vmem>> -> memref<80xi32, #tpu.memory_space<vmem>>
    %dma_start3A_166 = arith.constant 0 : i32
    %dma_start3A_167 = arith.constant 0 : i32
    %dma_start3A_168 = tpu.memref_slice %arg2[%dma_start3A_166, %dma_start3A_167] : memref<10000x128xf32, #tpu.memory_space<hbm>> -> memref<10000x128xf32, #tpu.memory_space<hbm>>
    tpu.enqueue_indirect_dma source(%dma_start3A_168 : memref<10000x128xf32, #tpu.memory_space<hbm>>) target(%arg7 : memref<80x128xf32, #tpu.memory_space<vmem>>) offsets(%dma_start3A_165 : memref<80xi32, #tpu.memory_space<vmem>>) semaphore(%arg12 : memref<!tpu.dma_semaphore, #tpu.memory_space<semaphore_mem>>)
    %dma_start3A_169 = arith.constant 1 : i32
    %dma_start3A_170 = arith.constant 1 : i32
    %dma_start3A_171 = arith.constant 0 : i32
    %dma_start3A_172 = tpu.memref_slice %arg6[%dma_start3A_169, %dma_start3A_170, %dma_start3A_171] : memref<32x2x80xi32, #tpu.memory_space<vmem>> -> memref<1x1x80xi32, #tpu.memory_space<vmem>>
    %dma_start3A_173 = tpu.memref_squeeze %dma_start3A_172 : memref<1x1x80xi32, #tpu.memory_space<vmem>> -> memref<80xi32, #tpu.memory_space<vmem>>
    %dma_start3A_174 = arith.constant 0 : i32
    %dma_start3A_175 = arith.constant 0 : i32
    %dma_start3A_176 = tpu.memref_slice %arg2[%dma_start3A_174, %dma_start3A_175] : memref<10000x128xf32, #tpu.memory_space<hbm>> -> memref<10000x128xf32, #tpu.memory_space<hbm>>
    tpu.enqueue_indirect_dma source(%dma_start3A_176 : memref<10000x128xf32, #tpu.memory_space<hbm>>) target(%arg8 : memref<80x128xf32, #tpu.memory_space<vmem>>) offsets(%dma_start3A_173 : memref<80xi32, #tpu.memory_space<vmem>>) semaphore(%arg13 : memref<!tpu.dma_semaphore, #tpu.memory_space<semaphore_mem>>)
    %dma_start3A_177 = arith.constant 2 : i32
    %dma_start3A_178 = arith.constant 1 : i32
    %dma_start3A_179 = arith.constant 0 : i32
    %dma_start3A_180 = tpu.memref_slice %arg6[%dma_start3A_177, %dma_start3A_178, %dma_start3A_179] : memref<32x2x80xi32, #tpu.memory_space<vmem>> -> memref<1x1x80xi32, #tpu.memory_space<vmem>>
    %dma_start3A_181 = tpu.memref_squeeze %dma_start3A_180 : memref<1x1x80xi32, #tpu.memory_space<vmem>> -> memref<80xi32, #tpu.memory_space<vmem>>
    %dma_start3A_182 = arith.constant 0 : i32
    %dma_start3A_183 = arith.constant 0 : i32
    %dma_start3A_184 = tpu.memref_slice %arg2[%dma_start3A_182, %dma_start3A_183] : memref<10000x128xf32, #tpu.memory_space<hbm>> -> memref<10000x128xf32, #tpu.memory_space<hbm>>
    tpu.enqueue_indirect_dma source(%dma_start3A_184 : memref<10000x128xf32, #tpu.memory_space<hbm>>) target(%arg9 : memref<80x128xf32, #tpu.memory_space<vmem>>) offsets(%dma_start3A_181 : memref<80xi32, #tpu.memory_space<vmem>>) semaphore(%arg14 : memref<!tpu.dma_semaphore, #tpu.memory_space<semaphore_mem>>)
    %scan3A_185 = arith.constant 0 : i32
    %scan3A_186 = arith.constant 0 : i32
    %scan3A_187 = arith.constant 7 : i32
    %scan3A_188 = arith.addi %scan3A_186, %scan3A_187 : i32
    %scan3A_189 = arith.constant 1 : i32
    scf.for %scan3A_236 = %scan3A_186 to %scan3A_188 step %scan3A_189  : i32 {
      %mul3A_237 = arith.constant 4 : i32
      %mul3A_238 = arith.muli %mul3A_237, %scan3A_236 : i32
      %dma_wait3A_239 = arith.constant 0 : i32
      %dma_wait3A_240 = arith.constant 0 : i32
      %dma_wait3A_241 = tpu.memref_slice %arg2[%dma_wait3A_239, %dma_wait3A_240] : memref<10000x128xf32, #tpu.memory_space<hbm>> -> memref<80x128xf32, #tpu.memory_space<hbm>>
      %dma_wait3A_242 = arith.constant 0 : i32
      %dma_wait3A_243 = arith.constant 0 : i32
      %dma_wait3A_244 = tpu.memref_slice %arg2[%dma_wait3A_242, %dma_wait3A_243] : memref<10000x128xf32, #tpu.memory_space<hbm>> -> memref<80x128xf32, #tpu.memory_space<hbm>>
      tpu.wait_dma2 semaphore(%arg12 : memref<!tpu.dma_semaphore, #tpu.memory_space<semaphore_mem>>) src(%dma_wait3A_244 : memref<80x128xf32, #tpu.memory_space<hbm>>) dst(%arg7 : memref<80x128xf32, #tpu.memory_space<vmem>>)
      %add3A_245 = arith.constant 0 : i32
      %add3A_246 = arith.addi %mul3A_238, %add3A_245 : i32
      %add3A_247 = arith.constant 3 : i32
      %add3A_248 = arith.addi %add3A_246, %add3A_247 : i32
      %dma_start3A_249 = arith.constant 1 : i32
      %dma_start3A_250 = arith.constant 0 : i32
      %dma_start3A_251 = tpu.memref_slice %arg6[%add3A_248, %dma_start3A_249, %dma_start3A_250] : memref<32x2x80xi32, #tpu.memory_space<vmem>> -> memref<1x1x80xi32, #tpu.memory_space<vmem>>
      %dma_start3A_252 = tpu.memref_squeeze %dma_start3A_251 : memref<1x1x80xi32, #tpu.memory_space<vmem>> -> memref<80xi32, #tpu.memory_space<vmem>>
      %dma_start3A_253 = arith.constant 0 : i32
      %dma_start3A_254 = arith.constant 0 : i32
      %dma_start3A_255 = tpu.memref_slice %arg2[%dma_start3A_253, %dma_start3A_254] : memref<10000x128xf32, #tpu.memory_space<hbm>> -> memref<10000x128xf32, #tpu.memory_space<hbm>>
      tpu.enqueue_indirect_dma source(%dma_start3A_255 : memref<10000x128xf32, #tpu.memory_space<hbm>>) target(%arg10 : memref<80x128xf32, #tpu.memory_space<vmem>>) offsets(%dma_start3A_252 : memref<80xi32, #tpu.memory_space<vmem>>) semaphore(%arg15 : memref<!tpu.dma_semaphore, #tpu.memory_space<semaphore_mem>>)
      %add3A_256 = arith.constant 0 : i32
      %add3A_257 = arith.addi %mul3A_238, %add3A_256 : i32
      %run_scoped3A_258 = arith.constant 0 : i32
      "tpu.region"() ({
        %run_scoped3A_319 = tpu.sem_alloc : memref<!tpu.dma_semaphore, #tpu.memory_space<semaphore_mem>>
        %dma_start3A_320 = arith.constant 0 : i32
        %dma_start3A_321 = tpu.memref_slice %arg6[%add3A_257, %run_scoped3A_258, %dma_start3A_320] : memref<32x2x80xi32, #tpu.memory_space<vmem>> -> memref<1x1x80xi32, #tpu.memory_space<vmem>>
        %dma_start3A_322 = tpu.memref_squeeze %dma_start3A_321 : memref<1x1x80xi32, #tpu.memory_space<vmem>> -> memref<80xi32, #tpu.memory_space<vmem>>
        %dma_start3A_323 = arith.constant 0 : i32
        %dma_start3A_324 = arith.constant 0 : i32
        %dma_start3A_325 = tpu.memref_slice %arg11[%dma_start3A_323, %dma_start3A_324] : memref<10112x128xf32, #tpu.memory_space<vmem_shared>> -> memref<10112x128xf32, #tpu.memory_space<vmem_shared>>
        tpu.enqueue_indirect_dma source(%arg7 : memref<80x128xf32, #tpu.memory_space<vmem>>) target(%dma_start3A_325 : memref<10112x128xf32, #tpu.memory_space<vmem_shared>>) offsets(%dma_start3A_322 : memref<80xi32, #tpu.memory_space<vmem>>) semaphore(%run_scoped3A_319 : memref<!tpu.dma_semaphore, #tpu.memory_space<semaphore_mem>>) {add = true}
        %dma_wait3A_326 = arith.constant 0 : i32
        %dma_wait3A_327 = tpu.memref_slice %arg6[%add3A_257, %run_scoped3A_258, %dma_wait3A_326] : memref<32x2x80xi32, #tpu.memory_space<vmem>> -> memref<1x1x80xi32, #tpu.memory_space<vmem>>
        %dma_wait3A_328 = tpu.memref_squeeze %dma_wait3A_327 : memref<1x1x80xi32, #tpu.memory_space<vmem>> -> memref<80xi32, #tpu.memory_space<vmem>>
        %dma_wait3A_329 = arith.constant 0 : i32
        %dma_wait3A_330 = arith.constant 0 : i32
        %dma_wait3A_331 = tpu.memref_slice %arg11[%dma_wait3A_329, %dma_wait3A_330] : memref<10112x128xf32, #tpu.memory_space<vmem_shared>> -> memref<10112x128xf32, #tpu.memory_space<vmem_shared>>
        tpu.wait_indirect_dma semaphore(%run_scoped3A_319 : memref<!tpu.dma_semaphore, #tpu.memory_space<semaphore_mem>>) src(%arg7 : memref<80x128xf32, #tpu.memory_space<vmem>>) dst(%dma_wait3A_331 : memref<10112x128xf32, #tpu.memory_space<vmem_shared>>)
        tpu.yield
      }) : () -> ()
      %dma_wait3A_259 = arith.constant 0 : i32
      %dma_wait3A_260 = arith.constant 0 : i32
      %dma_wait3A_261 = tpu.memref_slice %arg2[%dma_wait3A_259, %dma_wait3A_260] : memref<10000x128xf32, #tpu.memory_space<hbm>> -> memref<80x128xf32, #tpu.memory_space<hbm>>
      %dma_wait3A_262 = arith.constant 0 : i32
      %dma_wait3A_263 = arith.constant 0 : i32
      %dma_wait3A_264 = tpu.memref_slice %arg2[%dma_wait3A_262, %dma_wait3A_263] : memref<10000x128xf32, #tpu.memory_space<hbm>> -> memref<80x128xf32, #tpu.memory_space<hbm>>
      tpu.wait_dma2 semaphore(%arg13 : memref<!tpu.dma_semaphore, #tpu.memory_space<semaphore_mem>>) src(%dma_wait3A_264 : memref<80x128xf32, #tpu.memory_space<hbm>>) dst(%arg8 : memref<80x128xf32, #tpu.memory_space<vmem>>)
      %add3A_265 = arith.constant 1 : i32
      %add3A_266 = arith.addi %mul3A_238, %add3A_265 : i32
      %add3A_267 = arith.constant 3 : i32
      %add3A_268 = arith.addi %add3A_266, %add3A_267 : i32
      %dma_start3A_269 = arith.constant 1 : i32
      %dma_start3A_270 = arith.constant 0 : i32
      %dma_start3A_271 = tpu.memref_slice %arg6[%add3A_268, %dma_start3A_269, %dma_start3A_270] : memref<32x2x80xi32, #tpu.memory_space<vmem>> -> memref<1x1x80xi32, #tpu.memory_space<vmem>>
      %dma_start3A_272 = tpu.memref_squeeze %dma_start3A_271 : memref<1x1x80xi32, #tpu.memory_space<vmem>> -> memref<80xi32, #tpu.memory_space<vmem>>
      %dma_start3A_273 = arith.constant 0 : i32
      %dma_start3A_274 = arith.constant 0 : i32
      %dma_start3A_275 = tpu.memref_slice %arg2[%dma_start3A_273, %dma_start3A_274] : memref<10000x128xf32, #tpu.memory_space<hbm>> -> memref<10000x128xf32, #tpu.memory_space<hbm>>
      tpu.enqueue_indirect_dma source(%dma_start3A_275 : memref<10000x128xf32, #tpu.memory_space<hbm>>) target(%arg7 : memref<80x128xf32, #tpu.memory_space<vmem>>) offsets(%dma_start3A_272 : memref<80xi32, #tpu.memory_space<vmem>>) semaphore(%arg12 : memref<!tpu.dma_semaphore, #tpu.memory_space<semaphore_mem>>)
      %add3A_276 = arith.constant 1 : i32
      %add3A_277 = arith.addi %mul3A_238, %add3A_276 : i32
      %run_scoped3A_278 = arith.constant 0 : i32
      "tpu.region"() ({
        %run_scoped3A_319 = tpu.sem_alloc : memref<!tpu.dma_semaphore, #tpu.memory_space<semaphore_mem>>
        %dma_start3A_320 = arith.constant 0 : i32
        %dma_start3A_321 = tpu.memref_slice %arg6[%add3A_277, %run_scoped3A_278, %dma_start3A_320] : memref<32x2x80xi32, #tpu.memory_space<vmem>> -> memref<1x1x80xi32, #tpu.memory_space<vmem>>
        %dma_start3A_322 = tpu.memref_squeeze %dma_start3A_321 : memref<1x1x80xi32, #tpu.memory_space<vmem>> -> memref<80xi32, #tpu.memory_space<vmem>>
        %dma_start3A_323 = arith.constant 0 : i32
        %dma_start3A_324 = arith.constant 0 : i32
        %dma_start3A_325 = tpu.memref_slice %arg11[%dma_start3A_323, %dma_start3A_324] : memref<10112x128xf32, #tpu.memory_space<vmem_shared>> -> memref<10112x128xf32, #tpu.memory_space<vmem_shared>>
        tpu.enqueue_indirect_dma source(%arg8 : memref<80x128xf32, #tpu.memory_space<vmem>>) target(%dma_start3A_325 : memref<10112x128xf32, #tpu.memory_space<vmem_shared>>) offsets(%dma_start3A_322 : memref<80xi32, #tpu.memory_space<vmem>>) semaphore(%run_scoped3A_319 : memref<!tpu.dma_semaphore, #tpu.memory_space<semaphore_mem>>) {add = true}
        %dma_wait3A_326 = arith.constant 0 : i32
        %dma_wait3A_327 = tpu.memref_slice %arg6[%add3A_277, %run_scoped3A_278, %dma_wait3A_326] : memref<32x2x80xi32, #tpu.memory_space<vmem>> -> memref<1x1x80xi32, #tpu.memory_space<vmem>>
        %dma_wait3A_328 = tpu.memref_squeeze %dma_wait3A_327 : memref<1x1x80xi32, #tpu.memory_space<vmem>> -> memref<80xi32, #tpu.memory_space<vmem>>
        %dma_wait3A_329 = arith.constant 0 : i32
        %dma_wait3A_330 = arith.constant 0 : i32
        %dma_wait3A_331 = tpu.memref_slice %arg11[%dma_wait3A_329, %dma_wait3A_330] : memref<10112x128xf32, #tpu.memory_space<vmem_shared>> -> memref<10112x128xf32, #tpu.memory_space<vmem_shared>>
        tpu.wait_indirect_dma semaphore(%run_scoped3A_319 : memref<!tpu.dma_semaphore, #tpu.memory_space<semaphore_mem>>) src(%arg8 : memref<80x128xf32, #tpu.memory_space<vmem>>) dst(%dma_wait3A_331 : memref<10112x128xf32, #tpu.memory_space<vmem_shared>>)
        tpu.yield
      }) : () -> ()
      %dma_wait3A_279 = arith.constant 0 : i32
      %dma_wait3A_280 = arith.constant 0 : i32
      %dma_wait3A_281 = tpu.memref_slice %arg2[%dma_wait3A_279, %dma_wait3A_280] : memref<10000x128xf32, #tpu.memory_space<hbm>> -> memref<80x128xf32, #tpu.memory_space<hbm>>
      %dma_wait3A_282 = arith.constant 0 : i32
      %dma_wait3A_283 = arith.constant 0 : i32
      %dma_wait3A_284 = tpu.memref_slice %arg2[%dma_wait3A_282, %dma_wait3A_283] : memref<10000x128xf32, #tpu.memory_space<hbm>> -> memref<80x128xf32, #tpu.memory_space<hbm>>
      tpu.wait_dma2 semaphore(%arg14 : memref<!tpu.dma_semaphore, #tpu.memory_space<semaphore_mem>>) src(%dma_wait3A_284 : memref<80x128xf32, #tpu.memory_space<hbm>>) dst(%arg9 : memref<80x128xf32, #tpu.memory_space<vmem>>)
      %add3A_285 = arith.constant 2 : i32
      %add3A_286 = arith.addi %mul3A_238, %add3A_285 : i32
      %add3A_287 = arith.constant 3 : i32
      %add3A_288 = arith.addi %add3A_286, %add3A_287 : i32
      %dma_start3A_289 = arith.constant 1 : i32
      %dma_start3A_290 = arith.constant 0 : i32
      %dma_start3A_291 = tpu.memref_slice %arg6[%add3A_288, %dma_start3A_289, %dma_start3A_290] : memref<32x2x80xi32, #tpu.memory_space<vmem>> -> memref<1x1x80xi32, #tpu.memory_space<vmem>>
      %dma_start3A_292 = tpu.memref_squeeze %dma_start3A_291 : memref<1x1x80xi32, #tpu.memory_space<vmem>> -> memref<80xi32, #tpu.memory_space<vmem>>
      %dma_start3A_293 = arith.constant 0 : i32
      %dma_start3A_294 = arith.constant 0 : i32
      %dma_start3A_295 = tpu.memref_slice %arg2[%dma_start3A_293, %dma_start3A_294] : memref<10000x128xf32, #tpu.memory_space<hbm>> -> memref<10000x128xf32, #tpu.memory_space<hbm>>
      tpu.enqueue_indirect_dma source(%dma_start3A_295 : memref<10000x128xf32, #tpu.memory_space<hbm>>) target(%arg8 : memref<80x128xf32, #tpu.memory_space<vmem>>) offsets(%dma_start3A_292 : memref<80xi32, #tpu.memory_space<vmem>>) semaphore(%arg13 : memref<!tpu.dma_semaphore, #tpu.memory_space<semaphore_mem>>)
      %add3A_296 = arith.constant 2 : i32
      %add3A_297 = arith.addi %mul3A_238, %add3A_296 : i32
      %run_scoped3A_298 = arith.constant 0 : i32
      "tpu.region"() ({
        %run_scoped3A_319 = tpu.sem_alloc : memref<!tpu.dma_semaphore, #tpu.memory_space<semaphore_mem>>
        %dma_start3A_320 = arith.constant 0 : i32
        %dma_start3A_321 = tpu.memref_slice %arg6[%add3A_297, %run_scoped3A_298, %dma_start3A_320] : memref<32x2x80xi32, #tpu.memory_space<vmem>> -> memref<1x1x80xi32, #tpu.memory_space<vmem>>
        %dma_start3A_322 = tpu.memref_squeeze %dma_start3A_321 : memref<1x1x80xi32, #tpu.memory_space<vmem>> -> memref<80xi32, #tpu.memory_space<vmem>>
        %dma_start3A_323 = arith.constant 0 : i32
        %dma_start3A_324 = arith.constant 0 : i32
        %dma_start3A_325 = tpu.memref_slice %arg11[%dma_start3A_323, %dma_start3A_324] : memref<10112x128xf32, #tpu.memory_space<vmem_shared>> -> memref<10112x128xf32, #tpu.memory_space<vmem_shared>>
        tpu.enqueue_indirect_dma source(%arg9 : memref<80x128xf32, #tpu.memory_space<vmem>>) target(%dma_start3A_325 : memref<10112x128xf32, #tpu.memory_space<vmem_shared>>) offsets(%dma_start3A_322 : memref<80xi32, #tpu.memory_space<vmem>>) semaphore(%run_scoped3A_319 : memref<!tpu.dma_semaphore, #tpu.memory_space<semaphore_mem>>) {add = true}
        %dma_wait3A_326 = arith.constant 0 : i32
        %dma_wait3A_327 = tpu.memref_slice %arg6[%add3A_297, %run_scoped3A_298, %dma_wait3A_326] : memref<32x2x80xi32, #tpu.memory_space<vmem>> -> memref<1x1x80xi32, #tpu.memory_space<vmem>>
        %dma_wait3A_328 = tpu.memref_squeeze %dma_wait3A_327 : memref<1x1x80xi32, #tpu.memory_space<vmem>> -> memref<80xi32, #tpu.memory_space<vmem>>
        %dma_wait3A_329 = arith.constant 0 : i32
        %dma_wait3A_330 = arith.constant 0 : i32
        %dma_wait3A_331 = tpu.memref_slice %arg11[%dma_wait3A_329, %dma_wait3A_330] : memref<10112x128xf32, #tpu.memory_space<vmem_shared>> -> memref<10112x128xf32, #tpu.memory_space<vmem_shared>>
        tpu.wait_indirect_dma semaphore(%run_scoped3A_319 : memref<!tpu.dma_semaphore, #tpu.memory_space<semaphore_mem>>) src(%arg9 : memref<80x128xf32, #tpu.memory_space<vmem>>) dst(%dma_wait3A_331 : memref<10112x128xf32, #tpu.memory_space<vmem_shared>>)
        tpu.yield
      }) : () -> ()
      %dma_wait3A_299 = arith.constant 0 : i32
      %dma_wait3A_300 = arith.constant 0 : i32
      %dma_wait3A_301 = tpu.memref_slice %arg2[%dma_wait3A_299, %dma_wait3A_300] : memref<10000x128xf32, #tpu.memory_space<hbm>> -> memref<80x128xf32, #tpu.memory_space<hbm>>
      %dma_wait3A_302 = arith.constant 0 : i32
      %dma_wait3A_303 = arith.constant 0 : i32
      %dma_wait3A_304 = tpu.memref_slice %arg2[%dma_wait3A_302, %dma_wait3A_303] : memref<10000x128xf32, #tpu.memory_space<hbm>> -> memref<80x128xf32, #tpu.memory_space<hbm>>
      tpu.wait_dma2 semaphore(%arg15 : memref<!tpu.dma_semaphore, #tpu.memory_space<semaphore_mem>>) src(%dma_wait3A_304 : memref<80x128xf32, #tpu.memory_space<hbm>>) dst(%arg10 : memref<80x128xf32, #tpu.memory_space<vmem>>)
      %add3A_305 = arith.constant 3 : i32
      %add3A_306 = arith.addi %mul3A_238, %add3A_305 : i32
      %add3A_307 = arith.constant 3 : i32
      %add3A_308 = arith.addi %add3A_306, %add3A_307 : i32
      %dma_start3A_309 = arith.constant 1 : i32
      %dma_start3A_310 = arith.constant 0 : i32
      %dma_start3A_311 = tpu.memref_slice %arg6[%add3A_308, %dma_start3A_309, %dma_start3A_310] : memref<32x2x80xi32, #tpu.memory_space<vmem>> -> memref<1x1x80xi32, #tpu.memory_space<vmem>>
      %dma_start3A_312 = tpu.memref_squeeze %dma_start3A_311 : memref<1x1x80xi32, #tpu.memory_space<vmem>> -> memref<80xi32, #tpu.memory_space<vmem>>
      %dma_start3A_313 = arith.constant 0 : i32
      %dma_start3A_314 = arith.constant 0 : i32
      %dma_start3A_315 = tpu.memref_slice %arg2[%dma_start3A_313, %dma_start3A_314] : memref<10000x128xf32, #tpu.memory_space<hbm>> -> memref<10000x128xf32, #tpu.memory_space<hbm>>
      tpu.enqueue_indirect_dma source(%dma_start3A_315 : memref<10000x128xf32, #tpu.memory_space<hbm>>) target(%arg9 : memref<80x128xf32, #tpu.memory_space<vmem>>) offsets(%dma_start3A_312 : memref<80xi32, #tpu.memory_space<vmem>>) semaphore(%arg14 : memref<!tpu.dma_semaphore, #tpu.memory_space<semaphore_mem>>)
      %add3A_316 = arith.constant 3 : i32
      %add3A_317 = arith.addi %mul3A_238, %add3A_316 : i32
      %run_scoped3A_318 = arith.constant 0 : i32
      "tpu.region"() ({
        %run_scoped3A_319 = tpu.sem_alloc : memref<!tpu.dma_semaphore, #tpu.memory_space<semaphore_mem>>
        %dma_start3A_320 = arith.constant 0 : i32
        %dma_start3A_321 = tpu.memref_slice %arg6[%add3A_317, %run_scoped3A_318, %dma_start3A_320] : memref<32x2x80xi32, #tpu.memory_space<vmem>> -> memref<1x1x80xi32, #tpu.memory_space<vmem>>
        %dma_start3A_322 = tpu.memref_squeeze %dma_start3A_321 : memref<1x1x80xi32, #tpu.memory_space<vmem>> -> memref<80xi32, #tpu.memory_space<vmem>>
        %dma_start3A_323 = arith.constant 0 : i32
        %dma_start3A_324 = arith.constant 0 : i32
        %dma_start3A_325 = tpu.memref_slice %arg11[%dma_start3A_323, %dma_start3A_324] : memref<10112x128xf32, #tpu.memory_space<vmem_shared>> -> memref<10112x128xf32, #tpu.memory_space<vmem_shared>>
        tpu.enqueue_indirect_dma source(%arg10 : memref<80x128xf32, #tpu.memory_space<vmem>>) target(%dma_start3A_325 : memref<10112x128xf32, #tpu.memory_space<vmem_shared>>) offsets(%dma_start3A_322 : memref<80xi32, #tpu.memory_space<vmem>>) semaphore(%run_scoped3A_319 : memref<!tpu.dma_semaphore, #tpu.memory_space<semaphore_mem>>) {add = true}
        %dma_wait3A_326 = arith.constant 0 : i32
        %dma_wait3A_327 = tpu.memref_slice %arg6[%add3A_317, %run_scoped3A_318, %dma_wait3A_326] : memref<32x2x80xi32, #tpu.memory_space<vmem>> -> memref<1x1x80xi32, #tpu.memory_space<vmem>>
        %dma_wait3A_328 = tpu.memref_squeeze %dma_wait3A_327 : memref<1x1x80xi32, #tpu.memory_space<vmem>> -> memref<80xi32, #tpu.memory_space<vmem>>
        %dma_wait3A_329 = arith.constant 0 : i32
        %dma_wait3A_330 = arith.constant 0 : i32
        %dma_wait3A_331 = tpu.memref_slice %arg11[%dma_wait3A_329, %dma_wait3A_330] : memref<10112x128xf32, #tpu.memory_space<vmem_shared>> -> memref<10112x128xf32, #tpu.memory_space<vmem_shared>>
        tpu.wait_indirect_dma semaphore(%run_scoped3A_319 : memref<!tpu.dma_semaphore, #tpu.memory_space<semaphore_mem>>) src(%arg10 : memref<80x128xf32, #tpu.memory_space<vmem>>) dst(%dma_wait3A_331 : memref<10112x128xf32, #tpu.memory_space<vmem_shared>>)
        tpu.yield
      }) : () -> ()
    }
    %scan3A_190 = arith.constant 7 : i32
    %dma_wait3A_191 = arith.constant 0 : i32
    %dma_wait3A_192 = arith.constant 0 : i32
    %dma_wait3A_193 = tpu.memref_slice %arg2[%dma_wait3A_191, %dma_wait3A_192] : memref<10000x128xf32, #tpu.memory_space<hbm>> -> memref<80x128xf32, #tpu.memory_space<hbm>>
    %dma_wait3A_194 = arith.constant 0 : i32
    %dma_wait3A_195 = arith.constant 0 : i32
    %dma_wait3A_196 = tpu.memref_slice %arg2[%dma_wait3A_194, %dma_wait3A_195] : memref<10000x128xf32, #tpu.memory_space<hbm>> -> memref<80x128xf32, #tpu.memory_space<hbm>>
    tpu.wait_dma2 semaphore(%arg12 : memref<!tpu.dma_semaphore, #tpu.memory_space<semaphore_mem>>) src(%dma_wait3A_196 : memref<80x128xf32, #tpu.memory_space<hbm>>) dst(%arg7 : memref<80x128xf32, #tpu.memory_space<vmem>>)
    %dma_start3A_197 = arith.constant 31 : i32
    %dma_start3A_198 = arith.constant 1 : i32
    %dma_start3A_199 = arith.constant 0 : i32
    %dma_start3A_200 = tpu.memref_slice %arg6[%dma_start3A_197, %dma_start3A_198, %dma_start3A_199] : memref<32x2x80xi32, #tpu.memory_space<vmem>> -> memref<1x1x80xi32, #tpu.memory_space<vmem>>
    %dma_start3A_201 = tpu.memref_squeeze %dma_start3A_200 : memref<1x1x80xi32, #tpu.memory_space<vmem>> -> memref<80xi32, #tpu.memory_space<vmem>>
    %dma_start3A_202 = arith.constant 0 : i32
    %dma_start3A_203 = arith.constant 0 : i32
    %dma_start3A_204 = tpu.memref_slice %arg2[%dma_start3A_202, %dma_start3A_203] : memref<10000x128xf32, #tpu.memory_space<hbm>> -> memref<10000x128xf32, #tpu.memory_space<hbm>>
    tpu.enqueue_indirect_dma source(%dma_start3A_204 : memref<10000x128xf32, #tpu.memory_space<hbm>>) target(%arg10 : memref<80x128xf32, #tpu.memory_space<vmem>>) offsets(%dma_start3A_201 : memref<80xi32, #tpu.memory_space<vmem>>) semaphore(%arg15 : memref<!tpu.dma_semaphore, #tpu.memory_space<semaphore_mem>>)
    %run_scoped3A_205 = arith.constant 28 : i32
    %run_scoped3A_206 = arith.constant 0 : i32
    "tpu.region"() ({
      %run_scoped3A_236 = tpu.sem_alloc : memref<!tpu.dma_semaphore, #tpu.memory_space<semaphore_mem>>
      %dma_start3A_237 = arith.constant 0 : i32
      %dma_start3A_238 = tpu.memref_slice %arg6[%run_scoped3A_205, %run_scoped3A_206, %dma_start3A_237] : memref<32x2x80xi32, #tpu.memory_space<vmem>> -> memref<1x1x80xi32, #tpu.memory_space<vmem>>
      %dma_start3A_239 = tpu.memref_squeeze %dma_start3A_238 : memref<1x1x80xi32, #tpu.memory_space<vmem>> -> memref<80xi32, #tpu.memory_space<vmem>>
      %dma_start3A_240 = arith.constant 0 : i32
      %dma_start3A_241 = arith.constant 0 : i32
      %dma_start3A_242 = tpu.memref_slice %arg11[%dma_start3A_240, %dma_start3A_241] : memref<10112x128xf32, #tpu.memory_space<vmem_shared>> -> memref<10112x128xf32, #tpu.memory_space<vmem_shared>>
      tpu.enqueue_indirect_dma source(%arg7 : memref<80x128xf32, #tpu.memory_space<vmem>>) target(%dma_start3A_242 : memref<10112x128xf32, #tpu.memory_space<vmem_shared>>) offsets(%dma_start3A_239 : memref<80xi32, #tpu.memory_space<vmem>>) semaphore(%run_scoped3A_236 : memref<!tpu.dma_semaphore, #tpu.memory_space<semaphore_mem>>) {add = true}
      %dma_wait3A_243 = arith.constant 0 : i32
      %dma_wait3A_244 = tpu.memref_slice %arg6[%run_scoped3A_205, %run_scoped3A_206, %dma_wait3A_243] : memref<32x2x80xi32, #tpu.memory_space<vmem>> -> memref<1x1x80xi32, #tpu.memory_space<vmem>>
      %dma_wait3A_245 = tpu.memref_squeeze %dma_wait3A_244 : memref<1x1x80xi32, #tpu.memory_space<vmem>> -> memref<80xi32, #tpu.memory_space<vmem>>
      %dma_wait3A_246 = arith.constant 0 : i32
      %dma_wait3A_247 = arith.constant 0 : i32
      %dma_wait3A_248 = tpu.memref_slice %arg11[%dma_wait3A_246, %dma_wait3A_247] : memref<10112x128xf32, #tpu.memory_space<vmem_shared>> -> memref<10112x128xf32, #tpu.memory_space<vmem_shared>>
      tpu.wait_indirect_dma semaphore(%run_scoped3A_236 : memref<!tpu.dma_semaphore, #tpu.memory_space<semaphore_mem>>) src(%arg7 : memref<80x128xf32, #tpu.memory_space<vmem>>) dst(%dma_wait3A_248 : memref<10112x128xf32, #tpu.memory_space<vmem_shared>>)
      tpu.yield
    }) : () -> ()
    %dma_wait3A_207 = arith.constant 0 : i32
    %dma_wait3A_208 = arith.constant 0 : i32
    %dma_wait3A_209 = tpu.memref_slice %arg2[%dma_wait3A_207, %dma_wait3A_208] : memref<10000x128xf32, #tpu.memory_space<hbm>> -> memref<80x128xf32, #tpu.memory_space<hbm>>
    %dma_wait3A_210 = arith.constant 0 : i32
    %dma_wait3A_211 = arith.constant 0 : i32
    %dma_wait3A_212 = tpu.memref_slice %arg2[%dma_wait3A_210, %dma_wait3A_211] : memref<10000x128xf32, #tpu.memory_space<hbm>> -> memref<80x128xf32, #tpu.memory_space<hbm>>
    tpu.wait_dma2 semaphore(%arg13 : memref<!tpu.dma_semaphore, #tpu.memory_space<semaphore_mem>>) src(%dma_wait3A_212 : memref<80x128xf32, #tpu.memory_space<hbm>>) dst(%arg8 : memref<80x128xf32, #tpu.memory_space<vmem>>)
    %run_scoped3A_213 = arith.constant 29 : i32
    %run_scoped3A_214 = arith.constant 0 : i32
    "tpu.region"() ({
      %run_scoped3A_236 = tpu.sem_alloc : memref<!tpu.dma_semaphore, #tpu.memory_space<semaphore_mem>>
      %dma_start3A_237 = arith.constant 0 : i32
      %dma_start3A_238 = tpu.memref_slice %arg6[%run_scoped3A_213, %run_scoped3A_214, %dma_start3A_237] : memref<32x2x80xi32, #tpu.memory_space<vmem>> -> memref<1x1x80xi32, #tpu.memory_space<vmem>>
      %dma_start3A_239 = tpu.memref_squeeze %dma_start3A_238 : memref<1x1x80xi32, #tpu.memory_space<vmem>> -> memref<80xi32, #tpu.memory_space<vmem>>
      %dma_start3A_240 = arith.constant 0 : i32
      %dma_start3A_241 = arith.constant 0 : i32
      %dma_start3A_242 = tpu.memref_slice %arg11[%dma_start3A_240, %dma_start3A_241] : memref<10112x128xf32, #tpu.memory_space<vmem_shared>> -> memref<10112x128xf32, #tpu.memory_space<vmem_shared>>
      tpu.enqueue_indirect_dma source(%arg8 : memref<80x128xf32, #tpu.memory_space<vmem>>) target(%dma_start3A_242 : memref<10112x128xf32, #tpu.memory_space<vmem_shared>>) offsets(%dma_start3A_239 : memref<80xi32, #tpu.memory_space<vmem>>) semaphore(%run_scoped3A_236 : memref<!tpu.dma_semaphore, #tpu.memory_space<semaphore_mem>>) {add = true}
      %dma_wait3A_243 = arith.constant 0 : i32
      %dma_wait3A_244 = tpu.memref_slice %arg6[%run_scoped3A_213, %run_scoped3A_214, %dma_wait3A_243] : memref<32x2x80xi32, #tpu.memory_space<vmem>> -> memref<1x1x80xi32, #tpu.memory_space<vmem>>
      %dma_wait3A_245 = tpu.memref_squeeze %dma_wait3A_244 : memref<1x1x80xi32, #tpu.memory_space<vmem>> -> memref<80xi32, #tpu.memory_space<vmem>>
      %dma_wait3A_246 = arith.constant 0 : i32
      %dma_wait3A_247 = arith.constant 0 : i32
      %dma_wait3A_248 = tpu.memref_slice %arg11[%dma_wait3A_246, %dma_wait3A_247] : memref<10112x128xf32, #tpu.memory_space<vmem_shared>> -> memref<10112x128xf32, #tpu.memory_space<vmem_shared>>
      tpu.wait_indirect_dma semaphore(%run_scoped3A_236 : memref<!tpu.dma_semaphore, #tpu.memory_space<semaphore_mem>>) src(%arg8 : memref<80x128xf32, #tpu.memory_space<vmem>>) dst(%dma_wait3A_248 : memref<10112x128xf32, #tpu.memory_space<vmem_shared>>)
      tpu.yield
    }) : () -> ()
    %dma_wait3A_215 = arith.constant 0 : i32
    %dma_wait3A_216 = arith.constant 0 : i32
    %dma_wait3A_217 = tpu.memref_slice %arg2[%dma_wait3A_215, %dma_wait3A_216] : memref<10000x128xf32, #tpu.memory_space<hbm>> -> memref<80x128xf32, #tpu.memory_space<hbm>>
    %dma_wait3A_218 = arith.constant 0 : i32
    %dma_wait3A_219 = arith.constant 0 : i32
    %dma_wait3A_220 = tpu.memref_slice %arg2[%dma_wait3A_218, %dma_wait3A_219] : memref<10000x128xf32, #tpu.memory_space<hbm>> -> memref<80x128xf32, #tpu.memory_space<hbm>>
    tpu.wait_dma2 semaphore(%arg14 : memref<!tpu.dma_semaphore, #tpu.memory_space<semaphore_mem>>) src(%dma_wait3A_220 : memref<80x128xf32, #tpu.memory_space<hbm>>) dst(%arg9 : memref<80x128xf32, #tpu.memory_space<vmem>>)
    %run_scoped3A_221 = arith.constant 30 : i32
    %run_scoped3A_222 = arith.constant 0 : i32
    "tpu.region"() ({
      %run_scoped3A_236 = tpu.sem_alloc : memref<!tpu.dma_semaphore, #tpu.memory_space<semaphore_mem>>
      %dma_start3A_237 = arith.constant 0 : i32
      %dma_start3A_238 = tpu.memref_slice %arg6[%run_scoped3A_221, %run_scoped3A_222, %dma_start3A_237] : memref<32x2x80xi32, #tpu.memory_space<vmem>> -> memref<1x1x80xi32, #tpu.memory_space<vmem>>
      %dma_start3A_239 = tpu.memref_squeeze %dma_start3A_238 : memref<1x1x80xi32, #tpu.memory_space<vmem>> -> memref<80xi32, #tpu.memory_space<vmem>>
      %dma_start3A_240 = arith.constant 0 : i32
      %dma_start3A_241 = arith.constant 0 : i32
      %dma_start3A_242 = tpu.memref_slice %arg11[%dma_start3A_240, %dma_start3A_241] : memref<10112x128xf32, #tpu.memory_space<vmem_shared>> -> memref<10112x128xf32, #tpu.memory_space<vmem_shared>>
      tpu.enqueue_indirect_dma source(%arg9 : memref<80x128xf32, #tpu.memory_space<vmem>>) target(%dma_start3A_242 : memref<10112x128xf32, #tpu.memory_space<vmem_shared>>) offsets(%dma_start3A_239 : memref<80xi32, #tpu.memory_space<vmem>>) semaphore(%run_scoped3A_236 : memref<!tpu.dma_semaphore, #tpu.memory_space<semaphore_mem>>) {add = true}
      %dma_wait3A_243 = arith.constant 0 : i32
      %dma_wait3A_244 = tpu.memref_slice %arg6[%run_scoped3A_221, %run_scoped3A_222, %dma_wait3A_243] : memref<32x2x80xi32, #tpu.memory_space<vmem>> -> memref<1x1x80xi32, #tpu.memory_space<vmem>>
      %dma_wait3A_245 = tpu.memref_squeeze %dma_wait3A_244 : memref<1x1x80xi32, #tpu.memory_space<vmem>> -> memref<80xi32, #tpu.memory_space<vmem>>
      %dma_wait3A_246 = arith.constant 0 : i32
      %dma_wait3A_247 = arith.constant 0 : i32
      %dma_wait3A_248 = tpu.memref_slice %arg11[%dma_wait3A_246, %dma_wait3A_247] : memref<10112x128xf32, #tpu.memory_space<vmem_shared>> -> memref<10112x128xf32, #tpu.memory_space<vmem_shared>>
      tpu.wait_indirect_dma semaphore(%run_scoped3A_236 : memref<!tpu.dma_semaphore, #tpu.memory_space<semaphore_mem>>) src(%arg9 : memref<80x128xf32, #tpu.memory_space<vmem>>) dst(%dma_wait3A_248 : memref<10112x128xf32, #tpu.memory_space<vmem_shared>>)
      tpu.yield
    }) : () -> ()
    %dma_wait3A_223 = arith.constant 0 : i32
    %dma_wait3A_224 = arith.constant 0 : i32
    %dma_wait3A_225 = tpu.memref_slice %arg2[%dma_wait3A_223, %dma_wait3A_224] : memref<10000x128xf32, #tpu.memory_space<hbm>> -> memref<80x128xf32, #tpu.memory_space<hbm>>
    %dma_wait3A_226 = arith.constant 0 : i32
    %dma_wait3A_227 = arith.constant 0 : i32
    %dma_wait3A_228 = tpu.memref_slice %arg2[%dma_wait3A_226, %dma_wait3A_227] : memref<10000x128xf32, #tpu.memory_space<hbm>> -> memref<80x128xf32, #tpu.memory_space<hbm>>
    tpu.wait_dma2 semaphore(%arg15 : memref<!tpu.dma_semaphore, #tpu.memory_space<semaphore_mem>>) src(%dma_wait3A_228 : memref<80x128xf32, #tpu.memory_space<hbm>>) dst(%arg10 : memref<80x128xf32, #tpu.memory_space<vmem>>)
    %run_scoped3A_229 = arith.constant 31 : i32
    %run_scoped3A_230 = arith.constant 0 : i32
    "tpu.region"() ({
      %run_scoped3A_236 = tpu.sem_alloc : memref<!tpu.dma_semaphore, #tpu.memory_space<semaphore_mem>>
      %dma_start3A_237 = arith.constant 0 : i32
      %dma_start3A_238 = tpu.memref_slice %arg6[%run_scoped3A_229, %run_scoped3A_230, %dma_start3A_237] : memref<32x2x80xi32, #tpu.memory_space<vmem>> -> memref<1x1x80xi32, #tpu.memory_space<vmem>>
      %dma_start3A_239 = tpu.memref_squeeze %dma_start3A_238 : memref<1x1x80xi32, #tpu.memory_space<vmem>> -> memref<80xi32, #tpu.memory_space<vmem>>
      %dma_start3A_240 = arith.constant 0 : i32
      %dma_start3A_241 = arith.constant 0 : i32
      %dma_start3A_242 = tpu.memref_slice %arg11[%dma_start3A_240, %dma_start3A_241] : memref<10112x128xf32, #tpu.memory_space<vmem_shared>> -> memref<10112x128xf32, #tpu.memory_space<vmem_shared>>
      tpu.enqueue_indirect_dma source(%arg10 : memref<80x128xf32, #tpu.memory_space<vmem>>) target(%dma_start3A_242 : memref<10112x128xf32, #tpu.memory_space<vmem_shared>>) offsets(%dma_start3A_239 : memref<80xi32, #tpu.memory_space<vmem>>) semaphore(%run_scoped3A_236 : memref<!tpu.dma_semaphore, #tpu.memory_space<semaphore_mem>>) {add = true}
      %dma_wait3A_243 = arith.constant 0 : i32
      %dma_wait3A_244 = tpu.memref_slice %arg6[%run_scoped3A_229, %run_scoped3A_230, %dma_wait3A_243] : memref<32x2x80xi32, #tpu.memory_space<vmem>> -> memref<1x1x80xi32, #tpu.memory_space<vmem>>
      %dma_wait3A_245 = tpu.memref_squeeze %dma_wait3A_244 : memref<1x1x80xi32, #tpu.memory_space<vmem>> -> memref<80xi32, #tpu.memory_space<vmem>>
      %dma_wait3A_246 = arith.constant 0 : i32
      %dma_wait3A_247 = arith.constant 0 : i32
      %dma_wait3A_248 = tpu.memref_slice %arg11[%dma_wait3A_246, %dma_wait3A_247] : memref<10112x128xf32, #tpu.memory_space<vmem_shared>> -> memref<10112x128xf32, #tpu.memory_space<vmem_shared>>
      tpu.wait_indirect_dma semaphore(%run_scoped3A_236 : memref<!tpu.dma_semaphore, #tpu.memory_space<semaphore_mem>>) src(%arg10 : memref<80x128xf32, #tpu.memory_space<vmem>>) dst(%dma_wait3A_248 : memref<10112x128xf32, #tpu.memory_space<vmem_shared>>)
      tpu.yield
    }) : () -> ()
    %barrier3A_231 = arith.constant 0 : index
    tpu.barrier barrier_id(%barrier3A_231)
    %mul3A_232 = arith.constant 632 : i32
    %mul3A_233 = arith.muli %arg1, %mul3A_232 : i32
    %mul3A_234 = arith.constant 632 : i32
    %mul3A_235 = arith.muli %arg1, %mul3A_234 : i32
    "tpu.region"() ({
      %run_scoped3A_236 = tpu.sem_alloc : memref<!tpu.dma_semaphore, #tpu.memory_space<semaphore_mem>>
      %dma_start3A_237 = arith.constant 0 : i32
      %dma_start3A_238 = tpu.memref_slice %arg5[%arg0, %mul3A_235, %dma_start3A_237] : memref<2x10112x128xf32, #tpu.memory_space<hbm>> -> memref<1x632x128xf32, #tpu.memory_space<hbm>>
      %dma_start3A_239 = tpu.memref_squeeze %dma_start3A_238 : memref<1x632x128xf32, #tpu.memory_space<hbm>> -> memref<632x128xf32, #tpu.memory_space<hbm>>
      %dma_start3A_240 = arith.constant 0 : i32
      %dma_start3A_241 = tpu.memref_slice %arg11[%mul3A_233, %dma_start3A_240] : memref<10112x128xf32, #tpu.memory_space<vmem_shared>> -> memref<632x128xf32, #tpu.memory_space<vmem_shared>>
      tpu.enqueue_dma source(%dma_start3A_241 : memref<632x128xf32, #tpu.memory_space<vmem_shared>>) target(%dma_start3A_239 : memref<632x128xf32, #tpu.memory_space<hbm>>) target_semaphore(%run_scoped3A_236 : memref<!tpu.dma_semaphore, #tpu.memory_space<semaphore_mem>>)
      %dma_wait3A_242 = arith.constant 0 : i32
      %dma_wait3A_243 = tpu.memref_slice %arg5[%arg0, %mul3A_235, %dma_wait3A_242] : memref<2x10112x128xf32, #tpu.memory_space<hbm>> -> memref<1x632x128xf32, #tpu.memory_space<hbm>>
      %dma_wait3A_244 = tpu.memref_squeeze %dma_wait3A_243 : memref<1x632x128xf32, #tpu.memory_space<hbm>> -> memref<632x128xf32, #tpu.memory_space<hbm>>
      %dma_wait3A_245 = arith.constant 0 : i32
      %dma_wait3A_246 = tpu.memref_slice %arg11[%mul3A_233, %dma_wait3A_245] : memref<10112x128xf32, #tpu.memory_space<vmem_shared>> -> memref<632x128xf32, #tpu.memory_space<vmem_shared>>
      tpu.wait_dma2 semaphore(%run_scoped3A_236 : memref<!tpu.dma_semaphore, #tpu.memory_space<semaphore_mem>>) src(%dma_wait3A_246 : memref<632x128xf32, #tpu.memory_space<vmem_shared>>) dst(%dma_wait3A_244 : memref<632x128xf32, #tpu.memory_space<hbm>>)
      tpu.yield
    }) : () -> ()
    return
  }
}

#map = affine_map<(d0, d1) -> (0, 0)>
#map1 = affine_map<(d0, d1) -> (0, 0, 0, 0)>
#map2 = affine_map<(d0, d1) -> (0, 0, 0)>
module attributes {stable_mosaic.version = 14 : i64} {
  func.func @agg_kernel(%arg0: i32, %arg1: i32, %arg2: memref<10000x128xf32, #tpu.memory_space<hbm>>, %arg3: memref<32x125x2x80xi32, #tpu.memory_space<hbm>>, %arg4: memref<632x128xf32, #tpu.memory_space<hbm>>, %arg5: memref<2x10112x128xf32, #tpu.memory_space<hbm>>, %arg6: memref<32x2x80xi32, #tpu.memory_space<vmem>>, %arg7: memref<80x128xf32, #tpu.memory_space<vmem>>, %arg8: memref<80x128xf32, #tpu.memory_space<vmem>>, %arg9: memref<80x128xf32, #tpu.memory_space<vmem>>, %arg10: memref<80x128xf32, #tpu.memory_space<vmem>>, %arg11: memref<10112x128xf32, #tpu.memory_space<vmem_shared>>, %arg12: memref<!tpu.dma_semaphore, #tpu.memory_space<semaphore_mem>>, %arg13: memref<!tpu.dma_semaphore, #tpu.memory_space<semaphore_mem>>, %arg14: memref<!tpu.dma_semaphore, #tpu.memory_space<semaphore_mem>>, %arg15: memref<!tpu.dma_semaphore, #tpu.memory_space<semaphore_mem>>) attributes {dimension_semantics = [#tpu.dimension_semantics<core_parallel>, #tpu.dimension_semantics<subcore_parallel>], iteration_bounds = array<i64: 2, 16>, scalar_prefetch = 0 : i64, scratch_operands = 10 : i64, tpu.core_type = #tpu.core_type<sc_vector_subcore>, window_params = [{transform_indices = #map}, {transform_indices = #map1}, {transform_indices = #map}, {transform_indices = #map2}]} {
    %mul3A = arith.constant 16 : i32
    %mul3A_0 = arith.muli %arg0, %mul3A : i32
    %add3A = arith.addi %mul3A_0, %arg1 : i32
    "tpu.region"() ({
      %run_scoped3A_236 = tpu.sem_alloc : memref<!tpu.dma_semaphore, #tpu.memory_space<semaphore_mem>>
      %dma_start3A_237 = arith.constant 0 : i32
      %dma_start3A_238 = arith.constant 0 : i32
      %dma_start3A_239 = arith.constant 0 : i32
      %dma_start3A_240 = tpu.memref_slice %arg3[%add3A, %dma_start3A_237, %dma_start3A_238, %dma_start3A_239] : memref<32x125x2x80xi32, #tpu.memory_space<hbm>> -> memref<1x32x2x80xi32, #tpu.memory_space<hbm>>
      %dma_start3A_241 = tpu.memref_squeeze %dma_start3A_240 : memref<1x32x2x80xi32, #tpu.memory_space<hbm>> -> memref<32x2x80xi32, #tpu.memory_space<hbm>>
      %dma_start3A_242 = arith.constant 0 : i32
      %dma_start3A_243 = arith.constant 0 : i32
      %dma_start3A_244 = arith.constant 0 : i32
      %dma_start3A_245 = tpu.memref_slice %arg3[%add3A, %dma_start3A_242, %dma_start3A_243, %dma_start3A_244] : memref<32x125x2x80xi32, #tpu.memory_space<hbm>> -> memref<1x32x2x80xi32, #tpu.memory_space<hbm>>
      %dma_start3A_246 = tpu.memref_squeeze %dma_start3A_245 : memref<1x32x2x80xi32, #tpu.memory_space<hbm>> -> memref<32x2x80xi32, #tpu.memory_space<hbm>>
      tpu.enqueue_dma source(%dma_start3A_246 : memref<32x2x80xi32, #tpu.memory_space<hbm>>) target(%arg6 : memref<32x2x80xi32, #tpu.memory_space<vmem>>) target_semaphore(%run_scoped3A_236 : memref<!tpu.dma_semaphore, #tpu.memory_space<semaphore_mem>>)
      %dma_wait3A_247 = arith.constant 0 : i32
      %dma_wait3A_248 = arith.constant 0 : i32
      %dma_wait3A_249 = arith.constant 0 : i32
      %dma_wait3A_250 = tpu.memref_slice %arg3[%add3A, %dma_wait3A_247, %dma_wait3A_248, %dma_wait3A_249] : memref<32x125x2x80xi32, #tpu.memory_space<hbm>> -> memref<1x32x2x80xi32, #tpu.memory_space<hbm>>
      %dma_wait3A_251 = tpu.memref_squeeze %dma_wait3A_250 : memref<1x32x2x80xi32, #tpu.memory_space<hbm>> -> memref<32x2x80xi32, #tpu.memory_space<hbm>>
      %dma_wait3A_252 = arith.constant 0 : i32
      %dma_wait3A_253 = arith.constant 0 : i32
      %dma_wait3A_254 = arith.constant 0 : i32
      %dma_wait3A_255 = tpu.memref_slice %arg3[%add3A, %dma_wait3A_252, %dma_wait3A_253, %dma_wait3A_254] : memref<32x125x2x80xi32, #tpu.memory_space<hbm>> -> memref<1x32x2x80xi32, #tpu.memory_space<hbm>>
      %dma_wait3A_256 = tpu.memref_squeeze %dma_wait3A_255 : memref<1x32x2x80xi32, #tpu.memory_space<hbm>> -> memref<32x2x80xi32, #tpu.memory_space<hbm>>
      tpu.wait_dma2 semaphore(%run_scoped3A_236 : memref<!tpu.dma_semaphore, #tpu.memory_space<semaphore_mem>>) src(%dma_wait3A_256 : memref<32x2x80xi32, #tpu.memory_space<hbm>>) dst(%arg6 : memref<32x2x80xi32, #tpu.memory_space<vmem>>)
      tpu.yield
    }) : () -> ()
    %dma_start3A = arith.constant 0 : i32
    %dma_start3A_1 = arith.constant 1 : i32
    %dma_start3A_2 = arith.constant 0 : i32
    %dma_start3A_3 = tpu.memref_slice %arg6[%dma_start3A, %dma_start3A_1, %dma_start3A_2] : memref<32x2x80xi32, #tpu.memory_space<vmem>> -> memref<1x1x80xi32, #tpu.memory_space<vmem>>
    %dma_start3A_4 = tpu.memref_squeeze %dma_start3A_3 : memref<1x1x80xi32, #tpu.memory_space<vmem>> -> memref<80xi32, #tpu.memory_space<vmem>>
    %dma_start3A_5 = arith.constant 0 : i32
    %dma_start3A_6 = arith.constant 0 : i32
    %dma_start3A_7 = tpu.memref_slice %arg2[%dma_start3A_5, %dma_start3A_6] : memref<10000x128xf32, #tpu.memory_space<hbm>> -> memref<10000x128xf32, #tpu.memory_space<hbm>>
    tpu.enqueue_indirect_dma source(%dma_start3A_7 : memref<10000x128xf32, #tpu.memory_space<hbm>>) target(%arg7 : memref<80x128xf32, #tpu.memory_space<vmem>>) offsets(%dma_start3A_4 : memref<80xi32, #tpu.memory_space<vmem>>) semaphore(%arg12 : memref<!tpu.dma_semaphore, #tpu.memory_space<semaphore_mem>>)
    %dma_start3A_8 = arith.constant 1 : i32
    %dma_start3A_9 = arith.constant 1 : i32
    %dma_start3A_10 = arith.constant 0 : i32
    %dma_start3A_11 = tpu.memref_slice %arg6[%dma_start3A_8, %dma_start3A_9, %dma_start3A_10] : memref<32x2x80xi32, #tpu.memory_space<vmem>> -> memref<1x1x80xi32, #tpu.memory_space<vmem>>
    %dma_start3A_12 = tpu.memref_squeeze %dma_start3A_11 : memref<1x1x80xi32, #tpu.memory_space<vmem>> -> memref<80xi32, #tpu.memory_space<vmem>>
    %dma_start3A_13 = arith.constant 0 : i32
    %dma_start3A_14 = arith.constant 0 : i32
    %dma_start3A_15 = tpu.memref_slice %arg2[%dma_start3A_13, %dma_start3A_14] : memref<10000x128xf32, #tpu.memory_space<hbm>> -> memref<10000x128xf32, #tpu.memory_space<hbm>>
    tpu.enqueue_indirect_dma source(%dma_start3A_15 : memref<10000x128xf32, #tpu.memory_space<hbm>>) target(%arg8 : memref<80x128xf32, #tpu.memory_space<vmem>>) offsets(%dma_start3A_12 : memref<80xi32, #tpu.memory_space<vmem>>) semaphore(%arg13 : memref<!tpu.dma_semaphore, #tpu.memory_space<semaphore_mem>>)
    %dma_start3A_16 = arith.constant 2 : i32
    %dma_start3A_17 = arith.constant 1 : i32
    %dma_start3A_18 = arith.constant 0 : i32
    %dma_start3A_19 = tpu.memref_slice %arg6[%dma_start3A_16, %dma_start3A_17, %dma_start3A_18] : memref<32x2x80xi32, #tpu.memory_space<vmem>> -> memref<1x1x80xi32, #tpu.memory_space<vmem>>
    %dma_start3A_20 = tpu.memref_squeeze %dma_start3A_19 : memref<1x1x80xi32, #tpu.memory_space<vmem>> -> memref<80xi32, #tpu.memory_space<vmem>>
    %dma_start3A_21 = arith.constant 0 : i32
    %dma_start3A_22 = arith.constant 0 : i32
    %dma_start3A_23 = tpu.memref_slice %arg2[%dma_start3A_21, %dma_start3A_22] : memref<10000x128xf32, #tpu.memory_space<hbm>> -> memref<10000x128xf32, #tpu.memory_space<hbm>>
    tpu.enqueue_indirect_dma source(%dma_start3A_23 : memref<10000x128xf32, #tpu.memory_space<hbm>>) target(%arg9 : memref<80x128xf32, #tpu.memory_space<vmem>>) offsets(%dma_start3A_20 : memref<80xi32, #tpu.memory_space<vmem>>) semaphore(%arg14 : memref<!tpu.dma_semaphore, #tpu.memory_space<semaphore_mem>>)
    %mul3A_24 = arith.constant 632 : i32
    %mul3A_25 = arith.muli %arg1, %mul3A_24 : i32
    "tpu.region"() ({
      %run_scoped3A_236 = tpu.sem_alloc : memref<!tpu.dma_semaphore, #tpu.memory_space<semaphore_mem>>
      %dma_start3A_237 = arith.constant 0 : i32
      %dma_start3A_238 = tpu.memref_slice %arg11[%mul3A_25, %dma_start3A_237] : memref<10112x128xf32, #tpu.memory_space<vmem_shared>> -> memref<632x128xf32, #tpu.memory_space<vmem_shared>>
      tpu.enqueue_dma source(%arg4 : memref<632x128xf32, #tpu.memory_space<hbm>>) target(%dma_start3A_238 : memref<632x128xf32, #tpu.memory_space<vmem_shared>>) target_semaphore(%run_scoped3A_236 : memref<!tpu.dma_semaphore, #tpu.memory_space<semaphore_mem>>)
      %dma_wait3A_239 = arith.constant 0 : i32
      %dma_wait3A_240 = tpu.memref_slice %arg11[%mul3A_25, %dma_wait3A_239] : memref<10112x128xf32, #tpu.memory_space<vmem_shared>> -> memref<632x128xf32, #tpu.memory_space<vmem_shared>>
      tpu.wait_dma2 semaphore(%run_scoped3A_236 : memref<!tpu.dma_semaphore, #tpu.memory_space<semaphore_mem>>) src(%arg4 : memref<632x128xf32, #tpu.memory_space<hbm>>) dst(%dma_wait3A_240 : memref<632x128xf32, #tpu.memory_space<vmem_shared>>)
      tpu.yield
    }) : () -> ()
    %barrier3A = arith.constant 0 : index
    tpu.barrier barrier_id(%barrier3A)
    %scan3A = arith.constant 0 : i32
    %scan3A_26 = arith.constant 0 : i32
    %scan3A_27 = arith.constant 7 : i32
    %scan3A_28 = arith.addi %scan3A_26, %scan3A_27 : i32
    %scan3A_29 = arith.constant 1 : i32
    scf.for %scan3A_236 = %scan3A_26 to %scan3A_28 step %scan3A_29  : i32 {
      %mul3A_237 = arith.constant 4 : i32
      %mul3A_238 = arith.muli %mul3A_237, %scan3A_236 : i32
      %dma_wait3A_239 = arith.constant 0 : i32
      %dma_wait3A_240 = arith.constant 0 : i32
      %dma_wait3A_241 = tpu.memref_slice %arg2[%dma_wait3A_239, %dma_wait3A_240] : memref<10000x128xf32, #tpu.memory_space<hbm>> -> memref<80x128xf32, #tpu.memory_space<hbm>>
      %dma_wait3A_242 = arith.constant 0 : i32
      %dma_wait3A_243 = arith.constant 0 : i32
      %dma_wait3A_244 = tpu.memref_slice %arg2[%dma_wait3A_242, %dma_wait3A_243] : memref<10000x128xf32, #tpu.memory_space<hbm>> -> memref<80x128xf32, #tpu.memory_space<hbm>>
      tpu.wait_dma2 semaphore(%arg12 : memref<!tpu.dma_semaphore, #tpu.memory_space<semaphore_mem>>) src(%dma_wait3A_244 : memref<80x128xf32, #tpu.memory_space<hbm>>) dst(%arg7 : memref<80x128xf32, #tpu.memory_space<vmem>>)
      %add3A_245 = arith.constant 0 : i32
      %add3A_246 = arith.addi %mul3A_238, %add3A_245 : i32
      %add3A_247 = arith.constant 3 : i32
      %add3A_248 = arith.addi %add3A_246, %add3A_247 : i32
      %dma_start3A_249 = arith.constant 1 : i32
      %dma_start3A_250 = arith.constant 0 : i32
      %dma_start3A_251 = tpu.memref_slice %arg6[%add3A_248, %dma_start3A_249, %dma_start3A_250] : memref<32x2x80xi32, #tpu.memory_space<vmem>> -> memref<1x1x80xi32, #tpu.memory_space<vmem>>
      %dma_start3A_252 = tpu.memref_squeeze %dma_start3A_251 : memref<1x1x80xi32, #tpu.memory_space<vmem>> -> memref<80xi32, #tpu.memory_space<vmem>>
      %dma_start3A_253 = arith.constant 0 : i32
      %dma_start3A_254 = arith.constant 0 : i32
      %dma_start3A_255 = tpu.memref_slice %arg2[%dma_start3A_253, %dma_start3A_254] : memref<10000x128xf32, #tpu.memory_space<hbm>> -> memref<10000x128xf32, #tpu.memory_space<hbm>>
      tpu.enqueue_indirect_dma source(%dma_start3A_255 : memref<10000x128xf32, #tpu.memory_space<hbm>>) target(%arg10 : memref<80x128xf32, #tpu.memory_space<vmem>>) offsets(%dma_start3A_252 : memref<80xi32, #tpu.memory_space<vmem>>) semaphore(%arg15 : memref<!tpu.dma_semaphore, #tpu.memory_space<semaphore_mem>>)
      %add3A_256 = arith.constant 0 : i32
      %add3A_257 = arith.addi %mul3A_238, %add3A_256 : i32
      %run_scoped3A_258 = arith.constant 0 : i32
      "tpu.region"() ({
        %run_scoped3A_319 = tpu.sem_alloc : memref<!tpu.dma_semaphore, #tpu.memory_space<semaphore_mem>>
        %dma_start3A_320 = arith.constant 0 : i32
        %dma_start3A_321 = tpu.memref_slice %arg6[%add3A_257, %run_scoped3A_258, %dma_start3A_320] : memref<32x2x80xi32, #tpu.memory_space<vmem>> -> memref<1x1x80xi32, #tpu.memory_space<vmem>>
        %dma_start3A_322 = tpu.memref_squeeze %dma_start3A_321 : memref<1x1x80xi32, #tpu.memory_space<vmem>> -> memref<80xi32, #tpu.memory_space<vmem>>
        %dma_start3A_323 = arith.constant 0 : i32
        %dma_start3A_324 = arith.constant 0 : i32
        %dma_start3A_325 = tpu.memref_slice %arg11[%dma_start3A_323, %dma_start3A_324] : memref<10112x128xf32, #tpu.memory_space<vmem_shared>> -> memref<10112x128xf32, #tpu.memory_space<vmem_shared>>
        tpu.enqueue_indirect_dma source(%arg7 : memref<80x128xf32, #tpu.memory_space<vmem>>) target(%dma_start3A_325 : memref<10112x128xf32, #tpu.memory_space<vmem_shared>>) offsets(%dma_start3A_322 : memref<80xi32, #tpu.memory_space<vmem>>) semaphore(%run_scoped3A_319 : memref<!tpu.dma_semaphore, #tpu.memory_space<semaphore_mem>>) {add = true}
        %dma_wait3A_326 = arith.constant 0 : i32
        %dma_wait3A_327 = tpu.memref_slice %arg6[%add3A_257, %run_scoped3A_258, %dma_wait3A_326] : memref<32x2x80xi32, #tpu.memory_space<vmem>> -> memref<1x1x80xi32, #tpu.memory_space<vmem>>
        %dma_wait3A_328 = tpu.memref_squeeze %dma_wait3A_327 : memref<1x1x80xi32, #tpu.memory_space<vmem>> -> memref<80xi32, #tpu.memory_space<vmem>>
        %dma_wait3A_329 = arith.constant 0 : i32
        %dma_wait3A_330 = arith.constant 0 : i32
        %dma_wait3A_331 = tpu.memref_slice %arg11[%dma_wait3A_329, %dma_wait3A_330] : memref<10112x128xf32, #tpu.memory_space<vmem_shared>> -> memref<10112x128xf32, #tpu.memory_space<vmem_shared>>
        tpu.wait_indirect_dma semaphore(%run_scoped3A_319 : memref<!tpu.dma_semaphore, #tpu.memory_space<semaphore_mem>>) src(%arg7 : memref<80x128xf32, #tpu.memory_space<vmem>>) dst(%dma_wait3A_331 : memref<10112x128xf32, #tpu.memory_space<vmem_shared>>)
        tpu.yield
      }) : () -> ()
      %dma_wait3A_259 = arith.constant 0 : i32
      %dma_wait3A_260 = arith.constant 0 : i32
      %dma_wait3A_261 = tpu.memref_slice %arg2[%dma_wait3A_259, %dma_wait3A_260] : memref<10000x128xf32, #tpu.memory_space<hbm>> -> memref<80x128xf32, #tpu.memory_space<hbm>>
      %dma_wait3A_262 = arith.constant 0 : i32
      %dma_wait3A_263 = arith.constant 0 : i32
      %dma_wait3A_264 = tpu.memref_slice %arg2[%dma_wait3A_262, %dma_wait3A_263] : memref<10000x128xf32, #tpu.memory_space<hbm>> -> memref<80x128xf32, #tpu.memory_space<hbm>>
      tpu.wait_dma2 semaphore(%arg13 : memref<!tpu.dma_semaphore, #tpu.memory_space<semaphore_mem>>) src(%dma_wait3A_264 : memref<80x128xf32, #tpu.memory_space<hbm>>) dst(%arg8 : memref<80x128xf32, #tpu.memory_space<vmem>>)
      %add3A_265 = arith.constant 1 : i32
      %add3A_266 = arith.addi %mul3A_238, %add3A_265 : i32
      %add3A_267 = arith.constant 3 : i32
      %add3A_268 = arith.addi %add3A_266, %add3A_267 : i32
      %dma_start3A_269 = arith.constant 1 : i32
      %dma_start3A_270 = arith.constant 0 : i32
      %dma_start3A_271 = tpu.memref_slice %arg6[%add3A_268, %dma_start3A_269, %dma_start3A_270] : memref<32x2x80xi32, #tpu.memory_space<vmem>> -> memref<1x1x80xi32, #tpu.memory_space<vmem>>
      %dma_start3A_272 = tpu.memref_squeeze %dma_start3A_271 : memref<1x1x80xi32, #tpu.memory_space<vmem>> -> memref<80xi32, #tpu.memory_space<vmem>>
      %dma_start3A_273 = arith.constant 0 : i32
      %dma_start3A_274 = arith.constant 0 : i32
      %dma_start3A_275 = tpu.memref_slice %arg2[%dma_start3A_273, %dma_start3A_274] : memref<10000x128xf32, #tpu.memory_space<hbm>> -> memref<10000x128xf32, #tpu.memory_space<hbm>>
      tpu.enqueue_indirect_dma source(%dma_start3A_275 : memref<10000x128xf32, #tpu.memory_space<hbm>>) target(%arg7 : memref<80x128xf32, #tpu.memory_space<vmem>>) offsets(%dma_start3A_272 : memref<80xi32, #tpu.memory_space<vmem>>) semaphore(%arg12 : memref<!tpu.dma_semaphore, #tpu.memory_space<semaphore_mem>>)
      %add3A_276 = arith.constant 1 : i32
      %add3A_277 = arith.addi %mul3A_238, %add3A_276 : i32
      %run_scoped3A_278 = arith.constant 0 : i32
      "tpu.region"() ({
        %run_scoped3A_319 = tpu.sem_alloc : memref<!tpu.dma_semaphore, #tpu.memory_space<semaphore_mem>>
        %dma_start3A_320 = arith.constant 0 : i32
        %dma_start3A_321 = tpu.memref_slice %arg6[%add3A_277, %run_scoped3A_278, %dma_start3A_320] : memref<32x2x80xi32, #tpu.memory_space<vmem>> -> memref<1x1x80xi32, #tpu.memory_space<vmem>>
        %dma_start3A_322 = tpu.memref_squeeze %dma_start3A_321 : memref<1x1x80xi32, #tpu.memory_space<vmem>> -> memref<80xi32, #tpu.memory_space<vmem>>
        %dma_start3A_323 = arith.constant 0 : i32
        %dma_start3A_324 = arith.constant 0 : i32
        %dma_start3A_325 = tpu.memref_slice %arg11[%dma_start3A_323, %dma_start3A_324] : memref<10112x128xf32, #tpu.memory_space<vmem_shared>> -> memref<10112x128xf32, #tpu.memory_space<vmem_shared>>
        tpu.enqueue_indirect_dma source(%arg8 : memref<80x128xf32, #tpu.memory_space<vmem>>) target(%dma_start3A_325 : memref<10112x128xf32, #tpu.memory_space<vmem_shared>>) offsets(%dma_start3A_322 : memref<80xi32, #tpu.memory_space<vmem>>) semaphore(%run_scoped3A_319 : memref<!tpu.dma_semaphore, #tpu.memory_space<semaphore_mem>>) {add = true}
        %dma_wait3A_326 = arith.constant 0 : i32
        %dma_wait3A_327 = tpu.memref_slice %arg6[%add3A_277, %run_scoped3A_278, %dma_wait3A_326] : memref<32x2x80xi32, #tpu.memory_space<vmem>> -> memref<1x1x80xi32, #tpu.memory_space<vmem>>
        %dma_wait3A_328 = tpu.memref_squeeze %dma_wait3A_327 : memref<1x1x80xi32, #tpu.memory_space<vmem>> -> memref<80xi32, #tpu.memory_space<vmem>>
        %dma_wait3A_329 = arith.constant 0 : i32
        %dma_wait3A_330 = arith.constant 0 : i32
        %dma_wait3A_331 = tpu.memref_slice %arg11[%dma_wait3A_329, %dma_wait3A_330] : memref<10112x128xf32, #tpu.memory_space<vmem_shared>> -> memref<10112x128xf32, #tpu.memory_space<vmem_shared>>
        tpu.wait_indirect_dma semaphore(%run_scoped3A_319 : memref<!tpu.dma_semaphore, #tpu.memory_space<semaphore_mem>>) src(%arg8 : memref<80x128xf32, #tpu.memory_space<vmem>>) dst(%dma_wait3A_331 : memref<10112x128xf32, #tpu.memory_space<vmem_shared>>)
        tpu.yield
      }) : () -> ()
      %dma_wait3A_279 = arith.constant 0 : i32
      %dma_wait3A_280 = arith.constant 0 : i32
      %dma_wait3A_281 = tpu.memref_slice %arg2[%dma_wait3A_279, %dma_wait3A_280] : memref<10000x128xf32, #tpu.memory_space<hbm>> -> memref<80x128xf32, #tpu.memory_space<hbm>>
      %dma_wait3A_282 = arith.constant 0 : i32
      %dma_wait3A_283 = arith.constant 0 : i32
      %dma_wait3A_284 = tpu.memref_slice %arg2[%dma_wait3A_282, %dma_wait3A_283] : memref<10000x128xf32, #tpu.memory_space<hbm>> -> memref<80x128xf32, #tpu.memory_space<hbm>>
      tpu.wait_dma2 semaphore(%arg14 : memref<!tpu.dma_semaphore, #tpu.memory_space<semaphore_mem>>) src(%dma_wait3A_284 : memref<80x128xf32, #tpu.memory_space<hbm>>) dst(%arg9 : memref<80x128xf32, #tpu.memory_space<vmem>>)
      %add3A_285 = arith.constant 2 : i32
      %add3A_286 = arith.addi %mul3A_238, %add3A_285 : i32
      %add3A_287 = arith.constant 3 : i32
      %add3A_288 = arith.addi %add3A_286, %add3A_287 : i32
      %dma_start3A_289 = arith.constant 1 : i32
      %dma_start3A_290 = arith.constant 0 : i32
      %dma_start3A_291 = tpu.memref_slice %arg6[%add3A_288, %dma_start3A_289, %dma_start3A_290] : memref<32x2x80xi32, #tpu.memory_space<vmem>> -> memref<1x1x80xi32, #tpu.memory_space<vmem>>
      %dma_start3A_292 = tpu.memref_squeeze %dma_start3A_291 : memref<1x1x80xi32, #tpu.memory_space<vmem>> -> memref<80xi32, #tpu.memory_space<vmem>>
      %dma_start3A_293 = arith.constant 0 : i32
      %dma_start3A_294 = arith.constant 0 : i32
      %dma_start3A_295 = tpu.memref_slice %arg2[%dma_start3A_293, %dma_start3A_294] : memref<10000x128xf32, #tpu.memory_space<hbm>> -> memref<10000x128xf32, #tpu.memory_space<hbm>>
      tpu.enqueue_indirect_dma source(%dma_start3A_295 : memref<10000x128xf32, #tpu.memory_space<hbm>>) target(%arg8 : memref<80x128xf32, #tpu.memory_space<vmem>>) offsets(%dma_start3A_292 : memref<80xi32, #tpu.memory_space<vmem>>) semaphore(%arg13 : memref<!tpu.dma_semaphore, #tpu.memory_space<semaphore_mem>>)
      %add3A_296 = arith.constant 2 : i32
      %add3A_297 = arith.addi %mul3A_238, %add3A_296 : i32
      %run_scoped3A_298 = arith.constant 0 : i32
      "tpu.region"() ({
        %run_scoped3A_319 = tpu.sem_alloc : memref<!tpu.dma_semaphore, #tpu.memory_space<semaphore_mem>>
        %dma_start3A_320 = arith.constant 0 : i32
        %dma_start3A_321 = tpu.memref_slice %arg6[%add3A_297, %run_scoped3A_298, %dma_start3A_320] : memref<32x2x80xi32, #tpu.memory_space<vmem>> -> memref<1x1x80xi32, #tpu.memory_space<vmem>>
        %dma_start3A_322 = tpu.memref_squeeze %dma_start3A_321 : memref<1x1x80xi32, #tpu.memory_space<vmem>> -> memref<80xi32, #tpu.memory_space<vmem>>
        %dma_start3A_323 = arith.constant 0 : i32
        %dma_start3A_324 = arith.constant 0 : i32
        %dma_start3A_325 = tpu.memref_slice %arg11[%dma_start3A_323, %dma_start3A_324] : memref<10112x128xf32, #tpu.memory_space<vmem_shared>> -> memref<10112x128xf32, #tpu.memory_space<vmem_shared>>
        tpu.enqueue_indirect_dma source(%arg9 : memref<80x128xf32, #tpu.memory_space<vmem>>) target(%dma_start3A_325 : memref<10112x128xf32, #tpu.memory_space<vmem_shared>>) offsets(%dma_start3A_322 : memref<80xi32, #tpu.memory_space<vmem>>) semaphore(%run_scoped3A_319 : memref<!tpu.dma_semaphore, #tpu.memory_space<semaphore_mem>>) {add = true}
        %dma_wait3A_326 = arith.constant 0 : i32
        %dma_wait3A_327 = tpu.memref_slice %arg6[%add3A_297, %run_scoped3A_298, %dma_wait3A_326] : memref<32x2x80xi32, #tpu.memory_space<vmem>> -> memref<1x1x80xi32, #tpu.memory_space<vmem>>
        %dma_wait3A_328 = tpu.memref_squeeze %dma_wait3A_327 : memref<1x1x80xi32, #tpu.memory_space<vmem>> -> memref<80xi32, #tpu.memory_space<vmem>>
        %dma_wait3A_329 = arith.constant 0 : i32
        %dma_wait3A_330 = arith.constant 0 : i32
        %dma_wait3A_331 = tpu.memref_slice %arg11[%dma_wait3A_329, %dma_wait3A_330] : memref<10112x128xf32, #tpu.memory_space<vmem_shared>> -> memref<10112x128xf32, #tpu.memory_space<vmem_shared>>
        tpu.wait_indirect_dma semaphore(%run_scoped3A_319 : memref<!tpu.dma_semaphore, #tpu.memory_space<semaphore_mem>>) src(%arg9 : memref<80x128xf32, #tpu.memory_space<vmem>>) dst(%dma_wait3A_331 : memref<10112x128xf32, #tpu.memory_space<vmem_shared>>)
        tpu.yield
      }) : () -> ()
      %dma_wait3A_299 = arith.constant 0 : i32
      %dma_wait3A_300 = arith.constant 0 : i32
      %dma_wait3A_301 = tpu.memref_slice %arg2[%dma_wait3A_299, %dma_wait3A_300] : memref<10000x128xf32, #tpu.memory_space<hbm>> -> memref<80x128xf32, #tpu.memory_space<hbm>>
      %dma_wait3A_302 = arith.constant 0 : i32
      %dma_wait3A_303 = arith.constant 0 : i32
      %dma_wait3A_304 = tpu.memref_slice %arg2[%dma_wait3A_302, %dma_wait3A_303] : memref<10000x128xf32, #tpu.memory_space<hbm>> -> memref<80x128xf32, #tpu.memory_space<hbm>>
      tpu.wait_dma2 semaphore(%arg15 : memref<!tpu.dma_semaphore, #tpu.memory_space<semaphore_mem>>) src(%dma_wait3A_304 : memref<80x128xf32, #tpu.memory_space<hbm>>) dst(%arg10 : memref<80x128xf32, #tpu.memory_space<vmem>>)
      %add3A_305 = arith.constant 3 : i32
      %add3A_306 = arith.addi %mul3A_238, %add3A_305 : i32
      %add3A_307 = arith.constant 3 : i32
      %add3A_308 = arith.addi %add3A_306, %add3A_307 : i32
      %dma_start3A_309 = arith.constant 1 : i32
      %dma_start3A_310 = arith.constant 0 : i32
      %dma_start3A_311 = tpu.memref_slice %arg6[%add3A_308, %dma_start3A_309, %dma_start3A_310] : memref<32x2x80xi32, #tpu.memory_space<vmem>> -> memref<1x1x80xi32, #tpu.memory_space<vmem>>
      %dma_start3A_312 = tpu.memref_squeeze %dma_start3A_311 : memref<1x1x80xi32, #tpu.memory_space<vmem>> -> memref<80xi32, #tpu.memory_space<vmem>>
      %dma_start3A_313 = arith.constant 0 : i32
      %dma_start3A_314 = arith.constant 0 : i32
      %dma_start3A_315 = tpu.memref_slice %arg2[%dma_start3A_313, %dma_start3A_314] : memref<10000x128xf32, #tpu.memory_space<hbm>> -> memref<10000x128xf32, #tpu.memory_space<hbm>>
      tpu.enqueue_indirect_dma source(%dma_start3A_315 : memref<10000x128xf32, #tpu.memory_space<hbm>>) target(%arg9 : memref<80x128xf32, #tpu.memory_space<vmem>>) offsets(%dma_start3A_312 : memref<80xi32, #tpu.memory_space<vmem>>) semaphore(%arg14 : memref<!tpu.dma_semaphore, #tpu.memory_space<semaphore_mem>>)
      %add3A_316 = arith.constant 3 : i32
      %add3A_317 = arith.addi %mul3A_238, %add3A_316 : i32
      %run_scoped3A_318 = arith.constant 0 : i32
      "tpu.region"() ({
        %run_scoped3A_319 = tpu.sem_alloc : memref<!tpu.dma_semaphore, #tpu.memory_space<semaphore_mem>>
        %dma_start3A_320 = arith.constant 0 : i32
        %dma_start3A_321 = tpu.memref_slice %arg6[%add3A_317, %run_scoped3A_318, %dma_start3A_320] : memref<32x2x80xi32, #tpu.memory_space<vmem>> -> memref<1x1x80xi32, #tpu.memory_space<vmem>>
        %dma_start3A_322 = tpu.memref_squeeze %dma_start3A_321 : memref<1x1x80xi32, #tpu.memory_space<vmem>> -> memref<80xi32, #tpu.memory_space<vmem>>
        %dma_start3A_323 = arith.constant 0 : i32
        %dma_start3A_324 = arith.constant 0 : i32
        %dma_start3A_325 = tpu.memref_slice %arg11[%dma_start3A_323, %dma_start3A_324] : memref<10112x128xf32, #tpu.memory_space<vmem_shared>> -> memref<10112x128xf32, #tpu.memory_space<vmem_shared>>
        tpu.enqueue_indirect_dma source(%arg10 : memref<80x128xf32, #tpu.memory_space<vmem>>) target(%dma_start3A_325 : memref<10112x128xf32, #tpu.memory_space<vmem_shared>>) offsets(%dma_start3A_322 : memref<80xi32, #tpu.memory_space<vmem>>) semaphore(%run_scoped3A_319 : memref<!tpu.dma_semaphore, #tpu.memory_space<semaphore_mem>>) {add = true}
        %dma_wait3A_326 = arith.constant 0 : i32
        %dma_wait3A_327 = tpu.memref_slice %arg6[%add3A_317, %run_scoped3A_318, %dma_wait3A_326] : memref<32x2x80xi32, #tpu.memory_space<vmem>> -> memref<1x1x80xi32, #tpu.memory_space<vmem>>
        %dma_wait3A_328 = tpu.memref_squeeze %dma_wait3A_327 : memref<1x1x80xi32, #tpu.memory_space<vmem>> -> memref<80xi32, #tpu.memory_space<vmem>>
        %dma_wait3A_329 = arith.constant 0 : i32
        %dma_wait3A_330 = arith.constant 0 : i32
        %dma_wait3A_331 = tpu.memref_slice %arg11[%dma_wait3A_329, %dma_wait3A_330] : memref<10112x128xf32, #tpu.memory_space<vmem_shared>> -> memref<10112x128xf32, #tpu.memory_space<vmem_shared>>
        tpu.wait_indirect_dma semaphore(%run_scoped3A_319 : memref<!tpu.dma_semaphore, #tpu.memory_space<semaphore_mem>>) src(%arg10 : memref<80x128xf32, #tpu.memory_space<vmem>>) dst(%dma_wait3A_331 : memref<10112x128xf32, #tpu.memory_space<vmem_shared>>)
        tpu.yield
      }) : () -> ()
    }
    %scan3A_30 = arith.constant 7 : i32
    %dma_wait3A = arith.constant 0 : i32
    %dma_wait3A_31 = arith.constant 0 : i32
    %dma_wait3A_32 = tpu.memref_slice %arg2[%dma_wait3A, %dma_wait3A_31] : memref<10000x128xf32, #tpu.memory_space<hbm>> -> memref<80x128xf32, #tpu.memory_space<hbm>>
    %dma_wait3A_33 = arith.constant 0 : i32
    %dma_wait3A_34 = arith.constant 0 : i32
    %dma_wait3A_35 = tpu.memref_slice %arg2[%dma_wait3A_33, %dma_wait3A_34] : memref<10000x128xf32, #tpu.memory_space<hbm>> -> memref<80x128xf32, #tpu.memory_space<hbm>>
    tpu.wait_dma2 semaphore(%arg12 : memref<!tpu.dma_semaphore, #tpu.memory_space<semaphore_mem>>) src(%dma_wait3A_35 : memref<80x128xf32, #tpu.memory_space<hbm>>) dst(%arg7 : memref<80x128xf32, #tpu.memory_space<vmem>>)
    %run_scoped3A = arith.constant 28 : i32
    %run_scoped3A_36 = arith.constant 0 : i32
    "tpu.region"() ({
      %run_scoped3A_236 = tpu.sem_alloc : memref<!tpu.dma_semaphore, #tpu.memory_space<semaphore_mem>>
      %dma_start3A_237 = arith.constant 0 : i32
      %dma_start3A_238 = tpu.memref_slice %arg6[%run_scoped3A, %run_scoped3A_36, %dma_start3A_237] : memref<32x2x80xi32, #tpu.memory_space<vmem>> -> memref<1x1x80xi32, #tpu.memory_space<vmem>>
      %dma_start3A_239 = tpu.memref_squeeze %dma_start3A_238 : memref<1x1x80xi32, #tpu.memory_space<vmem>> -> memref<80xi32, #tpu.memory_space<vmem>>
      %dma_start3A_240 = arith.constant 0 : i32
      %dma_start3A_241 = arith.constant 0 : i32
      %dma_start3A_242 = tpu.memref_slice %arg11[%dma_start3A_240, %dma_start3A_241] : memref<10112x128xf32, #tpu.memory_space<vmem_shared>> -> memref<10112x128xf32, #tpu.memory_space<vmem_shared>>
      tpu.enqueue_indirect_dma source(%arg7 : memref<80x128xf32, #tpu.memory_space<vmem>>) target(%dma_start3A_242 : memref<10112x128xf32, #tpu.memory_space<vmem_shared>>) offsets(%dma_start3A_239 : memref<80xi32, #tpu.memory_space<vmem>>) semaphore(%run_scoped3A_236 : memref<!tpu.dma_semaphore, #tpu.memory_space<semaphore_mem>>) {add = true}
      %dma_wait3A_243 = arith.constant 0 : i32
      %dma_wait3A_244 = tpu.memref_slice %arg6[%run_scoped3A, %run_scoped3A_36, %dma_wait3A_243] : memref<32x2x80xi32, #tpu.memory_space<vmem>> -> memref<1x1x80xi32, #tpu.memory_space<vmem>>
      %dma_wait3A_245 = tpu.memref_squeeze %dma_wait3A_244 : memref<1x1x80xi32, #tpu.memory_space<vmem>> -> memref<80xi32, #tpu.memory_space<vmem>>
      %dma_wait3A_246 = arith.constant 0 : i32
      %dma_wait3A_247 = arith.constant 0 : i32
      %dma_wait3A_248 = tpu.memref_slice %arg11[%dma_wait3A_246, %dma_wait3A_247] : memref<10112x128xf32, #tpu.memory_space<vmem_shared>> -> memref<10112x128xf32, #tpu.memory_space<vmem_shared>>
      tpu.wait_indirect_dma semaphore(%run_scoped3A_236 : memref<!tpu.dma_semaphore, #tpu.memory_space<semaphore_mem>>) src(%arg7 : memref<80x128xf32, #tpu.memory_space<vmem>>) dst(%dma_wait3A_248 : memref<10112x128xf32, #tpu.memory_space<vmem_shared>>)
      tpu.yield
    }) : () -> ()
    %dma_wait3A_37 = arith.constant 0 : i32
    %dma_wait3A_38 = arith.constant 0 : i32
    %dma_wait3A_39 = tpu.memref_slice %arg2[%dma_wait3A_37, %dma_wait3A_38] : memref<10000x128xf32, #tpu.memory_space<hbm>> -> memref<80x128xf32, #tpu.memory_space<hbm>>
    %dma_wait3A_40 = arith.constant 0 : i32
    %dma_wait3A_41 = arith.constant 0 : i32
    %dma_wait3A_42 = tpu.memref_slice %arg2[%dma_wait3A_40, %dma_wait3A_41] : memref<10000x128xf32, #tpu.memory_space<hbm>> -> memref<80x128xf32, #tpu.memory_space<hbm>>
    tpu.wait_dma2 semaphore(%arg13 : memref<!tpu.dma_semaphore, #tpu.memory_space<semaphore_mem>>) src(%dma_wait3A_42 : memref<80x128xf32, #tpu.memory_space<hbm>>) dst(%arg8 : memref<80x128xf32, #tpu.memory_space<vmem>>)
    %run_scoped3A_43 = arith.constant 29 : i32
    %run_scoped3A_44 = arith.constant 0 : i32
    "tpu.region"() ({
      %run_scoped3A_236 = tpu.sem_alloc : memref<!tpu.dma_semaphore, #tpu.memory_space<semaphore_mem>>
      %dma_start3A_237 = arith.constant 0 : i32
      %dma_start3A_238 = tpu.memref_slice %arg6[%run_scoped3A_43, %run_scoped3A_44, %dma_start3A_237] : memref<32x2x80xi32, #tpu.memory_space<vmem>> -> memref<1x1x80xi32, #tpu.memory_space<vmem>>
      %dma_start3A_239 = tpu.memref_squeeze %dma_start3A_238 : memref<1x1x80xi32, #tpu.memory_space<vmem>> -> memref<80xi32, #tpu.memory_space<vmem>>
      %dma_start3A_240 = arith.constant 0 : i32
      %dma_start3A_241 = arith.constant 0 : i32
      %dma_start3A_242 = tpu.memref_slice %arg11[%dma_start3A_240, %dma_start3A_241] : memref<10112x128xf32, #tpu.memory_space<vmem_shared>> -> memref<10112x128xf32, #tpu.memory_space<vmem_shared>>
      tpu.enqueue_indirect_dma source(%arg8 : memref<80x128xf32, #tpu.memory_space<vmem>>) target(%dma_start3A_242 : memref<10112x128xf32, #tpu.memory_space<vmem_shared>>) offsets(%dma_start3A_239 : memref<80xi32, #tpu.memory_space<vmem>>) semaphore(%run_scoped3A_236 : memref<!tpu.dma_semaphore, #tpu.memory_space<semaphore_mem>>) {add = true}
      %dma_wait3A_243 = arith.constant 0 : i32
      %dma_wait3A_244 = tpu.memref_slice %arg6[%run_scoped3A_43, %run_scoped3A_44, %dma_wait3A_243] : memref<32x2x80xi32, #tpu.memory_space<vmem>> -> memref<1x1x80xi32, #tpu.memory_space<vmem>>
      %dma_wait3A_245 = tpu.memref_squeeze %dma_wait3A_244 : memref<1x1x80xi32, #tpu.memory_space<vmem>> -> memref<80xi32, #tpu.memory_space<vmem>>
      %dma_wait3A_246 = arith.constant 0 : i32
      %dma_wait3A_247 = arith.constant 0 : i32
      %dma_wait3A_248 = tpu.memref_slice %arg11[%dma_wait3A_246, %dma_wait3A_247] : memref<10112x128xf32, #tpu.memory_space<vmem_shared>> -> memref<10112x128xf32, #tpu.memory_space<vmem_shared>>
      tpu.wait_indirect_dma semaphore(%run_scoped3A_236 : memref<!tpu.dma_semaphore, #tpu.memory_space<semaphore_mem>>) src(%arg8 : memref<80x128xf32, #tpu.memory_space<vmem>>) dst(%dma_wait3A_248 : memref<10112x128xf32, #tpu.memory_space<vmem_shared>>)
      tpu.yield
    }) : () -> ()
    %dma_wait3A_45 = arith.constant 0 : i32
    %dma_wait3A_46 = arith.constant 0 : i32
    %dma_wait3A_47 = tpu.memref_slice %arg2[%dma_wait3A_45, %dma_wait3A_46] : memref<10000x128xf32, #tpu.memory_space<hbm>> -> memref<80x128xf32, #tpu.memory_space<hbm>>
    %dma_wait3A_48 = arith.constant 0 : i32
    %dma_wait3A_49 = arith.constant 0 : i32
    %dma_wait3A_50 = tpu.memref_slice %arg2[%dma_wait3A_48, %dma_wait3A_49] : memref<10000x128xf32, #tpu.memory_space<hbm>> -> memref<80x128xf32, #tpu.memory_space<hbm>>
    tpu.wait_dma2 semaphore(%arg14 : memref<!tpu.dma_semaphore, #tpu.memory_space<semaphore_mem>>) src(%dma_wait3A_50 : memref<80x128xf32, #tpu.memory_space<hbm>>) dst(%arg9 : memref<80x128xf32, #tpu.memory_space<vmem>>)
    %run_scoped3A_51 = arith.constant 30 : i32
    %run_scoped3A_52 = arith.constant 0 : i32
    "tpu.region"() ({
      %run_scoped3A_236 = tpu.sem_alloc : memref<!tpu.dma_semaphore, #tpu.memory_space<semaphore_mem>>
      %dma_start3A_237 = arith.constant 0 : i32
      %dma_start3A_238 = tpu.memref_slice %arg6[%run_scoped3A_51, %run_scoped3A_52, %dma_start3A_237] : memref<32x2x80xi32, #tpu.memory_space<vmem>> -> memref<1x1x80xi32, #tpu.memory_space<vmem>>
      %dma_start3A_239 = tpu.memref_squeeze %dma_start3A_238 : memref<1x1x80xi32, #tpu.memory_space<vmem>> -> memref<80xi32, #tpu.memory_space<vmem>>
      %dma_start3A_240 = arith.constant 0 : i32
      %dma_start3A_241 = arith.constant 0 : i32
      %dma_start3A_242 = tpu.memref_slice %arg11[%dma_start3A_240, %dma_start3A_241] : memref<10112x128xf32, #tpu.memory_space<vmem_shared>> -> memref<10112x128xf32, #tpu.memory_space<vmem_shared>>
      tpu.enqueue_indirect_dma source(%arg9 : memref<80x128xf32, #tpu.memory_space<vmem>>) target(%dma_start3A_242 : memref<10112x128xf32, #tpu.memory_space<vmem_shared>>) offsets(%dma_start3A_239 : memref<80xi32, #tpu.memory_space<vmem>>) semaphore(%run_scoped3A_236 : memref<!tpu.dma_semaphore, #tpu.memory_space<semaphore_mem>>) {add = true}
      %dma_wait3A_243 = arith.constant 0 : i32
      %dma_wait3A_244 = tpu.memref_slice %arg6[%run_scoped3A_51, %run_scoped3A_52, %dma_wait3A_243] : memref<32x2x80xi32, #tpu.memory_space<vmem>> -> memref<1x1x80xi32, #tpu.memory_space<vmem>>
      %dma_wait3A_245 = tpu.memref_squeeze %dma_wait3A_244 : memref<1x1x80xi32, #tpu.memory_space<vmem>> -> memref<80xi32, #tpu.memory_space<vmem>>
      %dma_wait3A_246 = arith.constant 0 : i32
      %dma_wait3A_247 = arith.constant 0 : i32
      %dma_wait3A_248 = tpu.memref_slice %arg11[%dma_wait3A_246, %dma_wait3A_247] : memref<10112x128xf32, #tpu.memory_space<vmem_shared>> -> memref<10112x128xf32, #tpu.memory_space<vmem_shared>>
      tpu.wait_indirect_dma semaphore(%run_scoped3A_236 : memref<!tpu.dma_semaphore, #tpu.memory_space<semaphore_mem>>) src(%arg9 : memref<80x128xf32, #tpu.memory_space<vmem>>) dst(%dma_wait3A_248 : memref<10112x128xf32, #tpu.memory_space<vmem_shared>>)
      tpu.yield
    }) : () -> ()
    "tpu.region"() ({
      %run_scoped3A_236 = tpu.sem_alloc : memref<!tpu.dma_semaphore, #tpu.memory_space<semaphore_mem>>
      %dma_start3A_237 = arith.constant 31 : i32
      %dma_start3A_238 = arith.constant 0 : i32
      %dma_start3A_239 = arith.constant 0 : i32
      %dma_start3A_240 = tpu.memref_slice %arg3[%add3A, %dma_start3A_237, %dma_start3A_238, %dma_start3A_239] : memref<32x125x2x80xi32, #tpu.memory_space<hbm>> -> memref<1x32x2x80xi32, #tpu.memory_space<hbm>>
      %dma_start3A_241 = tpu.memref_squeeze %dma_start3A_240 : memref<1x32x2x80xi32, #tpu.memory_space<hbm>> -> memref<32x2x80xi32, #tpu.memory_space<hbm>>
      %dma_start3A_242 = arith.constant 31 : i32
      %dma_start3A_243 = arith.constant 0 : i32
      %dma_start3A_244 = arith.constant 0 : i32
      %dma_start3A_245 = tpu.memref_slice %arg3[%add3A, %dma_start3A_242, %dma_start3A_243, %dma_start3A_244] : memref<32x125x2x80xi32, #tpu.memory_space<hbm>> -> memref<1x32x2x80xi32, #tpu.memory_space<hbm>>
      %dma_start3A_246 = tpu.memref_squeeze %dma_start3A_245 : memref<1x32x2x80xi32, #tpu.memory_space<hbm>> -> memref<32x2x80xi32, #tpu.memory_space<hbm>>
      tpu.enqueue_dma source(%dma_start3A_246 : memref<32x2x80xi32, #tpu.memory_space<hbm>>) target(%arg6 : memref<32x2x80xi32, #tpu.memory_space<vmem>>) target_semaphore(%run_scoped3A_236 : memref<!tpu.dma_semaphore, #tpu.memory_space<semaphore_mem>>)
      %dma_wait3A_247 = arith.constant 31 : i32
      %dma_wait3A_248 = arith.constant 0 : i32
      %dma_wait3A_249 = arith.constant 0 : i32
      %dma_wait3A_250 = tpu.memref_slice %arg3[%add3A, %dma_wait3A_247, %dma_wait3A_248, %dma_wait3A_249] : memref<32x125x2x80xi32, #tpu.memory_space<hbm>> -> memref<1x32x2x80xi32, #tpu.memory_space<hbm>>
      %dma_wait3A_251 = tpu.memref_squeeze %dma_wait3A_250 : memref<1x32x2x80xi32, #tpu.memory_space<hbm>> -> memref<32x2x80xi32, #tpu.memory_space<hbm>>
      %dma_wait3A_252 = arith.constant 31 : i32
      %dma_wait3A_253 = arith.constant 0 : i32
      %dma_wait3A_254 = arith.constant 0 : i32
      %dma_wait3A_255 = tpu.memref_slice %arg3[%add3A, %dma_wait3A_252, %dma_wait3A_253, %dma_wait3A_254] : memref<32x125x2x80xi32, #tpu.memory_space<hbm>> -> memref<1x32x2x80xi32, #tpu.memory_space<hbm>>
      %dma_wait3A_256 = tpu.memref_squeeze %dma_wait3A_255 : memref<1x32x2x80xi32, #tpu.memory_space<hbm>> -> memref<32x2x80xi32, #tpu.memory_space<hbm>>
      tpu.wait_dma2 semaphore(%run_scoped3A_236 : memref<!tpu.dma_semaphore, #tpu.memory_space<semaphore_mem>>) src(%dma_wait3A_256 : memref<32x2x80xi32, #tpu.memory_space<hbm>>) dst(%arg6 : memref<32x2x80xi32, #tpu.memory_space<vmem>>)
      tpu.yield
    }) : () -> ()
    %dma_start3A_53 = arith.constant 0 : i32
    %dma_start3A_54 = arith.constant 1 : i32
    %dma_start3A_55 = arith.constant 0 : i32
    %dma_start3A_56 = tpu.memref_slice %arg6[%dma_start3A_53, %dma_start3A_54, %dma_start3A_55] : memref<32x2x80xi32, #tpu.memory_space<vmem>> -> memref<1x1x80xi32, #tpu.memory_space<vmem>>
    %dma_start3A_57 = tpu.memref_squeeze %dma_start3A_56 : memref<1x1x80xi32, #tpu.memory_space<vmem>> -> memref<80xi32, #tpu.memory_space<vmem>>
    %dma_start3A_58 = arith.constant 0 : i32
    %dma_start3A_59 = arith.constant 0 : i32
    %dma_start3A_60 = tpu.memref_slice %arg2[%dma_start3A_58, %dma_start3A_59] : memref<10000x128xf32, #tpu.memory_space<hbm>> -> memref<10000x128xf32, #tpu.memory_space<hbm>>
    tpu.enqueue_indirect_dma source(%dma_start3A_60 : memref<10000x128xf32, #tpu.memory_space<hbm>>) target(%arg7 : memref<80x128xf32, #tpu.memory_space<vmem>>) offsets(%dma_start3A_57 : memref<80xi32, #tpu.memory_space<vmem>>) semaphore(%arg12 : memref<!tpu.dma_semaphore, #tpu.memory_space<semaphore_mem>>)
    %dma_start3A_61 = arith.constant 1 : i32
    %dma_start3A_62 = arith.constant 1 : i32
    %dma_start3A_63 = arith.constant 0 : i32
    %dma_start3A_64 = tpu.memref_slice %arg6[%dma_start3A_61, %dma_start3A_62, %dma_start3A_63] : memref<32x2x80xi32, #tpu.memory_space<vmem>> -> memref<1x1x80xi32, #tpu.memory_space<vmem>>
    %dma_start3A_65 = tpu.memref_squeeze %dma_start3A_64 : memref<1x1x80xi32, #tpu.memory_space<vmem>> -> memref<80xi32, #tpu.memory_space<vmem>>
    %dma_start3A_66 = arith.constant 0 : i32
    %dma_start3A_67 = arith.constant 0 : i32
    %dma_start3A_68 = tpu.memref_slice %arg2[%dma_start3A_66, %dma_start3A_67] : memref<10000x128xf32, #tpu.memory_space<hbm>> -> memref<10000x128xf32, #tpu.memory_space<hbm>>
    tpu.enqueue_indirect_dma source(%dma_start3A_68 : memref<10000x128xf32, #tpu.memory_space<hbm>>) target(%arg8 : memref<80x128xf32, #tpu.memory_space<vmem>>) offsets(%dma_start3A_65 : memref<80xi32, #tpu.memory_space<vmem>>) semaphore(%arg13 : memref<!tpu.dma_semaphore, #tpu.memory_space<semaphore_mem>>)
    %dma_start3A_69 = arith.constant 2 : i32
    %dma_start3A_70 = arith.constant 1 : i32
    %dma_start3A_71 = arith.constant 0 : i32
    %dma_start3A_72 = tpu.memref_slice %arg6[%dma_start3A_69, %dma_start3A_70, %dma_start3A_71] : memref<32x2x80xi32, #tpu.memory_space<vmem>> -> memref<1x1x80xi32, #tpu.memory_space<vmem>>
    %dma_start3A_73 = tpu.memref_squeeze %dma_start3A_72 : memref<1x1x80xi32, #tpu.memory_space<vmem>> -> memref<80xi32, #tpu.memory_space<vmem>>
    %dma_start3A_74 = arith.constant 0 : i32
    %dma_start3A_75 = arith.constant 0 : i32
    %dma_start3A_76 = tpu.memref_slice %arg2[%dma_start3A_74, %dma_start3A_75] : memref<10000x128xf32, #tpu.memory_space<hbm>> -> memref<10000x128xf32, #tpu.memory_space<hbm>>
    tpu.enqueue_indirect_dma source(%dma_start3A_76 : memref<10000x128xf32, #tpu.memory_space<hbm>>) target(%arg9 : memref<80x128xf32, #tpu.memory_space<vmem>>) offsets(%dma_start3A_73 : memref<80xi32, #tpu.memory_space<vmem>>) semaphore(%arg14 : memref<!tpu.dma_semaphore, #tpu.memory_space<semaphore_mem>>)
    %scan3A_77 = arith.constant 0 : i32
    %scan3A_78 = arith.constant 0 : i32
    %scan3A_79 = arith.constant 7 : i32
    %scan3A_80 = arith.addi %scan3A_78, %scan3A_79 : i32
    %scan3A_81 = arith.constant 1 : i32
    scf.for %scan3A_236 = %scan3A_78 to %scan3A_80 step %scan3A_81  : i32 {
      %mul3A_237 = arith.constant 4 : i32
      %mul3A_238 = arith.muli %mul3A_237, %scan3A_236 : i32
      %dma_wait3A_239 = arith.constant 0 : i32
      %dma_wait3A_240 = arith.constant 0 : i32
      %dma_wait3A_241 = tpu.memref_slice %arg2[%dma_wait3A_239, %dma_wait3A_240] : memref<10000x128xf32, #tpu.memory_space<hbm>> -> memref<80x128xf32, #tpu.memory_space<hbm>>
      %dma_wait3A_242 = arith.constant 0 : i32
      %dma_wait3A_243 = arith.constant 0 : i32
      %dma_wait3A_244 = tpu.memref_slice %arg2[%dma_wait3A_242, %dma_wait3A_243] : memref<10000x128xf32, #tpu.memory_space<hbm>> -> memref<80x128xf32, #tpu.memory_space<hbm>>
      tpu.wait_dma2 semaphore(%arg12 : memref<!tpu.dma_semaphore, #tpu.memory_space<semaphore_mem>>) src(%dma_wait3A_244 : memref<80x128xf32, #tpu.memory_space<hbm>>) dst(%arg7 : memref<80x128xf32, #tpu.memory_space<vmem>>)
      %add3A_245 = arith.constant 0 : i32
      %add3A_246 = arith.addi %mul3A_238, %add3A_245 : i32
      %add3A_247 = arith.constant 3 : i32
      %add3A_248 = arith.addi %add3A_246, %add3A_247 : i32
      %dma_start3A_249 = arith.constant 1 : i32
      %dma_start3A_250 = arith.constant 0 : i32
      %dma_start3A_251 = tpu.memref_slice %arg6[%add3A_248, %dma_start3A_249, %dma_start3A_250] : memref<32x2x80xi32, #tpu.memory_space<vmem>> -> memref<1x1x80xi32, #tpu.memory_space<vmem>>
      %dma_start3A_252 = tpu.memref_squeeze %dma_start3A_251 : memref<1x1x80xi32, #tpu.memory_space<vmem>> -> memref<80xi32, #tpu.memory_space<vmem>>
      %dma_start3A_253 = arith.constant 0 : i32
      %dma_start3A_254 = arith.constant 0 : i32
      %dma_start3A_255 = tpu.memref_slice %arg2[%dma_start3A_253, %dma_start3A_254] : memref<10000x128xf32, #tpu.memory_space<hbm>> -> memref<10000x128xf32, #tpu.memory_space<hbm>>
      tpu.enqueue_indirect_dma source(%dma_start3A_255 : memref<10000x128xf32, #tpu.memory_space<hbm>>) target(%arg10 : memref<80x128xf32, #tpu.memory_space<vmem>>) offsets(%dma_start3A_252 : memref<80xi32, #tpu.memory_space<vmem>>) semaphore(%arg15 : memref<!tpu.dma_semaphore, #tpu.memory_space<semaphore_mem>>)
      %add3A_256 = arith.constant 0 : i32
      %add3A_257 = arith.addi %mul3A_238, %add3A_256 : i32
      %run_scoped3A_258 = arith.constant 0 : i32
      "tpu.region"() ({
        %run_scoped3A_319 = tpu.sem_alloc : memref<!tpu.dma_semaphore, #tpu.memory_space<semaphore_mem>>
        %dma_start3A_320 = arith.constant 0 : i32
        %dma_start3A_321 = tpu.memref_slice %arg6[%add3A_257, %run_scoped3A_258, %dma_start3A_320] : memref<32x2x80xi32, #tpu.memory_space<vmem>> -> memref<1x1x80xi32, #tpu.memory_space<vmem>>
        %dma_start3A_322 = tpu.memref_squeeze %dma_start3A_321 : memref<1x1x80xi32, #tpu.memory_space<vmem>> -> memref<80xi32, #tpu.memory_space<vmem>>
        %dma_start3A_323 = arith.constant 0 : i32
        %dma_start3A_324 = arith.constant 0 : i32
        %dma_start3A_325 = tpu.memref_slice %arg11[%dma_start3A_323, %dma_start3A_324] : memref<10112x128xf32, #tpu.memory_space<vmem_shared>> -> memref<10112x128xf32, #tpu.memory_space<vmem_shared>>
        tpu.enqueue_indirect_dma source(%arg7 : memref<80x128xf32, #tpu.memory_space<vmem>>) target(%dma_start3A_325 : memref<10112x128xf32, #tpu.memory_space<vmem_shared>>) offsets(%dma_start3A_322 : memref<80xi32, #tpu.memory_space<vmem>>) semaphore(%run_scoped3A_319 : memref<!tpu.dma_semaphore, #tpu.memory_space<semaphore_mem>>) {add = true}
        %dma_wait3A_326 = arith.constant 0 : i32
        %dma_wait3A_327 = tpu.memref_slice %arg6[%add3A_257, %run_scoped3A_258, %dma_wait3A_326] : memref<32x2x80xi32, #tpu.memory_space<vmem>> -> memref<1x1x80xi32, #tpu.memory_space<vmem>>
        %dma_wait3A_328 = tpu.memref_squeeze %dma_wait3A_327 : memref<1x1x80xi32, #tpu.memory_space<vmem>> -> memref<80xi32, #tpu.memory_space<vmem>>
        %dma_wait3A_329 = arith.constant 0 : i32
        %dma_wait3A_330 = arith.constant 0 : i32
        %dma_wait3A_331 = tpu.memref_slice %arg11[%dma_wait3A_329, %dma_wait3A_330] : memref<10112x128xf32, #tpu.memory_space<vmem_shared>> -> memref<10112x128xf32, #tpu.memory_space<vmem_shared>>
        tpu.wait_indirect_dma semaphore(%run_scoped3A_319 : memref<!tpu.dma_semaphore, #tpu.memory_space<semaphore_mem>>) src(%arg7 : memref<80x128xf32, #tpu.memory_space<vmem>>) dst(%dma_wait3A_331 : memref<10112x128xf32, #tpu.memory_space<vmem_shared>>)
        tpu.yield
      }) : () -> ()
      %dma_wait3A_259 = arith.constant 0 : i32
      %dma_wait3A_260 = arith.constant 0 : i32
      %dma_wait3A_261 = tpu.memref_slice %arg2[%dma_wait3A_259, %dma_wait3A_260] : memref<10000x128xf32, #tpu.memory_space<hbm>> -> memref<80x128xf32, #tpu.memory_space<hbm>>
      %dma_wait3A_262 = arith.constant 0 : i32
      %dma_wait3A_263 = arith.constant 0 : i32
      %dma_wait3A_264 = tpu.memref_slice %arg2[%dma_wait3A_262, %dma_wait3A_263] : memref<10000x128xf32, #tpu.memory_space<hbm>> -> memref<80x128xf32, #tpu.memory_space<hbm>>
      tpu.wait_dma2 semaphore(%arg13 : memref<!tpu.dma_semaphore, #tpu.memory_space<semaphore_mem>>) src(%dma_wait3A_264 : memref<80x128xf32, #tpu.memory_space<hbm>>) dst(%arg8 : memref<80x128xf32, #tpu.memory_space<vmem>>)
      %add3A_265 = arith.constant 1 : i32
      %add3A_266 = arith.addi %mul3A_238, %add3A_265 : i32
      %add3A_267 = arith.constant 3 : i32
      %add3A_268 = arith.addi %add3A_266, %add3A_267 : i32
      %dma_start3A_269 = arith.constant 1 : i32
      %dma_start3A_270 = arith.constant 0 : i32
      %dma_start3A_271 = tpu.memref_slice %arg6[%add3A_268, %dma_start3A_269, %dma_start3A_270] : memref<32x2x80xi32, #tpu.memory_space<vmem>> -> memref<1x1x80xi32, #tpu.memory_space<vmem>>
      %dma_start3A_272 = tpu.memref_squeeze %dma_start3A_271 : memref<1x1x80xi32, #tpu.memory_space<vmem>> -> memref<80xi32, #tpu.memory_space<vmem>>
      %dma_start3A_273 = arith.constant 0 : i32
      %dma_start3A_274 = arith.constant 0 : i32
      %dma_start3A_275 = tpu.memref_slice %arg2[%dma_start3A_273, %dma_start3A_274] : memref<10000x128xf32, #tpu.memory_space<hbm>> -> memref<10000x128xf32, #tpu.memory_space<hbm>>
      tpu.enqueue_indirect_dma source(%dma_start3A_275 : memref<10000x128xf32, #tpu.memory_space<hbm>>) target(%arg7 : memref<80x128xf32, #tpu.memory_space<vmem>>) offsets(%dma_start3A_272 : memref<80xi32, #tpu.memory_space<vmem>>) semaphore(%arg12 : memref<!tpu.dma_semaphore, #tpu.memory_space<semaphore_mem>>)
      %add3A_276 = arith.constant 1 : i32
      %add3A_277 = arith.addi %mul3A_238, %add3A_276 : i32
      %run_scoped3A_278 = arith.constant 0 : i32
      "tpu.region"() ({
        %run_scoped3A_319 = tpu.sem_alloc : memref<!tpu.dma_semaphore, #tpu.memory_space<semaphore_mem>>
        %dma_start3A_320 = arith.constant 0 : i32
        %dma_start3A_321 = tpu.memref_slice %arg6[%add3A_277, %run_scoped3A_278, %dma_start3A_320] : memref<32x2x80xi32, #tpu.memory_space<vmem>> -> memref<1x1x80xi32, #tpu.memory_space<vmem>>
        %dma_start3A_322 = tpu.memref_squeeze %dma_start3A_321 : memref<1x1x80xi32, #tpu.memory_space<vmem>> -> memref<80xi32, #tpu.memory_space<vmem>>
        %dma_start3A_323 = arith.constant 0 : i32
        %dma_start3A_324 = arith.constant 0 : i32
        %dma_start3A_325 = tpu.memref_slice %arg11[%dma_start3A_323, %dma_start3A_324] : memref<10112x128xf32, #tpu.memory_space<vmem_shared>> -> memref<10112x128xf32, #tpu.memory_space<vmem_shared>>
        tpu.enqueue_indirect_dma source(%arg8 : memref<80x128xf32, #tpu.memory_space<vmem>>) target(%dma_start3A_325 : memref<10112x128xf32, #tpu.memory_space<vmem_shared>>) offsets(%dma_start3A_322 : memref<80xi32, #tpu.memory_space<vmem>>) semaphore(%run_scoped3A_319 : memref<!tpu.dma_semaphore, #tpu.memory_space<semaphore_mem>>) {add = true}
        %dma_wait3A_326 = arith.constant 0 : i32
        %dma_wait3A_327 = tpu.memref_slice %arg6[%add3A_277, %run_scoped3A_278, %dma_wait3A_326] : memref<32x2x80xi32, #tpu.memory_space<vmem>> -> memref<1x1x80xi32, #tpu.memory_space<vmem>>
        %dma_wait3A_328 = tpu.memref_squeeze %dma_wait3A_327 : memref<1x1x80xi32, #tpu.memory_space<vmem>> -> memref<80xi32, #tpu.memory_space<vmem>>
        %dma_wait3A_329 = arith.constant 0 : i32
        %dma_wait3A_330 = arith.constant 0 : i32
        %dma_wait3A_331 = tpu.memref_slice %arg11[%dma_wait3A_329, %dma_wait3A_330] : memref<10112x128xf32, #tpu.memory_space<vmem_shared>> -> memref<10112x128xf32, #tpu.memory_space<vmem_shared>>
        tpu.wait_indirect_dma semaphore(%run_scoped3A_319 : memref<!tpu.dma_semaphore, #tpu.memory_space<semaphore_mem>>) src(%arg8 : memref<80x128xf32, #tpu.memory_space<vmem>>) dst(%dma_wait3A_331 : memref<10112x128xf32, #tpu.memory_space<vmem_shared>>)
        tpu.yield
      }) : () -> ()
      %dma_wait3A_279 = arith.constant 0 : i32
      %dma_wait3A_280 = arith.constant 0 : i32
      %dma_wait3A_281 = tpu.memref_slice %arg2[%dma_wait3A_279, %dma_wait3A_280] : memref<10000x128xf32, #tpu.memory_space<hbm>> -> memref<80x128xf32, #tpu.memory_space<hbm>>
      %dma_wait3A_282 = arith.constant 0 : i32
      %dma_wait3A_283 = arith.constant 0 : i32
      %dma_wait3A_284 = tpu.memref_slice %arg2[%dma_wait3A_282, %dma_wait3A_283] : memref<10000x128xf32, #tpu.memory_space<hbm>> -> memref<80x128xf32, #tpu.memory_space<hbm>>
      tpu.wait_dma2 semaphore(%arg14 : memref<!tpu.dma_semaphore, #tpu.memory_space<semaphore_mem>>) src(%dma_wait3A_284 : memref<80x128xf32, #tpu.memory_space<hbm>>) dst(%arg9 : memref<80x128xf32, #tpu.memory_space<vmem>>)
      %add3A_285 = arith.constant 2 : i32
      %add3A_286 = arith.addi %mul3A_238, %add3A_285 : i32
      %add3A_287 = arith.constant 3 : i32
      %add3A_288 = arith.addi %add3A_286, %add3A_287 : i32
      %dma_start3A_289 = arith.constant 1 : i32
      %dma_start3A_290 = arith.constant 0 : i32
      %dma_start3A_291 = tpu.memref_slice %arg6[%add3A_288, %dma_start3A_289, %dma_start3A_290] : memref<32x2x80xi32, #tpu.memory_space<vmem>> -> memref<1x1x80xi32, #tpu.memory_space<vmem>>
      %dma_start3A_292 = tpu.memref_squeeze %dma_start3A_291 : memref<1x1x80xi32, #tpu.memory_space<vmem>> -> memref<80xi32, #tpu.memory_space<vmem>>
      %dma_start3A_293 = arith.constant 0 : i32
      %dma_start3A_294 = arith.constant 0 : i32
      %dma_start3A_295 = tpu.memref_slice %arg2[%dma_start3A_293, %dma_start3A_294] : memref<10000x128xf32, #tpu.memory_space<hbm>> -> memref<10000x128xf32, #tpu.memory_space<hbm>>
      tpu.enqueue_indirect_dma source(%dma_start3A_295 : memref<10000x128xf32, #tpu.memory_space<hbm>>) target(%arg8 : memref<80x128xf32, #tpu.memory_space<vmem>>) offsets(%dma_start3A_292 : memref<80xi32, #tpu.memory_space<vmem>>) semaphore(%arg13 : memref<!tpu.dma_semaphore, #tpu.memory_space<semaphore_mem>>)
      %add3A_296 = arith.constant 2 : i32
      %add3A_297 = arith.addi %mul3A_238, %add3A_296 : i32
      %run_scoped3A_298 = arith.constant 0 : i32
      "tpu.region"() ({
        %run_scoped3A_319 = tpu.sem_alloc : memref<!tpu.dma_semaphore, #tpu.memory_space<semaphore_mem>>
        %dma_start3A_320 = arith.constant 0 : i32
        %dma_start3A_321 = tpu.memref_slice %arg6[%add3A_297, %run_scoped3A_298, %dma_start3A_320] : memref<32x2x80xi32, #tpu.memory_space<vmem>> -> memref<1x1x80xi32, #tpu.memory_space<vmem>>
        %dma_start3A_322 = tpu.memref_squeeze %dma_start3A_321 : memref<1x1x80xi32, #tpu.memory_space<vmem>> -> memref<80xi32, #tpu.memory_space<vmem>>
        %dma_start3A_323 = arith.constant 0 : i32
        %dma_start3A_324 = arith.constant 0 : i32
        %dma_start3A_325 = tpu.memref_slice %arg11[%dma_start3A_323, %dma_start3A_324] : memref<10112x128xf32, #tpu.memory_space<vmem_shared>> -> memref<10112x128xf32, #tpu.memory_space<vmem_shared>>
        tpu.enqueue_indirect_dma source(%arg9 : memref<80x128xf32, #tpu.memory_space<vmem>>) target(%dma_start3A_325 : memref<10112x128xf32, #tpu.memory_space<vmem_shared>>) offsets(%dma_start3A_322 : memref<80xi32, #tpu.memory_space<vmem>>) semaphore(%run_scoped3A_319 : memref<!tpu.dma_semaphore, #tpu.memory_space<semaphore_mem>>) {add = true}
        %dma_wait3A_326 = arith.constant 0 : i32
        %dma_wait3A_327 = tpu.memref_slice %arg6[%add3A_297, %run_scoped3A_298, %dma_wait3A_326] : memref<32x2x80xi32, #tpu.memory_space<vmem>> -> memref<1x1x80xi32, #tpu.memory_space<vmem>>
        %dma_wait3A_328 = tpu.memref_squeeze %dma_wait3A_327 : memref<1x1x80xi32, #tpu.memory_space<vmem>> -> memref<80xi32, #tpu.memory_space<vmem>>
        %dma_wait3A_329 = arith.constant 0 : i32
        %dma_wait3A_330 = arith.constant 0 : i32
        %dma_wait3A_331 = tpu.memref_slice %arg11[%dma_wait3A_329, %dma_wait3A_330] : memref<10112x128xf32, #tpu.memory_space<vmem_shared>> -> memref<10112x128xf32, #tpu.memory_space<vmem_shared>>
        tpu.wait_indirect_dma semaphore(%run_scoped3A_319 : memref<!tpu.dma_semaphore, #tpu.memory_space<semaphore_mem>>) src(%arg9 : memref<80x128xf32, #tpu.memory_space<vmem>>) dst(%dma_wait3A_331 : memref<10112x128xf32, #tpu.memory_space<vmem_shared>>)
        tpu.yield
      }) : () -> ()
      %dma_wait3A_299 = arith.constant 0 : i32
      %dma_wait3A_300 = arith.constant 0 : i32
      %dma_wait3A_301 = tpu.memref_slice %arg2[%dma_wait3A_299, %dma_wait3A_300] : memref<10000x128xf32, #tpu.memory_space<hbm>> -> memref<80x128xf32, #tpu.memory_space<hbm>>
      %dma_wait3A_302 = arith.constant 0 : i32
      %dma_wait3A_303 = arith.constant 0 : i32
      %dma_wait3A_304 = tpu.memref_slice %arg2[%dma_wait3A_302, %dma_wait3A_303] : memref<10000x128xf32, #tpu.memory_space<hbm>> -> memref<80x128xf32, #tpu.memory_space<hbm>>
      tpu.wait_dma2 semaphore(%arg15 : memref<!tpu.dma_semaphore, #tpu.memory_space<semaphore_mem>>) src(%dma_wait3A_304 : memref<80x128xf32, #tpu.memory_space<hbm>>) dst(%arg10 : memref<80x128xf32, #tpu.memory_space<vmem>>)
      %add3A_305 = arith.constant 3 : i32
      %add3A_306 = arith.addi %mul3A_238, %add3A_305 : i32
      %add3A_307 = arith.constant 3 : i32
      %add3A_308 = arith.addi %add3A_306, %add3A_307 : i32
      %dma_start3A_309 = arith.constant 1 : i32
      %dma_start3A_310 = arith.constant 0 : i32
      %dma_start3A_311 = tpu.memref_slice %arg6[%add3A_308, %dma_start3A_309, %dma_start3A_310] : memref<32x2x80xi32, #tpu.memory_space<vmem>> -> memref<1x1x80xi32, #tpu.memory_space<vmem>>
      %dma_start3A_312 = tpu.memref_squeeze %dma_start3A_311 : memref<1x1x80xi32, #tpu.memory_space<vmem>> -> memref<80xi32, #tpu.memory_space<vmem>>
      %dma_start3A_313 = arith.constant 0 : i32
      %dma_start3A_314 = arith.constant 0 : i32
      %dma_start3A_315 = tpu.memref_slice %arg2[%dma_start3A_313, %dma_start3A_314] : memref<10000x128xf32, #tpu.memory_space<hbm>> -> memref<10000x128xf32, #tpu.memory_space<hbm>>
      tpu.enqueue_indirect_dma source(%dma_start3A_315 : memref<10000x128xf32, #tpu.memory_space<hbm>>) target(%arg9 : memref<80x128xf32, #tpu.memory_space<vmem>>) offsets(%dma_start3A_312 : memref<80xi32, #tpu.memory_space<vmem>>) semaphore(%arg14 : memref<!tpu.dma_semaphore, #tpu.memory_space<semaphore_mem>>)
      %add3A_316 = arith.constant 3 : i32
      %add3A_317 = arith.addi %mul3A_238, %add3A_316 : i32
      %run_scoped3A_318 = arith.constant 0 : i32
      "tpu.region"() ({
        %run_scoped3A_319 = tpu.sem_alloc : memref<!tpu.dma_semaphore, #tpu.memory_space<semaphore_mem>>
        %dma_start3A_320 = arith.constant 0 : i32
        %dma_start3A_321 = tpu.memref_slice %arg6[%add3A_317, %run_scoped3A_318, %dma_start3A_320] : memref<32x2x80xi32, #tpu.memory_space<vmem>> -> memref<1x1x80xi32, #tpu.memory_space<vmem>>
        %dma_start3A_322 = tpu.memref_squeeze %dma_start3A_321 : memref<1x1x80xi32, #tpu.memory_space<vmem>> -> memref<80xi32, #tpu.memory_space<vmem>>
        %dma_start3A_323 = arith.constant 0 : i32
        %dma_start3A_324 = arith.constant 0 : i32
        %dma_start3A_325 = tpu.memref_slice %arg11[%dma_start3A_323, %dma_start3A_324] : memref<10112x128xf32, #tpu.memory_space<vmem_shared>> -> memref<10112x128xf32, #tpu.memory_space<vmem_shared>>
        tpu.enqueue_indirect_dma source(%arg10 : memref<80x128xf32, #tpu.memory_space<vmem>>) target(%dma_start3A_325 : memref<10112x128xf32, #tpu.memory_space<vmem_shared>>) offsets(%dma_start3A_322 : memref<80xi32, #tpu.memory_space<vmem>>) semaphore(%run_scoped3A_319 : memref<!tpu.dma_semaphore, #tpu.memory_space<semaphore_mem>>) {add = true}
        %dma_wait3A_326 = arith.constant 0 : i32
        %dma_wait3A_327 = tpu.memref_slice %arg6[%add3A_317, %run_scoped3A_318, %dma_wait3A_326] : memref<32x2x80xi32, #tpu.memory_space<vmem>> -> memref<1x1x80xi32, #tpu.memory_space<vmem>>
        %dma_wait3A_328 = tpu.memref_squeeze %dma_wait3A_327 : memref<1x1x80xi32, #tpu.memory_space<vmem>> -> memref<80xi32, #tpu.memory_space<vmem>>
        %dma_wait3A_329 = arith.constant 0 : i32
        %dma_wait3A_330 = arith.constant 0 : i32
        %dma_wait3A_331 = tpu.memref_slice %arg11[%dma_wait3A_329, %dma_wait3A_330] : memref<10112x128xf32, #tpu.memory_space<vmem_shared>> -> memref<10112x128xf32, #tpu.memory_space<vmem_shared>>
        tpu.wait_indirect_dma semaphore(%run_scoped3A_319 : memref<!tpu.dma_semaphore, #tpu.memory_space<semaphore_mem>>) src(%arg10 : memref<80x128xf32, #tpu.memory_space<vmem>>) dst(%dma_wait3A_331 : memref<10112x128xf32, #tpu.memory_space<vmem_shared>>)
        tpu.yield
      }) : () -> ()
    }
    %scan3A_82 = arith.constant 7 : i32
    %dma_wait3A_83 = arith.constant 0 : i32
    %dma_wait3A_84 = arith.constant 0 : i32
    %dma_wait3A_85 = tpu.memref_slice %arg2[%dma_wait3A_83, %dma_wait3A_84] : memref<10000x128xf32, #tpu.memory_space<hbm>> -> memref<80x128xf32, #tpu.memory_space<hbm>>
    %dma_wait3A_86 = arith.constant 0 : i32
    %dma_wait3A_87 = arith.constant 0 : i32
    %dma_wait3A_88 = tpu.memref_slice %arg2[%dma_wait3A_86, %dma_wait3A_87] : memref<10000x128xf32, #tpu.memory_space<hbm>> -> memref<80x128xf32, #tpu.memory_space<hbm>>
    tpu.wait_dma2 semaphore(%arg12 : memref<!tpu.dma_semaphore, #tpu.memory_space<semaphore_mem>>) src(%dma_wait3A_88 : memref<80x128xf32, #tpu.memory_space<hbm>>) dst(%arg7 : memref<80x128xf32, #tpu.memory_space<vmem>>)
    %run_scoped3A_89 = arith.constant 28 : i32
    %run_scoped3A_90 = arith.constant 0 : i32
    "tpu.region"() ({
      %run_scoped3A_236 = tpu.sem_alloc : memref<!tpu.dma_semaphore, #tpu.memory_space<semaphore_mem>>
      %dma_start3A_237 = arith.constant 0 : i32
      %dma_start3A_238 = tpu.memref_slice %arg6[%run_scoped3A_89, %run_scoped3A_90, %dma_start3A_237] : memref<32x2x80xi32, #tpu.memory_space<vmem>> -> memref<1x1x80xi32, #tpu.memory_space<vmem>>
      %dma_start3A_239 = tpu.memref_squeeze %dma_start3A_238 : memref<1x1x80xi32, #tpu.memory_space<vmem>> -> memref<80xi32, #tpu.memory_space<vmem>>
      %dma_start3A_240 = arith.constant 0 : i32
      %dma_start3A_241 = arith.constant 0 : i32
      %dma_start3A_242 = tpu.memref_slice %arg11[%dma_start3A_240, %dma_start3A_241] : memref<10112x128xf32, #tpu.memory_space<vmem_shared>> -> memref<10112x128xf32, #tpu.memory_space<vmem_shared>>
      tpu.enqueue_indirect_dma source(%arg7 : memref<80x128xf32, #tpu.memory_space<vmem>>) target(%dma_start3A_242 : memref<10112x128xf32, #tpu.memory_space<vmem_shared>>) offsets(%dma_start3A_239 : memref<80xi32, #tpu.memory_space<vmem>>) semaphore(%run_scoped3A_236 : memref<!tpu.dma_semaphore, #tpu.memory_space<semaphore_mem>>) {add = true}
      %dma_wait3A_243 = arith.constant 0 : i32
      %dma_wait3A_244 = tpu.memref_slice %arg6[%run_scoped3A_89, %run_scoped3A_90, %dma_wait3A_243] : memref<32x2x80xi32, #tpu.memory_space<vmem>> -> memref<1x1x80xi32, #tpu.memory_space<vmem>>
      %dma_wait3A_245 = tpu.memref_squeeze %dma_wait3A_244 : memref<1x1x80xi32, #tpu.memory_space<vmem>> -> memref<80xi32, #tpu.memory_space<vmem>>
      %dma_wait3A_246 = arith.constant 0 : i32
      %dma_wait3A_247 = arith.constant 0 : i32
      %dma_wait3A_248 = tpu.memref_slice %arg11[%dma_wait3A_246, %dma_wait3A_247] : memref<10112x128xf32, #tpu.memory_space<vmem_shared>> -> memref<10112x128xf32, #tpu.memory_space<vmem_shared>>
      tpu.wait_indirect_dma semaphore(%run_scoped3A_236 : memref<!tpu.dma_semaphore, #tpu.memory_space<semaphore_mem>>) src(%arg7 : memref<80x128xf32, #tpu.memory_space<vmem>>) dst(%dma_wait3A_248 : memref<10112x128xf32, #tpu.memory_space<vmem_shared>>)
      tpu.yield
    }) : () -> ()
    %dma_wait3A_91 = arith.constant 0 : i32
    %dma_wait3A_92 = arith.constant 0 : i32
    %dma_wait3A_93 = tpu.memref_slice %arg2[%dma_wait3A_91, %dma_wait3A_92] : memref<10000x128xf32, #tpu.memory_space<hbm>> -> memref<80x128xf32, #tpu.memory_space<hbm>>
    %dma_wait3A_94 = arith.constant 0 : i32
    %dma_wait3A_95 = arith.constant 0 : i32
    %dma_wait3A_96 = tpu.memref_slice %arg2[%dma_wait3A_94, %dma_wait3A_95] : memref<10000x128xf32, #tpu.memory_space<hbm>> -> memref<80x128xf32, #tpu.memory_space<hbm>>
    tpu.wait_dma2 semaphore(%arg13 : memref<!tpu.dma_semaphore, #tpu.memory_space<semaphore_mem>>) src(%dma_wait3A_96 : memref<80x128xf32, #tpu.memory_space<hbm>>) dst(%arg8 : memref<80x128xf32, #tpu.memory_space<vmem>>)
    %run_scoped3A_97 = arith.constant 29 : i32
    %run_scoped3A_98 = arith.constant 0 : i32
    "tpu.region"() ({
      %run_scoped3A_236 = tpu.sem_alloc : memref<!tpu.dma_semaphore, #tpu.memory_space<semaphore_mem>>
      %dma_start3A_237 = arith.constant 0 : i32
      %dma_start3A_238 = tpu.memref_slice %arg6[%run_scoped3A_97, %run_scoped3A_98, %dma_start3A_237] : memref<32x2x80xi32, #tpu.memory_space<vmem>> -> memref<1x1x80xi32, #tpu.memory_space<vmem>>
      %dma_start3A_239 = tpu.memref_squeeze %dma_start3A_238 : memref<1x1x80xi32, #tpu.memory_space<vmem>> -> memref<80xi32, #tpu.memory_space<vmem>>
      %dma_start3A_240 = arith.constant 0 : i32
      %dma_start3A_241 = arith.constant 0 : i32
      %dma_start3A_242 = tpu.memref_slice %arg11[%dma_start3A_240, %dma_start3A_241] : memref<10112x128xf32, #tpu.memory_space<vmem_shared>> -> memref<10112x128xf32, #tpu.memory_space<vmem_shared>>
      tpu.enqueue_indirect_dma source(%arg8 : memref<80x128xf32, #tpu.memory_space<vmem>>) target(%dma_start3A_242 : memref<10112x128xf32, #tpu.memory_space<vmem_shared>>) offsets(%dma_start3A_239 : memref<80xi32, #tpu.memory_space<vmem>>) semaphore(%run_scoped3A_236 : memref<!tpu.dma_semaphore, #tpu.memory_space<semaphore_mem>>) {add = true}
      %dma_wait3A_243 = arith.constant 0 : i32
      %dma_wait3A_244 = tpu.memref_slice %arg6[%run_scoped3A_97, %run_scoped3A_98, %dma_wait3A_243] : memref<32x2x80xi32, #tpu.memory_space<vmem>> -> memref<1x1x80xi32, #tpu.memory_space<vmem>>
      %dma_wait3A_245 = tpu.memref_squeeze %dma_wait3A_244 : memref<1x1x80xi32, #tpu.memory_space<vmem>> -> memref<80xi32, #tpu.memory_space<vmem>>
      %dma_wait3A_246 = arith.constant 0 : i32
      %dma_wait3A_247 = arith.constant 0 : i32
      %dma_wait3A_248 = tpu.memref_slice %arg11[%dma_wait3A_246, %dma_wait3A_247] : memref<10112x128xf32, #tpu.memory_space<vmem_shared>> -> memref<10112x128xf32, #tpu.memory_space<vmem_shared>>
      tpu.wait_indirect_dma semaphore(%run_scoped3A_236 : memref<!tpu.dma_semaphore, #tpu.memory_space<semaphore_mem>>) src(%arg8 : memref<80x128xf32, #tpu.memory_space<vmem>>) dst(%dma_wait3A_248 : memref<10112x128xf32, #tpu.memory_space<vmem_shared>>)
      tpu.yield
    }) : () -> ()
    %dma_wait3A_99 = arith.constant 0 : i32
    %dma_wait3A_100 = arith.constant 0 : i32
    %dma_wait3A_101 = tpu.memref_slice %arg2[%dma_wait3A_99, %dma_wait3A_100] : memref<10000x128xf32, #tpu.memory_space<hbm>> -> memref<80x128xf32, #tpu.memory_space<hbm>>
    %dma_wait3A_102 = arith.constant 0 : i32
    %dma_wait3A_103 = arith.constant 0 : i32
    %dma_wait3A_104 = tpu.memref_slice %arg2[%dma_wait3A_102, %dma_wait3A_103] : memref<10000x128xf32, #tpu.memory_space<hbm>> -> memref<80x128xf32, #tpu.memory_space<hbm>>
    tpu.wait_dma2 semaphore(%arg14 : memref<!tpu.dma_semaphore, #tpu.memory_space<semaphore_mem>>) src(%dma_wait3A_104 : memref<80x128xf32, #tpu.memory_space<hbm>>) dst(%arg9 : memref<80x128xf32, #tpu.memory_space<vmem>>)
    %run_scoped3A_105 = arith.constant 30 : i32
    %run_scoped3A_106 = arith.constant 0 : i32
    "tpu.region"() ({
      %run_scoped3A_236 = tpu.sem_alloc : memref<!tpu.dma_semaphore, #tpu.memory_space<semaphore_mem>>
      %dma_start3A_237 = arith.constant 0 : i32
      %dma_start3A_238 = tpu.memref_slice %arg6[%run_scoped3A_105, %run_scoped3A_106, %dma_start3A_237] : memref<32x2x80xi32, #tpu.memory_space<vmem>> -> memref<1x1x80xi32, #tpu.memory_space<vmem>>
      %dma_start3A_239 = tpu.memref_squeeze %dma_start3A_238 : memref<1x1x80xi32, #tpu.memory_space<vmem>> -> memref<80xi32, #tpu.memory_space<vmem>>
      %dma_start3A_240 = arith.constant 0 : i32
      %dma_start3A_241 = arith.constant 0 : i32
      %dma_start3A_242 = tpu.memref_slice %arg11[%dma_start3A_240, %dma_start3A_241] : memref<10112x128xf32, #tpu.memory_space<vmem_shared>> -> memref<10112x128xf32, #tpu.memory_space<vmem_shared>>
      tpu.enqueue_indirect_dma source(%arg9 : memref<80x128xf32, #tpu.memory_space<vmem>>) target(%dma_start3A_242 : memref<10112x128xf32, #tpu.memory_space<vmem_shared>>) offsets(%dma_start3A_239 : memref<80xi32, #tpu.memory_space<vmem>>) semaphore(%run_scoped3A_236 : memref<!tpu.dma_semaphore, #tpu.memory_space<semaphore_mem>>) {add = true}
      %dma_wait3A_243 = arith.constant 0 : i32
      %dma_wait3A_244 = tpu.memref_slice %arg6[%run_scoped3A_105, %run_scoped3A_106, %dma_wait3A_243] : memref<32x2x80xi32, #tpu.memory_space<vmem>> -> memref<1x1x80xi32, #tpu.memory_space<vmem>>
      %dma_wait3A_245 = tpu.memref_squeeze %dma_wait3A_244 : memref<1x1x80xi32, #tpu.memory_space<vmem>> -> memref<80xi32, #tpu.memory_space<vmem>>
      %dma_wait3A_246 = arith.constant 0 : i32
      %dma_wait3A_247 = arith.constant 0 : i32
      %dma_wait3A_248 = tpu.memref_slice %arg11[%dma_wait3A_246, %dma_wait3A_247] : memref<10112x128xf32, #tpu.memory_space<vmem_shared>> -> memref<10112x128xf32, #tpu.memory_space<vmem_shared>>
      tpu.wait_indirect_dma semaphore(%run_scoped3A_236 : memref<!tpu.dma_semaphore, #tpu.memory_space<semaphore_mem>>) src(%arg9 : memref<80x128xf32, #tpu.memory_space<vmem>>) dst(%dma_wait3A_248 : memref<10112x128xf32, #tpu.memory_space<vmem_shared>>)
      tpu.yield
    }) : () -> ()
    "tpu.region"() ({
      %run_scoped3A_236 = tpu.sem_alloc : memref<!tpu.dma_semaphore, #tpu.memory_space<semaphore_mem>>
      %dma_start3A_237 = arith.constant 62 : i32
      %dma_start3A_238 = arith.constant 0 : i32
      %dma_start3A_239 = arith.constant 0 : i32
      %dma_start3A_240 = tpu.memref_slice %arg3[%add3A, %dma_start3A_237, %dma_start3A_238, %dma_start3A_239] : memref<32x125x2x80xi32, #tpu.memory_space<hbm>> -> memref<1x32x2x80xi32, #tpu.memory_space<hbm>>
      %dma_start3A_241 = tpu.memref_squeeze %dma_start3A_240 : memref<1x32x2x80xi32, #tpu.memory_space<hbm>> -> memref<32x2x80xi32, #tpu.memory_space<hbm>>
      %dma_start3A_242 = arith.constant 62 : i32
      %dma_start3A_243 = arith.constant 0 : i32
      %dma_start3A_244 = arith.constant 0 : i32
      %dma_start3A_245 = tpu.memref_slice %arg3[%add3A, %dma_start3A_242, %dma_start3A_243, %dma_start3A_244] : memref<32x125x2x80xi32, #tpu.memory_space<hbm>> -> memref<1x32x2x80xi32, #tpu.memory_space<hbm>>
      %dma_start3A_246 = tpu.memref_squeeze %dma_start3A_245 : memref<1x32x2x80xi32, #tpu.memory_space<hbm>> -> memref<32x2x80xi32, #tpu.memory_space<hbm>>
      tpu.enqueue_dma source(%dma_start3A_246 : memref<32x2x80xi32, #tpu.memory_space<hbm>>) target(%arg6 : memref<32x2x80xi32, #tpu.memory_space<vmem>>) target_semaphore(%run_scoped3A_236 : memref<!tpu.dma_semaphore, #tpu.memory_space<semaphore_mem>>)
      %dma_wait3A_247 = arith.constant 62 : i32
      %dma_wait3A_248 = arith.constant 0 : i32
      %dma_wait3A_249 = arith.constant 0 : i32
      %dma_wait3A_250 = tpu.memref_slice %arg3[%add3A, %dma_wait3A_247, %dma_wait3A_248, %dma_wait3A_249] : memref<32x125x2x80xi32, #tpu.memory_space<hbm>> -> memref<1x32x2x80xi32, #tpu.memory_space<hbm>>
      %dma_wait3A_251 = tpu.memref_squeeze %dma_wait3A_250 : memref<1x32x2x80xi32, #tpu.memory_space<hbm>> -> memref<32x2x80xi32, #tpu.memory_space<hbm>>
      %dma_wait3A_252 = arith.constant 62 : i32
      %dma_wait3A_253 = arith.constant 0 : i32
      %dma_wait3A_254 = arith.constant 0 : i32
      %dma_wait3A_255 = tpu.memref_slice %arg3[%add3A, %dma_wait3A_252, %dma_wait3A_253, %dma_wait3A_254] : memref<32x125x2x80xi32, #tpu.memory_space<hbm>> -> memref<1x32x2x80xi32, #tpu.memory_space<hbm>>
      %dma_wait3A_256 = tpu.memref_squeeze %dma_wait3A_255 : memref<1x32x2x80xi32, #tpu.memory_space<hbm>> -> memref<32x2x80xi32, #tpu.memory_space<hbm>>
      tpu.wait_dma2 semaphore(%run_scoped3A_236 : memref<!tpu.dma_semaphore, #tpu.memory_space<semaphore_mem>>) src(%dma_wait3A_256 : memref<32x2x80xi32, #tpu.memory_space<hbm>>) dst(%arg6 : memref<32x2x80xi32, #tpu.memory_space<vmem>>)
      tpu.yield
    }) : () -> ()
    %dma_start3A_107 = arith.constant 0 : i32
    %dma_start3A_108 = arith.constant 1 : i32
    %dma_start3A_109 = arith.constant 0 : i32
    %dma_start3A_110 = tpu.memref_slice %arg6[%dma_start3A_107, %dma_start3A_108, %dma_start3A_109] : memref<32x2x80xi32, #tpu.memory_space<vmem>> -> memref<1x1x80xi32, #tpu.memory_space<vmem>>
    %dma_start3A_111 = tpu.memref_squeeze %dma_start3A_110 : memref<1x1x80xi32, #tpu.memory_space<vmem>> -> memref<80xi32, #tpu.memory_space<vmem>>
    %dma_start3A_112 = arith.constant 0 : i32
    %dma_start3A_113 = arith.constant 0 : i32
    %dma_start3A_114 = tpu.memref_slice %arg2[%dma_start3A_112, %dma_start3A_113] : memref<10000x128xf32, #tpu.memory_space<hbm>> -> memref<10000x128xf32, #tpu.memory_space<hbm>>
    tpu.enqueue_indirect_dma source(%dma_start3A_114 : memref<10000x128xf32, #tpu.memory_space<hbm>>) target(%arg7 : memref<80x128xf32, #tpu.memory_space<vmem>>) offsets(%dma_start3A_111 : memref<80xi32, #tpu.memory_space<vmem>>) semaphore(%arg12 : memref<!tpu.dma_semaphore, #tpu.memory_space<semaphore_mem>>)
    %dma_start3A_115 = arith.constant 1 : i32
    %dma_start3A_116 = arith.constant 1 : i32
    %dma_start3A_117 = arith.constant 0 : i32
    %dma_start3A_118 = tpu.memref_slice %arg6[%dma_start3A_115, %dma_start3A_116, %dma_start3A_117] : memref<32x2x80xi32, #tpu.memory_space<vmem>> -> memref<1x1x80xi32, #tpu.memory_space<vmem>>
    %dma_start3A_119 = tpu.memref_squeeze %dma_start3A_118 : memref<1x1x80xi32, #tpu.memory_space<vmem>> -> memref<80xi32, #tpu.memory_space<vmem>>
    %dma_start3A_120 = arith.constant 0 : i32
    %dma_start3A_121 = arith.constant 0 : i32
    %dma_start3A_122 = tpu.memref_slice %arg2[%dma_start3A_120, %dma_start3A_121] : memref<10000x128xf32, #tpu.memory_space<hbm>> -> memref<10000x128xf32, #tpu.memory_space<hbm>>
    tpu.enqueue_indirect_dma source(%dma_start3A_122 : memref<10000x128xf32, #tpu.memory_space<hbm>>) target(%arg8 : memref<80x128xf32, #tpu.memory_space<vmem>>) offsets(%dma_start3A_119 : memref<80xi32, #tpu.memory_space<vmem>>) semaphore(%arg13 : memref<!tpu.dma_semaphore, #tpu.memory_space<semaphore_mem>>)
    %dma_start3A_123 = arith.constant 2 : i32
    %dma_start3A_124 = arith.constant 1 : i32
    %dma_start3A_125 = arith.constant 0 : i32
    %dma_start3A_126 = tpu.memref_slice %arg6[%dma_start3A_123, %dma_start3A_124, %dma_start3A_125] : memref<32x2x80xi32, #tpu.memory_space<vmem>> -> memref<1x1x80xi32, #tpu.memory_space<vmem>>
    %dma_start3A_127 = tpu.memref_squeeze %dma_start3A_126 : memref<1x1x80xi32, #tpu.memory_space<vmem>> -> memref<80xi32, #tpu.memory_space<vmem>>
    %dma_start3A_128 = arith.constant 0 : i32
    %dma_start3A_129 = arith.constant 0 : i32
    %dma_start3A_130 = tpu.memref_slice %arg2[%dma_start3A_128, %dma_start3A_129] : memref<10000x128xf32, #tpu.memory_space<hbm>> -> memref<10000x128xf32, #tpu.memory_space<hbm>>
    tpu.enqueue_indirect_dma source(%dma_start3A_130 : memref<10000x128xf32, #tpu.memory_space<hbm>>) target(%arg9 : memref<80x128xf32, #tpu.memory_space<vmem>>) offsets(%dma_start3A_127 : memref<80xi32, #tpu.memory_space<vmem>>) semaphore(%arg14 : memref<!tpu.dma_semaphore, #tpu.memory_space<semaphore_mem>>)
    %scan3A_131 = arith.constant 0 : i32
    %scan3A_132 = arith.constant 0 : i32
    %scan3A_133 = arith.constant 7 : i32
    %scan3A_134 = arith.addi %scan3A_132, %scan3A_133 : i32
    %scan3A_135 = arith.constant 1 : i32
    scf.for %scan3A_236 = %scan3A_132 to %scan3A_134 step %scan3A_135  : i32 {
      %mul3A_237 = arith.constant 4 : i32
      %mul3A_238 = arith.muli %mul3A_237, %scan3A_236 : i32
      %dma_wait3A_239 = arith.constant 0 : i32
      %dma_wait3A_240 = arith.constant 0 : i32
      %dma_wait3A_241 = tpu.memref_slice %arg2[%dma_wait3A_239, %dma_wait3A_240] : memref<10000x128xf32, #tpu.memory_space<hbm>> -> memref<80x128xf32, #tpu.memory_space<hbm>>
      %dma_wait3A_242 = arith.constant 0 : i32
      %dma_wait3A_243 = arith.constant 0 : i32
      %dma_wait3A_244 = tpu.memref_slice %arg2[%dma_wait3A_242, %dma_wait3A_243] : memref<10000x128xf32, #tpu.memory_space<hbm>> -> memref<80x128xf32, #tpu.memory_space<hbm>>
      tpu.wait_dma2 semaphore(%arg12 : memref<!tpu.dma_semaphore, #tpu.memory_space<semaphore_mem>>) src(%dma_wait3A_244 : memref<80x128xf32, #tpu.memory_space<hbm>>) dst(%arg7 : memref<80x128xf32, #tpu.memory_space<vmem>>)
      %add3A_245 = arith.constant 0 : i32
      %add3A_246 = arith.addi %mul3A_238, %add3A_245 : i32
      %add3A_247 = arith.constant 3 : i32
      %add3A_248 = arith.addi %add3A_246, %add3A_247 : i32
      %dma_start3A_249 = arith.constant 1 : i32
      %dma_start3A_250 = arith.constant 0 : i32
      %dma_start3A_251 = tpu.memref_slice %arg6[%add3A_248, %dma_start3A_249, %dma_start3A_250] : memref<32x2x80xi32, #tpu.memory_space<vmem>> -> memref<1x1x80xi32, #tpu.memory_space<vmem>>
      %dma_start3A_252 = tpu.memref_squeeze %dma_start3A_251 : memref<1x1x80xi32, #tpu.memory_space<vmem>> -> memref<80xi32, #tpu.memory_space<vmem>>
      %dma_start3A_253 = arith.constant 0 : i32
      %dma_start3A_254 = arith.constant 0 : i32
      %dma_start3A_255 = tpu.memref_slice %arg2[%dma_start3A_253, %dma_start3A_254] : memref<10000x128xf32, #tpu.memory_space<hbm>> -> memref<10000x128xf32, #tpu.memory_space<hbm>>
      tpu.enqueue_indirect_dma source(%dma_start3A_255 : memref<10000x128xf32, #tpu.memory_space<hbm>>) target(%arg10 : memref<80x128xf32, #tpu.memory_space<vmem>>) offsets(%dma_start3A_252 : memref<80xi32, #tpu.memory_space<vmem>>) semaphore(%arg15 : memref<!tpu.dma_semaphore, #tpu.memory_space<semaphore_mem>>)
      %add3A_256 = arith.constant 0 : i32
      %add3A_257 = arith.addi %mul3A_238, %add3A_256 : i32
      %run_scoped3A_258 = arith.constant 0 : i32
      "tpu.region"() ({
        %run_scoped3A_319 = tpu.sem_alloc : memref<!tpu.dma_semaphore, #tpu.memory_space<semaphore_mem>>
        %dma_start3A_320 = arith.constant 0 : i32
        %dma_start3A_321 = tpu.memref_slice %arg6[%add3A_257, %run_scoped3A_258, %dma_start3A_320] : memref<32x2x80xi32, #tpu.memory_space<vmem>> -> memref<1x1x80xi32, #tpu.memory_space<vmem>>
        %dma_start3A_322 = tpu.memref_squeeze %dma_start3A_321 : memref<1x1x80xi32, #tpu.memory_space<vmem>> -> memref<80xi32, #tpu.memory_space<vmem>>
        %dma_start3A_323 = arith.constant 0 : i32
        %dma_start3A_324 = arith.constant 0 : i32
        %dma_start3A_325 = tpu.memref_slice %arg11[%dma_start3A_323, %dma_start3A_324] : memref<10112x128xf32, #tpu.memory_space<vmem_shared>> -> memref<10112x128xf32, #tpu.memory_space<vmem_shared>>
        tpu.enqueue_indirect_dma source(%arg7 : memref<80x128xf32, #tpu.memory_space<vmem>>) target(%dma_start3A_325 : memref<10112x128xf32, #tpu.memory_space<vmem_shared>>) offsets(%dma_start3A_322 : memref<80xi32, #tpu.memory_space<vmem>>) semaphore(%run_scoped3A_319 : memref<!tpu.dma_semaphore, #tpu.memory_space<semaphore_mem>>) {add = true}
        %dma_wait3A_326 = arith.constant 0 : i32
        %dma_wait3A_327 = tpu.memref_slice %arg6[%add3A_257, %run_scoped3A_258, %dma_wait3A_326] : memref<32x2x80xi32, #tpu.memory_space<vmem>> -> memref<1x1x80xi32, #tpu.memory_space<vmem>>
        %dma_wait3A_328 = tpu.memref_squeeze %dma_wait3A_327 : memref<1x1x80xi32, #tpu.memory_space<vmem>> -> memref<80xi32, #tpu.memory_space<vmem>>
        %dma_wait3A_329 = arith.constant 0 : i32
        %dma_wait3A_330 = arith.constant 0 : i32
        %dma_wait3A_331 = tpu.memref_slice %arg11[%dma_wait3A_329, %dma_wait3A_330] : memref<10112x128xf32, #tpu.memory_space<vmem_shared>> -> memref<10112x128xf32, #tpu.memory_space<vmem_shared>>
        tpu.wait_indirect_dma semaphore(%run_scoped3A_319 : memref<!tpu.dma_semaphore, #tpu.memory_space<semaphore_mem>>) src(%arg7 : memref<80x128xf32, #tpu.memory_space<vmem>>) dst(%dma_wait3A_331 : memref<10112x128xf32, #tpu.memory_space<vmem_shared>>)
        tpu.yield
      }) : () -> ()
      %dma_wait3A_259 = arith.constant 0 : i32
      %dma_wait3A_260 = arith.constant 0 : i32
      %dma_wait3A_261 = tpu.memref_slice %arg2[%dma_wait3A_259, %dma_wait3A_260] : memref<10000x128xf32, #tpu.memory_space<hbm>> -> memref<80x128xf32, #tpu.memory_space<hbm>>
      %dma_wait3A_262 = arith.constant 0 : i32
      %dma_wait3A_263 = arith.constant 0 : i32
      %dma_wait3A_264 = tpu.memref_slice %arg2[%dma_wait3A_262, %dma_wait3A_263] : memref<10000x128xf32, #tpu.memory_space<hbm>> -> memref<80x128xf32, #tpu.memory_space<hbm>>
      tpu.wait_dma2 semaphore(%arg13 : memref<!tpu.dma_semaphore, #tpu.memory_space<semaphore_mem>>) src(%dma_wait3A_264 : memref<80x128xf32, #tpu.memory_space<hbm>>) dst(%arg8 : memref<80x128xf32, #tpu.memory_space<vmem>>)
      %add3A_265 = arith.constant 1 : i32
      %add3A_266 = arith.addi %mul3A_238, %add3A_265 : i32
      %add3A_267 = arith.constant 3 : i32
      %add3A_268 = arith.addi %add3A_266, %add3A_267 : i32
      %dma_start3A_269 = arith.constant 1 : i32
      %dma_start3A_270 = arith.constant 0 : i32
      %dma_start3A_271 = tpu.memref_slice %arg6[%add3A_268, %dma_start3A_269, %dma_start3A_270] : memref<32x2x80xi32, #tpu.memory_space<vmem>> -> memref<1x1x80xi32, #tpu.memory_space<vmem>>
      %dma_start3A_272 = tpu.memref_squeeze %dma_start3A_271 : memref<1x1x80xi32, #tpu.memory_space<vmem>> -> memref<80xi32, #tpu.memory_space<vmem>>
      %dma_start3A_273 = arith.constant 0 : i32
      %dma_start3A_274 = arith.constant 0 : i32
      %dma_start3A_275 = tpu.memref_slice %arg2[%dma_start3A_273, %dma_start3A_274] : memref<10000x128xf32, #tpu.memory_space<hbm>> -> memref<10000x128xf32, #tpu.memory_space<hbm>>
      tpu.enqueue_indirect_dma source(%dma_start3A_275 : memref<10000x128xf32, #tpu.memory_space<hbm>>) target(%arg7 : memref<80x128xf32, #tpu.memory_space<vmem>>) offsets(%dma_start3A_272 : memref<80xi32, #tpu.memory_space<vmem>>) semaphore(%arg12 : memref<!tpu.dma_semaphore, #tpu.memory_space<semaphore_mem>>)
      %add3A_276 = arith.constant 1 : i32
      %add3A_277 = arith.addi %mul3A_238, %add3A_276 : i32
      %run_scoped3A_278 = arith.constant 0 : i32
      "tpu.region"() ({
        %run_scoped3A_319 = tpu.sem_alloc : memref<!tpu.dma_semaphore, #tpu.memory_space<semaphore_mem>>
        %dma_start3A_320 = arith.constant 0 : i32
        %dma_start3A_321 = tpu.memref_slice %arg6[%add3A_277, %run_scoped3A_278, %dma_start3A_320] : memref<32x2x80xi32, #tpu.memory_space<vmem>> -> memref<1x1x80xi32, #tpu.memory_space<vmem>>
        %dma_start3A_322 = tpu.memref_squeeze %dma_start3A_321 : memref<1x1x80xi32, #tpu.memory_space<vmem>> -> memref<80xi32, #tpu.memory_space<vmem>>
        %dma_start3A_323 = arith.constant 0 : i32
        %dma_start3A_324 = arith.constant 0 : i32
        %dma_start3A_325 = tpu.memref_slice %arg11[%dma_start3A_323, %dma_start3A_324] : memref<10112x128xf32, #tpu.memory_space<vmem_shared>> -> memref<10112x128xf32, #tpu.memory_space<vmem_shared>>
        tpu.enqueue_indirect_dma source(%arg8 : memref<80x128xf32, #tpu.memory_space<vmem>>) target(%dma_start3A_325 : memref<10112x128xf32, #tpu.memory_space<vmem_shared>>) offsets(%dma_start3A_322 : memref<80xi32, #tpu.memory_space<vmem>>) semaphore(%run_scoped3A_319 : memref<!tpu.dma_semaphore, #tpu.memory_space<semaphore_mem>>) {add = true}
        %dma_wait3A_326 = arith.constant 0 : i32
        %dma_wait3A_327 = tpu.memref_slice %arg6[%add3A_277, %run_scoped3A_278, %dma_wait3A_326] : memref<32x2x80xi32, #tpu.memory_space<vmem>> -> memref<1x1x80xi32, #tpu.memory_space<vmem>>
        %dma_wait3A_328 = tpu.memref_squeeze %dma_wait3A_327 : memref<1x1x80xi32, #tpu.memory_space<vmem>> -> memref<80xi32, #tpu.memory_space<vmem>>
        %dma_wait3A_329 = arith.constant 0 : i32
        %dma_wait3A_330 = arith.constant 0 : i32
        %dma_wait3A_331 = tpu.memref_slice %arg11[%dma_wait3A_329, %dma_wait3A_330] : memref<10112x128xf32, #tpu.memory_space<vmem_shared>> -> memref<10112x128xf32, #tpu.memory_space<vmem_shared>>
        tpu.wait_indirect_dma semaphore(%run_scoped3A_319 : memref<!tpu.dma_semaphore, #tpu.memory_space<semaphore_mem>>) src(%arg8 : memref<80x128xf32, #tpu.memory_space<vmem>>) dst(%dma_wait3A_331 : memref<10112x128xf32, #tpu.memory_space<vmem_shared>>)
        tpu.yield
      }) : () -> ()
      %dma_wait3A_279 = arith.constant 0 : i32
      %dma_wait3A_280 = arith.constant 0 : i32
      %dma_wait3A_281 = tpu.memref_slice %arg2[%dma_wait3A_279, %dma_wait3A_280] : memref<10000x128xf32, #tpu.memory_space<hbm>> -> memref<80x128xf32, #tpu.memory_space<hbm>>
      %dma_wait3A_282 = arith.constant 0 : i32
      %dma_wait3A_283 = arith.constant 0 : i32
      %dma_wait3A_284 = tpu.memref_slice %arg2[%dma_wait3A_282, %dma_wait3A_283] : memref<10000x128xf32, #tpu.memory_space<hbm>> -> memref<80x128xf32, #tpu.memory_space<hbm>>
      tpu.wait_dma2 semaphore(%arg14 : memref<!tpu.dma_semaphore, #tpu.memory_space<semaphore_mem>>) src(%dma_wait3A_284 : memref<80x128xf32, #tpu.memory_space<hbm>>) dst(%arg9 : memref<80x128xf32, #tpu.memory_space<vmem>>)
      %add3A_285 = arith.constant 2 : i32
      %add3A_286 = arith.addi %mul3A_238, %add3A_285 : i32
      %add3A_287 = arith.constant 3 : i32
      %add3A_288 = arith.addi %add3A_286, %add3A_287 : i32
      %dma_start3A_289 = arith.constant 1 : i32
      %dma_start3A_290 = arith.constant 0 : i32
      %dma_start3A_291 = tpu.memref_slice %arg6[%add3A_288, %dma_start3A_289, %dma_start3A_290] : memref<32x2x80xi32, #tpu.memory_space<vmem>> -> memref<1x1x80xi32, #tpu.memory_space<vmem>>
      %dma_start3A_292 = tpu.memref_squeeze %dma_start3A_291 : memref<1x1x80xi32, #tpu.memory_space<vmem>> -> memref<80xi32, #tpu.memory_space<vmem>>
      %dma_start3A_293 = arith.constant 0 : i32
      %dma_start3A_294 = arith.constant 0 : i32
      %dma_start3A_295 = tpu.memref_slice %arg2[%dma_start3A_293, %dma_start3A_294] : memref<10000x128xf32, #tpu.memory_space<hbm>> -> memref<10000x128xf32, #tpu.memory_space<hbm>>
      tpu.enqueue_indirect_dma source(%dma_start3A_295 : memref<10000x128xf32, #tpu.memory_space<hbm>>) target(%arg8 : memref<80x128xf32, #tpu.memory_space<vmem>>) offsets(%dma_start3A_292 : memref<80xi32, #tpu.memory_space<vmem>>) semaphore(%arg13 : memref<!tpu.dma_semaphore, #tpu.memory_space<semaphore_mem>>)
      %add3A_296 = arith.constant 2 : i32
      %add3A_297 = arith.addi %mul3A_238, %add3A_296 : i32
      %run_scoped3A_298 = arith.constant 0 : i32
      "tpu.region"() ({
        %run_scoped3A_319 = tpu.sem_alloc : memref<!tpu.dma_semaphore, #tpu.memory_space<semaphore_mem>>
        %dma_start3A_320 = arith.constant 0 : i32
        %dma_start3A_321 = tpu.memref_slice %arg6[%add3A_297, %run_scoped3A_298, %dma_start3A_320] : memref<32x2x80xi32, #tpu.memory_space<vmem>> -> memref<1x1x80xi32, #tpu.memory_space<vmem>>
        %dma_start3A_322 = tpu.memref_squeeze %dma_start3A_321 : memref<1x1x80xi32, #tpu.memory_space<vmem>> -> memref<80xi32, #tpu.memory_space<vmem>>
        %dma_start3A_323 = arith.constant 0 : i32
        %dma_start3A_324 = arith.constant 0 : i32
        %dma_start3A_325 = tpu.memref_slice %arg11[%dma_start3A_323, %dma_start3A_324] : memref<10112x128xf32, #tpu.memory_space<vmem_shared>> -> memref<10112x128xf32, #tpu.memory_space<vmem_shared>>
        tpu.enqueue_indirect_dma source(%arg9 : memref<80x128xf32, #tpu.memory_space<vmem>>) target(%dma_start3A_325 : memref<10112x128xf32, #tpu.memory_space<vmem_shared>>) offsets(%dma_start3A_322 : memref<80xi32, #tpu.memory_space<vmem>>) semaphore(%run_scoped3A_319 : memref<!tpu.dma_semaphore, #tpu.memory_space<semaphore_mem>>) {add = true}
        %dma_wait3A_326 = arith.constant 0 : i32
        %dma_wait3A_327 = tpu.memref_slice %arg6[%add3A_297, %run_scoped3A_298, %dma_wait3A_326] : memref<32x2x80xi32, #tpu.memory_space<vmem>> -> memref<1x1x80xi32, #tpu.memory_space<vmem>>
        %dma_wait3A_328 = tpu.memref_squeeze %dma_wait3A_327 : memref<1x1x80xi32, #tpu.memory_space<vmem>> -> memref<80xi32, #tpu.memory_space<vmem>>
        %dma_wait3A_329 = arith.constant 0 : i32
        %dma_wait3A_330 = arith.constant 0 : i32
        %dma_wait3A_331 = tpu.memref_slice %arg11[%dma_wait3A_329, %dma_wait3A_330] : memref<10112x128xf32, #tpu.memory_space<vmem_shared>> -> memref<10112x128xf32, #tpu.memory_space<vmem_shared>>
        tpu.wait_indirect_dma semaphore(%run_scoped3A_319 : memref<!tpu.dma_semaphore, #tpu.memory_space<semaphore_mem>>) src(%arg9 : memref<80x128xf32, #tpu.memory_space<vmem>>) dst(%dma_wait3A_331 : memref<10112x128xf32, #tpu.memory_space<vmem_shared>>)
        tpu.yield
      }) : () -> ()
      %dma_wait3A_299 = arith.constant 0 : i32
      %dma_wait3A_300 = arith.constant 0 : i32
      %dma_wait3A_301 = tpu.memref_slice %arg2[%dma_wait3A_299, %dma_wait3A_300] : memref<10000x128xf32, #tpu.memory_space<hbm>> -> memref<80x128xf32, #tpu.memory_space<hbm>>
      %dma_wait3A_302 = arith.constant 0 : i32
      %dma_wait3A_303 = arith.constant 0 : i32
      %dma_wait3A_304 = tpu.memref_slice %arg2[%dma_wait3A_302, %dma_wait3A_303] : memref<10000x128xf32, #tpu.memory_space<hbm>> -> memref<80x128xf32, #tpu.memory_space<hbm>>
      tpu.wait_dma2 semaphore(%arg15 : memref<!tpu.dma_semaphore, #tpu.memory_space<semaphore_mem>>) src(%dma_wait3A_304 : memref<80x128xf32, #tpu.memory_space<hbm>>) dst(%arg10 : memref<80x128xf32, #tpu.memory_space<vmem>>)
      %add3A_305 = arith.constant 3 : i32
      %add3A_306 = arith.addi %mul3A_238, %add3A_305 : i32
      %add3A_307 = arith.constant 3 : i32
      %add3A_308 = arith.addi %add3A_306, %add3A_307 : i32
      %dma_start3A_309 = arith.constant 1 : i32
      %dma_start3A_310 = arith.constant 0 : i32
      %dma_start3A_311 = tpu.memref_slice %arg6[%add3A_308, %dma_start3A_309, %dma_start3A_310] : memref<32x2x80xi32, #tpu.memory_space<vmem>> -> memref<1x1x80xi32, #tpu.memory_space<vmem>>
      %dma_start3A_312 = tpu.memref_squeeze %dma_start3A_311 : memref<1x1x80xi32, #tpu.memory_space<vmem>> -> memref<80xi32, #tpu.memory_space<vmem>>
      %dma_start3A_313 = arith.constant 0 : i32
      %dma_start3A_314 = arith.constant 0 : i32
      %dma_start3A_315 = tpu.memref_slice %arg2[%dma_start3A_313, %dma_start3A_314] : memref<10000x128xf32, #tpu.memory_space<hbm>> -> memref<10000x128xf32, #tpu.memory_space<hbm>>
      tpu.enqueue_indirect_dma source(%dma_start3A_315 : memref<10000x128xf32, #tpu.memory_space<hbm>>) target(%arg9 : memref<80x128xf32, #tpu.memory_space<vmem>>) offsets(%dma_start3A_312 : memref<80xi32, #tpu.memory_space<vmem>>) semaphore(%arg14 : memref<!tpu.dma_semaphore, #tpu.memory_space<semaphore_mem>>)
      %add3A_316 = arith.constant 3 : i32
      %add3A_317 = arith.addi %mul3A_238, %add3A_316 : i32
      %run_scoped3A_318 = arith.constant 0 : i32
      "tpu.region"() ({
        %run_scoped3A_319 = tpu.sem_alloc : memref<!tpu.dma_semaphore, #tpu.memory_space<semaphore_mem>>
        %dma_start3A_320 = arith.constant 0 : i32
        %dma_start3A_321 = tpu.memref_slice %arg6[%add3A_317, %run_scoped3A_318, %dma_start3A_320] : memref<32x2x80xi32, #tpu.memory_space<vmem>> -> memref<1x1x80xi32, #tpu.memory_space<vmem>>
        %dma_start3A_322 = tpu.memref_squeeze %dma_start3A_321 : memref<1x1x80xi32, #tpu.memory_space<vmem>> -> memref<80xi32, #tpu.memory_space<vmem>>
        %dma_start3A_323 = arith.constant 0 : i32
        %dma_start3A_324 = arith.constant 0 : i32
        %dma_start3A_325 = tpu.memref_slice %arg11[%dma_start3A_323, %dma_start3A_324] : memref<10112x128xf32, #tpu.memory_space<vmem_shared>> -> memref<10112x128xf32, #tpu.memory_space<vmem_shared>>
        tpu.enqueue_indirect_dma source(%arg10 : memref<80x128xf32, #tpu.memory_space<vmem>>) target(%dma_start3A_325 : memref<10112x128xf32, #tpu.memory_space<vmem_shared>>) offsets(%dma_start3A_322 : memref<80xi32, #tpu.memory_space<vmem>>) semaphore(%run_scoped3A_319 : memref<!tpu.dma_semaphore, #tpu.memory_space<semaphore_mem>>) {add = true}
        %dma_wait3A_326 = arith.constant 0 : i32
        %dma_wait3A_327 = tpu.memref_slice %arg6[%add3A_317, %run_scoped3A_318, %dma_wait3A_326] : memref<32x2x80xi32, #tpu.memory_space<vmem>> -> memref<1x1x80xi32, #tpu.memory_space<vmem>>
        %dma_wait3A_328 = tpu.memref_squeeze %dma_wait3A_327 : memref<1x1x80xi32, #tpu.memory_space<vmem>> -> memref<80xi32, #tpu.memory_space<vmem>>
        %dma_wait3A_329 = arith.constant 0 : i32
        %dma_wait3A_330 = arith.constant 0 : i32
        %dma_wait3A_331 = tpu.memref_slice %arg11[%dma_wait3A_329, %dma_wait3A_330] : memref<10112x128xf32, #tpu.memory_space<vmem_shared>> -> memref<10112x128xf32, #tpu.memory_space<vmem_shared>>
        tpu.wait_indirect_dma semaphore(%run_scoped3A_319 : memref<!tpu.dma_semaphore, #tpu.memory_space<semaphore_mem>>) src(%arg10 : memref<80x128xf32, #tpu.memory_space<vmem>>) dst(%dma_wait3A_331 : memref<10112x128xf32, #tpu.memory_space<vmem_shared>>)
        tpu.yield
      }) : () -> ()
    }
    %scan3A_136 = arith.constant 7 : i32
    %dma_wait3A_137 = arith.constant 0 : i32
    %dma_wait3A_138 = arith.constant 0 : i32
    %dma_wait3A_139 = tpu.memref_slice %arg2[%dma_wait3A_137, %dma_wait3A_138] : memref<10000x128xf32, #tpu.memory_space<hbm>> -> memref<80x128xf32, #tpu.memory_space<hbm>>
    %dma_wait3A_140 = arith.constant 0 : i32
    %dma_wait3A_141 = arith.constant 0 : i32
    %dma_wait3A_142 = tpu.memref_slice %arg2[%dma_wait3A_140, %dma_wait3A_141] : memref<10000x128xf32, #tpu.memory_space<hbm>> -> memref<80x128xf32, #tpu.memory_space<hbm>>
    tpu.wait_dma2 semaphore(%arg12 : memref<!tpu.dma_semaphore, #tpu.memory_space<semaphore_mem>>) src(%dma_wait3A_142 : memref<80x128xf32, #tpu.memory_space<hbm>>) dst(%arg7 : memref<80x128xf32, #tpu.memory_space<vmem>>)
    %run_scoped3A_143 = arith.constant 28 : i32
    %run_scoped3A_144 = arith.constant 0 : i32
    "tpu.region"() ({
      %run_scoped3A_236 = tpu.sem_alloc : memref<!tpu.dma_semaphore, #tpu.memory_space<semaphore_mem>>
      %dma_start3A_237 = arith.constant 0 : i32
      %dma_start3A_238 = tpu.memref_slice %arg6[%run_scoped3A_143, %run_scoped3A_144, %dma_start3A_237] : memref<32x2x80xi32, #tpu.memory_space<vmem>> -> memref<1x1x80xi32, #tpu.memory_space<vmem>>
      %dma_start3A_239 = tpu.memref_squeeze %dma_start3A_238 : memref<1x1x80xi32, #tpu.memory_space<vmem>> -> memref<80xi32, #tpu.memory_space<vmem>>
      %dma_start3A_240 = arith.constant 0 : i32
      %dma_start3A_241 = arith.constant 0 : i32
      %dma_start3A_242 = tpu.memref_slice %arg11[%dma_start3A_240, %dma_start3A_241] : memref<10112x128xf32, #tpu.memory_space<vmem_shared>> -> memref<10112x128xf32, #tpu.memory_space<vmem_shared>>
      tpu.enqueue_indirect_dma source(%arg7 : memref<80x128xf32, #tpu.memory_space<vmem>>) target(%dma_start3A_242 : memref<10112x128xf32, #tpu.memory_space<vmem_shared>>) offsets(%dma_start3A_239 : memref<80xi32, #tpu.memory_space<vmem>>) semaphore(%run_scoped3A_236 : memref<!tpu.dma_semaphore, #tpu.memory_space<semaphore_mem>>) {add = true}
      %dma_wait3A_243 = arith.constant 0 : i32
      %dma_wait3A_244 = tpu.memref_slice %arg6[%run_scoped3A_143, %run_scoped3A_144, %dma_wait3A_243] : memref<32x2x80xi32, #tpu.memory_space<vmem>> -> memref<1x1x80xi32, #tpu.memory_space<vmem>>
      %dma_wait3A_245 = tpu.memref_squeeze %dma_wait3A_244 : memref<1x1x80xi32, #tpu.memory_space<vmem>> -> memref<80xi32, #tpu.memory_space<vmem>>
      %dma_wait3A_246 = arith.constant 0 : i32
      %dma_wait3A_247 = arith.constant 0 : i32
      %dma_wait3A_248 = tpu.memref_slice %arg11[%dma_wait3A_246, %dma_wait3A_247] : memref<10112x128xf32, #tpu.memory_space<vmem_shared>> -> memref<10112x128xf32, #tpu.memory_space<vmem_shared>>
      tpu.wait_indirect_dma semaphore(%run_scoped3A_236 : memref<!tpu.dma_semaphore, #tpu.memory_space<semaphore_mem>>) src(%arg7 : memref<80x128xf32, #tpu.memory_space<vmem>>) dst(%dma_wait3A_248 : memref<10112x128xf32, #tpu.memory_space<vmem_shared>>)
      tpu.yield
    }) : () -> ()
    %dma_wait3A_145 = arith.constant 0 : i32
    %dma_wait3A_146 = arith.constant 0 : i32
    %dma_wait3A_147 = tpu.memref_slice %arg2[%dma_wait3A_145, %dma_wait3A_146] : memref<10000x128xf32, #tpu.memory_space<hbm>> -> memref<80x128xf32, #tpu.memory_space<hbm>>
    %dma_wait3A_148 = arith.constant 0 : i32
    %dma_wait3A_149 = arith.constant 0 : i32
    %dma_wait3A_150 = tpu.memref_slice %arg2[%dma_wait3A_148, %dma_wait3A_149] : memref<10000x128xf32, #tpu.memory_space<hbm>> -> memref<80x128xf32, #tpu.memory_space<hbm>>
    tpu.wait_dma2 semaphore(%arg13 : memref<!tpu.dma_semaphore, #tpu.memory_space<semaphore_mem>>) src(%dma_wait3A_150 : memref<80x128xf32, #tpu.memory_space<hbm>>) dst(%arg8 : memref<80x128xf32, #tpu.memory_space<vmem>>)
    %run_scoped3A_151 = arith.constant 29 : i32
    %run_scoped3A_152 = arith.constant 0 : i32
    "tpu.region"() ({
      %run_scoped3A_236 = tpu.sem_alloc : memref<!tpu.dma_semaphore, #tpu.memory_space<semaphore_mem>>
      %dma_start3A_237 = arith.constant 0 : i32
      %dma_start3A_238 = tpu.memref_slice %arg6[%run_scoped3A_151, %run_scoped3A_152, %dma_start3A_237] : memref<32x2x80xi32, #tpu.memory_space<vmem>> -> memref<1x1x80xi32, #tpu.memory_space<vmem>>
      %dma_start3A_239 = tpu.memref_squeeze %dma_start3A_238 : memref<1x1x80xi32, #tpu.memory_space<vmem>> -> memref<80xi32, #tpu.memory_space<vmem>>
      %dma_start3A_240 = arith.constant 0 : i32
      %dma_start3A_241 = arith.constant 0 : i32
      %dma_start3A_242 = tpu.memref_slice %arg11[%dma_start3A_240, %dma_start3A_241] : memref<10112x128xf32, #tpu.memory_space<vmem_shared>> -> memref<10112x128xf32, #tpu.memory_space<vmem_shared>>
      tpu.enqueue_indirect_dma source(%arg8 : memref<80x128xf32, #tpu.memory_space<vmem>>) target(%dma_start3A_242 : memref<10112x128xf32, #tpu.memory_space<vmem_shared>>) offsets(%dma_start3A_239 : memref<80xi32, #tpu.memory_space<vmem>>) semaphore(%run_scoped3A_236 : memref<!tpu.dma_semaphore, #tpu.memory_space<semaphore_mem>>) {add = true}
      %dma_wait3A_243 = arith.constant 0 : i32
      %dma_wait3A_244 = tpu.memref_slice %arg6[%run_scoped3A_151, %run_scoped3A_152, %dma_wait3A_243] : memref<32x2x80xi32, #tpu.memory_space<vmem>> -> memref<1x1x80xi32, #tpu.memory_space<vmem>>
      %dma_wait3A_245 = tpu.memref_squeeze %dma_wait3A_244 : memref<1x1x80xi32, #tpu.memory_space<vmem>> -> memref<80xi32, #tpu.memory_space<vmem>>
      %dma_wait3A_246 = arith.constant 0 : i32
      %dma_wait3A_247 = arith.constant 0 : i32
      %dma_wait3A_248 = tpu.memref_slice %arg11[%dma_wait3A_246, %dma_wait3A_247] : memref<10112x128xf32, #tpu.memory_space<vmem_shared>> -> memref<10112x128xf32, #tpu.memory_space<vmem_shared>>
      tpu.wait_indirect_dma semaphore(%run_scoped3A_236 : memref<!tpu.dma_semaphore, #tpu.memory_space<semaphore_mem>>) src(%arg8 : memref<80x128xf32, #tpu.memory_space<vmem>>) dst(%dma_wait3A_248 : memref<10112x128xf32, #tpu.memory_space<vmem_shared>>)
      tpu.yield
    }) : () -> ()
    %dma_wait3A_153 = arith.constant 0 : i32
    %dma_wait3A_154 = arith.constant 0 : i32
    %dma_wait3A_155 = tpu.memref_slice %arg2[%dma_wait3A_153, %dma_wait3A_154] : memref<10000x128xf32, #tpu.memory_space<hbm>> -> memref<80x128xf32, #tpu.memory_space<hbm>>
    %dma_wait3A_156 = arith.constant 0 : i32
    %dma_wait3A_157 = arith.constant 0 : i32
    %dma_wait3A_158 = tpu.memref_slice %arg2[%dma_wait3A_156, %dma_wait3A_157] : memref<10000x128xf32, #tpu.memory_space<hbm>> -> memref<80x128xf32, #tpu.memory_space<hbm>>
    tpu.wait_dma2 semaphore(%arg14 : memref<!tpu.dma_semaphore, #tpu.memory_space<semaphore_mem>>) src(%dma_wait3A_158 : memref<80x128xf32, #tpu.memory_space<hbm>>) dst(%arg9 : memref<80x128xf32, #tpu.memory_space<vmem>>)
    %run_scoped3A_159 = arith.constant 30 : i32
    %run_scoped3A_160 = arith.constant 0 : i32
    "tpu.region"() ({
      %run_scoped3A_236 = tpu.sem_alloc : memref<!tpu.dma_semaphore, #tpu.memory_space<semaphore_mem>>
      %dma_start3A_237 = arith.constant 0 : i32
      %dma_start3A_238 = tpu.memref_slice %arg6[%run_scoped3A_159, %run_scoped3A_160, %dma_start3A_237] : memref<32x2x80xi32, #tpu.memory_space<vmem>> -> memref<1x1x80xi32, #tpu.memory_space<vmem>>
      %dma_start3A_239 = tpu.memref_squeeze %dma_start3A_238 : memref<1x1x80xi32, #tpu.memory_space<vmem>> -> memref<80xi32, #tpu.memory_space<vmem>>
      %dma_start3A_240 = arith.constant 0 : i32
      %dma_start3A_241 = arith.constant 0 : i32
      %dma_start3A_242 = tpu.memref_slice %arg11[%dma_start3A_240, %dma_start3A_241] : memref<10112x128xf32, #tpu.memory_space<vmem_shared>> -> memref<10112x128xf32, #tpu.memory_space<vmem_shared>>
      tpu.enqueue_indirect_dma source(%arg9 : memref<80x128xf32, #tpu.memory_space<vmem>>) target(%dma_start3A_242 : memref<10112x128xf32, #tpu.memory_space<vmem_shared>>) offsets(%dma_start3A_239 : memref<80xi32, #tpu.memory_space<vmem>>) semaphore(%run_scoped3A_236 : memref<!tpu.dma_semaphore, #tpu.memory_space<semaphore_mem>>) {add = true}
      %dma_wait3A_243 = arith.constant 0 : i32
      %dma_wait3A_244 = tpu.memref_slice %arg6[%run_scoped3A_159, %run_scoped3A_160, %dma_wait3A_243] : memref<32x2x80xi32, #tpu.memory_space<vmem>> -> memref<1x1x80xi32, #tpu.memory_space<vmem>>
      %dma_wait3A_245 = tpu.memref_squeeze %dma_wait3A_244 : memref<1x1x80xi32, #tpu.memory_space<vmem>> -> memref<80xi32, #tpu.memory_space<vmem>>
      %dma_wait3A_246 = arith.constant 0 : i32
      %dma_wait3A_247 = arith.constant 0 : i32
      %dma_wait3A_248 = tpu.memref_slice %arg11[%dma_wait3A_246, %dma_wait3A_247] : memref<10112x128xf32, #tpu.memory_space<vmem_shared>> -> memref<10112x128xf32, #tpu.memory_space<vmem_shared>>
      tpu.wait_indirect_dma semaphore(%run_scoped3A_236 : memref<!tpu.dma_semaphore, #tpu.memory_space<semaphore_mem>>) src(%arg9 : memref<80x128xf32, #tpu.memory_space<vmem>>) dst(%dma_wait3A_248 : memref<10112x128xf32, #tpu.memory_space<vmem_shared>>)
      tpu.yield
    }) : () -> ()
    "tpu.region"() ({
      %run_scoped3A_236 = tpu.sem_alloc : memref<!tpu.dma_semaphore, #tpu.memory_space<semaphore_mem>>
      %dma_start3A_237 = arith.constant 93 : i32
      %dma_start3A_238 = arith.constant 0 : i32
      %dma_start3A_239 = arith.constant 0 : i32
      %dma_start3A_240 = tpu.memref_slice %arg3[%add3A, %dma_start3A_237, %dma_start3A_238, %dma_start3A_239] : memref<32x125x2x80xi32, #tpu.memory_space<hbm>> -> memref<1x32x2x80xi32, #tpu.memory_space<hbm>>
      %dma_start3A_241 = tpu.memref_squeeze %dma_start3A_240 : memref<1x32x2x80xi32, #tpu.memory_space<hbm>> -> memref<32x2x80xi32, #tpu.memory_space<hbm>>
      %dma_start3A_242 = arith.constant 93 : i32
      %dma_start3A_243 = arith.constant 0 : i32
      %dma_start3A_244 = arith.constant 0 : i32
      %dma_start3A_245 = tpu.memref_slice %arg3[%add3A, %dma_start3A_242, %dma_start3A_243, %dma_start3A_244] : memref<32x125x2x80xi32, #tpu.memory_space<hbm>> -> memref<1x32x2x80xi32, #tpu.memory_space<hbm>>
      %dma_start3A_246 = tpu.memref_squeeze %dma_start3A_245 : memref<1x32x2x80xi32, #tpu.memory_space<hbm>> -> memref<32x2x80xi32, #tpu.memory_space<hbm>>
      tpu.enqueue_dma source(%dma_start3A_246 : memref<32x2x80xi32, #tpu.memory_space<hbm>>) target(%arg6 : memref<32x2x80xi32, #tpu.memory_space<vmem>>) target_semaphore(%run_scoped3A_236 : memref<!tpu.dma_semaphore, #tpu.memory_space<semaphore_mem>>)
      %dma_wait3A_247 = arith.constant 93 : i32
      %dma_wait3A_248 = arith.constant 0 : i32
      %dma_wait3A_249 = arith.constant 0 : i32
      %dma_wait3A_250 = tpu.memref_slice %arg3[%add3A, %dma_wait3A_247, %dma_wait3A_248, %dma_wait3A_249] : memref<32x125x2x80xi32, #tpu.memory_space<hbm>> -> memref<1x32x2x80xi32, #tpu.memory_space<hbm>>
      %dma_wait3A_251 = tpu.memref_squeeze %dma_wait3A_250 : memref<1x32x2x80xi32, #tpu.memory_space<hbm>> -> memref<32x2x80xi32, #tpu.memory_space<hbm>>
      %dma_wait3A_252 = arith.constant 93 : i32
      %dma_wait3A_253 = arith.constant 0 : i32
      %dma_wait3A_254 = arith.constant 0 : i32
      %dma_wait3A_255 = tpu.memref_slice %arg3[%add3A, %dma_wait3A_252, %dma_wait3A_253, %dma_wait3A_254] : memref<32x125x2x80xi32, #tpu.memory_space<hbm>> -> memref<1x32x2x80xi32, #tpu.memory_space<hbm>>
      %dma_wait3A_256 = tpu.memref_squeeze %dma_wait3A_255 : memref<1x32x2x80xi32, #tpu.memory_space<hbm>> -> memref<32x2x80xi32, #tpu.memory_space<hbm>>
      tpu.wait_dma2 semaphore(%run_scoped3A_236 : memref<!tpu.dma_semaphore, #tpu.memory_space<semaphore_mem>>) src(%dma_wait3A_256 : memref<32x2x80xi32, #tpu.memory_space<hbm>>) dst(%arg6 : memref<32x2x80xi32, #tpu.memory_space<vmem>>)
      tpu.yield
    }) : () -> ()
    %dma_start3A_161 = arith.constant 0 : i32
    %dma_start3A_162 = arith.constant 1 : i32
    %dma_start3A_163 = arith.constant 0 : i32
    %dma_start3A_164 = tpu.memref_slice %arg6[%dma_start3A_161, %dma_start3A_162, %dma_start3A_163] : memref<32x2x80xi32, #tpu.memory_space<vmem>> -> memref<1x1x80xi32, #tpu.memory_space<vmem>>
    %dma_start3A_165 = tpu.memref_squeeze %dma_start3A_164 : memref<1x1x80xi32, #tpu.memory_space<vmem>> -> memref<80xi32, #tpu.memory_space<vmem>>
    %dma_start3A_166 = arith.constant 0 : i32
    %dma_start3A_167 = arith.constant 0 : i32
    %dma_start3A_168 = tpu.memref_slice %arg2[%dma_start3A_166, %dma_start3A_167] : memref<10000x128xf32, #tpu.memory_space<hbm>> -> memref<10000x128xf32, #tpu.memory_space<hbm>>
    tpu.enqueue_indirect_dma source(%dma_start3A_168 : memref<10000x128xf32, #tpu.memory_space<hbm>>) target(%arg7 : memref<80x128xf32, #tpu.memory_space<vmem>>) offsets(%dma_start3A_165 : memref<80xi32, #tpu.memory_space<vmem>>) semaphore(%arg12 : memref<!tpu.dma_semaphore, #tpu.memory_space<semaphore_mem>>)
    %dma_start3A_169 = arith.constant 1 : i32
    %dma_start3A_170 = arith.constant 1 : i32
    %dma_start3A_171 = arith.constant 0 : i32
    %dma_start3A_172 = tpu.memref_slice %arg6[%dma_start3A_169, %dma_start3A_170, %dma_start3A_171] : memref<32x2x80xi32, #tpu.memory_space<vmem>> -> memref<1x1x80xi32, #tpu.memory_space<vmem>>
    %dma_start3A_173 = tpu.memref_squeeze %dma_start3A_172 : memref<1x1x80xi32, #tpu.memory_space<vmem>> -> memref<80xi32, #tpu.memory_space<vmem>>
    %dma_start3A_174 = arith.constant 0 : i32
    %dma_start3A_175 = arith.constant 0 : i32
    %dma_start3A_176 = tpu.memref_slice %arg2[%dma_start3A_174, %dma_start3A_175] : memref<10000x128xf32, #tpu.memory_space<hbm>> -> memref<10000x128xf32, #tpu.memory_space<hbm>>
    tpu.enqueue_indirect_dma source(%dma_start3A_176 : memref<10000x128xf32, #tpu.memory_space<hbm>>) target(%arg8 : memref<80x128xf32, #tpu.memory_space<vmem>>) offsets(%dma_start3A_173 : memref<80xi32, #tpu.memory_space<vmem>>) semaphore(%arg13 : memref<!tpu.dma_semaphore, #tpu.memory_space<semaphore_mem>>)
    %dma_start3A_177 = arith.constant 2 : i32
    %dma_start3A_178 = arith.constant 1 : i32
    %dma_start3A_179 = arith.constant 0 : i32
    %dma_start3A_180 = tpu.memref_slice %arg6[%dma_start3A_177, %dma_start3A_178, %dma_start3A_179] : memref<32x2x80xi32, #tpu.memory_space<vmem>> -> memref<1x1x80xi32, #tpu.memory_space<vmem>>
    %dma_start3A_181 = tpu.memref_squeeze %dma_start3A_180 : memref<1x1x80xi32, #tpu.memory_space<vmem>> -> memref<80xi32, #tpu.memory_space<vmem>>
    %dma_start3A_182 = arith.constant 0 : i32
    %dma_start3A_183 = arith.constant 0 : i32
    %dma_start3A_184 = tpu.memref_slice %arg2[%dma_start3A_182, %dma_start3A_183] : memref<10000x128xf32, #tpu.memory_space<hbm>> -> memref<10000x128xf32, #tpu.memory_space<hbm>>
    tpu.enqueue_indirect_dma source(%dma_start3A_184 : memref<10000x128xf32, #tpu.memory_space<hbm>>) target(%arg9 : memref<80x128xf32, #tpu.memory_space<vmem>>) offsets(%dma_start3A_181 : memref<80xi32, #tpu.memory_space<vmem>>) semaphore(%arg14 : memref<!tpu.dma_semaphore, #tpu.memory_space<semaphore_mem>>)
    %scan3A_185 = arith.constant 0 : i32
    %scan3A_186 = arith.constant 0 : i32
    %scan3A_187 = arith.constant 7 : i32
    %scan3A_188 = arith.addi %scan3A_186, %scan3A_187 : i32
    %scan3A_189 = arith.constant 1 : i32
    scf.for %scan3A_236 = %scan3A_186 to %scan3A_188 step %scan3A_189  : i32 {
      %mul3A_237 = arith.constant 4 : i32
      %mul3A_238 = arith.muli %mul3A_237, %scan3A_236 : i32
      %dma_wait3A_239 = arith.constant 0 : i32
      %dma_wait3A_240 = arith.constant 0 : i32
      %dma_wait3A_241 = tpu.memref_slice %arg2[%dma_wait3A_239, %dma_wait3A_240] : memref<10000x128xf32, #tpu.memory_space<hbm>> -> memref<80x128xf32, #tpu.memory_space<hbm>>
      %dma_wait3A_242 = arith.constant 0 : i32
      %dma_wait3A_243 = arith.constant 0 : i32
      %dma_wait3A_244 = tpu.memref_slice %arg2[%dma_wait3A_242, %dma_wait3A_243] : memref<10000x128xf32, #tpu.memory_space<hbm>> -> memref<80x128xf32, #tpu.memory_space<hbm>>
      tpu.wait_dma2 semaphore(%arg12 : memref<!tpu.dma_semaphore, #tpu.memory_space<semaphore_mem>>) src(%dma_wait3A_244 : memref<80x128xf32, #tpu.memory_space<hbm>>) dst(%arg7 : memref<80x128xf32, #tpu.memory_space<vmem>>)
      %add3A_245 = arith.constant 0 : i32
      %add3A_246 = arith.addi %mul3A_238, %add3A_245 : i32
      %add3A_247 = arith.constant 3 : i32
      %add3A_248 = arith.addi %add3A_246, %add3A_247 : i32
      %dma_start3A_249 = arith.constant 1 : i32
      %dma_start3A_250 = arith.constant 0 : i32
      %dma_start3A_251 = tpu.memref_slice %arg6[%add3A_248, %dma_start3A_249, %dma_start3A_250] : memref<32x2x80xi32, #tpu.memory_space<vmem>> -> memref<1x1x80xi32, #tpu.memory_space<vmem>>
      %dma_start3A_252 = tpu.memref_squeeze %dma_start3A_251 : memref<1x1x80xi32, #tpu.memory_space<vmem>> -> memref<80xi32, #tpu.memory_space<vmem>>
      %dma_start3A_253 = arith.constant 0 : i32
      %dma_start3A_254 = arith.constant 0 : i32
      %dma_start3A_255 = tpu.memref_slice %arg2[%dma_start3A_253, %dma_start3A_254] : memref<10000x128xf32, #tpu.memory_space<hbm>> -> memref<10000x128xf32, #tpu.memory_space<hbm>>
      tpu.enqueue_indirect_dma source(%dma_start3A_255 : memref<10000x128xf32, #tpu.memory_space<hbm>>) target(%arg10 : memref<80x128xf32, #tpu.memory_space<vmem>>) offsets(%dma_start3A_252 : memref<80xi32, #tpu.memory_space<vmem>>) semaphore(%arg15 : memref<!tpu.dma_semaphore, #tpu.memory_space<semaphore_mem>>)
      %add3A_256 = arith.constant 0 : i32
      %add3A_257 = arith.addi %mul3A_238, %add3A_256 : i32
      %run_scoped3A_258 = arith.constant 0 : i32
      "tpu.region"() ({
        %run_scoped3A_319 = tpu.sem_alloc : memref<!tpu.dma_semaphore, #tpu.memory_space<semaphore_mem>>
        %dma_start3A_320 = arith.constant 0 : i32
        %dma_start3A_321 = tpu.memref_slice %arg6[%add3A_257, %run_scoped3A_258, %dma_start3A_320] : memref<32x2x80xi32, #tpu.memory_space<vmem>> -> memref<1x1x80xi32, #tpu.memory_space<vmem>>
        %dma_start3A_322 = tpu.memref_squeeze %dma_start3A_321 : memref<1x1x80xi32, #tpu.memory_space<vmem>> -> memref<80xi32, #tpu.memory_space<vmem>>
        %dma_start3A_323 = arith.constant 0 : i32
        %dma_start3A_324 = arith.constant 0 : i32
        %dma_start3A_325 = tpu.memref_slice %arg11[%dma_start3A_323, %dma_start3A_324] : memref<10112x128xf32, #tpu.memory_space<vmem_shared>> -> memref<10112x128xf32, #tpu.memory_space<vmem_shared>>
        tpu.enqueue_indirect_dma source(%arg7 : memref<80x128xf32, #tpu.memory_space<vmem>>) target(%dma_start3A_325 : memref<10112x128xf32, #tpu.memory_space<vmem_shared>>) offsets(%dma_start3A_322 : memref<80xi32, #tpu.memory_space<vmem>>) semaphore(%run_scoped3A_319 : memref<!tpu.dma_semaphore, #tpu.memory_space<semaphore_mem>>) {add = true}
        %dma_wait3A_326 = arith.constant 0 : i32
        %dma_wait3A_327 = tpu.memref_slice %arg6[%add3A_257, %run_scoped3A_258, %dma_wait3A_326] : memref<32x2x80xi32, #tpu.memory_space<vmem>> -> memref<1x1x80xi32, #tpu.memory_space<vmem>>
        %dma_wait3A_328 = tpu.memref_squeeze %dma_wait3A_327 : memref<1x1x80xi32, #tpu.memory_space<vmem>> -> memref<80xi32, #tpu.memory_space<vmem>>
        %dma_wait3A_329 = arith.constant 0 : i32
        %dma_wait3A_330 = arith.constant 0 : i32
        %dma_wait3A_331 = tpu.memref_slice %arg11[%dma_wait3A_329, %dma_wait3A_330] : memref<10112x128xf32, #tpu.memory_space<vmem_shared>> -> memref<10112x128xf32, #tpu.memory_space<vmem_shared>>
        tpu.wait_indirect_dma semaphore(%run_scoped3A_319 : memref<!tpu.dma_semaphore, #tpu.memory_space<semaphore_mem>>) src(%arg7 : memref<80x128xf32, #tpu.memory_space<vmem>>) dst(%dma_wait3A_331 : memref<10112x128xf32, #tpu.memory_space<vmem_shared>>)
        tpu.yield
      }) : () -> ()
      %dma_wait3A_259 = arith.constant 0 : i32
      %dma_wait3A_260 = arith.constant 0 : i32
      %dma_wait3A_261 = tpu.memref_slice %arg2[%dma_wait3A_259, %dma_wait3A_260] : memref<10000x128xf32, #tpu.memory_space<hbm>> -> memref<80x128xf32, #tpu.memory_space<hbm>>
      %dma_wait3A_262 = arith.constant 0 : i32
      %dma_wait3A_263 = arith.constant 0 : i32
      %dma_wait3A_264 = tpu.memref_slice %arg2[%dma_wait3A_262, %dma_wait3A_263] : memref<10000x128xf32, #tpu.memory_space<hbm>> -> memref<80x128xf32, #tpu.memory_space<hbm>>
      tpu.wait_dma2 semaphore(%arg13 : memref<!tpu.dma_semaphore, #tpu.memory_space<semaphore_mem>>) src(%dma_wait3A_264 : memref<80x128xf32, #tpu.memory_space<hbm>>) dst(%arg8 : memref<80x128xf32, #tpu.memory_space<vmem>>)
      %add3A_265 = arith.constant 1 : i32
      %add3A_266 = arith.addi %mul3A_238, %add3A_265 : i32
      %add3A_267 = arith.constant 3 : i32
      %add3A_268 = arith.addi %add3A_266, %add3A_267 : i32
      %dma_start3A_269 = arith.constant 1 : i32
      %dma_start3A_270 = arith.constant 0 : i32
      %dma_start3A_271 = tpu.memref_slice %arg6[%add3A_268, %dma_start3A_269, %dma_start3A_270] : memref<32x2x80xi32, #tpu.memory_space<vmem>> -> memref<1x1x80xi32, #tpu.memory_space<vmem>>
      %dma_start3A_272 = tpu.memref_squeeze %dma_start3A_271 : memref<1x1x80xi32, #tpu.memory_space<vmem>> -> memref<80xi32, #tpu.memory_space<vmem>>
      %dma_start3A_273 = arith.constant 0 : i32
      %dma_start3A_274 = arith.constant 0 : i32
      %dma_start3A_275 = tpu.memref_slice %arg2[%dma_start3A_273, %dma_start3A_274] : memref<10000x128xf32, #tpu.memory_space<hbm>> -> memref<10000x128xf32, #tpu.memory_space<hbm>>
      tpu.enqueue_indirect_dma source(%dma_start3A_275 : memref<10000x128xf32, #tpu.memory_space<hbm>>) target(%arg7 : memref<80x128xf32, #tpu.memory_space<vmem>>) offsets(%dma_start3A_272 : memref<80xi32, #tpu.memory_space<vmem>>) semaphore(%arg12 : memref<!tpu.dma_semaphore, #tpu.memory_space<semaphore_mem>>)
      %add3A_276 = arith.constant 1 : i32
      %add3A_277 = arith.addi %mul3A_238, %add3A_276 : i32
      %run_scoped3A_278 = arith.constant 0 : i32
      "tpu.region"() ({
        %run_scoped3A_319 = tpu.sem_alloc : memref<!tpu.dma_semaphore, #tpu.memory_space<semaphore_mem>>
        %dma_start3A_320 = arith.constant 0 : i32
        %dma_start3A_321 = tpu.memref_slice %arg6[%add3A_277, %run_scoped3A_278, %dma_start3A_320] : memref<32x2x80xi32, #tpu.memory_space<vmem>> -> memref<1x1x80xi32, #tpu.memory_space<vmem>>
        %dma_start3A_322 = tpu.memref_squeeze %dma_start3A_321 : memref<1x1x80xi32, #tpu.memory_space<vmem>> -> memref<80xi32, #tpu.memory_space<vmem>>
        %dma_start3A_323 = arith.constant 0 : i32
        %dma_start3A_324 = arith.constant 0 : i32
        %dma_start3A_325 = tpu.memref_slice %arg11[%dma_start3A_323, %dma_start3A_324] : memref<10112x128xf32, #tpu.memory_space<vmem_shared>> -> memref<10112x128xf32, #tpu.memory_space<vmem_shared>>
        tpu.enqueue_indirect_dma source(%arg8 : memref<80x128xf32, #tpu.memory_space<vmem>>) target(%dma_start3A_325 : memref<10112x128xf32, #tpu.memory_space<vmem_shared>>) offsets(%dma_start3A_322 : memref<80xi32, #tpu.memory_space<vmem>>) semaphore(%run_scoped3A_319 : memref<!tpu.dma_semaphore, #tpu.memory_space<semaphore_mem>>) {add = true}
        %dma_wait3A_326 = arith.constant 0 : i32
        %dma_wait3A_327 = tpu.memref_slice %arg6[%add3A_277, %run_scoped3A_278, %dma_wait3A_326] : memref<32x2x80xi32, #tpu.memory_space<vmem>> -> memref<1x1x80xi32, #tpu.memory_space<vmem>>
        %dma_wait3A_328 = tpu.memref_squeeze %dma_wait3A_327 : memref<1x1x80xi32, #tpu.memory_space<vmem>> -> memref<80xi32, #tpu.memory_space<vmem>>
        %dma_wait3A_329 = arith.constant 0 : i32
        %dma_wait3A_330 = arith.constant 0 : i32
        %dma_wait3A_331 = tpu.memref_slice %arg11[%dma_wait3A_329, %dma_wait3A_330] : memref<10112x128xf32, #tpu.memory_space<vmem_shared>> -> memref<10112x128xf32, #tpu.memory_space<vmem_shared>>
        tpu.wait_indirect_dma semaphore(%run_scoped3A_319 : memref<!tpu.dma_semaphore, #tpu.memory_space<semaphore_mem>>) src(%arg8 : memref<80x128xf32, #tpu.memory_space<vmem>>) dst(%dma_wait3A_331 : memref<10112x128xf32, #tpu.memory_space<vmem_shared>>)
        tpu.yield
      }) : () -> ()
      %dma_wait3A_279 = arith.constant 0 : i32
      %dma_wait3A_280 = arith.constant 0 : i32
      %dma_wait3A_281 = tpu.memref_slice %arg2[%dma_wait3A_279, %dma_wait3A_280] : memref<10000x128xf32, #tpu.memory_space<hbm>> -> memref<80x128xf32, #tpu.memory_space<hbm>>
      %dma_wait3A_282 = arith.constant 0 : i32
      %dma_wait3A_283 = arith.constant 0 : i32
      %dma_wait3A_284 = tpu.memref_slice %arg2[%dma_wait3A_282, %dma_wait3A_283] : memref<10000x128xf32, #tpu.memory_space<hbm>> -> memref<80x128xf32, #tpu.memory_space<hbm>>
      tpu.wait_dma2 semaphore(%arg14 : memref<!tpu.dma_semaphore, #tpu.memory_space<semaphore_mem>>) src(%dma_wait3A_284 : memref<80x128xf32, #tpu.memory_space<hbm>>) dst(%arg9 : memref<80x128xf32, #tpu.memory_space<vmem>>)
      %add3A_285 = arith.constant 2 : i32
      %add3A_286 = arith.addi %mul3A_238, %add3A_285 : i32
      %add3A_287 = arith.constant 3 : i32
      %add3A_288 = arith.addi %add3A_286, %add3A_287 : i32
      %dma_start3A_289 = arith.constant 1 : i32
      %dma_start3A_290 = arith.constant 0 : i32
      %dma_start3A_291 = tpu.memref_slice %arg6[%add3A_288, %dma_start3A_289, %dma_start3A_290] : memref<32x2x80xi32, #tpu.memory_space<vmem>> -> memref<1x1x80xi32, #tpu.memory_space<vmem>>
      %dma_start3A_292 = tpu.memref_squeeze %dma_start3A_291 : memref<1x1x80xi32, #tpu.memory_space<vmem>> -> memref<80xi32, #tpu.memory_space<vmem>>
      %dma_start3A_293 = arith.constant 0 : i32
      %dma_start3A_294 = arith.constant 0 : i32
      %dma_start3A_295 = tpu.memref_slice %arg2[%dma_start3A_293, %dma_start3A_294] : memref<10000x128xf32, #tpu.memory_space<hbm>> -> memref<10000x128xf32, #tpu.memory_space<hbm>>
      tpu.enqueue_indirect_dma source(%dma_start3A_295 : memref<10000x128xf32, #tpu.memory_space<hbm>>) target(%arg8 : memref<80x128xf32, #tpu.memory_space<vmem>>) offsets(%dma_start3A_292 : memref<80xi32, #tpu.memory_space<vmem>>) semaphore(%arg13 : memref<!tpu.dma_semaphore, #tpu.memory_space<semaphore_mem>>)
      %add3A_296 = arith.constant 2 : i32
      %add3A_297 = arith.addi %mul3A_238, %add3A_296 : i32
      %run_scoped3A_298 = arith.constant 0 : i32
      "tpu.region"() ({
        %run_scoped3A_319 = tpu.sem_alloc : memref<!tpu.dma_semaphore, #tpu.memory_space<semaphore_mem>>
        %dma_start3A_320 = arith.constant 0 : i32
        %dma_start3A_321 = tpu.memref_slice %arg6[%add3A_297, %run_scoped3A_298, %dma_start3A_320] : memref<32x2x80xi32, #tpu.memory_space<vmem>> -> memref<1x1x80xi32, #tpu.memory_space<vmem>>
        %dma_start3A_322 = tpu.memref_squeeze %dma_start3A_321 : memref<1x1x80xi32, #tpu.memory_space<vmem>> -> memref<80xi32, #tpu.memory_space<vmem>>
        %dma_start3A_323 = arith.constant 0 : i32
        %dma_start3A_324 = arith.constant 0 : i32
        %dma_start3A_325 = tpu.memref_slice %arg11[%dma_start3A_323, %dma_start3A_324] : memref<10112x128xf32, #tpu.memory_space<vmem_shared>> -> memref<10112x128xf32, #tpu.memory_space<vmem_shared>>
        tpu.enqueue_indirect_dma source(%arg9 : memref<80x128xf32, #tpu.memory_space<vmem>>) target(%dma_start3A_325 : memref<10112x128xf32, #tpu.memory_space<vmem_shared>>) offsets(%dma_start3A_322 : memref<80xi32, #tpu.memory_space<vmem>>) semaphore(%run_scoped3A_319 : memref<!tpu.dma_semaphore, #tpu.memory_space<semaphore_mem>>) {add = true}
        %dma_wait3A_326 = arith.constant 0 : i32
        %dma_wait3A_327 = tpu.memref_slice %arg6[%add3A_297, %run_scoped3A_298, %dma_wait3A_326] : memref<32x2x80xi32, #tpu.memory_space<vmem>> -> memref<1x1x80xi32, #tpu.memory_space<vmem>>
        %dma_wait3A_328 = tpu.memref_squeeze %dma_wait3A_327 : memref<1x1x80xi32, #tpu.memory_space<vmem>> -> memref<80xi32, #tpu.memory_space<vmem>>
        %dma_wait3A_329 = arith.constant 0 : i32
        %dma_wait3A_330 = arith.constant 0 : i32
        %dma_wait3A_331 = tpu.memref_slice %arg11[%dma_wait3A_329, %dma_wait3A_330] : memref<10112x128xf32, #tpu.memory_space<vmem_shared>> -> memref<10112x128xf32, #tpu.memory_space<vmem_shared>>
        tpu.wait_indirect_dma semaphore(%run_scoped3A_319 : memref<!tpu.dma_semaphore, #tpu.memory_space<semaphore_mem>>) src(%arg9 : memref<80x128xf32, #tpu.memory_space<vmem>>) dst(%dma_wait3A_331 : memref<10112x128xf32, #tpu.memory_space<vmem_shared>>)
        tpu.yield
      }) : () -> ()
      %dma_wait3A_299 = arith.constant 0 : i32
      %dma_wait3A_300 = arith.constant 0 : i32
      %dma_wait3A_301 = tpu.memref_slice %arg2[%dma_wait3A_299, %dma_wait3A_300] : memref<10000x128xf32, #tpu.memory_space<hbm>> -> memref<80x128xf32, #tpu.memory_space<hbm>>
      %dma_wait3A_302 = arith.constant 0 : i32
      %dma_wait3A_303 = arith.constant 0 : i32
      %dma_wait3A_304 = tpu.memref_slice %arg2[%dma_wait3A_302, %dma_wait3A_303] : memref<10000x128xf32, #tpu.memory_space<hbm>> -> memref<80x128xf32, #tpu.memory_space<hbm>>
      tpu.wait_dma2 semaphore(%arg15 : memref<!tpu.dma_semaphore, #tpu.memory_space<semaphore_mem>>) src(%dma_wait3A_304 : memref<80x128xf32, #tpu.memory_space<hbm>>) dst(%arg10 : memref<80x128xf32, #tpu.memory_space<vmem>>)
      %add3A_305 = arith.constant 3 : i32
      %add3A_306 = arith.addi %mul3A_238, %add3A_305 : i32
      %add3A_307 = arith.constant 3 : i32
      %add3A_308 = arith.addi %add3A_306, %add3A_307 : i32
      %dma_start3A_309 = arith.constant 1 : i32
      %dma_start3A_310 = arith.constant 0 : i32
      %dma_start3A_311 = tpu.memref_slice %arg6[%add3A_308, %dma_start3A_309, %dma_start3A_310] : memref<32x2x80xi32, #tpu.memory_space<vmem>> -> memref<1x1x80xi32, #tpu.memory_space<vmem>>
      %dma_start3A_312 = tpu.memref_squeeze %dma_start3A_311 : memref<1x1x80xi32, #tpu.memory_space<vmem>> -> memref<80xi32, #tpu.memory_space<vmem>>
      %dma_start3A_313 = arith.constant 0 : i32
      %dma_start3A_314 = arith.constant 0 : i32
      %dma_start3A_315 = tpu.memref_slice %arg2[%dma_start3A_313, %dma_start3A_314] : memref<10000x128xf32, #tpu.memory_space<hbm>> -> memref<10000x128xf32, #tpu.memory_space<hbm>>
      tpu.enqueue_indirect_dma source(%dma_start3A_315 : memref<10000x128xf32, #tpu.memory_space<hbm>>) target(%arg9 : memref<80x128xf32, #tpu.memory_space<vmem>>) offsets(%dma_start3A_312 : memref<80xi32, #tpu.memory_space<vmem>>) semaphore(%arg14 : memref<!tpu.dma_semaphore, #tpu.memory_space<semaphore_mem>>)
      %add3A_316 = arith.constant 3 : i32
      %add3A_317 = arith.addi %mul3A_238, %add3A_316 : i32
      %run_scoped3A_318 = arith.constant 0 : i32
      "tpu.region"() ({
        %run_scoped3A_319 = tpu.sem_alloc : memref<!tpu.dma_semaphore, #tpu.memory_space<semaphore_mem>>
        %dma_start3A_320 = arith.constant 0 : i32
        %dma_start3A_321 = tpu.memref_slice %arg6[%add3A_317, %run_scoped3A_318, %dma_start3A_320] : memref<32x2x80xi32, #tpu.memory_space<vmem>> -> memref<1x1x80xi32, #tpu.memory_space<vmem>>
        %dma_start3A_322 = tpu.memref_squeeze %dma_start3A_321 : memref<1x1x80xi32, #tpu.memory_space<vmem>> -> memref<80xi32, #tpu.memory_space<vmem>>
        %dma_start3A_323 = arith.constant 0 : i32
        %dma_start3A_324 = arith.constant 0 : i32
        %dma_start3A_325 = tpu.memref_slice %arg11[%dma_start3A_323, %dma_start3A_324] : memref<10112x128xf32, #tpu.memory_space<vmem_shared>> -> memref<10112x128xf32, #tpu.memory_space<vmem_shared>>
        tpu.enqueue_indirect_dma source(%arg10 : memref<80x128xf32, #tpu.memory_space<vmem>>) target(%dma_start3A_325 : memref<10112x128xf32, #tpu.memory_space<vmem_shared>>) offsets(%dma_start3A_322 : memref<80xi32, #tpu.memory_space<vmem>>) semaphore(%run_scoped3A_319 : memref<!tpu.dma_semaphore, #tpu.memory_space<semaphore_mem>>) {add = true}
        %dma_wait3A_326 = arith.constant 0 : i32
        %dma_wait3A_327 = tpu.memref_slice %arg6[%add3A_317, %run_scoped3A_318, %dma_wait3A_326] : memref<32x2x80xi32, #tpu.memory_space<vmem>> -> memref<1x1x80xi32, #tpu.memory_space<vmem>>
        %dma_wait3A_328 = tpu.memref_squeeze %dma_wait3A_327 : memref<1x1x80xi32, #tpu.memory_space<vmem>> -> memref<80xi32, #tpu.memory_space<vmem>>
        %dma_wait3A_329 = arith.constant 0 : i32
        %dma_wait3A_330 = arith.constant 0 : i32
        %dma_wait3A_331 = tpu.memref_slice %arg11[%dma_wait3A_329, %dma_wait3A_330] : memref<10112x128xf32, #tpu.memory_space<vmem_shared>> -> memref<10112x128xf32, #tpu.memory_space<vmem_shared>>
        tpu.wait_indirect_dma semaphore(%run_scoped3A_319 : memref<!tpu.dma_semaphore, #tpu.memory_space<semaphore_mem>>) src(%arg10 : memref<80x128xf32, #tpu.memory_space<vmem>>) dst(%dma_wait3A_331 : memref<10112x128xf32, #tpu.memory_space<vmem_shared>>)
        tpu.yield
      }) : () -> ()
    }
    %scan3A_190 = arith.constant 7 : i32
    %dma_wait3A_191 = arith.constant 0 : i32
    %dma_wait3A_192 = arith.constant 0 : i32
    %dma_wait3A_193 = tpu.memref_slice %arg2[%dma_wait3A_191, %dma_wait3A_192] : memref<10000x128xf32, #tpu.memory_space<hbm>> -> memref<80x128xf32, #tpu.memory_space<hbm>>
    %dma_wait3A_194 = arith.constant 0 : i32
    %dma_wait3A_195 = arith.constant 0 : i32
    %dma_wait3A_196 = tpu.memref_slice %arg2[%dma_wait3A_194, %dma_wait3A_195] : memref<10000x128xf32, #tpu.memory_space<hbm>> -> memref<80x128xf32, #tpu.memory_space<hbm>>
    tpu.wait_dma2 semaphore(%arg12 : memref<!tpu.dma_semaphore, #tpu.memory_space<semaphore_mem>>) src(%dma_wait3A_196 : memref<80x128xf32, #tpu.memory_space<hbm>>) dst(%arg7 : memref<80x128xf32, #tpu.memory_space<vmem>>)
    %dma_start3A_197 = arith.constant 31 : i32
    %dma_start3A_198 = arith.constant 1 : i32
    %dma_start3A_199 = arith.constant 0 : i32
    %dma_start3A_200 = tpu.memref_slice %arg6[%dma_start3A_197, %dma_start3A_198, %dma_start3A_199] : memref<32x2x80xi32, #tpu.memory_space<vmem>> -> memref<1x1x80xi32, #tpu.memory_space<vmem>>
    %dma_start3A_201 = tpu.memref_squeeze %dma_start3A_200 : memref<1x1x80xi32, #tpu.memory_space<vmem>> -> memref<80xi32, #tpu.memory_space<vmem>>
    %dma_start3A_202 = arith.constant 0 : i32
    %dma_start3A_203 = arith.constant 0 : i32
    %dma_start3A_204 = tpu.memref_slice %arg2[%dma_start3A_202, %dma_start3A_203] : memref<10000x128xf32, #tpu.memory_space<hbm>> -> memref<10000x128xf32, #tpu.memory_space<hbm>>
    tpu.enqueue_indirect_dma source(%dma_start3A_204 : memref<10000x128xf32, #tpu.memory_space<hbm>>) target(%arg10 : memref<80x128xf32, #tpu.memory_space<vmem>>) offsets(%dma_start3A_201 : memref<80xi32, #tpu.memory_space<vmem>>) semaphore(%arg15 : memref<!tpu.dma_semaphore, #tpu.memory_space<semaphore_mem>>)
    %run_scoped3A_205 = arith.constant 28 : i32
    %run_scoped3A_206 = arith.constant 0 : i32
    "tpu.region"() ({
      %run_scoped3A_236 = tpu.sem_alloc : memref<!tpu.dma_semaphore, #tpu.memory_space<semaphore_mem>>
      %dma_start3A_237 = arith.constant 0 : i32
      %dma_start3A_238 = tpu.memref_slice %arg6[%run_scoped3A_205, %run_scoped3A_206, %dma_start3A_237] : memref<32x2x80xi32, #tpu.memory_space<vmem>> -> memref<1x1x80xi32, #tpu.memory_space<vmem>>
      %dma_start3A_239 = tpu.memref_squeeze %dma_start3A_238 : memref<1x1x80xi32, #tpu.memory_space<vmem>> -> memref<80xi32, #tpu.memory_space<vmem>>
      %dma_start3A_240 = arith.constant 0 : i32
      %dma_start3A_241 = arith.constant 0 : i32
      %dma_start3A_242 = tpu.memref_slice %arg11[%dma_start3A_240, %dma_start3A_241] : memref<10112x128xf32, #tpu.memory_space<vmem_shared>> -> memref<10112x128xf32, #tpu.memory_space<vmem_shared>>
      tpu.enqueue_indirect_dma source(%arg7 : memref<80x128xf32, #tpu.memory_space<vmem>>) target(%dma_start3A_242 : memref<10112x128xf32, #tpu.memory_space<vmem_shared>>) offsets(%dma_start3A_239 : memref<80xi32, #tpu.memory_space<vmem>>) semaphore(%run_scoped3A_236 : memref<!tpu.dma_semaphore, #tpu.memory_space<semaphore_mem>>) {add = true}
      %dma_wait3A_243 = arith.constant 0 : i32
      %dma_wait3A_244 = tpu.memref_slice %arg6[%run_scoped3A_205, %run_scoped3A_206, %dma_wait3A_243] : memref<32x2x80xi32, #tpu.memory_space<vmem>> -> memref<1x1x80xi32, #tpu.memory_space<vmem>>
      %dma_wait3A_245 = tpu.memref_squeeze %dma_wait3A_244 : memref<1x1x80xi32, #tpu.memory_space<vmem>> -> memref<80xi32, #tpu.memory_space<vmem>>
      %dma_wait3A_246 = arith.constant 0 : i32
      %dma_wait3A_247 = arith.constant 0 : i32
      %dma_wait3A_248 = tpu.memref_slice %arg11[%dma_wait3A_246, %dma_wait3A_247] : memref<10112x128xf32, #tpu.memory_space<vmem_shared>> -> memref<10112x128xf32, #tpu.memory_space<vmem_shared>>
      tpu.wait_indirect_dma semaphore(%run_scoped3A_236 : memref<!tpu.dma_semaphore, #tpu.memory_space<semaphore_mem>>) src(%arg7 : memref<80x128xf32, #tpu.memory_space<vmem>>) dst(%dma_wait3A_248 : memref<10112x128xf32, #tpu.memory_space<vmem_shared>>)
      tpu.yield
    }) : () -> ()
    %dma_wait3A_207 = arith.constant 0 : i32
    %dma_wait3A_208 = arith.constant 0 : i32
    %dma_wait3A_209 = tpu.memref_slice %arg2[%dma_wait3A_207, %dma_wait3A_208] : memref<10000x128xf32, #tpu.memory_space<hbm>> -> memref<80x128xf32, #tpu.memory_space<hbm>>
    %dma_wait3A_210 = arith.constant 0 : i32
    %dma_wait3A_211 = arith.constant 0 : i32
    %dma_wait3A_212 = tpu.memref_slice %arg2[%dma_wait3A_210, %dma_wait3A_211] : memref<10000x128xf32, #tpu.memory_space<hbm>> -> memref<80x128xf32, #tpu.memory_space<hbm>>
    tpu.wait_dma2 semaphore(%arg13 : memref<!tpu.dma_semaphore, #tpu.memory_space<semaphore_mem>>) src(%dma_wait3A_212 : memref<80x128xf32, #tpu.memory_space<hbm>>) dst(%arg8 : memref<80x128xf32, #tpu.memory_space<vmem>>)
    %run_scoped3A_213 = arith.constant 29 : i32
    %run_scoped3A_214 = arith.constant 0 : i32
    "tpu.region"() ({
      %run_scoped3A_236 = tpu.sem_alloc : memref<!tpu.dma_semaphore, #tpu.memory_space<semaphore_mem>>
      %dma_start3A_237 = arith.constant 0 : i32
      %dma_start3A_238 = tpu.memref_slice %arg6[%run_scoped3A_213, %run_scoped3A_214, %dma_start3A_237] : memref<32x2x80xi32, #tpu.memory_space<vmem>> -> memref<1x1x80xi32, #tpu.memory_space<vmem>>
      %dma_start3A_239 = tpu.memref_squeeze %dma_start3A_238 : memref<1x1x80xi32, #tpu.memory_space<vmem>> -> memref<80xi32, #tpu.memory_space<vmem>>
      %dma_start3A_240 = arith.constant 0 : i32
      %dma_start3A_241 = arith.constant 0 : i32
      %dma_start3A_242 = tpu.memref_slice %arg11[%dma_start3A_240, %dma_start3A_241] : memref<10112x128xf32, #tpu.memory_space<vmem_shared>> -> memref<10112x128xf32, #tpu.memory_space<vmem_shared>>
      tpu.enqueue_indirect_dma source(%arg8 : memref<80x128xf32, #tpu.memory_space<vmem>>) target(%dma_start3A_242 : memref<10112x128xf32, #tpu.memory_space<vmem_shared>>) offsets(%dma_start3A_239 : memref<80xi32, #tpu.memory_space<vmem>>) semaphore(%run_scoped3A_236 : memref<!tpu.dma_semaphore, #tpu.memory_space<semaphore_mem>>) {add = true}
      %dma_wait3A_243 = arith.constant 0 : i32
      %dma_wait3A_244 = tpu.memref_slice %arg6[%run_scoped3A_213, %run_scoped3A_214, %dma_wait3A_243] : memref<32x2x80xi32, #tpu.memory_space<vmem>> -> memref<1x1x80xi32, #tpu.memory_space<vmem>>
      %dma_wait3A_245 = tpu.memref_squeeze %dma_wait3A_244 : memref<1x1x80xi32, #tpu.memory_space<vmem>> -> memref<80xi32, #tpu.memory_space<vmem>>
      %dma_wait3A_246 = arith.constant 0 : i32
      %dma_wait3A_247 = arith.constant 0 : i32
      %dma_wait3A_248 = tpu.memref_slice %arg11[%dma_wait3A_246, %dma_wait3A_247] : memref<10112x128xf32, #tpu.memory_space<vmem_shared>> -> memref<10112x128xf32, #tpu.memory_space<vmem_shared>>
      tpu.wait_indirect_dma semaphore(%run_scoped3A_236 : memref<!tpu.dma_semaphore, #tpu.memory_space<semaphore_mem>>) src(%arg8 : memref<80x128xf32, #tpu.memory_space<vmem>>) dst(%dma_wait3A_248 : memref<10112x128xf32, #tpu.memory_space<vmem_shared>>)
      tpu.yield
    }) : () -> ()
    %dma_wait3A_215 = arith.constant 0 : i32
    %dma_wait3A_216 = arith.constant 0 : i32
    %dma_wait3A_217 = tpu.memref_slice %arg2[%dma_wait3A_215, %dma_wait3A_216] : memref<10000x128xf32, #tpu.memory_space<hbm>> -> memref<80x128xf32, #tpu.memory_space<hbm>>
    %dma_wait3A_218 = arith.constant 0 : i32
    %dma_wait3A_219 = arith.constant 0 : i32
    %dma_wait3A_220 = tpu.memref_slice %arg2[%dma_wait3A_218, %dma_wait3A_219] : memref<10000x128xf32, #tpu.memory_space<hbm>> -> memref<80x128xf32, #tpu.memory_space<hbm>>
    tpu.wait_dma2 semaphore(%arg14 : memref<!tpu.dma_semaphore, #tpu.memory_space<semaphore_mem>>) src(%dma_wait3A_220 : memref<80x128xf32, #tpu.memory_space<hbm>>) dst(%arg9 : memref<80x128xf32, #tpu.memory_space<vmem>>)
    %run_scoped3A_221 = arith.constant 30 : i32
    %run_scoped3A_222 = arith.constant 0 : i32
    "tpu.region"() ({
      %run_scoped3A_236 = tpu.sem_alloc : memref<!tpu.dma_semaphore, #tpu.memory_space<semaphore_mem>>
      %dma_start3A_237 = arith.constant 0 : i32
      %dma_start3A_238 = tpu.memref_slice %arg6[%run_scoped3A_221, %run_scoped3A_222, %dma_start3A_237] : memref<32x2x80xi32, #tpu.memory_space<vmem>> -> memref<1x1x80xi32, #tpu.memory_space<vmem>>
      %dma_start3A_239 = tpu.memref_squeeze %dma_start3A_238 : memref<1x1x80xi32, #tpu.memory_space<vmem>> -> memref<80xi32, #tpu.memory_space<vmem>>
      %dma_start3A_240 = arith.constant 0 : i32
      %dma_start3A_241 = arith.constant 0 : i32
      %dma_start3A_242 = tpu.memref_slice %arg11[%dma_start3A_240, %dma_start3A_241] : memref<10112x128xf32, #tpu.memory_space<vmem_shared>> -> memref<10112x128xf32, #tpu.memory_space<vmem_shared>>
      tpu.enqueue_indirect_dma source(%arg9 : memref<80x128xf32, #tpu.memory_space<vmem>>) target(%dma_start3A_242 : memref<10112x128xf32, #tpu.memory_space<vmem_shared>>) offsets(%dma_start3A_239 : memref<80xi32, #tpu.memory_space<vmem>>) semaphore(%run_scoped3A_236 : memref<!tpu.dma_semaphore, #tpu.memory_space<semaphore_mem>>) {add = true}
      %dma_wait3A_243 = arith.constant 0 : i32
      %dma_wait3A_244 = tpu.memref_slice %arg6[%run_scoped3A_221, %run_scoped3A_222, %dma_wait3A_243] : memref<32x2x80xi32, #tpu.memory_space<vmem>> -> memref<1x1x80xi32, #tpu.memory_space<vmem>>
      %dma_wait3A_245 = tpu.memref_squeeze %dma_wait3A_244 : memref<1x1x80xi32, #tpu.memory_space<vmem>> -> memref<80xi32, #tpu.memory_space<vmem>>
      %dma_wait3A_246 = arith.constant 0 : i32
      %dma_wait3A_247 = arith.constant 0 : i32
      %dma_wait3A_248 = tpu.memref_slice %arg11[%dma_wait3A_246, %dma_wait3A_247] : memref<10112x128xf32, #tpu.memory_space<vmem_shared>> -> memref<10112x128xf32, #tpu.memory_space<vmem_shared>>
      tpu.wait_indirect_dma semaphore(%run_scoped3A_236 : memref<!tpu.dma_semaphore, #tpu.memory_space<semaphore_mem>>) src(%arg9 : memref<80x128xf32, #tpu.memory_space<vmem>>) dst(%dma_wait3A_248 : memref<10112x128xf32, #tpu.memory_space<vmem_shared>>)
      tpu.yield
    }) : () -> ()
    %dma_wait3A_223 = arith.constant 0 : i32
    %dma_wait3A_224 = arith.constant 0 : i32
    %dma_wait3A_225 = tpu.memref_slice %arg2[%dma_wait3A_223, %dma_wait3A_224] : memref<10000x128xf32, #tpu.memory_space<hbm>> -> memref<80x128xf32, #tpu.memory_space<hbm>>
    %dma_wait3A_226 = arith.constant 0 : i32
    %dma_wait3A_227 = arith.constant 0 : i32
    %dma_wait3A_228 = tpu.memref_slice %arg2[%dma_wait3A_226, %dma_wait3A_227] : memref<10000x128xf32, #tpu.memory_space<hbm>> -> memref<80x128xf32, #tpu.memory_space<hbm>>
    tpu.wait_dma2 semaphore(%arg15 : memref<!tpu.dma_semaphore, #tpu.memory_space<semaphore_mem>>) src(%dma_wait3A_228 : memref<80x128xf32, #tpu.memory_space<hbm>>) dst(%arg10 : memref<80x128xf32, #tpu.memory_space<vmem>>)
    %run_scoped3A_229 = arith.constant 31 : i32
    %run_scoped3A_230 = arith.constant 0 : i32
    "tpu.region"() ({
      %run_scoped3A_236 = tpu.sem_alloc : memref<!tpu.dma_semaphore, #tpu.memory_space<semaphore_mem>>
      %dma_start3A_237 = arith.constant 0 : i32
      %dma_start3A_238 = tpu.memref_slice %arg6[%run_scoped3A_229, %run_scoped3A_230, %dma_start3A_237] : memref<32x2x80xi32, #tpu.memory_space<vmem>> -> memref<1x1x80xi32, #tpu.memory_space<vmem>>
      %dma_start3A_239 = tpu.memref_squeeze %dma_start3A_238 : memref<1x1x80xi32, #tpu.memory_space<vmem>> -> memref<80xi32, #tpu.memory_space<vmem>>
      %dma_start3A_240 = arith.constant 0 : i32
      %dma_start3A_241 = arith.constant 0 : i32
      %dma_start3A_242 = tpu.memref_slice %arg11[%dma_start3A_240, %dma_start3A_241] : memref<10112x128xf32, #tpu.memory_space<vmem_shared>> -> memref<10112x128xf32, #tpu.memory_space<vmem_shared>>
      tpu.enqueue_indirect_dma source(%arg10 : memref<80x128xf32, #tpu.memory_space<vmem>>) target(%dma_start3A_242 : memref<10112x128xf32, #tpu.memory_space<vmem_shared>>) offsets(%dma_start3A_239 : memref<80xi32, #tpu.memory_space<vmem>>) semaphore(%run_scoped3A_236 : memref<!tpu.dma_semaphore, #tpu.memory_space<semaphore_mem>>) {add = true}
      %dma_wait3A_243 = arith.constant 0 : i32
      %dma_wait3A_244 = tpu.memref_slice %arg6[%run_scoped3A_229, %run_scoped3A_230, %dma_wait3A_243] : memref<32x2x80xi32, #tpu.memory_space<vmem>> -> memref<1x1x80xi32, #tpu.memory_space<vmem>>
      %dma_wait3A_245 = tpu.memref_squeeze %dma_wait3A_244 : memref<1x1x80xi32, #tpu.memory_space<vmem>> -> memref<80xi32, #tpu.memory_space<vmem>>
      %dma_wait3A_246 = arith.constant 0 : i32
      %dma_wait3A_247 = arith.constant 0 : i32
      %dma_wait3A_248 = tpu.memref_slice %arg11[%dma_wait3A_246, %dma_wait3A_247] : memref<10112x128xf32, #tpu.memory_space<vmem_shared>> -> memref<10112x128xf32, #tpu.memory_space<vmem_shared>>
      tpu.wait_indirect_dma semaphore(%run_scoped3A_236 : memref<!tpu.dma_semaphore, #tpu.memory_space<semaphore_mem>>) src(%arg10 : memref<80x128xf32, #tpu.memory_space<vmem>>) dst(%dma_wait3A_248 : memref<10112x128xf32, #tpu.memory_space<vmem_shared>>)
      tpu.yield
    }) : () -> ()
    %barrier3A_231 = arith.constant 0 : index
    tpu.barrier barrier_id(%barrier3A_231)
    %mul3A_232 = arith.constant 632 : i32
    %mul3A_233 = arith.muli %arg1, %mul3A_232 : i32
    %mul3A_234 = arith.constant 632 : i32
    %mul3A_235 = arith.muli %arg1, %mul3A_234 : i32
    "tpu.region"() ({
      %run_scoped3A_236 = tpu.sem_alloc : memref<!tpu.dma_semaphore, #tpu.memory_space<semaphore_mem>>
      %dma_start3A_237 = arith.constant 0 : i32
      %dma_start3A_238 = tpu.memref_slice %arg5[%arg0, %mul3A_235, %dma_start3A_237] : memref<2x10112x128xf32, #tpu.memory_space<hbm>> -> memref<1x632x128xf32, #tpu.memory_space<hbm>>
      %dma_start3A_239 = tpu.memref_squeeze %dma_start3A_238 : memref<1x632x128xf32, #tpu.memory_space<hbm>> -> memref<632x128xf32, #tpu.memory_space<hbm>>
      %dma_start3A_240 = arith.constant 0 : i32
      %dma_start3A_241 = tpu.memref_slice %arg11[%mul3A_233, %dma_start3A_240] : memref<10112x128xf32, #tpu.memory_space<vmem_shared>> -> memref<632x128xf32, #tpu.memory_space<vmem_shared>>
      tpu.enqueue_dma source(%dma_start3A_241 : memref<632x128xf32, #tpu.memory_space<vmem_shared>>) target(%dma_start3A_239 : memref<632x128xf32, #tpu.memory_space<hbm>>) target_semaphore(%run_scoped3A_236 : memref<!tpu.dma_semaphore, #tpu.memory_space<semaphore_mem>>)
      %dma_wait3A_242 = arith.constant 0 : i32
      %dma_wait3A_243 = tpu.memref_slice %arg5[%arg0, %mul3A_235, %dma_wait3A_242] : memref<2x10112x128xf32, #tpu.memory_space<hbm>> -> memref<1x632x128xf32, #tpu.memory_space<hbm>>
      %dma_wait3A_244 = tpu.memref_squeeze %dma_wait3A_243 : memref<1x632x128xf32, #tpu.memory_space<hbm>> -> memref<632x128xf32, #tpu.memory_space<hbm>>
      %dma_wait3A_245 = arith.constant 0 : i32
      %dma_wait3A_246 = tpu.memref_slice %arg11[%mul3A_233, %dma_wait3A_245] : memref<10112x128xf32, #tpu.memory_space<vmem_shared>> -> memref<632x128xf32, #tpu.memory_space<vmem_shared>>
      tpu.wait_dma2 semaphore(%run_scoped3A_236 : memref<!tpu.dma_semaphore, #tpu.memory_space<semaphore_mem>>) src(%dma_wait3A_246 : memref<632x128xf32, #tpu.memory_space<vmem_shared>>) dst(%dma_wait3A_244 : memref<632x128xf32, #tpu.memory_space<hbm>>)
      tpu.yield
    }) : () -> ()
    return
  }
}

module attributes {stable_mosaic.version = 14 : i64} {
  func.func @body(%arg0: memref<10000x128xf32, #tpu.memory_space<vmem>>, %arg1: memref<2x10112x128xf32, #tpu.memory_space<vmem>>, %arg2: memref<128x128xf32, #tpu.memory_space<vmem>>, %arg3: memref<1x128xf32, #tpu.memory_space<vmem>>, %arg4: memref<1x128xf32, #tpu.memory_space<vmem>>, %arg5: memref<1x128xf32, #tpu.memory_space<vmem>>, %arg6: memref<128x128xf32, #tpu.memory_space<vmem>>, %arg7: memref<1x128xf32, #tpu.memory_space<vmem>>, %arg8: memref<1x128xf32, #tpu.memory_space<vmem>>, %arg9: memref<1x128xf32, #tpu.memory_space<vmem>>, %arg10: memref<10000x128xf32, #tpu.memory_space<vmem>>) attributes {dimension_semantics = [], scalar_prefetch = 0 : i64, scratch_operands = 0 : i64, tpu.core_type = #tpu.core_type<tc>} {
    %get3A = arith.constant 0 : index
    %get3A_0 = arith.constant 0 : index
    %get3A_1 = vector.load %arg0[%get3A, %get3A_0] : memref<10000x128xf32, #tpu.memory_space<vmem>>, vector<10000x128xf32>
    %get3A_2 = arith.constant 0 : index
    %get3A_3 = arith.constant 0 : index
    %get3A_4 = arith.constant 0 : index
    %get3A_5 = vector.load %arg1[%get3A_2, %get3A_3, %get3A_4] : memref<2x10112x128xf32, #tpu.memory_space<vmem>>, vector<1x10000x128xf32>
    %get3A_6 = vector.shape_cast %get3A_5 : vector<1x10000x128xf32> to vector<10000x128xf32>
    %add3A = arith.addf %get3A_1, %get3A_6 : vector<10000x128xf32>
    %get3A_7 = arith.constant 1 : index
    %get3A_8 = arith.constant 0 : index
    %get3A_9 = arith.constant 0 : index
    %get3A_10 = vector.load %arg1[%get3A_7, %get3A_8, %get3A_9] : memref<2x10112x128xf32, #tpu.memory_space<vmem>>, vector<1x10000x128xf32>
    %get3A_11 = vector.shape_cast %get3A_10 : vector<1x10000x128xf32> to vector<10000x128xf32>
    %add3A_12 = arith.addf %add3A, %get3A_11 : vector<10000x128xf32>
    %get3A_13 = arith.constant 0 : index
    %get3A_14 = arith.constant 0 : index
    %get3A_15 = vector.load %arg2[%get3A_13, %get3A_14] : memref<128x128xf32, #tpu.memory_space<vmem>>, vector<128x128xf32>
    %dot_general3A = arith.constant dense<0.000000e+00> : vector<10000x128xf32>
    %dot_general3A_16 = tpu.matmul %add3A_12, %get3A_15, %dot_general3A {dimension_numbers = #tpu.dot_dimension_numbers<[1], [0], [0], [1], [0, 0, 1, 1], [], []>, transpose_lhs_hint = false} : vector<10000x128xf32>, vector<128x128xf32>, vector<10000x128xf32> -> vector<10000x128xf32>
    %get3A_17 = arith.constant 0 : index
    %get3A_18 = arith.constant 0 : index
    %get3A_19 = vector.load %arg3[%get3A_17, %get3A_18] : memref<1x128xf32, #tpu.memory_space<vmem>>, vector<1x128xf32>
    %add3A_20 = vector.broadcast %get3A_19 : vector<1x128xf32> to vector<10000x128xf32>
    %add3A_21 = arith.addf %dot_general3A_16, %add3A_20 : vector<10000x128xf32>
    %reduce_sum3A = arith.constant dense<0.000000e+00> : vector<128xf32>
    %reduce_sum3A_22 = vector.multi_reduction <add>, %add3A_21, %reduce_sum3A [0] : vector<10000x128xf32> to vector<128xf32>
    %broadcast_in_dim3A = vector.shape_cast %reduce_sum3A_22 : vector<128xf32> to vector<1x128xf32>
    %div3A = arith.constant 1.000000e+04 : f32
    %div3A_23 = vector.broadcast %div3A : f32 to vector<1x128xf32>
    %div3A_24 = arith.divf %broadcast_in_dim3A, %div3A_23 : vector<1x128xf32>
    %mul3A = arith.mulf %add3A_21, %add3A_21 : vector<10000x128xf32>
    %reduce_sum3A_25 = arith.constant dense<0.000000e+00> : vector<128xf32>
    %reduce_sum3A_26 = vector.multi_reduction <add>, %mul3A, %reduce_sum3A_25 [0] : vector<10000x128xf32> to vector<128xf32>
    %broadcast_in_dim3A_27 = vector.shape_cast %reduce_sum3A_26 : vector<128xf32> to vector<1x128xf32>
    %div3A_28 = arith.constant 1.000000e+04 : f32
    %div3A_29 = vector.broadcast %div3A_28 : f32 to vector<1x128xf32>
    %div3A_30 = arith.divf %broadcast_in_dim3A_27, %div3A_29 : vector<1x128xf32>
    %mul3A_31 = arith.mulf %div3A_24, %div3A_24 : vector<1x128xf32>
    %sub3A = arith.subf %div3A_30, %mul3A_31 : vector<1x128xf32>
    %sub3A_32 = vector.broadcast %div3A_24 : vector<1x128xf32> to vector<10000x128xf32>
    %sub3A_33 = arith.subf %add3A_21, %sub3A_32 : vector<10000x128xf32>
    %add3A_34 = arith.constant 9.99999974E-6 : f32
    %add3A_35 = vector.broadcast %add3A_34 : f32 to vector<1x128xf32>
    %add3A_36 = arith.addf %sub3A, %add3A_35 : vector<1x128xf32>
    %rsqrt3A = math.rsqrt %add3A_36 : vector<1x128xf32>
    %mul3A_37 = vector.broadcast %rsqrt3A : vector<1x128xf32> to vector<10000x128xf32>
    %mul3A_38 = arith.mulf %sub3A_33, %mul3A_37 : vector<10000x128xf32>
    %get3A_39 = arith.constant 0 : index
    %get3A_40 = arith.constant 0 : index
    %get3A_41 = vector.load %arg4[%get3A_39, %get3A_40] : memref<1x128xf32, #tpu.memory_space<vmem>>, vector<1x128xf32>
    %mul3A_42 = vector.broadcast %get3A_41 : vector<1x128xf32> to vector<10000x128xf32>
    %mul3A_43 = arith.mulf %mul3A_38, %mul3A_42 : vector<10000x128xf32>
    %get3A_44 = arith.constant 0 : index
    %get3A_45 = arith.constant 0 : index
    %get3A_46 = vector.load %arg5[%get3A_44, %get3A_45] : memref<1x128xf32, #tpu.memory_space<vmem>>, vector<1x128xf32>
    %add3A_47 = vector.broadcast %get3A_46 : vector<1x128xf32> to vector<10000x128xf32>
    %add3A_48 = arith.addf %mul3A_43, %add3A_47 : vector<10000x128xf32>
    %max3A = arith.constant 0.000000e+00 : f32
    %max3A_49 = vector.broadcast %max3A : f32 to vector<10000x128xf32>
    %max3A_50 = arith.maximumf %add3A_48, %max3A_49 : vector<10000x128xf32>
    %get3A_51 = arith.constant 0 : index
    %get3A_52 = arith.constant 0 : index
    %get3A_53 = vector.load %arg6[%get3A_51, %get3A_52] : memref<128x128xf32, #tpu.memory_space<vmem>>, vector<128x128xf32>
    %dot_general3A_54 = arith.constant dense<0.000000e+00> : vector<10000x128xf32>
    %dot_general3A_55 = tpu.matmul %max3A_50, %get3A_53, %dot_general3A_54 {dimension_numbers = #tpu.dot_dimension_numbers<[1], [0], [0], [1], [0, 0, 1, 1], [], []>, transpose_lhs_hint = false} : vector<10000x128xf32>, vector<128x128xf32>, vector<10000x128xf32> -> vector<10000x128xf32>
    %get3A_56 = arith.constant 0 : index
    %get3A_57 = arith.constant 0 : index
    %get3A_58 = vector.load %arg7[%get3A_56, %get3A_57] : memref<1x128xf32, #tpu.memory_space<vmem>>, vector<1x128xf32>
    %add3A_59 = vector.broadcast %get3A_58 : vector<1x128xf32> to vector<10000x128xf32>
    %add3A_60 = arith.addf %dot_general3A_55, %add3A_59 : vector<10000x128xf32>
    %reduce_sum3A_61 = arith.constant dense<0.000000e+00> : vector<128xf32>
    %reduce_sum3A_62 = vector.multi_reduction <add>, %add3A_60, %reduce_sum3A_61 [0] : vector<10000x128xf32> to vector<128xf32>
    %broadcast_in_dim3A_63 = vector.shape_cast %reduce_sum3A_62 : vector<128xf32> to vector<1x128xf32>
    %div3A_64 = arith.constant 1.000000e+04 : f32
    %div3A_65 = vector.broadcast %div3A_64 : f32 to vector<1x128xf32>
    %div3A_66 = arith.divf %broadcast_in_dim3A_63, %div3A_65 : vector<1x128xf32>
    %mul3A_67 = arith.mulf %add3A_60, %add3A_60 : vector<10000x128xf32>
    %reduce_sum3A_68 = arith.constant dense<0.000000e+00> : vector<128xf32>
    %reduce_sum3A_69 = vector.multi_reduction <add>, %mul3A_67, %reduce_sum3A_68 [0] : vector<10000x128xf32> to vector<128xf32>
    %broadcast_in_dim3A_70 = vector.shape_cast %reduce_sum3A_69 : vector<128xf32> to vector<1x128xf32>
    %div3A_71 = arith.constant 1.000000e+04 : f32
    %div3A_72 = vector.broadcast %div3A_71 : f32 to vector<1x128xf32>
    %div3A_73 = arith.divf %broadcast_in_dim3A_70, %div3A_72 : vector<1x128xf32>
    %mul3A_74 = arith.mulf %div3A_66, %div3A_66 : vector<1x128xf32>
    %sub3A_75 = arith.subf %div3A_73, %mul3A_74 : vector<1x128xf32>
    %sub3A_76 = vector.broadcast %div3A_66 : vector<1x128xf32> to vector<10000x128xf32>
    %sub3A_77 = arith.subf %add3A_60, %sub3A_76 : vector<10000x128xf32>
    %add3A_78 = arith.constant 9.99999974E-6 : f32
    %add3A_79 = vector.broadcast %add3A_78 : f32 to vector<1x128xf32>
    %add3A_80 = arith.addf %sub3A_75, %add3A_79 : vector<1x128xf32>
    %rsqrt3A_81 = math.rsqrt %add3A_80 : vector<1x128xf32>
    %mul3A_82 = vector.broadcast %rsqrt3A_81 : vector<1x128xf32> to vector<10000x128xf32>
    %mul3A_83 = arith.mulf %sub3A_77, %mul3A_82 : vector<10000x128xf32>
    %get3A_84 = arith.constant 0 : index
    %get3A_85 = arith.constant 0 : index
    %get3A_86 = vector.load %arg8[%get3A_84, %get3A_85] : memref<1x128xf32, #tpu.memory_space<vmem>>, vector<1x128xf32>
    %mul3A_87 = vector.broadcast %get3A_86 : vector<1x128xf32> to vector<10000x128xf32>
    %mul3A_88 = arith.mulf %mul3A_83, %mul3A_87 : vector<10000x128xf32>
    %get3A_89 = arith.constant 0 : index
    %get3A_90 = arith.constant 0 : index
    %get3A_91 = vector.load %arg9[%get3A_89, %get3A_90] : memref<1x128xf32, #tpu.memory_space<vmem>>, vector<1x128xf32>
    %add3A_92 = vector.broadcast %get3A_91 : vector<1x128xf32> to vector<10000x128xf32>
    %add3A_93 = arith.addf %mul3A_88, %add3A_92 : vector<10000x128xf32>
    %max3A_94 = arith.constant 0.000000e+00 : f32
    %max3A_95 = vector.broadcast %max3A_94 : f32 to vector<10000x128xf32>
    %max3A_96 = arith.maximumf %add3A_93, %max3A_95 : vector<10000x128xf32>
    %swap3A = arith.constant 0 : index
    %swap3A_97 = arith.constant 0 : index
    %swap3A_98 = vector.load %arg10[%swap3A, %swap3A_97] : memref<10000x128xf32, #tpu.memory_space<vmem>>, vector<10000x128xf32>
    tpu.vector_store %arg10[%swap3A, %swap3A_97], %max3A_96 {strides = array<i32>} : memref<10000x128xf32, #tpu.memory_space<vmem>>, vector<10000x128xf32>,
    return
  }
}

module attributes {stable_mosaic.version = 14 : i64} {
  func.func @body(%arg0: memref<10000x128xf32, #tpu.memory_space<vmem>>, %arg1: memref<10000x128xf32, #tpu.memory_space<vmem>>, %arg2: memref<2x10112x128xf32, #tpu.memory_space<vmem>>, %arg3: memref<128x128xf32, #tpu.memory_space<vmem>>, %arg4: memref<1x128xf32, #tpu.memory_space<vmem>>, %arg5: memref<1x128xf32, #tpu.memory_space<vmem>>, %arg6: memref<1x128xf32, #tpu.memory_space<vmem>>, %arg7: memref<128x128xf32, #tpu.memory_space<vmem>>, %arg8: memref<1x128xf32, #tpu.memory_space<vmem>>, %arg9: memref<1x128xf32, #tpu.memory_space<vmem>>, %arg10: memref<1x128xf32, #tpu.memory_space<vmem>>, %arg11: memref<1x10000xi32, #tpu.memory_space<vmem>>, %arg12: memref<128x32xf32, #tpu.memory_space<vmem>>, %arg13: memref<1x32xf32, #tpu.memory_space<vmem>>, %arg14: memref<128x32xf32, #tpu.memory_space<vmem>>, %arg15: memref<1x32xf32, #tpu.memory_space<vmem>>, %arg16: memref<32x64xf32, #tpu.memory_space<vmem>>, %arg17: memref<1x64xf32, #tpu.memory_space<vmem>>, %arg18: memref<16x64xf32, #tpu.memory_space<vmem>>) attributes {dimension_semantics = [], scalar_prefetch = 0 : i64, scratch_operands = 0 : i64, tpu.core_type = #tpu.core_type<tc>} {
    %get3A = arith.constant 0 : index
    %get3A_0 = arith.constant 0 : index
    %get3A_1 = vector.load %arg1[%get3A, %get3A_0] : memref<10000x128xf32, #tpu.memory_space<vmem>>, vector<10000x128xf32>
    %get3A_2 = arith.constant 0 : index
    %get3A_3 = arith.constant 0 : index
    %get3A_4 = arith.constant 0 : index
    %get3A_5 = vector.load %arg2[%get3A_2, %get3A_3, %get3A_4] : memref<2x10112x128xf32, #tpu.memory_space<vmem>>, vector<1x10000x128xf32>
    %get3A_6 = vector.shape_cast %get3A_5 : vector<1x10000x128xf32> to vector<10000x128xf32>
    %add3A = arith.addf %get3A_1, %get3A_6 : vector<10000x128xf32>
    %get3A_7 = arith.constant 1 : index
    %get3A_8 = arith.constant 0 : index
    %get3A_9 = arith.constant 0 : index
    %get3A_10 = vector.load %arg2[%get3A_7, %get3A_8, %get3A_9] : memref<2x10112x128xf32, #tpu.memory_space<vmem>>, vector<1x10000x128xf32>
    %get3A_11 = vector.shape_cast %get3A_10 : vector<1x10000x128xf32> to vector<10000x128xf32>
    %add3A_12 = arith.addf %add3A, %get3A_11 : vector<10000x128xf32>
    %get3A_13 = arith.constant 0 : index
    %get3A_14 = arith.constant 0 : index
    %get3A_15 = vector.load %arg3[%get3A_13, %get3A_14] : memref<128x128xf32, #tpu.memory_space<vmem>>, vector<128x128xf32>
    %dot_general3A = arith.constant dense<0.000000e+00> : vector<10000x128xf32>
    %dot_general3A_16 = tpu.matmul %add3A_12, %get3A_15, %dot_general3A {dimension_numbers = #tpu.dot_dimension_numbers<[1], [0], [0], [1], [0, 0, 1, 1], [], []>, transpose_lhs_hint = false} : vector<10000x128xf32>, vector<128x128xf32>, vector<10000x128xf32> -> vector<10000x128xf32>
    %get3A_17 = arith.constant 0 : index
    %get3A_18 = arith.constant 0 : index
    %get3A_19 = vector.load %arg4[%get3A_17, %get3A_18] : memref<1x128xf32, #tpu.memory_space<vmem>>, vector<1x128xf32>
    %add3A_20 = vector.broadcast %get3A_19 : vector<1x128xf32> to vector<10000x128xf32>
    %add3A_21 = arith.addf %dot_general3A_16, %add3A_20 : vector<10000x128xf32>
    %reduce_sum3A = arith.constant dense<0.000000e+00> : vector<128xf32>
    %reduce_sum3A_22 = vector.multi_reduction <add>, %add3A_21, %reduce_sum3A [0] : vector<10000x128xf32> to vector<128xf32>
    %broadcast_in_dim3A = vector.shape_cast %reduce_sum3A_22 : vector<128xf32> to vector<1x128xf32>
    %div3A = arith.constant 1.000000e+04 : f32
    %div3A_23 = vector.broadcast %div3A : f32 to vector<1x128xf32>
    %div3A_24 = arith.divf %broadcast_in_dim3A, %div3A_23 : vector<1x128xf32>
    %mul3A = arith.mulf %add3A_21, %add3A_21 : vector<10000x128xf32>
    %reduce_sum3A_25 = arith.constant dense<0.000000e+00> : vector<128xf32>
    %reduce_sum3A_26 = vector.multi_reduction <add>, %mul3A, %reduce_sum3A_25 [0] : vector<10000x128xf32> to vector<128xf32>
    %broadcast_in_dim3A_27 = vector.shape_cast %reduce_sum3A_26 : vector<128xf32> to vector<1x128xf32>
    %div3A_28 = arith.constant 1.000000e+04 : f32
    %div3A_29 = vector.broadcast %div3A_28 : f32 to vector<1x128xf32>
    %div3A_30 = arith.divf %broadcast_in_dim3A_27, %div3A_29 : vector<1x128xf32>
    %mul3A_31 = arith.mulf %div3A_24, %div3A_24 : vector<1x128xf32>
    %sub3A = arith.subf %div3A_30, %mul3A_31 : vector<1x128xf32>
    %sub3A_32 = vector.broadcast %div3A_24 : vector<1x128xf32> to vector<10000x128xf32>
    %sub3A_33 = arith.subf %add3A_21, %sub3A_32 : vector<10000x128xf32>
    %add3A_34 = arith.constant 9.99999974E-6 : f32
    %add3A_35 = vector.broadcast %add3A_34 : f32 to vector<1x128xf32>
    %add3A_36 = arith.addf %sub3A, %add3A_35 : vector<1x128xf32>
    %rsqrt3A = math.rsqrt %add3A_36 : vector<1x128xf32>
    %mul3A_37 = vector.broadcast %rsqrt3A : vector<1x128xf32> to vector<10000x128xf32>
    %mul3A_38 = arith.mulf %sub3A_33, %mul3A_37 : vector<10000x128xf32>
    %get3A_39 = arith.constant 0 : index
    %get3A_40 = arith.constant 0 : index
    %get3A_41 = vector.load %arg5[%get3A_39, %get3A_40] : memref<1x128xf32, #tpu.memory_space<vmem>>, vector<1x128xf32>
    %mul3A_42 = vector.broadcast %get3A_41 : vector<1x128xf32> to vector<10000x128xf32>
    %mul3A_43 = arith.mulf %mul3A_38, %mul3A_42 : vector<10000x128xf32>
    %get3A_44 = arith.constant 0 : index
    %get3A_45 = arith.constant 0 : index
    %get3A_46 = vector.load %arg6[%get3A_44, %get3A_45] : memref<1x128xf32, #tpu.memory_space<vmem>>, vector<1x128xf32>
    %add3A_47 = vector.broadcast %get3A_46 : vector<1x128xf32> to vector<10000x128xf32>
    %add3A_48 = arith.addf %mul3A_43, %add3A_47 : vector<10000x128xf32>
    %max3A = arith.constant 0.000000e+00 : f32
    %max3A_49 = vector.broadcast %max3A : f32 to vector<10000x128xf32>
    %max3A_50 = arith.maximumf %add3A_48, %max3A_49 : vector<10000x128xf32>
    %get3A_51 = arith.constant 0 : index
    %get3A_52 = arith.constant 0 : index
    %get3A_53 = vector.load %arg7[%get3A_51, %get3A_52] : memref<128x128xf32, #tpu.memory_space<vmem>>, vector<128x128xf32>
    %dot_general3A_54 = arith.constant dense<0.000000e+00> : vector<10000x128xf32>
    %dot_general3A_55 = tpu.matmul %max3A_50, %get3A_53, %dot_general3A_54 {dimension_numbers = #tpu.dot_dimension_numbers<[1], [0], [0], [1], [0, 0, 1, 1], [], []>, transpose_lhs_hint = false} : vector<10000x128xf32>, vector<128x128xf32>, vector<10000x128xf32> -> vector<10000x128xf32>
    %get3A_56 = arith.constant 0 : index
    %get3A_57 = arith.constant 0 : index
    %get3A_58 = vector.load %arg8[%get3A_56, %get3A_57] : memref<1x128xf32, #tpu.memory_space<vmem>>, vector<1x128xf32>
    %add3A_59 = vector.broadcast %get3A_58 : vector<1x128xf32> to vector<10000x128xf32>
    %add3A_60 = arith.addf %dot_general3A_55, %add3A_59 : vector<10000x128xf32>
    %reduce_sum3A_61 = arith.constant dense<0.000000e+00> : vector<128xf32>
    %reduce_sum3A_62 = vector.multi_reduction <add>, %add3A_60, %reduce_sum3A_61 [0] : vector<10000x128xf32> to vector<128xf32>
    %broadcast_in_dim3A_63 = vector.shape_cast %reduce_sum3A_62 : vector<128xf32> to vector<1x128xf32>
    %div3A_64 = arith.constant 1.000000e+04 : f32
    %div3A_65 = vector.broadcast %div3A_64 : f32 to vector<1x128xf32>
    %div3A_66 = arith.divf %broadcast_in_dim3A_63, %div3A_65 : vector<1x128xf32>
    %mul3A_67 = arith.mulf %add3A_60, %add3A_60 : vector<10000x128xf32>
    %reduce_sum3A_68 = arith.constant dense<0.000000e+00> : vector<128xf32>
    %reduce_sum3A_69 = vector.multi_reduction <add>, %mul3A_67, %reduce_sum3A_68 [0] : vector<10000x128xf32> to vector<128xf32>
    %broadcast_in_dim3A_70 = vector.shape_cast %reduce_sum3A_69 : vector<128xf32> to vector<1x128xf32>
    %div3A_71 = arith.constant 1.000000e+04 : f32
    %div3A_72 = vector.broadcast %div3A_71 : f32 to vector<1x128xf32>
    %div3A_73 = arith.divf %broadcast_in_dim3A_70, %div3A_72 : vector<1x128xf32>
    %mul3A_74 = arith.mulf %div3A_66, %div3A_66 : vector<1x128xf32>
    %sub3A_75 = arith.subf %div3A_73, %mul3A_74 : vector<1x128xf32>
    %sub3A_76 = vector.broadcast %div3A_66 : vector<1x128xf32> to vector<10000x128xf32>
    %sub3A_77 = arith.subf %add3A_60, %sub3A_76 : vector<10000x128xf32>
    %add3A_78 = arith.constant 9.99999974E-6 : f32
    %add3A_79 = vector.broadcast %add3A_78 : f32 to vector<1x128xf32>
    %add3A_80 = arith.addf %sub3A_75, %add3A_79 : vector<1x128xf32>
    %rsqrt3A_81 = math.rsqrt %add3A_80 : vector<1x128xf32>
    %mul3A_82 = vector.broadcast %rsqrt3A_81 : vector<1x128xf32> to vector<10000x128xf32>
    %mul3A_83 = arith.mulf %sub3A_77, %mul3A_82 : vector<10000x128xf32>
    %get3A_84 = arith.constant 0 : index
    %get3A_85 = arith.constant 0 : index
    %get3A_86 = vector.load %arg9[%get3A_84, %get3A_85] : memref<1x128xf32, #tpu.memory_space<vmem>>, vector<1x128xf32>
    %mul3A_87 = vector.broadcast %get3A_86 : vector<1x128xf32> to vector<10000x128xf32>
    %mul3A_88 = arith.mulf %mul3A_83, %mul3A_87 : vector<10000x128xf32>
    %get3A_89 = arith.constant 0 : index
    %get3A_90 = arith.constant 0 : index
    %get3A_91 = vector.load %arg10[%get3A_89, %get3A_90] : memref<1x128xf32, #tpu.memory_space<vmem>>, vector<1x128xf32>
    %add3A_92 = vector.broadcast %get3A_91 : vector<1x128xf32> to vector<10000x128xf32>
    %add3A_93 = arith.addf %mul3A_88, %add3A_92 : vector<10000x128xf32>
    %max3A_94 = arith.constant 0.000000e+00 : f32
    %max3A_95 = vector.broadcast %max3A_94 : f32 to vector<10000x128xf32>
    %max3A_96 = arith.maximumf %add3A_93, %max3A_95 : vector<10000x128xf32>
    %iota3A = tpu.iota {dimensions = array<i32: 0>} : vector<16x10000xi32>
    %get3A_97 = arith.constant 0 : index
    %get3A_98 = arith.constant 0 : index
    %get3A_99 = vector.load %arg11[%get3A_97, %get3A_98] : memref<1x10000xi32, #tpu.memory_space<vmem>>, vector<1x10000xi32>
    %eq3A = vector.broadcast %get3A_99 : vector<1x10000xi32> to vector<16x10000xi32>
    %eq3A_100 = arith.cmpi eq, %iota3A, %eq3A : vector<16x10000xi32>
    %convert_element_type3A = arith.extui %eq3A_100 : vector<16x10000xi1> to vector<16x10000xi32>
    %convert_element_type3A_101 = arith.sitofp %convert_element_type3A : vector<16x10000xi32> to vector<16x10000xf32>
    %get3A_102 = arith.constant 0 : index
    %get3A_103 = arith.constant 0 : index
    %get3A_104 = vector.load %arg0[%get3A_102, %get3A_103] : memref<10000x128xf32, #tpu.memory_space<vmem>>, vector<10000x128xf32>
    %dot_general3A_105 = arith.constant dense<0.000000e+00> : vector<16x128xf32>
    %dot_general3A_106 = tpu.matmul %convert_element_type3A_101, %get3A_104, %dot_general3A_105 {dimension_numbers = #tpu.dot_dimension_numbers<[1], [0], [0], [1], [0, 0, 1, 1], [], []>, transpose_lhs_hint = false} : vector<16x10000xf32>, vector<10000x128xf32>, vector<16x128xf32> -> vector<16x128xf32>
    %dot_general3A_107 = arith.constant dense<0.000000e+00> : vector<16x128xf32>
    %dot_general3A_108 = tpu.matmul %convert_element_type3A_101, %max3A_96, %dot_general3A_107 {dimension_numbers = #tpu.dot_dimension_numbers<[1], [0], [0], [1], [0, 0, 1, 1], [], []>, transpose_lhs_hint = false} : vector<16x10000xf32>, vector<10000x128xf32>, vector<16x128xf32> -> vector<16x128xf32>
    %get3A_109 = arith.constant 0 : index
    %get3A_110 = arith.constant 0 : index
    %get3A_111 = vector.load %arg12[%get3A_109, %get3A_110] : memref<128x32xf32, #tpu.memory_space<vmem>>, vector<128x32xf32>
    %dot_general3A_112 = arith.constant dense<0.000000e+00> : vector<16x32xf32>
    %dot_general3A_113 = tpu.matmul %dot_general3A_106, %get3A_111, %dot_general3A_112 {dimension_numbers = #tpu.dot_dimension_numbers<[1], [0], [0], [1], [0, 0, 1, 1], [], []>, transpose_lhs_hint = false} : vector<16x128xf32>, vector<128x32xf32>, vector<16x32xf32> -> vector<16x32xf32>
    %get3A_114 = arith.constant 0 : index
    %get3A_115 = arith.constant 0 : index
    %get3A_116 = vector.load %arg13[%get3A_114, %get3A_115] : memref<1x32xf32, #tpu.memory_space<vmem>>, vector<1x32xf32>
    %add3A_117 = vector.broadcast %get3A_116 : vector<1x32xf32> to vector<16x32xf32>
    %add3A_118 = arith.addf %dot_general3A_113, %add3A_117 : vector<16x32xf32>
    %get3A_119 = arith.constant 0 : index
    %get3A_120 = arith.constant 0 : index
    %get3A_121 = vector.load %arg14[%get3A_119, %get3A_120] : memref<128x32xf32, #tpu.memory_space<vmem>>, vector<128x32xf32>
    %dot_general3A_122 = arith.constant dense<0.000000e+00> : vector<16x32xf32>
    %dot_general3A_123 = tpu.matmul %dot_general3A_108, %get3A_121, %dot_general3A_122 {dimension_numbers = #tpu.dot_dimension_numbers<[1], [0], [0], [1], [0, 0, 1, 1], [], []>, transpose_lhs_hint = false} : vector<16x128xf32>, vector<128x32xf32>, vector<16x32xf32> -> vector<16x32xf32>
    %add3A_124 = arith.addf %add3A_118, %dot_general3A_123 : vector<16x32xf32>
    %get3A_125 = arith.constant 0 : index
    %get3A_126 = arith.constant 0 : index
    %get3A_127 = vector.load %arg15[%get3A_125, %get3A_126] : memref<1x32xf32, #tpu.memory_space<vmem>>, vector<1x32xf32>
    %add3A_128 = vector.broadcast %get3A_127 : vector<1x32xf32> to vector<16x32xf32>
    %add3A_129 = arith.addf %add3A_124, %add3A_128 : vector<16x32xf32>
    %max3A_130 = arith.constant 0.000000e+00 : f32
    %max3A_131 = vector.broadcast %max3A_130 : f32 to vector<16x32xf32>
    %max3A_132 = arith.maximumf %add3A_129, %max3A_131 : vector<16x32xf32>
    %get3A_133 = arith.constant 0 : index
    %get3A_134 = arith.constant 0 : index
    %get3A_135 = vector.load %arg16[%get3A_133, %get3A_134] : memref<32x64xf32, #tpu.memory_space<vmem>>, vector<32x64xf32>
    %dot_general3A_136 = arith.constant dense<0.000000e+00> : vector<16x64xf32>
    %dot_general3A_137 = tpu.matmul %max3A_132, %get3A_135, %dot_general3A_136 {dimension_numbers = #tpu.dot_dimension_numbers<[1], [0], [0], [1], [0, 0, 1, 1], [], []>, transpose_lhs_hint = false} : vector<16x32xf32>, vector<32x64xf32>, vector<16x64xf32> -> vector<16x64xf32>
    %get3A_138 = arith.constant 0 : index
    %get3A_139 = arith.constant 0 : index
    %get3A_140 = vector.load %arg17[%get3A_138, %get3A_139] : memref<1x64xf32, #tpu.memory_space<vmem>>, vector<1x64xf32>
    %add3A_141 = vector.broadcast %get3A_140 : vector<1x64xf32> to vector<16x64xf32>
    %add3A_142 = arith.addf %dot_general3A_137, %add3A_141 : vector<16x64xf32>
    %swap3A = arith.constant 0 : index
    %swap3A_143 = arith.constant 0 : index
    %swap3A_144 = vector.load %arg18[%swap3A, %swap3A_143] : memref<16x64xf32, #tpu.memory_space<vmem>>, vector<16x64xf32>
    tpu.vector_store %arg18[%swap3A, %swap3A_143], %add3A_142 {strides = array<i32>} : memref<16x64xf32, #tpu.memory_space<vmem>>, vector<16x64xf32>,
    return
  }
}

</mosaic_0001>

<sc_bundles>
// kernel: kernel.6.cloned.1.call-start
scs
__scs_entry_jumppad:
0x0: {  	(pc) =	sbr.rel $0x88, $3  }
0x1: {  	(tag) =	ssettag $0x0;
	lr =	simm.s32 $0x1  }
0x2: {  	[smem:$0x3F88] =	sst lr;
	_ =	strace $0xD0000000  }
0x3: {  	_ = 	snop  }
0x4: {  	_ = 	snop  }
0x5: {  	_ = 	snop  }
0x6: {  	_ = 	snop  }
0x7: {  	_ = 	snop  }
__scs_overlays_trampoline_lowered:
0x8: {  	[smem:$0x3F97] =	sst s0  }
0x9: {  	[smem:$0x3F98] =	sst s1  }
0xa: {  	[smem:$0x3F99] =	sst s2  }
0xb: {  	[smem:$0x3F9A] =	sst s3  }
0xc: {  	[smem:$0x3F9B] =	sst s4  }
0xd: {  	[smem:$0x3F9C] =	sst s5  }
0xe: {  	[smem:$0x3F9D] =	sst s6  }
0xf: {  	[smem:$0x3F9E] =	sst s7  }
0x10: {  	[smem:$0x3F9F] =	sst s8  }
0x11: {  	[smem:$0x3FA0] =	sst s9;
	s0 =	simm.s32 @!p0 $0x0  }
0x12: {  	s1 =	sld [smem:$0x3F86];
	s0 =	simm.s32 @p0 $0x1  }
0x13: {  	[smem:$0x3FA1] =	sst s0;
	s0 =	simm.s32 @!p1 $0x0  }
0x14: {  	s2 =	sld [smem:$0x3F85];
	s0 =	simm.s32 @p1 $0x1  }
0x15: {  	[smem:$0x3FA2] =	sst s0;
	s0 =	simm.s32 @!p2 $0x0  }
0x16: {  	s3 =	sld [smem:$0x3FDB];
	s0 =	simm.s32 @p2 $0x1  }
0x17: {  	s4 =	simm.s32 $0x1BF5;
	[smem:$0x3FA4] =	sst s0  }
0x18: {  	s0 =	sld [smem:$0x3F87];
	_ =	swait.ge [sflag:s4], $0x0  }
0x19: {  	s7 =	sld [smem:$0x3F88]  }
0x1a: {  	s8 =	sadd.s32 $0xFFFFE003, lr  }
0x1b: {  	s9 =	sadd.s32 $0xFFFFFEF7, lr;
	s5 =	simm.s32 $0xFFFFFFFF;
	p2 =	slt.u32 s8, $0xFFFFF086  }
0x1c: {  	p1 =	slt.u32 s9, $0xF7A;
	s5 =	simm.s32 @!p2 $0x0  }
0x1d: {  	s5 =	simm.s32 @p1 $0x1;
	p0 =	seq.s32 s7, s2  }
0x1e: {  	s7 =	smul.u32 @!p0 $0xF7A, s2;
	p2 =	seq.s32 @!p0 s5, $0x0  }
0x1f: {  	s9 =	smul.u32 $0xF7A, s1;
	s8 =	simm.s32 @!p0 $0x1BF5;
	p2 =	por !p2, p0  }
0x20: {  	[sflag:s8] =	ssyncset.s32 @!p0 $0xFFFFF086;
	s6 =	sadd.s32 @!p0 s3, s7;
	s7 =	simm.s32 @!p0 $0x108  }
0x21: {  	s3 =	sadd.s32 s3, s9;
	s6 =	sadd.s32 @!p0 $0x88, s6;
	s7 =	simm.s32 @p2 $0x1082  }
0x22: {  	[simem:s7], [sflag:s8] =	dma.local @!p0 [hbm:s6], $0xF7A  }
0x23: {  	s9 =	sor.u32 $0xD0000000, s2;
	s6 =	simm.s32 $0x108;
	_ =	swait.ge @!p0 [sflag:s8], $0x0  }
0x24: {  	s3 =	sadd.s32 $0x88, s3;
	s6 =	simm.s32 @!p1 $0x1082;
	[sflag:s4] =	ssyncset.s32 $0xFFFFF086  }
0x25: {  	[simem:s6], [sflag:s4] =	dma.local [hbm:s3], $0xF7A  }
0x26: {  	[smem:$0x3F88] =	sst s1;
	(tag) =	ssettag s2;
	_ =	strace s9  }
0x27: {  	s1 =	sld [smem:$0x3F98]  }
0x28: {  	s2 =	sld [smem:$0x3F99]  }
0x29: {  	s4 =	sld [smem:$0x3F9B]  }
0x2a: {  	p0 =	seq.s32 s5, $0x0;
	s5 =	sld [smem:$0x3F9C]  }
0x2b: {  	s6 =	sld [smem:$0x3F9D]  }
0x2c: {  	s7 =	sld [smem:$0x3F9E]  }
0x2d: {  	s3 =	simm.s32 $0x108;
	s8 =	sld [smem:$0x3F9F]  }
0x2e: {  	s3 =	simm.s32 @!p0 $0x1082;
	s9 =	sld [smem:$0x3FA0]  }
0x2f: {  	lr =	sadd.s32 s0, s3;
	s0 =	sld [smem:$0x3F97]  }
0x30: {  	s3 =	sld [smem:$0x3F9A]  }
0x31: {  	[smem:$0x3FA3] =	sst s10  }
0x32: {  	s10 =	sld [smem:$0x3FA1];
	_ =	sdelay $0x3  }
0x33: {  	p0 =	seq.s32 s10, $0x1;
	s10 =	sld [smem:$0x3FA3];
	_ =	sdelay $0x3  }
0x34: {  	[smem:$0x3FA3] =	sst s10  }
0x35: {  	s10 =	sld [smem:$0x3FA2];
	_ =	sdelay $0x3  }
0x36: {  	p1 =	seq.s32 s10, $0x1;
	s10 =	sld [smem:$0x3FA3];
	_ =	sdelay $0x3  }
0x37: {  	[smem:$0x3FA3] =	sst s10  }
0x38: {  	s10 =	sld [smem:$0x3FA4]  }
0x39: {  	_ = 	snop;
	(pc) =	sbr.ind lr, $3  }
0x3a: {  	_ = 	snop  }
0x3b: {  	_ = 	snop  }
0x3c: {  	p2 =	seq.s32 s10, $0x1;
	s10 =	sld [smem:$0x3FA3]  }
0x3d: {  	_ =	shalt  }
0x3e: {  	_ =	shalt  }
0x3f: {  	_ =	shalt  }
0x40: {  	_ =	shalt  }
0x41: {  	_ =	shalt  }
0x42: {  	_ =	shalt  }
0x43: {  	_ =	shalt  }
0x44: {  	_ =	shalt  }
0x45: {  	_ =	shalt  }
0x46: {  	_ =	shalt  }
0x47: {  	_ =	shalt  }
0x48: {  	_ =	shalt  }
0x49: {  	_ =	shalt  }
0x4a: {  	_ =	shalt  }
0x4b: {  	_ =	shalt  }
0x4c: {  	_ =	shalt  }
0x4d: {  	_ =	shalt  }
0x4e: {  	_ =	shalt  }
0x4f: {  	_ =	shalt  }
0x50: {  	_ =	shalt  }
0x51: {  	_ =	shalt  }
0x52: {  	_ =	shalt  }
0x53: {  	_ =	shalt  }
0x54: {  	_ =	shalt  }
0x55: {  	_ =	shalt  }
0x56: {  	_ =	shalt  }
0x57: {  	_ =	shalt  }
0x58: {  	_ =	shalt  }
0x59: {  	_ =	shalt  }
0x5a: {  	_ =	shalt  }
0x5b: {  	_ =	shalt  }
0x5c: {  	_ =	shalt  }
0x5d: {  	_ =	shalt  }
0x5e: {  	_ =	shalt  }
0x5f: {  	_ =	shalt  }
0x60: {  	_ =	shalt  }
0x61: {  	_ =	shalt  }
0x62: {  	_ =	shalt  }
0x63: {  	_ =	shalt  }
0x64: {  	_ =	shalt  }
0x65: {  	_ =	shalt  }
0x66: {  	_ =	shalt  }
0x67: {  	_ =	shalt  }
0x68: {  	_ =	shalt  }
0x69: {  	_ =	shalt  }
0x6a: {  	_ =	shalt  }
0x6b: {  	_ =	shalt  }
0x6c: {  	_ =	shalt  }
0x6d: {  	_ =	shalt  }
0x6e: {  	_ =	shalt  }
0x6f: {  	_ =	shalt  }
0x70: {  	_ =	shalt  }
0x71: {  	_ =	shalt  }
0x72: {  	_ =	shalt  }
0x73: {  	_ =	shalt  }
0x74: {  	_ =	shalt  }
0x75: {  	_ =	shalt  }
0x76: {  	_ =	shalt  }
0x77: {  	_ =	shalt  }
0x78: {  	_ =	shalt  }
0x79: {  	_ =	shalt  }
0x7a: {  	_ =	shalt  }
0x7b: {  	_ =	shalt  }
0x7c: {  	_ =	shalt  }
0x7d: {  	_ =	shalt  }
0x7e: {  	_ =	shalt  }
0x7f: {  	_ =	shalt  }
0x80: {  	_ =	shalt  }
0x81: {  	_ =	shalt  }
0x82: {  	_ =	shalt  }
0x83: {  	_ =	shalt  }
0x84: {  	_ =	shalt  }
0x85: {  	_ =	shalt  }
0x86: {  	_ =	shalt  }
0x87: {  	_ =	shalt  }
.Lfunc_end0:
.L_simem_size_0:
called_computation_lowered:
.L_overlay_start_0:
0x88: {  	s2 =	sld [smem:$0x3FD9]  }
0x89: {  	s3 =	sld [smem:$0x3FFE];
	_ =	sdelay $0x1  }
0x8a: {  	s1 =	srdreg.scid  }
0x8b: {  	s0 =	sand.u32 $0x1, s1  }
0x8c: {  	s17 =	sshll.u32 s0, $0xA;
	s2 =	sadd.s32 s3, s2  }
0x8d: {  	s2 =	sadd.s32 s2, s17  }
0x8e: {  	[smem:$0x3FAF] =	sst s2  }
0x8f: {  	_ = 	snop  }
0x90: {  	s2 =	sld [smem:$0x3FC9];
	(tm) =	ssettm $0x1  }
0x91: {  	s18 =	sld [smem:$0x3FFB];
	_ =	sdelay $0x3  }
0x92: {  	_ =	strace s18  }
0x93: {  	s3 =	sld [smem:$0x3FFC];
	_ =	sdelay $0x3  }
0x94: {  	_ =	strace s3  }
0x95: {  	s3 =	sld [smem:$0x3FFD];
	_ =	sdelay $0x3  }
0x96: {  	_ =	strace s3  }
0x97: {  	_ =	strace $0x8FFFFFFF  }
0x98: {  	s19 =	sld [smem:$0x3FDB];
	_ =	sdelay $0x1  }
0x99: {  	s4 =	simm.s32 $_scs_section_size  }
0x9a: {  	s5 =	simm.s32 $_size__tile_overlayer_lowered;
	s6 =	simm.s32 $_tile_overlayer_lowered  }
0x9b: {  	s22 =	simm.s32 $0x1BFF;
	s21 =	sshll.u32 s6, $0x1;
	s3 =	sadd.s32 s4, s19  }
0x9c: {  	s7 =	simm.s32 $0x0;
	s20 =	sshll.u32 s5, $0x1;
	s5 =	sadd.s32 s21, s3  }
0x9d: {  	[timem:s7], [sflag:s22] =	dma.local [hbm:s5], s20  }
0x9e: {  	_ =	swait.ge [sflag:s22], s20  }
0x9f: {  	s4 =	ssub.s32 $0x0, s20;
	[sflag:s22] =	ssyncset.done $0x0  }
0xa0: {  	[sflag:s22] =	ssyncadd.s32 s4;
	_ =	sdelay $0x1  }
0xa1: {  	s23 =	simm.s32 $0x1B8B  }
0xa2: {  	_ =	swait.ge [sflag:s23], $0x1  }
0xa3: {  	[sflag:s23] =	ssyncset.done $0x0  }
0xa4: {  	s25 =	simm.s32 $0x1B8E;
	s24 =	sld [smem:$0x3FFE];
	[sflag:s23] =	ssyncadd.s32 $0xFFFFFFFF  }
0xa5: {  	s26 =	simm.s32 $execute0_lowered;
	[smem:$0x3FD2] =	sst s25  }
0xa6: {  	s5 =	sshll.u32 s26, $0x1;
	_ =	strace $0x80000046;
	[dreg:$0x1] =	wrdreg $0xFFFFFFFF  }
0xa7: {  	s28 =	simm.s32 $_size_execute0_lowered;
	s3 =	sadd.s32 s3, s5;
	[dreg:$0x0] =	wrdreg $0x0  }
0xa8: {  	s5 =	sshll.u32 s28, $0x1;
	[dreg:$0x2] =	wrdreg s3  }
0xa9: {  	[dreg:$0x3] =	wrdreg s5  }
0xaa: {  	[dreg:$0x4] =	wrdreg $0xC0  }
0xab: {  	_ =	task [dreg:s7], $0x5FFFF  }
0xac: {  	[dreg:$0x1] =	wrdreg $0xFFFFFFFF  }
0xad: {  	[dreg:$0x0] =	wrdreg $0x60  }
0xae: {  	[dreg:$0x2] =	wrdreg s2  }
0xaf: {  	[dreg:$0x3] =	wrdreg s24  }
0xb0: {  	[dreg:$0x4] =	wrdreg $0xC0000  }
0xb1: {  	[dreg:$0x5] =	wrdreg $0x9  }
0xb2: {  	_ =	task.clear_ibuf [dreg:s7], $0x6FFFF;
	_ =	strace $0x90000046  }
0xb3: {  	s29 =	simm.s32 $0x9;
	_ =	strace $0x80000048  }
0xb4: {  	_ =	swait.ge [sflag:s29], $0x1  }
0xb5: {  	[sflag:s29] =	ssyncadd.s32 $0xFFFFFFFF  }
0xb6: {  	_ =	strace $0x90000048  }
0xb7: {  	_ =	sfence  }
0xb8: {  	s30 =	sld [smem:$0x0];
	_ =	sdelay $0x2  }
0xb9: {  	s31 =	sshll.u32 s1, $0xD;
	s1 =	sshrl.u32 s1, $0x2  }
0xba: {  	s3 =	sand.u32 $0x4000, s31;
	s1 =	sadd.s32 s1, s30  }
0xbb: {  	s0 =	sor.u32 s3, s0;
	s1 =	sshll.u32 s1, $0x11  }
0xbc: {  	s0 =	sor.u32 s1, s0  }
0xbd: {  	s0 =	sadd.s32 $0x8F2B, s0  }
0xbe: {  	[sflag:s0] =	ssyncadd.remote.s32 $0x1  }
0xbf: {  	_ =	sfence.sel $0xFFFF  }
0xc0: {  	[dreg:$0x0] =	wrdreg $0xFFFFFFFF;
	(pc) =	sbr.abs _section_cstart, $3  }
0xc1: {  	[dreg:$0x1] =	wrdreg $0xFFFFFFFF  }
0xc2: {  	_ =	task.clear_ibuf [dreg:s7], $0x2FFFF;
	_ =	strace $0x9FFFFFFF  }
0xc3: {  	(tm) =	ssettm $0x7FFFFFFF  }
tec
execute0_lowered:
.L_overlay_start_1:
0x0: {  	(tag) =	ssettag $0x1  }
0x1: {  	s0 =	srdreg.scid;
	s1 =	rddreg [dreg:$0x0]  }
0x2: {  	s18 =	stileid.u32;
	s4 =	rddreg [dreg:$0x1]  }
0x3: {  	s3 =	rddreg [dreg:$0x2];
	s6 =	simm.s32 $0x0;
	s12 =	simm.s32 $0x5  }
0x4: {  	s13 =	simm.s32 $0x50;
	s14 =	simm.s32 $0x80;
	s15 =	simm.s32 $0x2000  }
0x5: {  	s16 =	simm.s32 $0x180;
	s17 =	simm.s32 $0x4800;
	s19 =	simm.s32 $0x7000  }
0x6: {  	s22 =	simm.s32 $0x1;
	s23 =	simm.s32 $0x9800;
	s24 =	simm.s32 $0x2  }
0x7: {  	s28 =	simm.s32 $0x1C00;
	s29 =	simm.s32 $0x1D00;
	s30 =	simm.s32 $0x1E00  }
0x8: {  	s0 =	sand.u32 $0x1, s0;
	[smem:$0x7FF] =	sst s6;
	s25 =	smul.u32 $0x13C00, s18  }
0x9: {  	s7 =	smul.u32 $0x4F000, s18;
	s31 =	sshll.u32 s18, $0x6;
	s2 =	sshll.u32 s0, $0x4  }
0xa: {  	s5 =	smul.u32 $0x13C000, s0;
	_ =	strace $0x80000047;
	s0 =	ssub.s32 $0x2, s0  }
0xb: {  	s20 =	sor.u32 $0x1C05, s31;
	s2 =	sor.u32 s18, s2;
	s26 =	sshrl.u32 s0, $0x1  }
0xc: {  	s7 =	sshrl.u32 s7, $0x2;
	s18 =	simm.s32 $0x280;
	s2 =	smul.u32 $0x7D00, s2  }
0xd: {  	s6 =	sadd.s32 s25, s5;
	s5 =	sadd.s32 $0x23A00, s4;
	s0 =	ssub.s32 s0, s26  }
0xe: {  	s21 =	sadd.s32 s7, s3;
	s25 =	simm.s32 $0x3;
	s26 =	simm.s32 $0x4  }
0xf: {  	s6 =	sshrl.u32 s6, $0x3;
	s11 =	smax.u32 s0, $0x1;
	s2 =	sshrl.u32 s2, $0x3  }
0x10: {  	s21 =	sshrl.u32 s21, $0x3;
	s0 =	simm.s32 $0x0;
	s2 =	sadd.s32 s2, s4  }
0x11: {  	s4 =	sadd.s32 s6, s4;
	s6 =	sadd.s32 $0x4600, s2;
	s7 =	sadd.s32 $0x49E0, s2  }
0x12: {  	s8 =	sadd.s32 $0x4DC0, s2;
	s9 =	sadd.s32 $0x51A0, s2;
	s10 =	sadd.s32 $0x26200, s4  }
.LBB2_1:
0x13: {  	s2 =	simm.s32 $0x0  }
0x14: {  	[tilespmem:s2], [sflag:$0x5] =	stream.linear.gather [hbm4b:s6+s2], $0x2000, $0x38;
	[tilespmem:$0x1FC00] =	vst v63  }
0x15: {  	_ =	swait.ge [sflag:s12], $0x2000  }
0x16: {  	[sflag:s12] =	ssyncset.done $0x0  }
0x17: {  	[sflag:s12] =	ssyncadd.s32 $0xFFFFE000  }
0x18: {  	[tilespmem:s15], [sflag:$0x1] =	stream.indirect.gather [hbm4b:s1+s13], $0x80, s14, s13, $0xb8;
	[tilespmem:$0x1FC00] =	vst v63  }
0x19: {  	_ = 	snop  }
0x1a: {  	[tilespmem:s17], [sflag:$0x2] =	stream.indirect.gather [hbm4b:s1+s13], $0x80, s16, s13, $0xb8;
	[tilespmem:$0x1FC00] =	vst v63  }
0x1b: {  	_ = 	snop  }
0x1c: {  	[tilespmem:s19], [sflag:$0x3] =	stream.indirect.gather [hbm4b:s1+s13], $0x80, s18, s13, $0xb8;
	[tilespmem:$0x1FC00] =	vst v63  }
0x1d: {  	[spmem:s21], [sflag:s20] =	dma.local [hbm:s5], $0x2780  }
0x1e: {  	_ =	swait.ge [sflag:s12], $0x2780  }
0x1f: {  	[sflag:s12] =	ssyncset.done $0x0  }
0x20: {  	[sflag:s12] =	ssyncadd.s32 $0xFFFFD880  }
0x21: {  	[bflag:$0x0] =	sbarrier.arrive $0xFFFF  }
0x22: {  	_ =	swait.ge [sflag:s22], $0x2800  }
0x23: {  	[sflag:s22] =	ssyncset.done $0x0  }
0x24: {  	s4 =	simm.s32 $0x380;
	[sflag:s22] =	ssyncadd.s32 $0xFFFFD800  }
0x25: {  	[tilespmem:s23], [sflag:$0x4] =	stream.indirect.gather [hbm4b:s1+s13], $0x80, s4, s13, $0xb8;
	[tilespmem:$0x1FC00] =	vst v63  }
0x26: {  	s31 =	simm.s32 $0x0  }
0x27: {  	[spmem:s3] =	stream.indirect.scatter.add.f32 [tilespmem:s15], [sflag:$0x5], $0x80, s31, s13, $0xb8;
	[tilespmem:$0x1FC00] =	vst v63  }
0x28: {  	_ =	swait.ge [sflag:s12], $0x2800  }
0x29: {  	[sflag:s12] =	ssyncset.done $0x0  }
0x2a: {  	[sflag:s12] =	ssyncadd.s32 $0xFFFFD800  }
0x2b: {  	_ =	swait.ge [sflag:s24], $0x2800  }
0x2c: {  	[sflag:s24] =	ssyncset.done $0x0  }
0x2d: {  	s2 =	simm.s32 $0x480;
	[sflag:s24] =	ssyncadd.s32 $0xFFFFD800  }
0x2e: {  	[tilespmem:s15], [sflag:$0x1] =	stream.indirect.gather [hbm4b:s1+s13], $0x80, s2, s13, $0xb8;
	[tilespmem:$0x1FC00] =	vst v63  }
0x2f: {  	s31 =	simm.s32 $0x100  }
0x30: {  	[spmem:s3] =	stream.indirect.scatter.add.f32 [tilespmem:s17], [sflag:$0x5], $0x80, s31, s13, $0xb8;
	[tilespmem:$0x1FC00] =	vst v63  }
0x31: {  	_ =	swait.ge [sflag:s12], $0x2800  }
0x32: {  	[sflag:s12] =	ssyncset.done $0x0  }
0x33: {  	[sflag:s12] =	ssyncadd.s32 $0xFFFFD800  }
0x34: {  	_ =	swait.ge [sflag:s25], $0x2800  }
0x35: {  	[sflag:s25] =	ssyncset.done $0x0  }
0x36: {  	s2 =	simm.s32 $0x580;
	[sflag:s25] =	ssyncadd.s32 $0xFFFFD800  }
0x37: {  	[tilespmem:s17], [sflag:$0x2] =	stream.indirect.gather [hbm4b:s1+s13], $0x80, s2, s13, $0xb8;
	[tilespmem:$0x1FC00] =	vst v63  }
0x38: {  	s31 =	simm.s32 $0x200  }
0x39: {  	[spmem:s3] =	stream.indirect.scatter.add.f32 [tilespmem:s19], [sflag:$0x5], $0x80, s31, s13, $0xb8;
	[tilespmem:$0x1FC00] =	vst v63  }
0x3a: {  	_ =	swait.ge [sflag:s12], $0x2800  }
0x3b: {  	[sflag:s12] =	ssyncset.done $0x0  }
0x3c: {  	[sflag:s12] =	ssyncadd.s32 $0xFFFFD800  }
0x3d: {  	_ =	swait.ge [sflag:s26], $0x2800  }
0x3e: {  	[sflag:s26] =	ssyncset.done $0x0  }
0x3f: {  	s2 =	simm.s32 $0x680;
	[sflag:s26] =	ssyncadd.s32 $0xFFFFD800  }
0x40: {  	[tilespmem:s19], [sflag:$0x3] =	stream.indirect.gather [hbm4b:s1+s13], $0x80, s2, s13, $0xb8;
	[tilespmem:$0x1FC00] =	vst v63  }
0x41: {  	s31 =	simm.s32 $0x300  }
0x42: {  	[spmem:s3] =	stream.indirect.scatter.add.f32 [tilespmem:s23], [sflag:$0x5], $0x80, s31, s13, $0xb8;
	[tilespmem:$0x1FC00] =	vst v63  }
0x43: {  	_ =	swait.ge [sflag:s12], $0x2800  }
0x44: {  	s4 =	simm.s32 $0x1000;
	[sflag:s12] =	ssyncset.done $0x0  }
.LBB2_2:
0x45: {  	p0 =	sne.s32 s4, $0x6000  }
0x46: {  	[sflag:s12] =	ssyncadd.s32 $0xFFFFD800;
	s31 =	smov.u32 s4;
	s4 =	sadd.s32 $0x1000, s4  }
0x47: {  	_ = 	snop  }
0x48: {  	_ =	swait.ge [sflag:s22], $0x2800  }
0x49: {  	s31 =	sshra.s32 s31, $0x2;
	[sflag:s22] =	ssyncset.done $0x0  }
0x4a: {  	s2 =	sadd.s32 $0x380, s31;
	[sflag:s22] =	ssyncadd.s32 $0xFFFFD800  }
0x4b: {  	[tilespmem:s23], [sflag:$0x4] =	stream.indirect.gather [hbm4b:s1+s13], $0x80, s2, s13, $0xb8;
	[tilespmem:$0x1FC00] =	vst v63  }
0x4c: {  	_ = 	snop  }
0x4d: {  	[spmem:s3] =	stream.indirect.scatter.add.f32 [tilespmem:s15], [sflag:$0x5], $0x80, s31, s13, $0xb8;
	[tilespmem:$0x1FC00] =	vst v63  }
0x4e: {  	_ =	swait.ge [sflag:s12], $0x2800  }
0x4f: {  	[sflag:s12] =	ssyncset.done $0x0  }
0x50: {  	[sflag:s12] =	ssyncadd.s32 $0xFFFFD800  }
0x51: {  	_ =	swait.ge [sflag:s24], $0x2800  }
0x52: {  	[sflag:s24] =	ssyncset.done $0x0  }
0x53: {  	s2 =	sadd.s32 $0x480, s31;
	[sflag:s24] =	ssyncadd.s32 $0xFFFFD800  }
0x54: {  	[tilespmem:s15], [sflag:$0x1] =	stream.indirect.gather [hbm4b:s1+s13], $0x80, s2, s13, $0xb8;
	[tilespmem:$0x1FC00] =	vst v63  }
0x55: {  	s2 =	sadd.s32 $0x100, s31  }
0x56: {  	[spmem:s3] =	stream.indirect.scatter.add.f32 [tilespmem:s17], [sflag:$0x5], $0x80, s2, s13, $0xb8;
	[tilespmem:$0x1FC00] =	vst v63  }
0x57: {  	_ =	swait.ge [sflag:s12], $0x2800  }
0x58: {  	[sflag:s12] =	ssyncset.done $0x0  }
0x59: {  	[sflag:s12] =	ssyncadd.s32 $0xFFFFD800  }
0x5a: {  	_ =	swait.ge [sflag:s25], $0x2800  }
0x5b: {  	[sflag:s25] =	ssyncset.done $0x0  }
0x5c: {  	s2 =	sadd.s32 $0x580, s31;
	[sflag:s25] =	ssyncadd.s32 $0xFFFFD800  }
0x5d: {  	[tilespmem:s17], [sflag:$0x2] =	stream.indirect.gather [hbm4b:s1+s13], $0x80, s2, s13, $0xb8;
	[tilespmem:$0x1FC00] =	vst v63  }
0x5e: {  	s2 =	sadd.s32 $0x200, s31  }
0x5f: {  	[spmem:s3] =	stream.indirect.scatter.add.f32 [tilespmem:s19], [sflag:$0x5], $0x80, s2, s13, $0xb8;
	[tilespmem:$0x1FC00] =	vst v63  }
0x60: {  	_ =	swait.ge [sflag:s12], $0x2800  }
0x61: {  	[sflag:s12] =	ssyncset.done $0x0  }
0x62: {  	[sflag:s12] =	ssyncadd.s32 $0xFFFFD800  }
0x63: {  	_ =	swait.ge [sflag:s26], $0x2800  }
0x64: {  	[sflag:s26] =	ssyncset.done $0x0  }
0x65: {  	s2 =	sadd.s32 $0x680, s31;
	[sflag:s26] =	ssyncadd.s32 $0xFFFFD800  }
0x66: {  	[tilespmem:s19], [sflag:$0x3] =	stream.indirect.gather [hbm4b:s1+s13], $0x80, s2, s13, $0xb8;
	[tilespmem:$0x1FC00] =	vst v63  }
.Ltmp0:
0x67: {  	_ = 	snop;
	(pc) =	sbr.rel @p0 .LBB2_2-.Ltmp0, $4  }
0x68: {  	s2 =	sadd.s32 $0x300, s31  }
0x69: {  	[spmem:s3] =	stream.indirect.scatter.add.f32 [tilespmem:s23], [sflag:$0x5], $0x80, s2, s13, $0xb8;
	[tilespmem:$0x1FC00] =	vst v63  }
0x6a: {  	_ =	swait.ge [sflag:s12], $0x2800  }
0x6b: {  	[sflag:s12] =	ssyncset.done $0x0  }
0x6c: {  	[sflag:s12] =	ssyncadd.s32 $0xFFFFD800  }
0x6d: {  	_ =	swait.ge [sflag:s22], $0x2800  }
0x6e: {  	[sflag:s22] =	ssyncset.done $0x0  }
0x6f: {  	[sflag:s22] =	ssyncadd.s32 $0xFFFFD800  }
0x70: {  	[spmem:s3] =	stream.indirect.scatter.add.f32 [tilespmem:s15], [sflag:$0x5], $0x80, s28, s13, $0xb8;
	[tilespmem:$0x1FC00] =	vst v63  }
0x71: {  	_ =	swait.ge [sflag:s12], $0x2800  }
0x72: {  	[sflag:s12] =	ssyncset.done $0x0  }
0x73: {  	[sflag:s12] =	ssyncadd.s32 $0xFFFFD800  }
0x74: {  	_ =	swait.ge [sflag:s24], $0x2800  }
0x75: {  	[sflag:s24] =	ssyncset.done $0x0  }
0x76: {  	[sflag:s24] =	ssyncadd.s32 $0xFFFFD800  }
0x77: {  	[spmem:s3] =	stream.indirect.scatter.add.f32 [tilespmem:s17], [sflag:$0x5], $0x80, s29, s13, $0xb8;
	[tilespmem:$0x1FC00] =	vst v63  }
0x78: {  	_ =	swait.ge [sflag:s12], $0x2800  }
0x79: {  	[sflag:s12] =	ssyncset.done $0x0  }
0x7a: {  	[sflag:s12] =	ssyncadd.s32 $0xFFFFD800  }
0x7b: {  	_ =	swait.ge [sflag:s25], $0x2800  }
0x7c: {  	[sflag:s25] =	ssyncset.done $0x0  }
0x7d: {  	[sflag:s25] =	ssyncadd.s32 $0xFFFFD800  }
0x7e: {  	[spmem:s3] =	stream.indirect.scatter.add.f32 [tilespmem:s19], [sflag:$0x5], $0x80, s30, s13, $0xb8;
	[tilespmem:$0x1FC00] =	vst v63  }
0x7f: {  	_ =	swait.ge [sflag:s12], $0x2800  }
0x80: {  	[sflag:s12] =	ssyncset.done $0x0  }
0x81: {  	s2 =	simm.s32 $0x0;
	[sflag:s12] =	ssyncadd.s32 $0xFFFFD800  }
0x82: {  	[tilespmem:s2], [sflag:$0x5] =	stream.linear.gather [hbm4b:s7+s2], $0x2000, $0x38;
	[tilespmem:$0x1FC00] =	vst v63  }
0x83: {  	_ =	swait.ge [sflag:s12], $0x2000  }
0x84: {  	[sflag:s12] =	ssyncset.done $0x0  }
0x85: {  	[sflag:s12] =	ssyncadd.s32 $0xFFFFE000  }
0x86: {  	[tilespmem:s15], [sflag:$0x1] =	stream.indirect.gather [hbm4b:s1+s13], $0x80, s14, s13, $0xb8;
	[tilespmem:$0x1FC00] =	vst v63  }
0x87: {  	_ = 	snop  }
0x88: {  	[tilespmem:s17], [sflag:$0x2] =	stream.indirect.gather [hbm4b:s1+s13], $0x80, s16, s13, $0xb8;
	[tilespmem:$0x1FC00] =	vst v63  }
0x89: {  	_ = 	snop  }
0x8a: {  	[tilespmem:s19], [sflag:$0x3] =	stream.indirect.gather [hbm4b:s1+s13], $0x80, s18, s13, $0xb8;
	[tilespmem:$0x1FC00] =	vst v63  }
0x8b: {  	_ =	swait.ge [sflag:s22], $0x2800  }
0x8c: {  	[sflag:s22] =	ssyncset.done $0x0  }
0x8d: {  	s4 =	simm.s32 $0x380;
	[sflag:s22] =	ssyncadd.s32 $0xFFFFD800  }
0x8e: {  	[tilespmem:s23], [sflag:$0x4] =	stream.indirect.gather [hbm4b:s1+s13], $0x80, s4, s13, $0xb8;
	[tilespmem:$0x1FC00] =	vst v63  }
0x8f: {  	s31 =	simm.s32 $0x0  }
0x90: {  	[spmem:s3] =	stream.indirect.scatter.add.f32 [tilespmem:s15], [sflag:$0x5], $0x80, s31, s13, $0xb8;
	[tilespmem:$0x1FC00] =	vst v63  }
0x91: {  	_ =	swait.ge [sflag:s12], $0x2800  }
0x92: {  	[sflag:s12] =	ssyncset.done $0x0  }
0x93: {  	[sflag:s12] =	ssyncadd.s32 $0xFFFFD800  }
0x94: {  	_ =	swait.ge [sflag:s24], $0x2800  }
0x95: {  	[sflag:s24] =	ssyncset.done $0x0  }
0x96: {  	s4 =	simm.s32 $0x480;
	[sflag:s24] =	ssyncadd.s32 $0xFFFFD800  }
0x97: {  	[tilespmem:s15], [sflag:$0x1] =	stream.indirect.gather [hbm4b:s1+s13], $0x80, s4, s13, $0xb8;
	[tilespmem:$0x1FC00] =	vst v63  }
0x98: {  	s31 =	simm.s32 $0x100  }
0x99: {  	[spmem:s3] =	stream.indirect.scatter.add.f32 [tilespmem:s17], [sflag:$0x5], $0x80, s31, s13, $0xb8;
	[tilespmem:$0x1FC00] =	vst v63  }
0x9a: {  	_ =	swait.ge [sflag:s12], $0x2800  }
0x9b: {  	[sflag:s12] =	ssyncset.done $0x0  }
0x9c: {  	[sflag:s12] =	ssyncadd.s32 $0xFFFFD800  }
0x9d: {  	_ =	swait.ge [sflag:s25], $0x2800  }
0x9e: {  	[sflag:s25] =	ssyncset.done $0x0  }
0x9f: {  	s4 =	simm.s32 $0x580;
	[sflag:s25] =	ssyncadd.s32 $0xFFFFD800  }
0xa0: {  	[tilespmem:s17], [sflag:$0x2] =	stream.indirect.gather [hbm4b:s1+s13], $0x80, s4, s13, $0xb8;
	[tilespmem:$0x1FC00] =	vst v63  }
0xa1: {  	s31 =	simm.s32 $0x200  }
0xa2: {  	[spmem:s3] =	stream.indirect.scatter.add.f32 [tilespmem:s19], [sflag:$0x5], $0x80, s31, s13, $0xb8;
	[tilespmem:$0x1FC00] =	vst v63  }
0xa3: {  	_ =	swait.ge [sflag:s12], $0x2800  }
0xa4: {  	[sflag:s12] =	ssyncset.done $0x0  }
0xa5: {  	[sflag:s12] =	ssyncadd.s32 $0xFFFFD800  }
0xa6: {  	_ =	swait.ge [sflag:s26], $0x2800  }
0xa7: {  	[sflag:s26] =	ssyncset.done $0x0  }
0xa8: {  	s4 =	simm.s32 $0x680;
	[sflag:s26] =	ssyncadd.s32 $0xFFFFD800  }
0xa9: {  	[tilespmem:s19], [sflag:$0x3] =	stream.indirect.gather [hbm4b:s1+s13], $0x80, s4, s13, $0xb8;
	[tilespmem:$0x1FC00] =	vst v63  }
0xaa: {  	s31 =	simm.s32 $0x300  }
0xab: {  	[spmem:s3] =	stream.indirect.scatter.add.f32 [tilespmem:s23], [sflag:$0x5], $0x80, s31, s13, $0xb8;
	[tilespmem:$0x1FC00] =	vst v63  }
0xac: {  	_ =	swait.ge [sflag:s12], $0x2800  }
0xad: {  	s4 =	simm.s32 $0x1000;
	[sflag:s12] =	ssyncset.done $0x0  }
.LBB2_4:
0xae: {  	p0 =	sne.s32 s4, $0x6000  }
0xaf: {  	[sflag:s12] =	ssyncadd.s32 $0xFFFFD800;
	s2 =	smov.u32 s4;
	s4 =	sadd.s32 $0x1000, s4  }
0xb0: {  	_ = 	snop  }
0xb1: {  	_ =	swait.ge [sflag:s22], $0x2800  }
0xb2: {  	s31 =	sshra.s32 s2, $0x2;
	[sflag:s22] =	ssyncset.done $0x0  }
0xb3: {  	s2 =	sadd.s32 $0x380, s31;
	[sflag:s22] =	ssyncadd.s32 $0xFFFFD800  }
0xb4: {  	[tilespmem:s23], [sflag:$0x4] =	stream.indirect.gather [hbm4b:s1+s13], $0x80, s2, s13, $0xb8;
	[tilespmem:$0x1FC00] =	vst v63  }
0xb5: {  	_ = 	snop  }
0xb6: {  	[spmem:s3] =	stream.indirect.scatter.add.f32 [tilespmem:s15], [sflag:$0x5], $0x80, s31, s13, $0xb8;
	[tilespmem:$0x1FC00] =	vst v63  }
0xb7: {  	_ =	swait.ge [sflag:s12], $0x2800  }
0xb8: {  	[sflag:s12] =	ssyncset.done $0x0  }
0xb9: {  	[sflag:s12] =	ssyncadd.s32 $0xFFFFD800  }
0xba: {  	_ =	swait.ge [sflag:s24], $0x2800  }
0xbb: {  	[sflag:s24] =	ssyncset.done $0x0  }
0xbc: {  	s2 =	sadd.s32 $0x480, s31;
	[sflag:s24] =	ssyncadd.s32 $0xFFFFD800  }
0xbd: {  	[tilespmem:s15], [sflag:$0x1] =	stream.indirect.gather [hbm4b:s1+s13], $0x80, s2, s13, $0xb8;
	[tilespmem:$0x1FC00] =	vst v63  }
0xbe: {  	s2 =	sadd.s32 $0x100, s31  }
0xbf: {  	[spmem:s3] =	stream.indirect.scatter.add.f32 [tilespmem:s17], [sflag:$0x5], $0x80, s2, s13, $0xb8;
	[tilespmem:$0x1FC00] =	vst v63  }
0xc0: {  	_ =	swait.ge [sflag:s12], $0x2800  }
0xc1: {  	[sflag:s12] =	ssyncset.done $0x0  }
0xc2: {  	[sflag:s12] =	ssyncadd.s32 $0xFFFFD800  }
0xc3: {  	_ =	swait.ge [sflag:s25], $0x2800  }
0xc4: {  	[sflag:s25] =	ssyncset.done $0x0  }
0xc5: {  	s2 =	sadd.s32 $0x580, s31;
	[sflag:s25] =	ssyncadd.s32 $0xFFFFD800  }
0xc6: {  	[tilespmem:s17], [sflag:$0x2] =	stream.indirect.gather [hbm4b:s1+s13], $0x80, s2, s13, $0xb8;
	[tilespmem:$0x1FC00] =	vst v63  }
0xc7: {  	s2 =	sadd.s32 $0x200, s31  }
0xc8: {  	[spmem:s3] =	stream.indirect.scatter.add.f32 [tilespmem:s19], [sflag:$0x5], $0x80, s2, s13, $0xb8;
	[tilespmem:$0x1FC00] =	vst v63  }
0xc9: {  	_ =	swait.ge [sflag:s12], $0x2800  }
0xca: {  	[sflag:s12] =	ssyncset.done $0x0  }
0xcb: {  	[sflag:s12] =	ssyncadd.s32 $0xFFFFD800  }
0xcc: {  	_ =	swait.ge [sflag:s26], $0x2800  }
0xcd: {  	[sflag:s26] =	ssyncset.done $0x0  }
0xce: {  	s2 =	sadd.s32 $0x680, s31;
	[sflag:s26] =	ssyncadd.s32 $0xFFFFD800  }
0xcf: {  	[tilespmem:s19], [sflag:$0x3] =	stream.indirect.gather [hbm4b:s1+s13], $0x80, s2, s13, $0xb8;
	[tilespmem:$0x1FC00] =	vst v63  }
.Ltmp1:
0xd0: {  	_ = 	snop;
	(pc) =	sbr.rel @p0 .LBB2_4-.Ltmp1, $4  }
0xd1: {  	s2 =	sadd.s32 $0x300, s31  }
0xd2: {  	[spmem:s3] =	stream.indirect.scatter.add.f32 [tilespmem:s23], [sflag:$0x5], $0x80, s2, s13, $0xb8;
	[tilespmem:$0x1FC00] =	vst v63  }
0xd3: {  	_ =	swait.ge [sflag:s12], $0x2800  }
0xd4: {  	[sflag:s12] =	ssyncset.done $0x0  }
0xd5: {  	[sflag:s12] =	ssyncadd.s32 $0xFFFFD800  }
0xd6: {  	_ =	swait.ge [sflag:s22], $0x2800  }
0xd7: {  	[sflag:s22] =	ssyncset.done $0x0  }
0xd8: {  	[sflag:s22] =	ssyncadd.s32 $0xFFFFD800  }
0xd9: {  	[spmem:s3] =	stream.indirect.scatter.add.f32 [tilespmem:s15], [sflag:$0x5], $0x80, s28, s13, $0xb8;
	[tilespmem:$0x1FC00] =	vst v63  }
0xda: {  	_ =	swait.ge [sflag:s12], $0x2800  }
0xdb: {  	[sflag:s12] =	ssyncset.done $0x0  }
0xdc: {  	[sflag:s12] =	ssyncadd.s32 $0xFFFFD800  }
0xdd: {  	_ =	swait.ge [sflag:s24], $0x2800  }
0xde: {  	[sflag:s24] =	ssyncset.done $0x0  }
0xdf: {  	[sflag:s24] =	ssyncadd.s32 $0xFFFFD800  }
0xe0: {  	[spmem:s3] =	stream.indirect.scatter.add.f32 [tilespmem:s17], [sflag:$0x5], $0x80, s29, s13, $0xb8;
	[tilespmem:$0x1FC00] =	vst v63  }
0xe1: {  	_ =	swait.ge [sflag:s12], $0x2800  }
0xe2: {  	[sflag:s12] =	ssyncset.done $0x0  }
0xe3: {  	[sflag:s12] =	ssyncadd.s32 $0xFFFFD800  }
0xe4: {  	_ =	swait.ge [sflag:s25], $0x2800  }
0xe5: {  	[sflag:s25] =	ssyncset.done $0x0  }
0xe6: {  	[sflag:s25] =	ssyncadd.s32 $0xFFFFD800  }
0xe7: {  	[spmem:s3] =	stream.indirect.scatter.add.f32 [tilespmem:s19], [sflag:$0x5], $0x80, s30, s13, $0xb8;
	[tilespmem:$0x1FC00] =	vst v63  }
0xe8: {  	_ =	swait.ge [sflag:s12], $0x2800  }
0xe9: {  	[sflag:s12] =	ssyncset.done $0x0  }
0xea: {  	s2 =	simm.s32 $0x0;
	[sflag:s12] =	ssyncadd.s32 $0xFFFFD800  }
0xeb: {  	[tilespmem:s2], [sflag:$0x5] =	stream.linear.gather [hbm4b:s8+s2], $0x2000, $0x38;
	[tilespmem:$0x1FC00] =	vst v63  }
0xec: {  	_ =	swait.ge [sflag:s12], $0x2000  }
0xed: {  	[sflag:s12] =	ssyncset.done $0x0  }
0xee: {  	[sflag:s12] =	ssyncadd.s32 $0xFFFFE000  }
0xef: {  	[tilespmem:s15], [sflag:$0x1] =	stream.indirect.gather [hbm4b:s1+s13], $0x80, s14, s13, $0xb8;
	[tilespmem:$0x1FC00] =	vst v63  }
0xf0: {  	_ = 	snop  }
0xf1: {  	[tilespmem:s17], [sflag:$0x2] =	stream.indirect.gather [hbm4b:s1+s13], $0x80, s16, s13, $0xb8;
	[tilespmem:$0x1FC00] =	vst v63  }
0xf2: {  	_ = 	snop  }
0xf3: {  	[tilespmem:s19], [sflag:$0x3] =	stream.indirect.gather [hbm4b:s1+s13], $0x80, s18, s13, $0xb8;
	[tilespmem:$0x1FC00] =	vst v63  }
0xf4: {  	_ =	swait.ge [sflag:s22], $0x2800  }
0xf5: {  	[sflag:s22] =	ssyncset.done $0x0  }
0xf6: {  	s4 =	simm.s32 $0x380;
	[sflag:s22] =	ssyncadd.s32 $0xFFFFD800  }
0xf7: {  	[tilespmem:s23], [sflag:$0x4] =	stream.indirect.gather [hbm4b:s1+s13], $0x80, s4, s13, $0xb8;
	[tilespmem:$0x1FC00] =	vst v63  }
0xf8: {  	s31 =	simm.s32 $0x0  }
0xf9: {  	[spmem:s3] =	stream.indirect.scatter.add.f32 [tilespmem:s15], [sflag:$0x5], $0x80, s31, s13, $0xb8;
	[tilespmem:$0x1FC00] =	vst v63  }
0xfa: {  	_ =	swait.ge [sflag:s12], $0x2800  }
0xfb: {  	[sflag:s12] =	ssyncset.done $0x0  }
0xfc: {  	[sflag:s12] =	ssyncadd.s32 $0xFFFFD800  }
0xfd: {  	_ =	swait.ge [sflag:s24], $0x2800  }
0xfe: {  	[sflag:s24] =	ssyncset.done $0x0  }
0xff: {  	s4 =	simm.s32 $0x480;
	[sflag:s24] =	ssyncadd.s32 $0xFFFFD800  }
0x100: {  	[tilespmem:s15], [sflag:$0x1] =	stream.indirect.gather [hbm4b:s1+s13], $0x80, s4, s13, $0xb8;
	[tilespmem:$0x1FC00] =	vst v63  }
0x101: {  	s31 =	simm.s32 $0x100  }
0x102: {  	[spmem:s3] =	stream.indirect.scatter.add.f32 [tilespmem:s17], [sflag:$0x5], $0x80, s31, s13, $0xb8;
	[tilespmem:$0x1FC00] =	vst v63  }
0x103: {  	_ =	swait.ge [sflag:s12], $0x2800  }
0x104: {  	[sflag:s12] =	ssyncset.done $0x0  }
0x105: {  	[sflag:s12] =	ssyncadd.s32 $0xFFFFD800  }
0x106: {  	_ =	swait.ge [sflag:s25], $0x2800  }
0x107: {  	[sflag:s25] =	ssyncset.done $0x0  }
0x108: {  	s4 =	simm.s32 $0x580;
	[sflag:s25] =	ssyncadd.s32 $0xFFFFD800  }
0x109: {  	[tilespmem:s17], [sflag:$0x2] =	stream.indirect.gather [hbm4b:s1+s13], $0x80, s4, s13, $0xb8;
	[tilespmem:$0x1FC00] =	vst v63  }
0x10a: {  	s31 =	simm.s32 $0x200  }
0x10b: {  	[spmem:s3] =	stream.indirect.scatter.add.f32 [tilespmem:s19], [sflag:$0x5], $0x80, s31, s13, $0xb8;
	[tilespmem:$0x1FC00] =	vst v63  }
0x10c: {  	_ =	swait.ge [sflag:s12], $0x2800  }
0x10d: {  	[sflag:s12] =	ssyncset.done $0x0  }
0x10e: {  	[sflag:s12] =	ssyncadd.s32 $0xFFFFD800  }
0x10f: {  	_ =	swait.ge [sflag:s26], $0x2800  }
0x110: {  	[sflag:s26] =	ssyncset.done $0x0  }
0x111: {  	s4 =	simm.s32 $0x680;
	[sflag:s26] =	ssyncadd.s32 $0xFFFFD800  }
0x112: {  	[tilespmem:s19], [sflag:$0x3] =	stream.indirect.gather [hbm4b:s1+s13], $0x80, s4, s13, $0xb8;
	[tilespmem:$0x1FC00] =	vst v63  }
0x113: {  	s31 =	simm.s32 $0x300  }
0x114: {  	[spmem:s3] =	stream.indirect.scatter.add.f32 [tilespmem:s23], [sflag:$0x5], $0x80, s31, s13, $0xb8;
	[tilespmem:$0x1FC00] =	vst v63  }
0x115: {  	_ =	swait.ge [sflag:s12], $0x2800  }
0x116: {  	s4 =	simm.s32 $0x1000;
	[sflag:s12] =	ssyncset.done $0x0  }
.LBB2_6:
0x117: {  	p0 =	sne.s32 s4, $0x6000  }
0x118: {  	[sflag:s12] =	ssyncadd.s32 $0xFFFFD800;
	s2 =	smov.u32 s4;
	s4 =	sadd.s32 $0x1000, s4  }
0x119: {  	_ = 	snop  }
0x11a: {  	_ =	swait.ge [sflag:s22], $0x2800  }
0x11b: {  	s31 =	sshra.s32 s2, $0x2;
	[sflag:s22] =	ssyncset.done $0x0  }
0x11c: {  	s2 =	sadd.s32 $0x380, s31;
	[sflag:s22] =	ssyncadd.s32 $0xFFFFD800  }
0x11d: {  	[tilespmem:s23], [sflag:$0x4] =	stream.indirect.gather [hbm4b:s1+s13], $0x80, s2, s13, $0xb8;
	[tilespmem:$0x1FC00] =	vst v63  }
0x11e: {  	_ = 	snop  }
0x11f: {  	[spmem:s3] =	stream.indirect.scatter.add.f32 [tilespmem:s15], [sflag:$0x5], $0x80, s31, s13, $0xb8;
	[tilespmem:$0x1FC00] =	vst v63  }
0x120: {  	_ =	swait.ge [sflag:s12], $0x2800  }
0x121: {  	[sflag:s12] =	ssyncset.done $0x0  }
0x122: {  	[sflag:s12] =	ssyncadd.s32 $0xFFFFD800  }
0x123: {  	_ =	swait.ge [sflag:s24], $0x2800  }
0x124: {  	[sflag:s24] =	ssyncset.done $0x0  }
0x125: {  	s2 =	sadd.s32 $0x480, s31;
	[sflag:s24] =	ssyncadd.s32 $0xFFFFD800  }
0x126: {  	[tilespmem:s15], [sflag:$0x1] =	stream.indirect.gather [hbm4b:s1+s13], $0x80, s2, s13, $0xb8;
	[tilespmem:$0x1FC00] =	vst v63  }
0x127: {  	s2 =	sadd.s32 $0x100, s31  }
0x128: {  	[spmem:s3] =	stream.indirect.scatter.add.f32 [tilespmem:s17], [sflag:$0x5], $0x80, s2, s13, $0xb8;
	[tilespmem:$0x1FC00] =	vst v63  }
0x129: {  	_ =	swait.ge [sflag:s12], $0x2800  }
0x12a: {  	[sflag:s12] =	ssyncset.done $0x0  }
0x12b: {  	[sflag:s12] =	ssyncadd.s32 $0xFFFFD800  }
0x12c: {  	_ =	swait.ge [sflag:s25], $0x2800  }
0x12d: {  	[sflag:s25] =	ssyncset.done $0x0  }
0x12e: {  	s2 =	sadd.s32 $0x580, s31;
	[sflag:s25] =	ssyncadd.s32 $0xFFFFD800  }
0x12f: {  	[tilespmem:s17], [sflag:$0x2] =	stream.indirect.gather [hbm4b:s1+s13], $0x80, s2, s13, $0xb8;
	[tilespmem:$0x1FC00] =	vst v63  }
0x130: {  	s2 =	sadd.s32 $0x200, s31  }
0x131: {  	[spmem:s3] =	stream.indirect.scatter.add.f32 [tilespmem:s19], [sflag:$0x5], $0x80, s2, s13, $0xb8;
	[tilespmem:$0x1FC00] =	vst v63  }
0x132: {  	_ =	swait.ge [sflag:s12], $0x2800  }
0x133: {  	[sflag:s12] =	ssyncset.done $0x0  }
0x134: {  	[sflag:s12] =	ssyncadd.s32 $0xFFFFD800  }
0x135: {  	_ =	swait.ge [sflag:s26], $0x2800  }
0x136: {  	[sflag:s26] =	ssyncset.done $0x0  }
0x137: {  	s2 =	sadd.s32 $0x680, s31;
	[sflag:s26] =	ssyncadd.s32 $0xFFFFD800  }
0x138: {  	[tilespmem:s19], [sflag:$0x3] =	stream.indirect.gather [hbm4b:s1+s13], $0x80, s2, s13, $0xb8;
	[tilespmem:$0x1FC00] =	vst v63  }
.Ltmp2:
0x139: {  	_ = 	snop;
	(pc) =	sbr.rel @p0 .LBB2_6-.Ltmp2, $4  }
0x13a: {  	s2 =	sadd.s32 $0x300, s31  }
0x13b: {  	[spmem:s3] =	stream.indirect.scatter.add.f32 [tilespmem:s23], [sflag:$0x5], $0x80, s2, s13, $0xb8;
	[tilespmem:$0x1FC00] =	vst v63  }
0x13c: {  	_ =	swait.ge [sflag:s12], $0x2800  }
0x13d: {  	[sflag:s12] =	ssyncset.done $0x0  }
0x13e: {  	[sflag:s12] =	ssyncadd.s32 $0xFFFFD800  }
0x13f: {  	_ =	swait.ge [sflag:s22], $0x2800  }
0x140: {  	[sflag:s22] =	ssyncset.done $0x0  }
0x141: {  	[sflag:s22] =	ssyncadd.s32 $0xFFFFD800  }
0x142: {  	[spmem:s3] =	stream.indirect.scatter.add.f32 [tilespmem:s15], [sflag:$0x5], $0x80, s28, s13, $0xb8;
	[tilespmem:$0x1FC00] =	vst v63  }
0x143: {  	_ =	swait.ge [sflag:s12], $0x2800  }
0x144: {  	[sflag:s12] =	ssyncset.done $0x0  }
0x145: {  	[sflag:s12] =	ssyncadd.s32 $0xFFFFD800  }
0x146: {  	_ =	swait.ge [sflag:s24], $0x2800  }
0x147: {  	[sflag:s24] =	ssyncset.done $0x0  }
0x148: {  	[sflag:s24] =	ssyncadd.s32 $0xFFFFD800  }
0x149: {  	[spmem:s3] =	stream.indirect.scatter.add.f32 [tilespmem:s17], [sflag:$0x5], $0x80, s29, s13, $0xb8;
	[tilespmem:$0x1FC00] =	vst v63  }
0x14a: {  	_ =	swait.ge [sflag:s12], $0x2800  }
0x14b: {  	[sflag:s12] =	ssyncset.done $0x0  }
0x14c: {  	[sflag:s12] =	ssyncadd.s32 $0xFFFFD800  }
0x14d: {  	_ =	swait.ge [sflag:s25], $0x2800  }
0x14e: {  	[sflag:s25] =	ssyncset.done $0x0  }
0x14f: {  	[sflag:s25] =	ssyncadd.s32 $0xFFFFD800  }
0x150: {  	[spmem:s3] =	stream.indirect.scatter.add.f32 [tilespmem:s19], [sflag:$0x5], $0x80, s30, s13, $0xb8;
	[tilespmem:$0x1FC00] =	vst v63  }
0x151: {  	_ =	swait.ge [sflag:s12], $0x2800  }
0x152: {  	[sflag:s12] =	ssyncset.done $0x0  }
0x153: {  	s2 =	simm.s32 $0x0;
	[sflag:s12] =	ssyncadd.s32 $0xFFFFD800  }
0x154: {  	[tilespmem:s2], [sflag:$0x5] =	stream.linear.gather [hbm4b:s9+s2], $0x2000, $0x38;
	[tilespmem:$0x1FC00] =	vst v63  }
0x155: {  	_ =	swait.ge [sflag:s12], $0x2000  }
0x156: {  	[sflag:s12] =	ssyncset.done $0x0  }
0x157: {  	[sflag:s12] =	ssyncadd.s32 $0xFFFFE000  }
0x158: {  	[tilespmem:s15], [sflag:$0x1] =	stream.indirect.gather [hbm4b:s1+s13], $0x80, s14, s13, $0xb8;
	[tilespmem:$0x1FC00] =	vst v63  }
0x159: {  	_ = 	snop  }
0x15a: {  	[tilespmem:s17], [sflag:$0x2] =	stream.indirect.gather [hbm4b:s1+s13], $0x80, s16, s13, $0xb8;
	[tilespmem:$0x1FC00] =	vst v63  }
0x15b: {  	_ = 	snop  }
0x15c: {  	[tilespmem:s19], [sflag:$0x3] =	stream.indirect.gather [hbm4b:s1+s13], $0x80, s18, s13, $0xb8;
	[tilespmem:$0x1FC00] =	vst v63  }
0x15d: {  	_ =	swait.ge [sflag:s22], $0x2800  }
0x15e: {  	[sflag:s22] =	ssyncset.done $0x0  }
0x15f: {  	s4 =	simm.s32 $0x380;
	[sflag:s22] =	ssyncadd.s32 $0xFFFFD800  }
0x160: {  	[tilespmem:s23], [sflag:$0x4] =	stream.indirect.gather [hbm4b:s1+s13], $0x80, s4, s13, $0xb8;
	[tilespmem:$0x1FC00] =	vst v63  }
0x161: {  	s31 =	simm.s32 $0x0  }
0x162: {  	[spmem:s3] =	stream.indirect.scatter.add.f32 [tilespmem:s15], [sflag:$0x5], $0x80, s31, s13, $0xb8;
	[tilespmem:$0x1FC00] =	vst v63  }
0x163: {  	_ =	swait.ge [sflag:s12], $0x2800  }
0x164: {  	[sflag:s12] =	ssyncset.done $0x0  }
0x165: {  	[sflag:s12] =	ssyncadd.s32 $0xFFFFD800  }
0x166: {  	_ =	swait.ge [sflag:s24], $0x2800  }
0x167: {  	[sflag:s24] =	ssyncset.done $0x0  }
0x168: {  	s4 =	simm.s32 $0x480;
	[sflag:s24] =	ssyncadd.s32 $0xFFFFD800  }
0x169: {  	[tilespmem:s15], [sflag:$0x1] =	stream.indirect.gather [hbm4b:s1+s13], $0x80, s4, s13, $0xb8;
	[tilespmem:$0x1FC00] =	vst v63  }
0x16a: {  	s31 =	simm.s32 $0x100  }
0x16b: {  	[spmem:s3] =	stream.indirect.scatter.add.f32 [tilespmem:s17], [sflag:$0x5], $0x80, s31, s13, $0xb8;
	[tilespmem:$0x1FC00] =	vst v63  }
0x16c: {  	_ =	swait.ge [sflag:s12], $0x2800  }
0x16d: {  	[sflag:s12] =	ssyncset.done $0x0  }
0x16e: {  	[sflag:s12] =	ssyncadd.s32 $0xFFFFD800  }
0x16f: {  	_ =	swait.ge [sflag:s25], $0x2800  }
0x170: {  	[sflag:s25] =	ssyncset.done $0x0  }
0x171: {  	s4 =	simm.s32 $0x580;
	[sflag:s25] =	ssyncadd.s32 $0xFFFFD800  }
0x172: {  	[tilespmem:s17], [sflag:$0x2] =	stream.indirect.gather [hbm4b:s1+s13], $0x80, s4, s13, $0xb8;
	[tilespmem:$0x1FC00] =	vst v63  }
0x173: {  	s31 =	simm.s32 $0x200  }
0x174: {  	[spmem:s3] =	stream.indirect.scatter.add.f32 [tilespmem:s19], [sflag:$0x5], $0x80, s31, s13, $0xb8;
	[tilespmem:$0x1FC00] =	vst v63  }
0x175: {  	_ =	swait.ge [sflag:s12], $0x2800  }
0x176: {  	[sflag:s12] =	ssyncset.done $0x0  }
0x177: {  	[sflag:s12] =	ssyncadd.s32 $0xFFFFD800  }
0x178: {  	_ =	swait.ge [sflag:s26], $0x2800  }
0x179: {  	[sflag:s26] =	ssyncset.done $0x0  }
0x17a: {  	s4 =	simm.s32 $0x680;
	[sflag:s26] =	ssyncadd.s32 $0xFFFFD800  }
0x17b: {  	[tilespmem:s19], [sflag:$0x3] =	stream.indirect.gather [hbm4b:s1+s13], $0x80, s4, s13, $0xb8;
	[tilespmem:$0x1FC00] =	vst v63  }
0x17c: {  	s31 =	simm.s32 $0x300  }
0x17d: {  	[spmem:s3] =	stream.indirect.scatter.add.f32 [tilespmem:s23], [sflag:$0x5], $0x80, s31, s13, $0xb8;
	[tilespmem:$0x1FC00] =	vst v63  }
0x17e: {  	_ =	swait.ge [sflag:s12], $0x2800  }
0x17f: {  	s4 =	simm.s32 $0x1000;
	[sflag:s12] =	ssyncset.done $0x0  }
.LBB2_8:
0x180: {  	p0 =	sne.s32 s4, $0x6000  }
0x181: {  	[sflag:s12] =	ssyncadd.s32 $0xFFFFD800;
	s2 =	smov.u32 s4;
	s4 =	sadd.s32 $0x1000, s4  }
0x182: {  	_ = 	snop  }
0x183: {  	_ =	swait.ge [sflag:s22], $0x2800  }
0x184: {  	s31 =	sshra.s32 s2, $0x2;
	[sflag:s22] =	ssyncset.done $0x0  }
0x185: {  	s2 =	sadd.s32 $0x380, s31;
	[sflag:s22] =	ssyncadd.s32 $0xFFFFD800  }
0x186: {  	[tilespmem:s23], [sflag:$0x4] =	stream.indirect.gather [hbm4b:s1+s13], $0x80, s2, s13, $0xb8;
	[tilespmem:$0x1FC00] =	vst v63  }
0x187: {  	_ = 	snop  }
0x188: {  	[spmem:s3] =	stream.indirect.scatter.add.f32 [tilespmem:s15], [sflag:$0x5], $0x80, s31, s13, $0xb8;
	[tilespmem:$0x1FC00] =	vst v63  }
0x189: {  	_ =	swait.ge [sflag:s12], $0x2800  }
0x18a: {  	[sflag:s12] =	ssyncset.done $0x0  }
0x18b: {  	[sflag:s12] =	ssyncadd.s32 $0xFFFFD800  }
0x18c: {  	_ =	swait.ge [sflag:s24], $0x2800  }
0x18d: {  	[sflag:s24] =	ssyncset.done $0x0  }
0x18e: {  	s2 =	sadd.s32 $0x480, s31;
	[sflag:s24] =	ssyncadd.s32 $0xFFFFD800  }
0x18f: {  	[tilespmem:s15], [sflag:$0x1] =	stream.indirect.gather [hbm4b:s1+s13], $0x80, s2, s13, $0xb8;
	[tilespmem:$0x1FC00] =	vst v63  }
0x190: {  	s2 =	sadd.s32 $0x100, s31  }
0x191: {  	[spmem:s3] =	stream.indirect.scatter.add.f32 [tilespmem:s17], [sflag:$0x5], $0x80, s2, s13, $0xb8;
	[tilespmem:$0x1FC00] =	vst v63  }
0x192: {  	_ =	swait.ge [sflag:s12], $0x2800  }
0x193: {  	[sflag:s12] =	ssyncset.done $0x0  }
0x194: {  	[sflag:s12] =	ssyncadd.s32 $0xFFFFD800  }
0x195: {  	_ =	swait.ge [sflag:s25], $0x2800  }
0x196: {  	[sflag:s25] =	ssyncset.done $0x0  }
0x197: {  	s2 =	sadd.s32 $0x580, s31;
	[sflag:s25] =	ssyncadd.s32 $0xFFFFD800  }
0x198: {  	[tilespmem:s17], [sflag:$0x2] =	stream.indirect.gather [hbm4b:s1+s13], $0x80, s2, s13, $0xb8;
	[tilespmem:$0x1FC00] =	vst v63  }
0x199: {  	s2 =	sadd.s32 $0x200, s31  }
0x19a: {  	[spmem:s3] =	stream.indirect.scatter.add.f32 [tilespmem:s19], [sflag:$0x5], $0x80, s2, s13, $0xb8;
	[tilespmem:$0x1FC00] =	vst v63  }
0x19b: {  	_ =	swait.ge [sflag:s12], $0x2800  }
0x19c: {  	[sflag:s12] =	ssyncset.done $0x0  }
0x19d: {  	[sflag:s12] =	ssyncadd.s32 $0xFFFFD800  }
0x19e: {  	_ =	swait.ge [sflag:s26], $0x2800  }
0x19f: {  	[sflag:s26] =	ssyncset.done $0x0  }
0x1a0: {  	s2 =	sadd.s32 $0x680, s31;
	[sflag:s26] =	ssyncadd.s32 $0xFFFFD800  }
0x1a1: {  	[tilespmem:s19], [sflag:$0x3] =	stream.indirect.gather [hbm4b:s1+s13], $0x80, s2, s13, $0xb8;
	[tilespmem:$0x1FC00] =	vst v63  }
.Ltmp3:
0x1a2: {  	_ = 	snop;
	(pc) =	sbr.rel @p0 .LBB2_8-.Ltmp3, $4  }
0x1a3: {  	s2 =	sadd.s32 $0x300, s31  }
0x1a4: {  	[spmem:s3] =	stream.indirect.scatter.add.f32 [tilespmem:s23], [sflag:$0x5], $0x80, s2, s13, $0xb8;
	[tilespmem:$0x1FC00] =	vst v63  }
0x1a5: {  	_ =	swait.ge [sflag:s12], $0x2800  }
0x1a6: {  	[sflag:s12] =	ssyncset.done $0x0  }
0x1a7: {  	[sflag:s12] =	ssyncadd.s32 $0xFFFFD800  }
0x1a8: {  	_ =	swait.ge [sflag:s22], $0x2800  }
0x1a9: {  	[sflag:s22] =	ssyncset.done $0x0  }
0x1aa: {  	s2 =	simm.s32 $0x1F80;
	[sflag:s22] =	ssyncadd.s32 $0xFFFFD800  }
0x1ab: {  	[tilespmem:s23], [sflag:$0x4] =	stream.indirect.gather [hbm4b:s1+s13], $0x80, s2, s13, $0xb8;
	[tilespmem:$0x1FC00] =	vst v63  }
0x1ac: {  	_ = 	snop  }
0x1ad: {  	[spmem:s3] =	stream.indirect.scatter.add.f32 [tilespmem:s15], [sflag:$0x5], $0x80, s28, s13, $0xb8;
	[tilespmem:$0x1FC00] =	vst v63  }
0x1ae: {  	_ =	swait.ge [sflag:s12], $0x2800  }
0x1af: {  	[sflag:s12] =	ssyncset.done $0x0  }
0x1b0: {  	[sflag:s12] =	ssyncadd.s32 $0xFFFFD800  }
0x1b1: {  	_ =	swait.ge [sflag:s24], $0x2800  }
0x1b2: {  	[sflag:s24] =	ssyncset.done $0x0  }
0x1b3: {  	[sflag:s24] =	ssyncadd.s32 $0xFFFFD800  }
0x1b4: {  	[spmem:s3] =	stream.indirect.scatter.add.f32 [tilespmem:s17], [sflag:$0x5], $0x80, s29, s13, $0xb8;
	[tilespmem:$0x1FC00] =	vst v63  }
0x1b5: {  	_ =	swait.ge [sflag:s12], $0x2800  }
0x1b6: {  	[sflag:s12] =	ssyncset.done $0x0  }
0x1b7: {  	[sflag:s12] =	ssyncadd.s32 $0xFFFFD800  }
0x1b8: {  	_ =	swait.ge [sflag:s25], $0x2800  }
0x1b9: {  	[sflag:s25] =	ssyncset.done $0x0  }
0x1ba: {  	[sflag:s25] =	ssyncadd.s32 $0xFFFFD800  }
0x1bb: {  	[spmem:s3] =	stream.indirect.scatter.add.f32 [tilespmem:s19], [sflag:$0x5], $0x80, s30, s13, $0xb8;
	[tilespmem:$0x1FC00] =	vst v63  }
0x1bc: {  	_ =	swait.ge [sflag:s12], $0x2800  }
0x1bd: {  	[sflag:s12] =	ssyncset.done $0x0  }
0x1be: {  	[sflag:s12] =	ssyncadd.s32 $0xFFFFD800  }
0x1bf: {  	_ =	swait.ge [sflag:s26], $0x2800  }
0x1c0: {  	[sflag:s26] =	ssyncset.done $0x0  }
0x1c1: {  	s31 =	simm.s32 $0x1F00;
	[sflag:s26] =	ssyncadd.s32 $0xFFFFD800  }
0x1c2: {  	[spmem:s3] =	stream.indirect.scatter.add.f32 [tilespmem:s23], [sflag:$0x5], $0x80, s31, s13, $0xb8;
	[tilespmem:$0x1FC00] =	vst v63  }
0x1c3: {  	_ =	swait.ge [sflag:s12], $0x2800  }
0x1c4: {  	s0 =	sadd.s32 $0x1, s0;
	[sflag:s12] =	ssyncset.done $0x0  }
0x1c5: {  	p0 =	sne.s32 s0, s11;
	[sflag:s12] =	ssyncadd.s32 $0xFFFFD800  }
.Ltmp4:
0x1c6: {  	[bflag:$0x0] =	sbarrier.arrive $0xFFFF;
	(pc) =	sbr.rel @p0 .LBB2_1-.Ltmp4, $4  }
0x1c7: {  	[hbm:s10], [sflag:s20] =	dma.local [spmem:s21], $0x2780  }
0x1c8: {  	_ =	swait.ge [sflag:s12], $0x2780  }
0x1c9: {  	[sflag:s12] =	ssyncset.done $0x0  }
0x1ca: {  	[sflag:s12] =	ssyncadd.s32 $0xFFFFD880  }
0x1cb: {  	_ =	sfence.sel $0x180000  }
0x1cc: {  	[bflag:$0x0] =	sbarrier.arrive $0xFFFF  }
0x1cd: {  	_ =	strace $0x90000047  }
0x1ce: {  	s0 =	stileid.u32;
	[bflag:$0x2] =	sbarrier.arrive $0xFFFF  }
0x1cf: {  	p0 =	sne.s32 s0, $0x0;
	s0 =	rddreg [dreg:$0x3]  }
0x1d0: {  	s0 =	sadd.s32 @!p0 $0x100000, s0  }
0x1d1: {  	[sflag:s0] =	ssyncadd.tile.s32 @!p0 $0x1;
	_ =	shalt  }
.Lfunc_end2:
_tile_overlayer_lowered:
.L_overlay_start_2:
0x1d2: {  	(tag) =	ssettag $0x2  }
0x1d3: {  	s0 =	rddreg [dreg:$0x0];
	s2 =	stileid.u32  }
0x1d4: {  	s1 =	rddreg [dreg:$0x1];
	p0 =	sne.s32 s2, $0x0  }
0x1d5: {  	s3 =	rddreg [dreg:$0x2];
	[bflag:$0x3] =	sbarrier.arrive $0xFFFF;
	s2 =	simm.s32 @!p0 $0x1C05  }
0x1d6: {  	[timem:s3], [sflag:s2] =	dma.local @!p0 [hbm:s0], s1  }
0x1d7: {  	s0 =	simm.s32 @!p0 $0x5  }
0x1d8: {  	_ =	swait.ge @!p0 [sflag:s0], s1  }
0x1d9: {  	s1 =	ssub.s32 @!p0 $0x0, s1;
	[sflag:s0] =	ssyncset.done @!p0 $0x0  }
0x1da: {  	[sflag:s0] =	ssyncadd.s32 @!p0 s1  }
0x1db: {  	[bflag:$0x3] =	sbarrier.arrive $0xFFFF  }
0x1dc: {  	_ =	shalt  }

// kernel: kernel.9.cloned.1.call-start
scs
__scs_entry_jumppad:
0x0: {  	(pc) =	sbr.rel $0x88, $3  }
0x1: {  	(tag) =	ssettag $0x0;
	lr =	simm.s32 $0x1  }
0x2: {  	[smem:$0x3F88] =	sst lr;
	_ =	strace $0xD0000000  }
0x3: {  	_ = 	snop  }
0x4: {  	_ = 	snop  }
0x5: {  	_ = 	snop  }
0x6: {  	_ = 	snop  }
0x7: {  	_ = 	snop  }
__scs_overlays_trampoline_lowered:
0x8: {  	[smem:$0x3F97] =	sst s0  }
0x9: {  	[smem:$0x3F98] =	sst s1  }
0xa: {  	[smem:$0x3F99] =	sst s2  }
0xb: {  	[smem:$0x3F9A] =	sst s3  }
0xc: {  	[smem:$0x3F9B] =	sst s4  }
0xd: {  	[smem:$0x3F9C] =	sst s5  }
0xe: {  	[smem:$0x3F9D] =	sst s6  }
0xf: {  	[smem:$0x3F9E] =	sst s7  }
0x10: {  	[smem:$0x3F9F] =	sst s8  }
0x11: {  	[smem:$0x3FA0] =	sst s9;
	s0 =	simm.s32 @!p0 $0x0  }
0x12: {  	s1 =	sld [smem:$0x3F86];
	s0 =	simm.s32 @p0 $0x1  }
0x13: {  	[smem:$0x3FA1] =	sst s0;
	s0 =	simm.s32 @!p1 $0x0  }
0x14: {  	s2 =	sld [smem:$0x3F85];
	s0 =	simm.s32 @p1 $0x1  }
0x15: {  	[smem:$0x3FA2] =	sst s0;
	s0 =	simm.s32 @!p2 $0x0  }
0x16: {  	s3 =	sld [smem:$0x3FDB];
	s0 =	simm.s32 @p2 $0x1  }
0x17: {  	s4 =	simm.s32 $0x1BF5;
	[smem:$0x3FA4] =	sst s0  }
0x18: {  	s0 =	sld [smem:$0x3F87];
	_ =	swait.ge [sflag:s4], $0x0  }
0x19: {  	s7 =	sld [smem:$0x3F88]  }
0x1a: {  	s8 =	sadd.s32 $0xFFFFE003, lr  }
0x1b: {  	s9 =	sadd.s32 $0xFFFFFEF7, lr;
	s5 =	simm.s32 $0xFFFFFFFF;
	p2 =	slt.u32 s8, $0xFFFFF086  }
0x1c: {  	p1 =	slt.u32 s9, $0xF7A;
	s5 =	simm.s32 @!p2 $0x0  }
0x1d: {  	s5 =	simm.s32 @p1 $0x1;
	p0 =	seq.s32 s7, s2  }
0x1e: {  	s7 =	smul.u32 @!p0 $0xF7A, s2;
	p2 =	seq.s32 @!p0 s5, $0x0  }
0x1f: {  	s9 =	smul.u32 $0xF7A, s1;
	s8 =	simm.s32 @!p0 $0x1BF5;
	p2 =	por !p2, p0  }
0x20: {  	[sflag:s8] =	ssyncset.s32 @!p0 $0xFFFFF086;
	s6 =	sadd.s32 @!p0 s3, s7;
	s7 =	simm.s32 @!p0 $0x108  }
0x21: {  	s3 =	sadd.s32 s3, s9;
	s6 =	sadd.s32 @!p0 $0x88, s6;
	s7 =	simm.s32 @p2 $0x1082  }
0x22: {  	[simem:s7], [sflag:s8] =	dma.local @!p0 [hbm:s6], $0xF7A  }
0x23: {  	s9 =	sor.u32 $0xD0000000, s2;
	s6 =	simm.s32 $0x108;
	_ =	swait.ge @!p0 [sflag:s8], $0x0  }
0x24: {  	s3 =	sadd.s32 $0x88, s3;
	s6 =	simm.s32 @!p1 $0x1082;
	[sflag:s4] =	ssyncset.s32 $0xFFFFF086  }
0x25: {  	[simem:s6], [sflag:s4] =	dma.local [hbm:s3], $0xF7A  }
0x26: {  	[smem:$0x3F88] =	sst s1;
	(tag) =	ssettag s2;
	_ =	strace s9  }
0x27: {  	s1 =	sld [smem:$0x3F98]  }
0x28: {  	s2 =	sld [smem:$0x3F99]  }
0x29: {  	s4 =	sld [smem:$0x3F9B]  }
0x2a: {  	p0 =	seq.s32 s5, $0x0;
	s5 =	sld [smem:$0x3F9C]  }
0x2b: {  	s6 =	sld [smem:$0x3F9D]  }
0x2c: {  	s7 =	sld [smem:$0x3F9E]  }
0x2d: {  	s3 =	simm.s32 $0x108;
	s8 =	sld [smem:$0x3F9F]  }
0x2e: {  	s3 =	simm.s32 @!p0 $0x1082;
	s9 =	sld [smem:$0x3FA0]  }
0x2f: {  	lr =	sadd.s32 s0, s3;
	s0 =	sld [smem:$0x3F97]  }
0x30: {  	s3 =	sld [smem:$0x3F9A]  }
0x31: {  	[smem:$0x3FA3] =	sst s10  }
0x32: {  	s10 =	sld [smem:$0x3FA1];
	_ =	sdelay $0x3  }
0x33: {  	p0 =	seq.s32 s10, $0x1;
	s10 =	sld [smem:$0x3FA3];
	_ =	sdelay $0x3  }
0x34: {  	[smem:$0x3FA3] =	sst s10  }
0x35: {  	s10 =	sld [smem:$0x3FA2];
	_ =	sdelay $0x3  }
0x36: {  	p1 =	seq.s32 s10, $0x1;
	s10 =	sld [smem:$0x3FA3];
	_ =	sdelay $0x3  }
0x37: {  	[smem:$0x3FA3] =	sst s10  }
0x38: {  	s10 =	sld [smem:$0x3FA4]  }
0x39: {  	_ = 	snop;
	(pc) =	sbr.ind lr, $3  }
0x3a: {  	_ = 	snop  }
0x3b: {  	_ = 	snop  }
0x3c: {  	p2 =	seq.s32 s10, $0x1;
	s10 =	sld [smem:$0x3FA3]  }
0x3d: {  	_ =	shalt  }
0x3e: {  	_ =	shalt  }
0x3f: {  	_ =	shalt  }
0x40: {  	_ =	shalt  }
0x41: {  	_ =	shalt  }
0x42: {  	_ =	shalt  }
0x43: {  	_ =	shalt  }
0x44: {  	_ =	shalt  }
0x45: {  	_ =	shalt  }
0x46: {  	_ =	shalt  }
0x47: {  	_ =	shalt  }
0x48: {  	_ =	shalt  }
0x49: {  	_ =	shalt  }
0x4a: {  	_ =	shalt  }
0x4b: {  	_ =	shalt  }
0x4c: {  	_ =	shalt  }
0x4d: {  	_ =	shalt  }
0x4e: {  	_ =	shalt  }
0x4f: {  	_ =	shalt  }
0x50: {  	_ =	shalt  }
0x51: {  	_ =	shalt  }
0x52: {  	_ =	shalt  }
0x53: {  	_ =	shalt  }
0x54: {  	_ =	shalt  }
0x55: {  	_ =	shalt  }
0x56: {  	_ =	shalt  }
0x57: {  	_ =	shalt  }
0x58: {  	_ =	shalt  }
0x59: {  	_ =	shalt  }
0x5a: {  	_ =	shalt  }
0x5b: {  	_ =	shalt  }
0x5c: {  	_ =	shalt  }
0x5d: {  	_ =	shalt  }
0x5e: {  	_ =	shalt  }
0x5f: {  	_ =	shalt  }
0x60: {  	_ =	shalt  }
0x61: {  	_ =	shalt  }
0x62: {  	_ =	shalt  }
0x63: {  	_ =	shalt  }
0x64: {  	_ =	shalt  }
0x65: {  	_ =	shalt  }
0x66: {  	_ =	shalt  }
0x67: {  	_ =	shalt  }
0x68: {  	_ =	shalt  }
0x69: {  	_ =	shalt  }
0x6a: {  	_ =	shalt  }
0x6b: {  	_ =	shalt  }
0x6c: {  	_ =	shalt  }
0x6d: {  	_ =	shalt  }
0x6e: {  	_ =	shalt  }
0x6f: {  	_ =	shalt  }
0x70: {  	_ =	shalt  }
0x71: {  	_ =	shalt  }
0x72: {  	_ =	shalt  }
0x73: {  	_ =	shalt  }
0x74: {  	_ =	shalt  }
0x75: {  	_ =	shalt  }
0x76: {  	_ =	shalt  }
0x77: {  	_ =	shalt  }
0x78: {  	_ =	shalt  }
0x79: {  	_ =	shalt  }
0x7a: {  	_ =	shalt  }
0x7b: {  	_ =	shalt  }
0x7c: {  	_ =	shalt  }
0x7d: {  	_ =	shalt  }
0x7e: {  	_ =	shalt  }
0x7f: {  	_ =	shalt  }
0x80: {  	_ =	shalt  }
0x81: {  	_ =	shalt  }
0x82: {  	_ =	shalt  }
0x83: {  	_ =	shalt  }
0x84: {  	_ =	shalt  }
0x85: {  	_ =	shalt  }
0x86: {  	_ =	shalt  }
0x87: {  	_ =	shalt  }
.Lfunc_end0:
.L_simem_size_0:
called_computation.1_lowered:
.L_overlay_start_0:
0x88: {  	s2 =	sld [smem:$0x3FD9]  }
0x89: {  	s3 =	sld [smem:$0x3FFE];
	_ =	sdelay $0x1  }
0x8a: {  	s1 =	srdreg.scid  }
0x8b: {  	s0 =	sand.u32 $0x1, s1  }
0x8c: {  	s16 =	sshll.u32 s0, $0xA;
	s2 =	sadd.s32 s3, s2  }
0x8d: {  	s2 =	sadd.s32 s2, s16  }
0x8e: {  	[smem:$0x3FAF] =	sst s2  }
0x8f: {  	_ = 	snop  }
0x90: {  	(tm) =	ssettm $0x1  }
0x91: {  	s17 =	sld [smem:$0x3FFB];
	_ =	sdelay $0x3  }
0x92: {  	_ =	strace s17  }
0x93: {  	s2 =	sld [smem:$0x3FFC];
	_ =	sdelay $0x3  }
0x94: {  	_ =	strace s2  }
0x95: {  	s2 =	sld [smem:$0x3FFD];
	_ =	sdelay $0x3  }
0x96: {  	_ =	strace s2  }
0x97: {  	_ =	strace $0x8FFFFFFF  }
0x98: {  	s18 =	sld [smem:$0x3FDB];
	_ =	sdelay $0x1  }
0x99: {  	s19 =	simm.s32 $_scs_section_size  }
0x9a: {  	s4 =	simm.s32 $_size__tile_overlayer_lowered;
	s5 =	simm.s32 $_tile_overlayer_lowered  }
0x9b: {  	s22 =	simm.s32 $0x1BFF;
	s21 =	sshll.u32 s5, $0x1;
	s2 =	sadd.s32 s19, s18  }
0x9c: {  	s6 =	simm.s32 $0x0;
	s20 =	sshll.u32 s4, $0x1;
	s4 =	sadd.s32 s21, s2  }
0x9d: {  	[timem:s6], [sflag:s22] =	dma.local [hbm:s4], s20  }
0x9e: {  	_ =	swait.ge [sflag:s22], s20  }
0x9f: {  	s3 =	ssub.s32 $0x0, s20;
	[sflag:s22] =	ssyncset.done $0x0  }
0xa0: {  	[sflag:s22] =	ssyncadd.s32 s3;
	_ =	sdelay $0x1  }
0xa1: {  	s23 =	simm.s32 $0x1B8B  }
0xa2: {  	_ =	swait.ge [sflag:s23], $0x1  }
0xa3: {  	[sflag:s23] =	ssyncset.done $0x0  }
0xa4: {  	s25 =	simm.s32 $0x1B8E;
	s24 =	sld [smem:$0x3FFE];
	[sflag:s23] =	ssyncadd.s32 $0xFFFFFFFF  }
0xa5: {  	s26 =	simm.s32 $execute0_lowered;
	[smem:$0x3FD2] =	sst s25  }
0xa6: {  	s4 =	sshll.u32 s26, $0x1;
	_ =	strace $0x80000049;
	[dreg:$0x1] =	wrdreg $0xFFFFFFFF  }
0xa7: {  	s28 =	simm.s32 $_size_execute0_lowered;
	s2 =	sadd.s32 s2, s4;
	[dreg:$0x0] =	wrdreg $0x0  }
0xa8: {  	s4 =	sshll.u32 s28, $0x1;
	[dreg:$0x2] =	wrdreg s2  }
0xa9: {  	[dreg:$0x3] =	wrdreg s4  }
0xaa: {  	[dreg:$0x4] =	wrdreg $0xC0  }
0xab: {  	_ =	task [dreg:s6], $0x5FFFF  }
0xac: {  	[dreg:$0x1] =	wrdreg $0xFFFFFFFF  }
0xad: {  	[dreg:$0x0] =	wrdreg $0x60  }
0xae: {  	[dreg:$0x2] =	wrdreg s24  }
0xaf: {  	[dreg:$0x3] =	wrdreg $0xC0000  }
0xb0: {  	[dreg:$0x4] =	wrdreg $0x9  }
0xb1: {  	_ =	task.clear_ibuf [dreg:s6], $0x5FFFF;
	_ =	strace $0x90000049  }
0xb2: {  	s29 =	simm.s32 $0x9;
	_ =	strace $0x8000004B  }
0xb3: {  	_ =	swait.ge [sflag:s29], $0x1  }
0xb4: {  	[sflag:s29] =	ssyncadd.s32 $0xFFFFFFFF  }
0xb5: {  	_ =	strace $0x9000004B  }
0xb6: {  	_ =	sfence  }
0xb7: {  	s30 =	sld [smem:$0x0];
	_ =	sdelay $0x2  }
0xb8: {  	s31 =	sshll.u32 s1, $0xD;
	s1 =	sshrl.u32 s1, $0x2  }
0xb9: {  	s3 =	sand.u32 $0x4000, s31;
	s1 =	sadd.s32 s1, s30  }
0xba: {  	s0 =	sor.u32 s3, s0;
	s1 =	sshll.u32 s1, $0x11  }
0xbb: {  	s0 =	sor.u32 s1, s0  }
0xbc: {  	s0 =	sadd.s32 $0x8F2B, s0  }
0xbd: {  	[sflag:s0] =	ssyncadd.remote.s32 $0x1  }
0xbe: {  	_ =	sfence.sel $0xFFFF  }
0xbf: {  	[dreg:$0x0] =	wrdreg $0xFFFFFFFF;
	(pc) =	sbr.abs _section_cstart, $3  }
0xc0: {  	[dreg:$0x1] =	wrdreg $0xFFFFFFFF  }
0xc1: {  	_ =	task.clear_ibuf [dreg:s6], $0x2FFFF;
	_ =	strace $0x9FFFFFFF  }
0xc2: {  	(tm) =	ssettm $0x7FFFFFFF  }
0xc3: {  	_ =	shalt  }
tec
execute0_lowered:
.L_overlay_start_1:
0x0: {  	(tag) =	ssettag $0x1  }
0x1: {  	s0 =	srdreg.scid;
	s3 =	rddreg [dreg:$0x0]  }
0x2: {  	s18 =	stileid.u32;
	s2 =	rddreg [dreg:$0x1]  }
0x3: {  	s4 =	simm.s32 $0x0;
	s12 =	simm.s32 $0x5;
	s13 =	simm.s32 $0x50  }
0x4: {  	s14 =	simm.s32 $0x80;
	s15 =	simm.s32 $0x2000;
	s16 =	simm.s32 $0x180  }
0x5: {  	s17 =	simm.s32 $0x4800;
	s19 =	simm.s32 $0x7000;
	s22 =	simm.s32 $0x1  }
0x6: {  	s23 =	simm.s32 $0x9800;
	s24 =	simm.s32 $0x2;
	s25 =	simm.s32 $0x3  }
0x7: {  	s28 =	simm.s32 $0x1C00;
	s29 =	simm.s32 $0x1D00;
	s30 =	simm.s32 $0x1E00  }
0x8: {  	s0 =	sand.u32 $0x1, s0;
	[smem:$0x7FF] =	sst s4;
	s6 =	smul.u32 $0x13C00, s18  }
0x9: {  	s4 =	sadd.s32 $0x26200, s3;
	s7 =	smul.u32 $0x4F000, s18;
	s31 =	sshll.u32 s18, $0x6  }
0xa: {  	s1 =	sshll.u32 s0, $0x4;
	s5 =	smul.u32 $0x13C000, s0;
	_ =	strace $0x8000004A  }
0xb: {  	s0 =	ssub.s32 $0x2, s0;
	s20 =	sor.u32 $0x1C05, s31;
	s1 =	sor.u32 s18, s1  }
0xc: {  	s26 =	sshrl.u32 s0, $0x1;
	s7 =	sshrl.u32 s7, $0x2;
	s18 =	simm.s32 $0x280  }
0xd: {  	s1 =	smul.u32 $0x7D00, s1;
	s6 =	sadd.s32 s6, s5;
	s5 =	sadd.s32 $0x23A00, s3  }
0xe: {  	s0 =	ssub.s32 s0, s26;
	s21 =	sadd.s32 s7, s2;
	s26 =	simm.s32 $0x4  }
0xf: {  	s6 =	sshrl.u32 s6, $0x3;
	s11 =	smax.u32 s0, $0x1;
	s1 =	sshrl.u32 s1, $0x3  }
0x10: {  	s21 =	sshrl.u32 s21, $0x3;
	s0 =	simm.s32 $0x0;
	s1 =	sadd.s32 s1, s3  }
0x11: {  	s3 =	sadd.s32 s6, s3;
	s6 =	sadd.s32 $0x4600, s1;
	s7 =	sadd.s32 $0x49E0, s1  }
0x12: {  	s8 =	sadd.s32 $0x4DC0, s1;
	s9 =	sadd.s32 $0x51A0, s1;
	s10 =	sadd.s32 $0x4D400, s3  }
.LBB2_1:
0x13: {  	s1 =	simm.s32 $0x0  }
0x14: {  	[tilespmem:s1], [sflag:$0x5] =	stream.linear.gather [hbm4b:s6+s1], $0x2000, $0x38;
	[tilespmem:$0x1FC00] =	vst v63  }
0x15: {  	_ =	swait.ge [sflag:s12], $0x2000  }
0x16: {  	[sflag:s12] =	ssyncset.done $0x0  }
0x17: {  	[sflag:s12] =	ssyncadd.s32 $0xFFFFE000  }
0x18: {  	[tilespmem:s15], [sflag:$0x1] =	stream.indirect.gather [hbm4b:s4+s13], $0x80, s14, s13, $0xb8;
	[tilespmem:$0x1FC00] =	vst v63  }
0x19: {  	_ = 	snop  }
0x1a: {  	[tilespmem:s17], [sflag:$0x2] =	stream.indirect.gather [hbm4b:s4+s13], $0x80, s16, s13, $0xb8;
	[tilespmem:$0x1FC00] =	vst v63  }
0x1b: {  	_ = 	snop  }
0x1c: {  	[tilespmem:s19], [sflag:$0x3] =	stream.indirect.gather [hbm4b:s4+s13], $0x80, s18, s13, $0xb8;
	[tilespmem:$0x1FC00] =	vst v63  }
0x1d: {  	[spmem:s21], [sflag:s20] =	dma.local [hbm:s5], $0x2780  }
0x1e: {  	_ =	swait.ge [sflag:s12], $0x2780  }
0x1f: {  	[sflag:s12] =	ssyncset.done $0x0  }
0x20: {  	[sflag:s12] =	ssyncadd.s32 $0xFFFFD880  }
0x21: {  	[bflag:$0x0] =	sbarrier.arrive $0xFFFF  }
0x22: {  	_ =	swait.ge [sflag:s22], $0x2800  }
0x23: {  	[sflag:s22] =	ssyncset.done $0x0  }
0x24: {  	s3 =	simm.s32 $0x380;
	[sflag:s22] =	ssyncadd.s32 $0xFFFFD800  }
0x25: {  	[tilespmem:s23], [sflag:$0x4] =	stream.indirect.gather [hbm4b:s4+s13], $0x80, s3, s13, $0xb8;
	[tilespmem:$0x1FC00] =	vst v63  }
0x26: {  	s31 =	simm.s32 $0x0  }
0x27: {  	[spmem:s2] =	stream.indirect.scatter.add.f32 [tilespmem:s15], [sflag:$0x5], $0x80, s31, s13, $0xb8;
	[tilespmem:$0x1FC00] =	vst v63  }
0x28: {  	_ =	swait.ge [sflag:s12], $0x2800  }
0x29: {  	[sflag:s12] =	ssyncset.done $0x0  }
0x2a: {  	[sflag:s12] =	ssyncadd.s32 $0xFFFFD800  }
0x2b: {  	_ =	swait.ge [sflag:s24], $0x2800  }
0x2c: {  	[sflag:s24] =	ssyncset.done $0x0  }
0x2d: {  	s1 =	simm.s32 $0x480;
	[sflag:s24] =	ssyncadd.s32 $0xFFFFD800  }
0x2e: {  	[tilespmem:s15], [sflag:$0x1] =	stream.indirect.gather [hbm4b:s4+s13], $0x80, s1, s13, $0xb8;
	[tilespmem:$0x1FC00] =	vst v63  }
0x2f: {  	s31 =	simm.s32 $0x100  }
0x30: {  	[spmem:s2] =	stream.indirect.scatter.add.f32 [tilespmem:s17], [sflag:$0x5], $0x80, s31, s13, $0xb8;
	[tilespmem:$0x1FC00] =	vst v63  }
0x31: {  	_ =	swait.ge [sflag:s12], $0x2800  }
0x32: {  	[sflag:s12] =	ssyncset.done $0x0  }
0x33: {  	[sflag:s12] =	ssyncadd.s32 $0xFFFFD800  }
0x34: {  	_ =	swait.ge [sflag:s25], $0x2800  }
0x35: {  	[sflag:s25] =	ssyncset.done $0x0  }
0x36: {  	s1 =	simm.s32 $0x580;
	[sflag:s25] =	ssyncadd.s32 $0xFFFFD800  }
0x37: {  	[tilespmem:s17], [sflag:$0x2] =	stream.indirect.gather [hbm4b:s4+s13], $0x80, s1, s13, $0xb8;
	[tilespmem:$0x1FC00] =	vst v63  }
0x38: {  	s31 =	simm.s32 $0x200  }
0x39: {  	[spmem:s2] =	stream.indirect.scatter.add.f32 [tilespmem:s19], [sflag:$0x5], $0x80, s31, s13, $0xb8;
	[tilespmem:$0x1FC00] =	vst v63  }
0x3a: {  	_ =	swait.ge [sflag:s12], $0x2800  }
0x3b: {  	[sflag:s12] =	ssyncset.done $0x0  }
0x3c: {  	[sflag:s12] =	ssyncadd.s32 $0xFFFFD800  }
0x3d: {  	_ =	swait.ge [sflag:s26], $0x2800  }
0x3e: {  	[sflag:s26] =	ssyncset.done $0x0  }
0x3f: {  	s1 =	simm.s32 $0x680;
	[sflag:s26] =	ssyncadd.s32 $0xFFFFD800  }
0x40: {  	[tilespmem:s19], [sflag:$0x3] =	stream.indirect.gather [hbm4b:s4+s13], $0x80, s1, s13, $0xb8;
	[tilespmem:$0x1FC00] =	vst v63  }
0x41: {  	s31 =	simm.s32 $0x300  }
0x42: {  	[spmem:s2] =	stream.indirect.scatter.add.f32 [tilespmem:s23], [sflag:$0x5], $0x80, s31, s13, $0xb8;
	[tilespmem:$0x1FC00] =	vst v63  }
0x43: {  	_ =	swait.ge [sflag:s12], $0x2800  }
0x44: {  	s3 =	simm.s32 $0x1000;
	[sflag:s12] =	ssyncset.done $0x0  }
.LBB2_2:
0x45: {  	p0 =	sne.s32 s3, $0x6000  }
0x46: {  	[sflag:s12] =	ssyncadd.s32 $0xFFFFD800;
	s31 =	smov.u32 s3;
	s3 =	sadd.s32 $0x1000, s3  }
0x47: {  	_ = 	snop  }
0x48: {  	_ =	swait.ge [sflag:s22], $0x2800  }
0x49: {  	s31 =	sshra.s32 s31, $0x2;
	[sflag:s22] =	ssyncset.done $0x0  }
0x4a: {  	s1 =	sadd.s32 $0x380, s31;
	[sflag:s22] =	ssyncadd.s32 $0xFFFFD800  }
0x4b: {  	[tilespmem:s23], [sflag:$0x4] =	stream.indirect.gather [hbm4b:s4+s13], $0x80, s1, s13, $0xb8;
	[tilespmem:$0x1FC00] =	vst v63  }
0x4c: {  	_ = 	snop  }
0x4d: {  	[spmem:s2] =	stream.indirect.scatter.add.f32 [tilespmem:s15], [sflag:$0x5], $0x80, s31, s13, $0xb8;
	[tilespmem:$0x1FC00] =	vst v63  }
0x4e: {  	_ =	swait.ge [sflag:s12], $0x2800  }
0x4f: {  	[sflag:s12] =	ssyncset.done $0x0  }
0x50: {  	[sflag:s12] =	ssyncadd.s32 $0xFFFFD800  }
0x51: {  	_ =	swait.ge [sflag:s24], $0x2800  }
0x52: {  	[sflag:s24] =	ssyncset.done $0x0  }
0x53: {  	s1 =	sadd.s32 $0x480, s31;
	[sflag:s24] =	ssyncadd.s32 $0xFFFFD800  }
0x54: {  	[tilespmem:s15], [sflag:$0x1] =	stream.indirect.gather [hbm4b:s4+s13], $0x80, s1, s13, $0xb8;
	[tilespmem:$0x1FC00] =	vst v63  }
0x55: {  	s1 =	sadd.s32 $0x100, s31  }
0x56: {  	[spmem:s2] =	stream.indirect.scatter.add.f32 [tilespmem:s17], [sflag:$0x5], $0x80, s1, s13, $0xb8;
	[tilespmem:$0x1FC00] =	vst v63  }
0x57: {  	_ =	swait.ge [sflag:s12], $0x2800  }
0x58: {  	[sflag:s12] =	ssyncset.done $0x0  }
0x59: {  	[sflag:s12] =	ssyncadd.s32 $0xFFFFD800  }
0x5a: {  	_ =	swait.ge [sflag:s25], $0x2800  }
0x5b: {  	[sflag:s25] =	ssyncset.done $0x0  }
0x5c: {  	s1 =	sadd.s32 $0x580, s31;
	[sflag:s25] =	ssyncadd.s32 $0xFFFFD800  }
0x5d: {  	[tilespmem:s17], [sflag:$0x2] =	stream.indirect.gather [hbm4b:s4+s13], $0x80, s1, s13, $0xb8;
	[tilespmem:$0x1FC00] =	vst v63  }
0x5e: {  	s1 =	sadd.s32 $0x200, s31  }
0x5f: {  	[spmem:s2] =	stream.indirect.scatter.add.f32 [tilespmem:s19], [sflag:$0x5], $0x80, s1, s13, $0xb8;
	[tilespmem:$0x1FC00] =	vst v63  }
0x60: {  	_ =	swait.ge [sflag:s12], $0x2800  }
0x61: {  	[sflag:s12] =	ssyncset.done $0x0  }
0x62: {  	[sflag:s12] =	ssyncadd.s32 $0xFFFFD800  }
0x63: {  	_ =	swait.ge [sflag:s26], $0x2800  }
0x64: {  	[sflag:s26] =	ssyncset.done $0x0  }
0x65: {  	s1 =	sadd.s32 $0x680, s31;
	[sflag:s26] =	ssyncadd.s32 $0xFFFFD800  }
0x66: {  	[tilespmem:s19], [sflag:$0x3] =	stream.indirect.gather [hbm4b:s4+s13], $0x80, s1, s13, $0xb8;
	[tilespmem:$0x1FC00] =	vst v63  }
.Ltmp0:
0x67: {  	_ = 	snop;
	(pc) =	sbr.rel @p0 .LBB2_2-.Ltmp0, $4  }
0x68: {  	s1 =	sadd.s32 $0x300, s31  }
0x69: {  	[spmem:s2] =	stream.indirect.scatter.add.f32 [tilespmem:s23], [sflag:$0x5], $0x80, s1, s13, $0xb8;
	[tilespmem:$0x1FC00] =	vst v63  }
0x6a: {  	_ =	swait.ge [sflag:s12], $0x2800  }
0x6b: {  	[sflag:s12] =	ssyncset.done $0x0  }
0x6c: {  	[sflag:s12] =	ssyncadd.s32 $0xFFFFD800  }
0x6d: {  	_ =	swait.ge [sflag:s22], $0x2800  }
0x6e: {  	[sflag:s22] =	ssyncset.done $0x0  }
0x6f: {  	[sflag:s22] =	ssyncadd.s32 $0xFFFFD800  }
0x70: {  	[spmem:s2] =	stream.indirect.scatter.add.f32 [tilespmem:s15], [sflag:$0x5], $0x80, s28, s13, $0xb8;
	[tilespmem:$0x1FC00] =	vst v63  }
0x71: {  	_ =	swait.ge [sflag:s12], $0x2800  }
0x72: {  	[sflag:s12] =	ssyncset.done $0x0  }
0x73: {  	[sflag:s12] =	ssyncadd.s32 $0xFFFFD800  }
0x74: {  	_ =	swait.ge [sflag:s24], $0x2800  }
0x75: {  	[sflag:s24] =	ssyncset.done $0x0  }
0x76: {  	[sflag:s24] =	ssyncadd.s32 $0xFFFFD800  }
0x77: {  	[spmem:s2] =	stream.indirect.scatter.add.f32 [tilespmem:s17], [sflag:$0x5], $0x80, s29, s13, $0xb8;
	[tilespmem:$0x1FC00] =	vst v63  }
0x78: {  	_ =	swait.ge [sflag:s12], $0x2800  }
0x79: {  	[sflag:s12] =	ssyncset.done $0x0  }
0x7a: {  	[sflag:s12] =	ssyncadd.s32 $0xFFFFD800  }
0x7b: {  	_ =	swait.ge [sflag:s25], $0x2800  }
0x7c: {  	[sflag:s25] =	ssyncset.done $0x0  }
0x7d: {  	[sflag:s25] =	ssyncadd.s32 $0xFFFFD800  }
0x7e: {  	[spmem:s2] =	stream.indirect.scatter.add.f32 [tilespmem:s19], [sflag:$0x5], $0x80, s30, s13, $0xb8;
	[tilespmem:$0x1FC00] =	vst v63  }
0x7f: {  	_ =	swait.ge [sflag:s12], $0x2800  }
0x80: {  	[sflag:s12] =	ssyncset.done $0x0  }
0x81: {  	s1 =	simm.s32 $0x0;
	[sflag:s12] =	ssyncadd.s32 $0xFFFFD800  }
0x82: {  	[tilespmem:s1], [sflag:$0x5] =	stream.linear.gather [hbm4b:s7+s1], $0x2000, $0x38;
	[tilespmem:$0x1FC00] =	vst v63  }
0x83: {  	_ =	swait.ge [sflag:s12], $0x2000  }
0x84: {  	[sflag:s12] =	ssyncset.done $0x0  }
0x85: {  	[sflag:s12] =	ssyncadd.s32 $0xFFFFE000  }
0x86: {  	[tilespmem:s15], [sflag:$0x1] =	stream.indirect.gather [hbm4b:s4+s13], $0x80, s14, s13, $0xb8;
	[tilespmem:$0x1FC00] =	vst v63  }
0x87: {  	_ = 	snop  }
0x88: {  	[tilespmem:s17], [sflag:$0x2] =	stream.indirect.gather [hbm4b:s4+s13], $0x80, s16, s13, $0xb8;
	[tilespmem:$0x1FC00] =	vst v63  }
0x89: {  	_ = 	snop  }
0x8a: {  	[tilespmem:s19], [sflag:$0x3] =	stream.indirect.gather [hbm4b:s4+s13], $0x80, s18, s13, $0xb8;
	[tilespmem:$0x1FC00] =	vst v63  }
0x8b: {  	_ =	swait.ge [sflag:s22], $0x2800  }
0x8c: {  	[sflag:s22] =	ssyncset.done $0x0  }
0x8d: {  	s3 =	simm.s32 $0x380;
	[sflag:s22] =	ssyncadd.s32 $0xFFFFD800  }
0x8e: {  	[tilespmem:s23], [sflag:$0x4] =	stream.indirect.gather [hbm4b:s4+s13], $0x80, s3, s13, $0xb8;
	[tilespmem:$0x1FC00] =	vst v63  }
0x8f: {  	s31 =	simm.s32 $0x0  }
0x90: {  	[spmem:s2] =	stream.indirect.scatter.add.f32 [tilespmem:s15], [sflag:$0x5], $0x80, s31, s13, $0xb8;
	[tilespmem:$0x1FC00] =	vst v63  }
0x91: {  	_ =	swait.ge [sflag:s12], $0x2800  }
0x92: {  	[sflag:s12] =	ssyncset.done $0x0  }
0x93: {  	[sflag:s12] =	ssyncadd.s32 $0xFFFFD800  }
0x94: {  	_ =	swait.ge [sflag:s24], $0x2800  }
0x95: {  	[sflag:s24] =	ssyncset.done $0x0  }
0x96: {  	s3 =	simm.s32 $0x480;
	[sflag:s24] =	ssyncadd.s32 $0xFFFFD800  }
0x97: {  	[tilespmem:s15], [sflag:$0x1] =	stream.indirect.gather [hbm4b:s4+s13], $0x80, s3, s13, $0xb8;
	[tilespmem:$0x1FC00] =	vst v63  }
0x98: {  	s31 =	simm.s32 $0x100  }
0x99: {  	[spmem:s2] =	stream.indirect.scatter.add.f32 [tilespmem:s17], [sflag:$0x5], $0x80, s31, s13, $0xb8;
	[tilespmem:$0x1FC00] =	vst v63  }
0x9a: {  	_ =	swait.ge [sflag:s12], $0x2800  }
0x9b: {  	[sflag:s12] =	ssyncset.done $0x0  }
0x9c: {  	[sflag:s12] =	ssyncadd.s32 $0xFFFFD800  }
0x9d: {  	_ =	swait.ge [sflag:s25], $0x2800  }
0x9e: {  	[sflag:s25] =	ssyncset.done $0x0  }
0x9f: {  	s3 =	simm.s32 $0x580;
	[sflag:s25] =	ssyncadd.s32 $0xFFFFD800  }
0xa0: {  	[tilespmem:s17], [sflag:$0x2] =	stream.indirect.gather [hbm4b:s4+s13], $0x80, s3, s13, $0xb8;
	[tilespmem:$0x1FC00] =	vst v63  }
0xa1: {  	s31 =	simm.s32 $0x200  }
0xa2: {  	[spmem:s2] =	stream.indirect.scatter.add.f32 [tilespmem:s19], [sflag:$0x5], $0x80, s31, s13, $0xb8;
	[tilespmem:$0x1FC00] =	vst v63  }
0xa3: {  	_ =	swait.ge [sflag:s12], $0x2800  }
0xa4: {  	[sflag:s12] =	ssyncset.done $0x0  }
0xa5: {  	[sflag:s12] =	ssyncadd.s32 $0xFFFFD800  }
0xa6: {  	_ =	swait.ge [sflag:s26], $0x2800  }
0xa7: {  	[sflag:s26] =	ssyncset.done $0x0  }
0xa8: {  	s3 =	simm.s32 $0x680;
	[sflag:s26] =	ssyncadd.s32 $0xFFFFD800  }
0xa9: {  	[tilespmem:s19], [sflag:$0x3] =	stream.indirect.gather [hbm4b:s4+s13], $0x80, s3, s13, $0xb8;
	[tilespmem:$0x1FC00] =	vst v63  }
0xaa: {  	s31 =	simm.s32 $0x300  }
0xab: {  	[spmem:s2] =	stream.indirect.scatter.add.f32 [tilespmem:s23], [sflag:$0x5], $0x80, s31, s13, $0xb8;
	[tilespmem:$0x1FC00] =	vst v63  }
0xac: {  	_ =	swait.ge [sflag:s12], $0x2800  }
0xad: {  	s3 =	simm.s32 $0x1000;
	[sflag:s12] =	ssyncset.done $0x0  }
.LBB2_4:
0xae: {  	p0 =	sne.s32 s3, $0x6000  }
0xaf: {  	[sflag:s12] =	ssyncadd.s32 $0xFFFFD800;
	s1 =	smov.u32 s3;
	s3 =	sadd.s32 $0x1000, s3  }
0xb0: {  	_ = 	snop  }
0xb1: {  	_ =	swait.ge [sflag:s22], $0x2800  }
0xb2: {  	s31 =	sshra.s32 s1, $0x2;
	[sflag:s22] =	ssyncset.done $0x0  }
0xb3: {  	s1 =	sadd.s32 $0x380, s31;
	[sflag:s22] =	ssyncadd.s32 $0xFFFFD800  }
0xb4: {  	[tilespmem:s23], [sflag:$0x4] =	stream.indirect.gather [hbm4b:s4+s13], $0x80, s1, s13, $0xb8;
	[tilespmem:$0x1FC00] =	vst v63  }
0xb5: {  	_ = 	snop  }
0xb6: {  	[spmem:s2] =	stream.indirect.scatter.add.f32 [tilespmem:s15], [sflag:$0x5], $0x80, s31, s13, $0xb8;
	[tilespmem:$0x1FC00] =	vst v63  }
0xb7: {  	_ =	swait.ge [sflag:s12], $0x2800  }
0xb8: {  	[sflag:s12] =	ssyncset.done $0x0  }
0xb9: {  	[sflag:s12] =	ssyncadd.s32 $0xFFFFD800  }
0xba: {  	_ =	swait.ge [sflag:s24], $0x2800  }
0xbb: {  	[sflag:s24] =	ssyncset.done $0x0  }
0xbc: {  	s1 =	sadd.s32 $0x480, s31;
	[sflag:s24] =	ssyncadd.s32 $0xFFFFD800  }
0xbd: {  	[tilespmem:s15], [sflag:$0x1] =	stream.indirect.gather [hbm4b:s4+s13], $0x80, s1, s13, $0xb8;
	[tilespmem:$0x1FC00] =	vst v63  }
0xbe: {  	s1 =	sadd.s32 $0x100, s31  }
0xbf: {  	[spmem:s2] =	stream.indirect.scatter.add.f32 [tilespmem:s17], [sflag:$0x5], $0x80, s1, s13, $0xb8;
	[tilespmem:$0x1FC00] =	vst v63  }
0xc0: {  	_ =	swait.ge [sflag:s12], $0x2800  }
0xc1: {  	[sflag:s12] =	ssyncset.done $0x0  }
0xc2: {  	[sflag:s12] =	ssyncadd.s32 $0xFFFFD800  }
0xc3: {  	_ =	swait.ge [sflag:s25], $0x2800  }
0xc4: {  	[sflag:s25] =	ssyncset.done $0x0  }
0xc5: {  	s1 =	sadd.s32 $0x580, s31;
	[sflag:s25] =	ssyncadd.s32 $0xFFFFD800  }
0xc6: {  	[tilespmem:s17], [sflag:$0x2] =	stream.indirect.gather [hbm4b:s4+s13], $0x80, s1, s13, $0xb8;
	[tilespmem:$0x1FC00] =	vst v63  }
0xc7: {  	s1 =	sadd.s32 $0x200, s31  }
0xc8: {  	[spmem:s2] =	stream.indirect.scatter.add.f32 [tilespmem:s19], [sflag:$0x5], $0x80, s1, s13, $0xb8;
	[tilespmem:$0x1FC00] =	vst v63  }
0xc9: {  	_ =	swait.ge [sflag:s12], $0x2800  }
0xca: {  	[sflag:s12] =	ssyncset.done $0x0  }
0xcb: {  	[sflag:s12] =	ssyncadd.s32 $0xFFFFD800  }
0xcc: {  	_ =	swait.ge [sflag:s26], $0x2800  }
0xcd: {  	[sflag:s26] =	ssyncset.done $0x0  }
0xce: {  	s1 =	sadd.s32 $0x680, s31;
	[sflag:s26] =	ssyncadd.s32 $0xFFFFD800  }
0xcf: {  	[tilespmem:s19], [sflag:$0x3] =	stream.indirect.gather [hbm4b:s4+s13], $0x80, s1, s13, $0xb8;
	[tilespmem:$0x1FC00] =	vst v63  }
.Ltmp1:
0xd0: {  	_ = 	snop;
	(pc) =	sbr.rel @p0 .LBB2_4-.Ltmp1, $4  }
0xd1: {  	s1 =	sadd.s32 $0x300, s31  }
0xd2: {  	[spmem:s2] =	stream.indirect.scatter.add.f32 [tilespmem:s23], [sflag:$0x5], $0x80, s1, s13, $0xb8;
	[tilespmem:$0x1FC00] =	vst v63  }
0xd3: {  	_ =	swait.ge [sflag:s12], $0x2800  }
0xd4: {  	[sflag:s12] =	ssyncset.done $0x0  }
0xd5: {  	[sflag:s12] =	ssyncadd.s32 $0xFFFFD800  }
0xd6: {  	_ =	swait.ge [sflag:s22], $0x2800  }
0xd7: {  	[sflag:s22] =	ssyncset.done $0x0  }
0xd8: {  	[sflag:s22] =	ssyncadd.s32 $0xFFFFD800  }
0xd9: {  	[spmem:s2] =	stream.indirect.scatter.add.f32 [tilespmem:s15], [sflag:$0x5], $0x80, s28, s13, $0xb8;
	[tilespmem:$0x1FC00] =	vst v63  }
0xda: {  	_ =	swait.ge [sflag:s12], $0x2800  }
0xdb: {  	[sflag:s12] =	ssyncset.done $0x0  }
0xdc: {  	[sflag:s12] =	ssyncadd.s32 $0xFFFFD800  }
0xdd: {  	_ =	swait.ge [sflag:s24], $0x2800  }
0xde: {  	[sflag:s24] =	ssyncset.done $0x0  }
0xdf: {  	[sflag:s24] =	ssyncadd.s32 $0xFFFFD800  }
0xe0: {  	[spmem:s2] =	stream.indirect.scatter.add.f32 [tilespmem:s17], [sflag:$0x5], $0x80, s29, s13, $0xb8;
	[tilespmem:$0x1FC00] =	vst v63  }
0xe1: {  	_ =	swait.ge [sflag:s12], $0x2800  }
0xe2: {  	[sflag:s12] =	ssyncset.done $0x0  }
0xe3: {  	[sflag:s12] =	ssyncadd.s32 $0xFFFFD800  }
0xe4: {  	_ =	swait.ge [sflag:s25], $0x2800  }
0xe5: {  	[sflag:s25] =	ssyncset.done $0x0  }
0xe6: {  	[sflag:s25] =	ssyncadd.s32 $0xFFFFD800  }
0xe7: {  	[spmem:s2] =	stream.indirect.scatter.add.f32 [tilespmem:s19], [sflag:$0x5], $0x80, s30, s13, $0xb8;
	[tilespmem:$0x1FC00] =	vst v63  }
0xe8: {  	_ =	swait.ge [sflag:s12], $0x2800  }
0xe9: {  	[sflag:s12] =	ssyncset.done $0x0  }
0xea: {  	s1 =	simm.s32 $0x0;
	[sflag:s12] =	ssyncadd.s32 $0xFFFFD800  }
0xeb: {  	[tilespmem:s1], [sflag:$0x5] =	stream.linear.gather [hbm4b:s8+s1], $0x2000, $0x38;
	[tilespmem:$0x1FC00] =	vst v63  }
0xec: {  	_ =	swait.ge [sflag:s12], $0x2000  }
0xed: {  	[sflag:s12] =	ssyncset.done $0x0  }
0xee: {  	[sflag:s12] =	ssyncadd.s32 $0xFFFFE000  }
0xef: {  	[tilespmem:s15], [sflag:$0x1] =	stream.indirect.gather [hbm4b:s4+s13], $0x80, s14, s13, $0xb8;
	[tilespmem:$0x1FC00] =	vst v63  }
0xf0: {  	_ = 	snop  }
0xf1: {  	[tilespmem:s17], [sflag:$0x2] =	stream.indirect.gather [hbm4b:s4+s13], $0x80, s16, s13, $0xb8;
	[tilespmem:$0x1FC00] =	vst v63  }
0xf2: {  	_ = 	snop  }
0xf3: {  	[tilespmem:s19], [sflag:$0x3] =	stream.indirect.gather [hbm4b:s4+s13], $0x80, s18, s13, $0xb8;
	[tilespmem:$0x1FC00] =	vst v63  }
0xf4: {  	_ =	swait.ge [sflag:s22], $0x2800  }
0xf5: {  	[sflag:s22] =	ssyncset.done $0x0  }
0xf6: {  	s3 =	simm.s32 $0x380;
	[sflag:s22] =	ssyncadd.s32 $0xFFFFD800  }
0xf7: {  	[tilespmem:s23], [sflag:$0x4] =	stream.indirect.gather [hbm4b:s4+s13], $0x80, s3, s13, $0xb8;
	[tilespmem:$0x1FC00] =	vst v63  }
0xf8: {  	s31 =	simm.s32 $0x0  }
0xf9: {  	[spmem:s2] =	stream.indirect.scatter.add.f32 [tilespmem:s15], [sflag:$0x5], $0x80, s31, s13, $0xb8;
	[tilespmem:$0x1FC00] =	vst v63  }
0xfa: {  	_ =	swait.ge [sflag:s12], $0x2800  }
0xfb: {  	[sflag:s12] =	ssyncset.done $0x0  }
0xfc: {  	[sflag:s12] =	ssyncadd.s32 $0xFFFFD800  }
0xfd: {  	_ =	swait.ge [sflag:s24], $0x2800  }
0xfe: {  	[sflag:s24] =	ssyncset.done $0x0  }
0xff: {  	s3 =	simm.s32 $0x480;
	[sflag:s24] =	ssyncadd.s32 $0xFFFFD800  }
0x100: {  	[tilespmem:s15], [sflag:$0x1] =	stream.indirect.gather [hbm4b:s4+s13], $0x80, s3, s13, $0xb8;
	[tilespmem:$0x1FC00] =	vst v63  }
0x101: {  	s31 =	simm.s32 $0x100  }
0x102: {  	[spmem:s2] =	stream.indirect.scatter.add.f32 [tilespmem:s17], [sflag:$0x5], $0x80, s31, s13, $0xb8;
	[tilespmem:$0x1FC00] =	vst v63  }
0x103: {  	_ =	swait.ge [sflag:s12], $0x2800  }
0x104: {  	[sflag:s12] =	ssyncset.done $0x0  }
0x105: {  	[sflag:s12] =	ssyncadd.s32 $0xFFFFD800  }
0x106: {  	_ =	swait.ge [sflag:s25], $0x2800  }
0x107: {  	[sflag:s25] =	ssyncset.done $0x0  }
0x108: {  	s3 =	simm.s32 $0x580;
	[sflag:s25] =	ssyncadd.s32 $0xFFFFD800  }
0x109: {  	[tilespmem:s17], [sflag:$0x2] =	stream.indirect.gather [hbm4b:s4+s13], $0x80, s3, s13, $0xb8;
	[tilespmem:$0x1FC00] =	vst v63  }
0x10a: {  	s31 =	simm.s32 $0x200  }
0x10b: {  	[spmem:s2] =	stream.indirect.scatter.add.f32 [tilespmem:s19], [sflag:$0x5], $0x80, s31, s13, $0xb8;
	[tilespmem:$0x1FC00] =	vst v63  }
0x10c: {  	_ =	swait.ge [sflag:s12], $0x2800  }
0x10d: {  	[sflag:s12] =	ssyncset.done $0x0  }
0x10e: {  	[sflag:s12] =	ssyncadd.s32 $0xFFFFD800  }
0x10f: {  	_ =	swait.ge [sflag:s26], $0x2800  }
0x110: {  	[sflag:s26] =	ssyncset.done $0x0  }
0x111: {  	s3 =	simm.s32 $0x680;
	[sflag:s26] =	ssyncadd.s32 $0xFFFFD800  }
0x112: {  	[tilespmem:s19], [sflag:$0x3] =	stream.indirect.gather [hbm4b:s4+s13], $0x80, s3, s13, $0xb8;
	[tilespmem:$0x1FC00] =	vst v63  }
0x113: {  	s31 =	simm.s32 $0x300  }
0x114: {  	[spmem:s2] =	stream.indirect.scatter.add.f32 [tilespmem:s23], [sflag:$0x5], $0x80, s31, s13, $0xb8;
	[tilespmem:$0x1FC00] =	vst v63  }
0x115: {  	_ =	swait.ge [sflag:s12], $0x2800  }
0x116: {  	s3 =	simm.s32 $0x1000;
	[sflag:s12] =	ssyncset.done $0x0  }
.LBB2_6:
0x117: {  	p0 =	sne.s32 s3, $0x6000  }
0x118: {  	[sflag:s12] =	ssyncadd.s32 $0xFFFFD800;
	s1 =	smov.u32 s3;
	s3 =	sadd.s32 $0x1000, s3  }
0x119: {  	_ = 	snop  }
0x11a: {  	_ =	swait.ge [sflag:s22], $0x2800  }
0x11b: {  	s31 =	sshra.s32 s1, $0x2;
	[sflag:s22] =	ssyncset.done $0x0  }
0x11c: {  	s1 =	sadd.s32 $0x380, s31;
	[sflag:s22] =	ssyncadd.s32 $0xFFFFD800  }
0x11d: {  	[tilespmem:s23], [sflag:$0x4] =	stream.indirect.gather [hbm4b:s4+s13], $0x80, s1, s13, $0xb8;
	[tilespmem:$0x1FC00] =	vst v63  }
0x11e: {  	_ = 	snop  }
0x11f: {  	[spmem:s2] =	stream.indirect.scatter.add.f32 [tilespmem:s15], [sflag:$0x5], $0x80, s31, s13, $0xb8;
	[tilespmem:$0x1FC00] =	vst v63  }
0x120: {  	_ =	swait.ge [sflag:s12], $0x2800  }
0x121: {  	[sflag:s12] =	ssyncset.done $0x0  }
0x122: {  	[sflag:s12] =	ssyncadd.s32 $0xFFFFD800  }
0x123: {  	_ =	swait.ge [sflag:s24], $0x2800  }
0x124: {  	[sflag:s24] =	ssyncset.done $0x0  }
0x125: {  	s1 =	sadd.s32 $0x480, s31;
	[sflag:s24] =	ssyncadd.s32 $0xFFFFD800  }
0x126: {  	[tilespmem:s15], [sflag:$0x1] =	stream.indirect.gather [hbm4b:s4+s13], $0x80, s1, s13, $0xb8;
	[tilespmem:$0x1FC00] =	vst v63  }
0x127: {  	s1 =	sadd.s32 $0x100, s31  }
0x128: {  	[spmem:s2] =	stream.indirect.scatter.add.f32 [tilespmem:s17], [sflag:$0x5], $0x80, s1, s13, $0xb8;
	[tilespmem:$0x1FC00] =	vst v63  }
0x129: {  	_ =	swait.ge [sflag:s12], $0x2800  }
0x12a: {  	[sflag:s12] =	ssyncset.done $0x0  }
0x12b: {  	[sflag:s12] =	ssyncadd.s32 $0xFFFFD800  }
0x12c: {  	_ =	swait.ge [sflag:s25], $0x2800  }
0x12d: {  	[sflag:s25] =	ssyncset.done $0x0  }
0x12e: {  	s1 =	sadd.s32 $0x580, s31;
	[sflag:s25] =	ssyncadd.s32 $0xFFFFD800  }
0x12f: {  	[tilespmem:s17], [sflag:$0x2] =	stream.indirect.gather [hbm4b:s4+s13], $0x80, s1, s13, $0xb8;
	[tilespmem:$0x1FC00] =	vst v63  }
0x130: {  	s1 =	sadd.s32 $0x200, s31  }
0x131: {  	[spmem:s2] =	stream.indirect.scatter.add.f32 [tilespmem:s19], [sflag:$0x5], $0x80, s1, s13, $0xb8;
	[tilespmem:$0x1FC00] =	vst v63  }
0x132: {  	_ =	swait.ge [sflag:s12], $0x2800  }
0x133: {  	[sflag:s12] =	ssyncset.done $0x0  }
0x134: {  	[sflag:s12] =	ssyncadd.s32 $0xFFFFD800  }
0x135: {  	_ =	swait.ge [sflag:s26], $0x2800  }
0x136: {  	[sflag:s26] =	ssyncset.done $0x0  }
0x137: {  	s1 =	sadd.s32 $0x680, s31;
	[sflag:s26] =	ssyncadd.s32 $0xFFFFD800  }
0x138: {  	[tilespmem:s19], [sflag:$0x3] =	stream.indirect.gather [hbm4b:s4+s13], $0x80, s1, s13, $0xb8;
	[tilespmem:$0x1FC00] =	vst v63  }
.Ltmp2:
0x139: {  	_ = 	snop;
	(pc) =	sbr.rel @p0 .LBB2_6-.Ltmp2, $4  }
0x13a: {  	s1 =	sadd.s32 $0x300, s31  }
0x13b: {  	[spmem:s2] =	stream.indirect.scatter.add.f32 [tilespmem:s23], [sflag:$0x5], $0x80, s1, s13, $0xb8;
	[tilespmem:$0x1FC00] =	vst v63  }
0x13c: {  	_ =	swait.ge [sflag:s12], $0x2800  }
0x13d: {  	[sflag:s12] =	ssyncset.done $0x0  }
0x13e: {  	[sflag:s12] =	ssyncadd.s32 $0xFFFFD800  }
0x13f: {  	_ =	swait.ge [sflag:s22], $0x2800  }
0x140: {  	[sflag:s22] =	ssyncset.done $0x0  }
0x141: {  	[sflag:s22] =	ssyncadd.s32 $0xFFFFD800  }
0x142: {  	[spmem:s2] =	stream.indirect.scatter.add.f32 [tilespmem:s15], [sflag:$0x5], $0x80, s28, s13, $0xb8;
	[tilespmem:$0x1FC00] =	vst v63  }
0x143: {  	_ =	swait.ge [sflag:s12], $0x2800  }
0x144: {  	[sflag:s12] =	ssyncset.done $0x0  }
0x145: {  	[sflag:s12] =	ssyncadd.s32 $0xFFFFD800  }
0x146: {  	_ =	swait.ge [sflag:s24], $0x2800  }
0x147: {  	[sflag:s24] =	ssyncset.done $0x0  }
0x148: {  	[sflag:s24] =	ssyncadd.s32 $0xFFFFD800  }
0x149: {  	[spmem:s2] =	stream.indirect.scatter.add.f32 [tilespmem:s17], [sflag:$0x5], $0x80, s29, s13, $0xb8;
	[tilespmem:$0x1FC00] =	vst v63  }
0x14a: {  	_ =	swait.ge [sflag:s12], $0x2800  }
0x14b: {  	[sflag:s12] =	ssyncset.done $0x0  }
0x14c: {  	[sflag:s12] =	ssyncadd.s32 $0xFFFFD800  }
0x14d: {  	_ =	swait.ge [sflag:s25], $0x2800  }
0x14e: {  	[sflag:s25] =	ssyncset.done $0x0  }
0x14f: {  	[sflag:s25] =	ssyncadd.s32 $0xFFFFD800  }
0x150: {  	[spmem:s2] =	stream.indirect.scatter.add.f32 [tilespmem:s19], [sflag:$0x5], $0x80, s30, s13, $0xb8;
	[tilespmem:$0x1FC00] =	vst v63  }
0x151: {  	_ =	swait.ge [sflag:s12], $0x2800  }
0x152: {  	[sflag:s12] =	ssyncset.done $0x0  }
0x153: {  	s1 =	simm.s32 $0x0;
	[sflag:s12] =	ssyncadd.s32 $0xFFFFD800  }
0x154: {  	[tilespmem:s1], [sflag:$0x5] =	stream.linear.gather [hbm4b:s9+s1], $0x2000, $0x38;
	[tilespmem:$0x1FC00] =	vst v63  }
0x155: {  	_ =	swait.ge [sflag:s12], $0x2000  }
0x156: {  	[sflag:s12] =	ssyncset.done $0x0  }
0x157: {  	[sflag:s12] =	ssyncadd.s32 $0xFFFFE000  }
0x158: {  	[tilespmem:s15], [sflag:$0x1] =	stream.indirect.gather [hbm4b:s4+s13], $0x80, s14, s13, $0xb8;
	[tilespmem:$0x1FC00] =	vst v63  }
0x159: {  	_ = 	snop  }
0x15a: {  	[tilespmem:s17], [sflag:$0x2] =	stream.indirect.gather [hbm4b:s4+s13], $0x80, s16, s13, $0xb8;
	[tilespmem:$0x1FC00] =	vst v63  }
0x15b: {  	_ = 	snop  }
0x15c: {  	[tilespmem:s19], [sflag:$0x3] =	stream.indirect.gather [hbm4b:s4+s13], $0x80, s18, s13, $0xb8;
	[tilespmem:$0x1FC00] =	vst v63  }
0x15d: {  	_ =	swait.ge [sflag:s22], $0x2800  }
0x15e: {  	[sflag:s22] =	ssyncset.done $0x0  }
0x15f: {  	s3 =	simm.s32 $0x380;
	[sflag:s22] =	ssyncadd.s32 $0xFFFFD800  }
0x160: {  	[tilespmem:s23], [sflag:$0x4] =	stream.indirect.gather [hbm4b:s4+s13], $0x80, s3, s13, $0xb8;
	[tilespmem:$0x1FC00] =	vst v63  }
0x161: {  	s31 =	simm.s32 $0x0  }
0x162: {  	[spmem:s2] =	stream.indirect.scatter.add.f32 [tilespmem:s15], [sflag:$0x5], $0x80, s31, s13, $0xb8;
	[tilespmem:$0x1FC00] =	vst v63  }
0x163: {  	_ =	swait.ge [sflag:s12], $0x2800  }
0x164: {  	[sflag:s12] =	ssyncset.done $0x0  }
0x165: {  	[sflag:s12] =	ssyncadd.s32 $0xFFFFD800  }
0x166: {  	_ =	swait.ge [sflag:s24], $0x2800  }
0x167: {  	[sflag:s24] =	ssyncset.done $0x0  }
0x168: {  	s3 =	simm.s32 $0x480;
	[sflag:s24] =	ssyncadd.s32 $0xFFFFD800  }
0x169: {  	[tilespmem:s15], [sflag:$0x1] =	stream.indirect.gather [hbm4b:s4+s13], $0x80, s3, s13, $0xb8;
	[tilespmem:$0x1FC00] =	vst v63  }
0x16a: {  	s31 =	simm.s32 $0x100  }
0x16b: {  	[spmem:s2] =	stream.indirect.scatter.add.f32 [tilespmem:s17], [sflag:$0x5], $0x80, s31, s13, $0xb8;
	[tilespmem:$0x1FC00] =	vst v63  }
0x16c: {  	_ =	swait.ge [sflag:s12], $0x2800  }
0x16d: {  	[sflag:s12] =	ssyncset.done $0x0  }
0x16e: {  	[sflag:s12] =	ssyncadd.s32 $0xFFFFD800  }
0x16f: {  	_ =	swait.ge [sflag:s25], $0x2800  }
0x170: {  	[sflag:s25] =	ssyncset.done $0x0  }
0x171: {  	s3 =	simm.s32 $0x580;
	[sflag:s25] =	ssyncadd.s32 $0xFFFFD800  }
0x172: {  	[tilespmem:s17], [sflag:$0x2] =	stream.indirect.gather [hbm4b:s4+s13], $0x80, s3, s13, $0xb8;
	[tilespmem:$0x1FC00] =	vst v63  }
0x173: {  	s31 =	simm.s32 $0x200  }
0x174: {  	[spmem:s2] =	stream.indirect.scatter.add.f32 [tilespmem:s19], [sflag:$0x5], $0x80, s31, s13, $0xb8;
	[tilespmem:$0x1FC00] =	vst v63  }
0x175: {  	_ =	swait.ge [sflag:s12], $0x2800  }
0x176: {  	[sflag:s12] =	ssyncset.done $0x0  }
0x177: {  	[sflag:s12] =	ssyncadd.s32 $0xFFFFD800  }
0x178: {  	_ =	swait.ge [sflag:s26], $0x2800  }
0x179: {  	[sflag:s26] =	ssyncset.done $0x0  }
0x17a: {  	s3 =	simm.s32 $0x680;
	[sflag:s26] =	ssyncadd.s32 $0xFFFFD800  }
0x17b: {  	[tilespmem:s19], [sflag:$0x3] =	stream.indirect.gather [hbm4b:s4+s13], $0x80, s3, s13, $0xb8;
	[tilespmem:$0x1FC00] =	vst v63  }
0x17c: {  	s31 =	simm.s32 $0x300  }
0x17d: {  	[spmem:s2] =	stream.indirect.scatter.add.f32 [tilespmem:s23], [sflag:$0x5], $0x80, s31, s13, $0xb8;
	[tilespmem:$0x1FC00] =	vst v63  }
0x17e: {  	_ =	swait.ge [sflag:s12], $0x2800  }
0x17f: {  	s3 =	simm.s32 $0x1000;
	[sflag:s12] =	ssyncset.done $0x0  }
.LBB2_8:
0x180: {  	p0 =	sne.s32 s3, $0x6000  }
0x181: {  	[sflag:s12] =	ssyncadd.s32 $0xFFFFD800;
	s1 =	smov.u32 s3;
	s3 =	sadd.s32 $0x1000, s3  }
0x182: {  	_ = 	snop  }
0x183: {  	_ =	swait.ge [sflag:s22], $0x2800  }
0x184: {  	s31 =	sshra.s32 s1, $0x2;
	[sflag:s22] =	ssyncset.done $0x0  }
0x185: {  	s1 =	sadd.s32 $0x380, s31;
	[sflag:s22] =	ssyncadd.s32 $0xFFFFD800  }
0x186: {  	[tilespmem:s23], [sflag:$0x4] =	stream.indirect.gather [hbm4b:s4+s13], $0x80, s1, s13, $0xb8;
	[tilespmem:$0x1FC00] =	vst v63  }
0x187: {  	_ = 	snop  }
0x188: {  	[spmem:s2] =	stream.indirect.scatter.add.f32 [tilespmem:s15], [sflag:$0x5], $0x80, s31, s13, $0xb8;
	[tilespmem:$0x1FC00] =	vst v63  }
0x189: {  	_ =	swait.ge [sflag:s12], $0x2800  }
0x18a: {  	[sflag:s12] =	ssyncset.done $0x0  }
0x18b: {  	[sflag:s12] =	ssyncadd.s32 $0xFFFFD800  }
0x18c: {  	_ =	swait.ge [sflag:s24], $0x2800  }
0x18d: {  	[sflag:s24] =	ssyncset.done $0x0  }
0x18e: {  	s1 =	sadd.s32 $0x480, s31;
	[sflag:s24] =	ssyncadd.s32 $0xFFFFD800  }
0x18f: {  	[tilespmem:s15], [sflag:$0x1] =	stream.indirect.gather [hbm4b:s4+s13], $0x80, s1, s13, $0xb8;
	[tilespmem:$0x1FC00] =	vst v63  }
0x190: {  	s1 =	sadd.s32 $0x100, s31  }
0x191: {  	[spmem:s2] =	stream.indirect.scatter.add.f32 [tilespmem:s17], [sflag:$0x5], $0x80, s1, s13, $0xb8;
	[tilespmem:$0x1FC00] =	vst v63  }
0x192: {  	_ =	swait.ge [sflag:s12], $0x2800  }
0x193: {  	[sflag:s12] =	ssyncset.done $0x0  }
0x194: {  	[sflag:s12] =	ssyncadd.s32 $0xFFFFD800  }
0x195: {  	_ =	swait.ge [sflag:s25], $0x2800  }
0x196: {  	[sflag:s25] =	ssyncset.done $0x0  }
0x197: {  	s1 =	sadd.s32 $0x580, s31;
	[sflag:s25] =	ssyncadd.s32 $0xFFFFD800  }
0x198: {  	[tilespmem:s17], [sflag:$0x2] =	stream.indirect.gather [hbm4b:s4+s13], $0x80, s1, s13, $0xb8;
	[tilespmem:$0x1FC00] =	vst v63  }
0x199: {  	s1 =	sadd.s32 $0x200, s31  }
0x19a: {  	[spmem:s2] =	stream.indirect.scatter.add.f32 [tilespmem:s19], [sflag:$0x5], $0x80, s1, s13, $0xb8;
	[tilespmem:$0x1FC00] =	vst v63  }
0x19b: {  	_ =	swait.ge [sflag:s12], $0x2800  }
0x19c: {  	[sflag:s12] =	ssyncset.done $0x0  }
0x19d: {  	[sflag:s12] =	ssyncadd.s32 $0xFFFFD800  }
0x19e: {  	_ =	swait.ge [sflag:s26], $0x2800  }
0x19f: {  	[sflag:s26] =	ssyncset.done $0x0  }
0x1a0: {  	s1 =	sadd.s32 $0x680, s31;
	[sflag:s26] =	ssyncadd.s32 $0xFFFFD800  }
0x1a1: {  	[tilespmem:s19], [sflag:$0x3] =	stream.indirect.gather [hbm4b:s4+s13], $0x80, s1, s13, $0xb8;
	[tilespmem:$0x1FC00] =	vst v63  }
.Ltmp3:
0x1a2: {  	_ = 	snop;
	(pc) =	sbr.rel @p0 .LBB2_8-.Ltmp3, $4  }
0x1a3: {  	s1 =	sadd.s32 $0x300, s31  }
0x1a4: {  	[spmem:s2] =	stream.indirect.scatter.add.f32 [tilespmem:s23], [sflag:$0x5], $0x80, s1, s13, $0xb8;
	[tilespmem:$0x1FC00] =	vst v63  }
0x1a5: {  	_ =	swait.ge [sflag:s12], $0x2800  }
0x1a6: {  	[sflag:s12] =	ssyncset.done $0x0  }
0x1a7: {  	[sflag:s12] =	ssyncadd.s32 $0xFFFFD800  }
0x1a8: {  	_ =	swait.ge [sflag:s22], $0x2800  }
0x1a9: {  	[sflag:s22] =	ssyncset.done $0x0  }
0x1aa: {  	s1 =	simm.s32 $0x1F80;
	[sflag:s22] =	ssyncadd.s32 $0xFFFFD800  }
0x1ab: {  	[tilespmem:s23], [sflag:$0x4] =	stream.indirect.gather [hbm4b:s4+s13], $0x80, s1, s13, $0xb8;
	[tilespmem:$0x1FC00] =	vst v63  }
0x1ac: {  	_ = 	snop  }
0x1ad: {  	[spmem:s2] =	stream.indirect.scatter.add.f32 [tilespmem:s15], [sflag:$0x5], $0x80, s28, s13, $0xb8;
	[tilespmem:$0x1FC00] =	vst v63  }
0x1ae: {  	_ =	swait.ge [sflag:s12], $0x2800  }
0x1af: {  	[sflag:s12] =	ssyncset.done $0x0  }
0x1b0: {  	[sflag:s12] =	ssyncadd.s32 $0xFFFFD800  }
0x1b1: {  	_ =	swait.ge [sflag:s24], $0x2800  }
0x1b2: {  	[sflag:s24] =	ssyncset.done $0x0  }
0x1b3: {  	[sflag:s24] =	ssyncadd.s32 $0xFFFFD800  }
0x1b4: {  	[spmem:s2] =	stream.indirect.scatter.add.f32 [tilespmem:s17], [sflag:$0x5], $0x80, s29, s13, $0xb8;
	[tilespmem:$0x1FC00] =	vst v63  }
0x1b5: {  	_ =	swait.ge [sflag:s12], $0x2800  }
0x1b6: {  	[sflag:s12] =	ssyncset.done $0x0  }
0x1b7: {  	[sflag:s12] =	ssyncadd.s32 $0xFFFFD800  }
0x1b8: {  	_ =	swait.ge [sflag:s25], $0x2800  }
0x1b9: {  	[sflag:s25] =	ssyncset.done $0x0  }
0x1ba: {  	[sflag:s25] =	ssyncadd.s32 $0xFFFFD800  }
0x1bb: {  	[spmem:s2] =	stream.indirect.scatter.add.f32 [tilespmem:s19], [sflag:$0x5], $0x80, s30, s13, $0xb8;
	[tilespmem:$0x1FC00] =	vst v63  }
0x1bc: {  	_ =	swait.ge [sflag:s12], $0x2800  }
0x1bd: {  	[sflag:s12] =	ssyncset.done $0x0  }
0x1be: {  	[sflag:s12] =	ssyncadd.s32 $0xFFFFD800  }
0x1bf: {  	_ =	swait.ge [sflag:s26], $0x2800  }
0x1c0: {  	[sflag:s26] =	ssyncset.done $0x0  }
0x1c1: {  	s31 =	simm.s32 $0x1F00;
	[sflag:s26] =	ssyncadd.s32 $0xFFFFD800  }
0x1c2: {  	[spmem:s2] =	stream.indirect.scatter.add.f32 [tilespmem:s23], [sflag:$0x5], $0x80, s31, s13, $0xb8;
	[tilespmem:$0x1FC00] =	vst v63  }
0x1c3: {  	_ =	swait.ge [sflag:s12], $0x2800  }
0x1c4: {  	s0 =	sadd.s32 $0x1, s0;
	[sflag:s12] =	ssyncset.done $0x0  }
0x1c5: {  	p0 =	sne.s32 s0, s11;
	[sflag:s12] =	ssyncadd.s32 $0xFFFFD800  }
.Ltmp4:
0x1c6: {  	[bflag:$0x0] =	sbarrier.arrive $0xFFFF;
	(pc) =	sbr.rel @p0 .LBB2_1-.Ltmp4, $4  }
0x1c7: {  	[hbm:s10], [sflag:s20] =	dma.local [spmem:s21], $0x2780  }
0x1c8: {  	_ =	swait.ge [sflag:s12], $0x2780  }
0x1c9: {  	[sflag:s12] =	ssyncset.done $0x0  }
0x1ca: {  	[sflag:s12] =	ssyncadd.s32 $0xFFFFD880  }
0x1cb: {  	_ =	sfence.sel $0x180000  }
0x1cc: {  	[bflag:$0x0] =	sbarrier.arrive $0xFFFF  }
0x1cd: {  	_ =	strace $0x9000004A  }
0x1ce: {  	s0 =	stileid.u32;
	[bflag:$0x2] =	sbarrier.arrive $0xFFFF  }
0x1cf: {  	p0 =	sne.s32 s0, $0x0;
	s0 =	rddreg [dreg:$0x2]  }
0x1d0: {  	s0 =	sadd.s32 @!p0 $0x100000, s0  }
0x1d1: {  	[sflag:s0] =	ssyncadd.tile.s32 @!p0 $0x1;
	_ =	shalt  }
.Lfunc_end2:
_tile_overlayer_lowered:
.L_overlay_start_2:
0x1d2: {  	(tag) =	ssettag $0x2  }
0x1d3: {  	s0 =	rddreg [dreg:$0x0];
	s2 =	stileid.u32  }
0x1d4: {  	s1 =	rddreg [dreg:$0x1];
	p0 =	sne.s32 s2, $0x0  }
0x1d5: {  	s3 =	rddreg [dreg:$0x2];
	[bflag:$0x3] =	sbarrier.arrive $0xFFFF;
	s2 =	simm.s32 @!p0 $0x1C05  }
0x1d6: {  	[timem:s3], [sflag:s2] =	dma.local @!p0 [hbm:s0], s1  }
0x1d7: {  	s0 =	simm.s32 @!p0 $0x5  }
0x1d8: {  	_ =	swait.ge @!p0 [sflag:s0], s1  }
0x1d9: {  	s1 =	ssub.s32 @!p0 $0x0, s1;
	[sflag:s0] =	ssyncset.done @!p0 $0x0  }
0x1da: {  	[sflag:s0] =	ssyncadd.s32 @!p0 s1  }
0x1db: {  	[bflag:$0x3] =	sbarrier.arrive $0xFFFF  }
0x1dc: {  	_ =	shalt  }

</sc_bundles>
